<compile_context>
chip_gen: v7x
topology: tpu7x:2x2x1
jax: 0.10.2.dev20260603
libtpu: 0.0.44.dev20260713+nightly
codegen_flags: <defaults>
</compile_context>

<pallas_src>
import functools

import jax
import jax.numpy as jnp
from jax import lax
from jax.experimental import pallas as pl
from jax.experimental.pallas import tpu as pltpu
from jax.experimental.pallas import tpu_sc as plsc

N = 10000
D = 128
E = 320000

NC = 2
NS = 16
NW = NC * NS
CHUNK = 80
EDGES_PER_TILE = E // NW
STEPS = 128
E_TILE_PAD = STEPS * CHUNK
PAD_SLOTS = E_TILE_PAD - EDGES_PER_TILE

ROW_CHUNK = 640
ROW_LAST = N - (NS - 1) * ROW_CHUNK
N_PAD = NS * ROW_CHUNK


def _sc_agg_body(with_deg, h_hbm, src_hbm, dst_hbm, z2d_hbm, *rest):
    if with_deg:
        agg_out, deg_out, acc_sh, deg_sh = rest[:4]
        r = rest[4:]
    else:
        agg_out, acc_sh = rest[:2]
        r = rest[2:]
    srcb = r[0:4]
    dstb = r[4:12]
    rows = r[12:16]
    k = 16
    if with_deg:
        ones_v, zbuf_v = r[16:18]
        k = 18
    srcsems = r[k:k + 4]
    dstsems = r[k + 4:k + 12]
    gsems = r[k + 12:k + 16]
    ssems = r[k + 16:k + 20]
    c = lax.axis_index("c")
    s = lax.axis_index("s")
    w = c * NS + s
    ebase = w * E_TILE_PAD

    def rows_split(fn):
        @pl.when(s < NS - 1)
        def _():
            fn(s * ROW_CHUNK, ROW_CHUNK)

        @pl.when(s == NS - 1)
        def _():
            fn((NS - 1) * ROW_CHUNK, ROW_LAST)

    def src_start(t, sj):
        pltpu.async_copy(src_hbm.at[pl.ds(ebase + t * CHUNK, CHUNK)],
                         srcb[sj], srcsems[sj])

    def src_wait(t, sj):
        pltpu.make_async_copy(src_hbm.at[pl.ds(ebase + t * CHUNK, CHUNK)],
                              srcb[sj], srcsems[sj]).wait()

    def dst_start(t, dj):
        pltpu.async_copy(dst_hbm.at[pl.ds(ebase + t * CHUNK, CHUNK)],
                         dstb[dj], dstsems[dj])

    def dst_wait(t, dj):
        pltpu.make_async_copy(dst_hbm.at[pl.ds(ebase + t * CHUNK, CHUNK)],
                              dstb[dj], dstsems[dj]).wait()

    def gather_start(sj):
        pltpu.async_copy(h_hbm.at[srcb[sj]], rows[sj], gsems[sj])

    def gather_wait(sj):
        pltpu.make_async_copy(h_hbm.at[srcb[sj]], rows[sj],
                              gsems[sj]).wait()

    def scatter_start(dj, rj):
        pltpu.async_copy(rows[rj], acc_sh.at[dstb[dj]], ssems[rj], add=True)
        if with_deg:
            pltpu.async_copy(ones_v, deg_sh.at[dstb[dj]], ssems[rj],
                             add=True)

    def scatter_wait(dj, rj):
        pltpu.make_async_copy(rows[rj], acc_sh.at[dstb[dj]],
                              ssems[rj]).wait()
        if with_deg:
            pltpu.make_async_copy(ones_v, deg_sh.at[dstb[dj]],
                                  ssems[rj]).wait()

    pltpu.sync_copy(z2d_hbm.at[pl.ds(s * ROW_CHUNK, ROW_CHUNK), :],
                    acc_sh.at[pl.ds(s * ROW_CHUNK, ROW_CHUNK), :])
    if with_deg:
        for k2 in range(ROW_CHUNK // 16):
            zbuf_v[pl.ds(k2 * 16, 16)] = jnp.zeros((16,), jnp.float32)
        pltpu.sync_copy(zbuf_v, deg_sh.at[pl.ds(s * ROW_CHUNK, ROW_CHUNK)])

        for k2 in range(CHUNK // 16):
            ones_v[pl.ds(k2 * 16, 16)] = jnp.ones((16,), jnp.float32)

    plsc.subcore_barrier()

    src_start(0, 0)
    src_start(1, 1)
    for d in range(4):
        dst_start(d, d)

    def group(g, carry):
        for j in range(8):
            t = g * 8 + j
            j4 = j % 4
            src_wait(t, j4)
            dst_wait(t, j)

            @pl.when(t >= 4)
            def _():
                scatter_wait((j - 4) % 8, j4)

            gather_start(j4)

            @pl.when(t >= 3)
            def _():
                gather_wait((j - 3) % 4)
                scatter_start((j - 3) % 8, (j - 3) % 4)

            @pl.when(t + 2 < STEPS)
            def _():
                src_start(t + 2, (j + 2) % 4)

            @pl.when(t + 4 < STEPS)
            def _():
                dst_start(t + 4, (j + 4) % 8)
        return carry

    lax.fori_loop(0, STEPS // 8, group, 0)
    gather_wait(1)
    scatter_start(5, 1)
    gather_wait(2)
    scatter_start(6, 2)
    gather_wait(3)
    scatter_start(7, 3)
    scatter_wait(4, 0)
    scatter_wait(5, 1)
    scatter_wait(6, 2)
    scatter_wait(7, 3)

    plsc.subcore_barrier()

    rows_split(lambda b, n: pltpu.sync_copy(
        acc_sh.at[pl.ds(b, n), :], agg_out.at[c, pl.ds(b, n), :]))
    if with_deg:
        b = s * ROW_CHUNK
        pltpu.sync_copy(deg_sh.at[pl.ds(b, ROW_CHUNK)], zbuf_v)
        pltpu.sync_copy(zbuf_v, deg_out.at[c, pl.ds(b, ROW_CHUNK)])


def _sc_aggregate(h, src3, dst3, z2d, with_deg):
    f32 = jnp.float32
    mesh = plsc.VectorSubcoreMesh(core_axis_name="c", subcore_axis_name="s")
    idx_bufs = [pltpu.VMEM((CHUNK,), jnp.int32) for _ in range(12)]
    row_bufs = [pltpu.VMEM((CHUNK, D), f32) for _ in range(4)]
    sems = [pltpu.SemaphoreType.DMA for _ in range(20)]
    if with_deg:
        out_type = (jax.ShapeDtypeStruct((NC, N, D), f32),
                    jax.ShapeDtypeStruct((NC, N_PAD), f32))
        scratch = [
            pltpu.VMEM_SHARED((N_PAD, D), f32),
            pltpu.VMEM_SHARED((N_PAD,), f32),
            *idx_bufs, *row_bufs,
            pltpu.VMEM((CHUNK,), f32),
            pltpu.VMEM((ROW_CHUNK,), f32),
            *sems,
        ]
        fn = pl.kernel(functools.partial(_sc_agg_body, True),
                       out_type=out_type, mesh=mesh, scratch_types=scratch)
        return fn(h, src3, dst3, z2d)
    out_type = (jax.ShapeDtypeStruct((NC, N, D), f32),)
    scratch = [
        pltpu.VMEM_SHARED((N_PAD, D), f32),
        *idx_bufs, *row_bufs,
        *sems,
    ]
    fn = pl.kernel(functools.partial(_sc_agg_body, False),
                   out_type=out_type, mesh=mesh, scratch_types=scratch)
    return fn(h, src3, dst3, z2d)[0]


ROWS_TC = 1000


def _tc_pre_body(h_ref, wl_ref, b_ref, out_ref):
    out_ref[...] = jnp.dot(h_ref[...], wl_ref[...],
                           preferred_element_type=jnp.float32) + b_ref[...]


def _tc_post0_body(hw_ref, aggA_ref, aggB_ref, degA_ref, degB_ref,
                   wr_ref, out_ref, inv_ref):
    deg = jnp.maximum(degA_ref[0] + degB_ref[0], 1.0)
    inv = 1.0 / deg
    mean = (aggA_ref[0] + aggB_ref[0]) * inv
    acc = hw_ref[...] + jnp.dot(mean, wr_ref[...],
                                preferred_element_type=jnp.float32)
    out_ref[...] = jnp.maximum(acc, 0.0)
    inv_ref[...] = inv


def _tc_post_body(relu, hw_ref, aggA_ref, aggB_ref, inv_ref,
                  wr_ref, out_ref):
    mean = (aggA_ref[0] + aggB_ref[0]) * inv_ref[...]
    acc = hw_ref[...] + jnp.dot(mean, wr_ref[...],
                                preferred_element_type=jnp.float32)
    if relu:
        acc = jnp.maximum(acc, 0.0)
    out_ref[...] = acc


def _tc_common_specs():
    h_spec = pl.BlockSpec((ROWS_TC, D), lambda i: (i, 0))
    aggA = pl.BlockSpec((1, ROWS_TC, D), lambda i: (0, i, 0))
    aggB = pl.BlockSpec((1, ROWS_TC, D), lambda i: (1, i, 0))
    w_spec = pl.BlockSpec((D, D), lambda i: (0, 0))
    b_spec = pl.BlockSpec((1, D), lambda i: (0, 0))
    return h_spec, aggA, aggB, w_spec, b_spec


def _tc_pre(h, wl, b):
    h_spec, _, _, w_spec, b_spec = _tc_common_specs()
    return pl.pallas_call(
        _tc_pre_body,
        grid=(N // ROWS_TC,),
        in_specs=[h_spec, w_spec, b_spec],
        out_specs=h_spec,
        out_shape=jax.ShapeDtypeStruct((N, D), jnp.float32),
    )(h, wl, b.reshape(1, D))


def _tc_post0(hw, agg_p, deg_p, wr):
    f32 = jnp.float32
    h_spec, aggA, aggB, w_spec, _ = _tc_common_specs()
    degA = pl.BlockSpec((1, ROWS_TC, 1), lambda i: (0, i, 0))
    degB = pl.BlockSpec((1, ROWS_TC, 1), lambda i: (1, i, 0))
    inv_spec = pl.BlockSpec((ROWS_TC, 1), lambda i: (i, 0))
    return pl.pallas_call(
        _tc_post0_body,
        grid=(N // ROWS_TC,),
        in_specs=[h_spec, aggA, aggB, degA, degB, w_spec],
        out_specs=[h_spec, inv_spec],
        out_shape=[jax.ShapeDtypeStruct((N, D), f32),
                   jax.ShapeDtypeStruct((N, 1), f32)],
    )(hw, agg_p, agg_p, deg_p.reshape(NC, N, 1), deg_p.reshape(NC, N, 1),
      wr)


def _tc_post(hw, agg_p, inv_deg, wr, relu):
    h_spec, aggA, aggB, w_spec, _ = _tc_common_specs()
    inv_spec = pl.BlockSpec((ROWS_TC, 1), lambda i: (i, 0))
    return pl.pallas_call(
        functools.partial(_tc_post_body, relu),
        grid=(N // ROWS_TC,),
        in_specs=[h_spec, aggA, aggB, inv_spec, w_spec],
        out_specs=h_spec,
        out_shape=jax.ShapeDtypeStruct((N, D), jnp.float32),
    )(hw, agg_p, agg_p, inv_deg, wr)


def kernel(x, edge_index, Wl0, Wr0, b0, Wl1, Wr1, b1, Wl2, Wr2, b2):
    i32 = jnp.int32
    src = edge_index[0].reshape(NW, EDGES_PER_TILE)
    dst = edge_index[1].reshape(NW, EDGES_PER_TILE)
    k = jnp.arange(PAD_SLOTS, dtype=i32)[None, :]
    wv = jnp.arange(NW, dtype=i32)[:, None]
    pad_src = (k * 41 + wv * 13) % N
    pad_dst = N + (k + wv * 7) % (N_PAD - N)
    src3 = jnp.concatenate([src, pad_src], axis=1).reshape(-1)
    dst3 = jnp.concatenate([dst, pad_dst], axis=1).reshape(-1)
    z2d = jnp.zeros((N_PAD, D), jnp.float32)

    agg0, deg_pad = _sc_aggregate(x, src3, dst3, z2d, with_deg=True)
    hw0 = _tc_pre(x, Wl0, b0)
    deg_p = deg_pad[:, :N]
    h1, inv_deg = _tc_post0(hw0, agg0, deg_p, Wr0)

    agg1 = _sc_aggregate(h1, src3, dst3, z2d, with_deg=False)
    hw1 = _tc_pre(h1, Wl1, b1)
    h2 = _tc_post(hw1, agg1, inv_deg, Wr1, relu=True)

    agg2 = _sc_aggregate(h2, src3, dst3, z2d, with_deg=False)
    hw2 = _tc_pre(h2, Wl2, b2)
    return _tc_post(hw2, agg2, inv_deg, Wr2, relu=False)

# --- scband reference (transcript-rebuilt; emitter-appended) ---
"""Pipeline reference for scband-graph-sage-83794811945493 (READ-ONLY COPY).

The authoritative reference and input builder live on the scoring server;
editing this copy changes nothing except your own understanding.
"""

import jax, jax.numpy as jnp
import numpy as np

N = 10000
E = 320000
D_IN = 128
D_HID = 128
D_OUT = 128


def sage_conv(x, src, dst, W_self, W_neigh, b):
    # PyG-style SAGEConv with mean aggregation:
    # out_i = x_i @ W_self + mean_{j in N(i)} x_j @ W_neigh + b
    msgs = x[src]  # gather source node features per edge
    agg = jax.ops.segment_sum(msgs, dst, num_segments=x.shape[0])
    deg = jax.ops.segment_sum(jnp.ones((src.shape[0],), dtype=x.dtype), dst, num_segments=x.shape[0])
    mean = agg / jnp.clip(deg, 1.0, None)[:, None]
    return x @ W_self + mean @ W_neigh + b


def setup_inputs(seed: int = 0):
    key = jax.random.key(seed)
    ks = jax.random.split(key, 12)
    x = jax.random.normal(ks[0], (N, D_IN), dtype=jnp.float32)
    edge_index = jax.random.randint(ks[1], (2, E), 0, N, dtype=jnp.int32)
    s = 0.05
    params = {
        'Wl0': s * jax.random.normal(ks[2], (D_IN, D_HID), dtype=jnp.float32),
        'Wr0': s * jax.random.normal(ks[3], (D_IN, D_HID), dtype=jnp.float32),
        'b0': jnp.zeros((D_HID,), dtype=jnp.float32),
        'Wl1': s * jax.random.normal(ks[4], (D_HID, D_HID), dtype=jnp.float32),
        'Wr1': s * jax.random.normal(ks[5], (D_HID, D_HID), dtype=jnp.float32),
        'b1': jnp.zeros((D_HID,), dtype=jnp.float32),
        'Wl2': s * jax.random.normal(ks[6], (D_HID, D_OUT), dtype=jnp.float32),
        'Wr2': s * jax.random.normal(ks[7], (D_HID, D_OUT), dtype=jnp.float32),
        'b2': jnp.zeros((D_OUT,), dtype=jnp.float32),
    }
    out = {'x': x, 'edge_index': edge_index}
    out.update(params)
    return out


def reference(x, edge_index, Wl0, Wr0, b0, Wl1, Wr1, b1, Wl2, Wr2, b2):
    src = edge_index[0]
    dst = edge_index[1]
    # Layer 1 + relu (dropout is identity in eval mode)
    h = jax.nn.relu(sage_conv(x, src, dst, Wl0, Wr0, b0))
    # Layer 2 + relu
    h = jax.nn.relu(sage_conv(h, src, dst, Wl1, Wr1, b1))
    # Output layer
    return sage_conv(h, src, dst, Wl2, Wr2, b2)

if __name__ == "__main__":
    import jax
    _d = setup_inputs()
    print(jax.jit(kernel)(*tuple(_d.values())))

</pallas_src>

<mosaic_0001>
#map = affine_map<(d0, d1) -> (0, 0)>
#map1 = affine_map<(d0, d1) -> (0)>
#map2 = affine_map<(d0, d1) -> (0, 0, 0)>
module attributes {stable_mosaic.version = 14 : i64} {
  func.func @_sc_agg_body(%arg0: i32, %arg1: i32, %arg2: memref<10000x128xf32, #tpu.memory_space<hbm>>, %arg3: memref<327680xi32, #tpu.memory_space<hbm>>, %arg4: memref<327680xi32, #tpu.memory_space<hbm>>, %arg5: memref<10240x128xf32, #tpu.memory_space<hbm>>, %arg6: memref<2x10000x128xf32, #tpu.memory_space<hbm>>, %arg7: memref<10240x128xf32, #tpu.memory_space<vmem_shared>>, %arg8: memref<80xi32, #tpu.memory_space<vmem>>, %arg9: memref<80xi32, #tpu.memory_space<vmem>>, %arg10: memref<80xi32, #tpu.memory_space<vmem>>, %arg11: memref<80xi32, #tpu.memory_space<vmem>>, %arg12: memref<80xi32, #tpu.memory_space<vmem>>, %arg13: memref<80xi32, #tpu.memory_space<vmem>>, %arg14: memref<80xi32, #tpu.memory_space<vmem>>, %arg15: memref<80xi32, #tpu.memory_space<vmem>>, %arg16: memref<80xi32, #tpu.memory_space<vmem>>, %arg17: memref<80xi32, #tpu.memory_space<vmem>>, %arg18: memref<80xi32, #tpu.memory_space<vmem>>, %arg19: memref<80xi32, #tpu.memory_space<vmem>>, %arg20: memref<80x128xf32, #tpu.memory_space<vmem>>, %arg21: memref<80x128xf32, #tpu.memory_space<vmem>>, %arg22: memref<80x128xf32, #tpu.memory_space<vmem>>, %arg23: memref<80x128xf32, #tpu.memory_space<vmem>>, %arg24: memref<!tpu.dma_semaphore, #tpu.memory_space<semaphore_mem>>, %arg25: memref<!tpu.dma_semaphore, #tpu.memory_space<semaphore_mem>>, %arg26: memref<!tpu.dma_semaphore, #tpu.memory_space<semaphore_mem>>, %arg27: memref<!tpu.dma_semaphore, #tpu.memory_space<semaphore_mem>>, %arg28: memref<!tpu.dma_semaphore, #tpu.memory_space<semaphore_mem>>, %arg29: memref<!tpu.dma_semaphore, #tpu.memory_space<semaphore_mem>>, %arg30: memref<!tpu.dma_semaphore, #tpu.memory_space<semaphore_mem>>, %arg31: memref<!tpu.dma_semaphore, #tpu.memory_space<semaphore_mem>>, %arg32: memref<!tpu.dma_semaphore, #tpu.memory_space<semaphore_mem>>, %arg33: memref<!tpu.dma_semaphore, #tpu.memory_space<semaphore_mem>>, %arg34: memref<!tpu.dma_semaphore, #tpu.memory_space<semaphore_mem>>, %arg35: memref<!tpu.dma_semaphore, #tpu.memory_space<semaphore_mem>>, %arg36: memref<!tpu.dma_semaphore, #tpu.memory_space<semaphore_mem>>, %arg37: memref<!tpu.dma_semaphore, #tpu.memory_space<semaphore_mem>>, %arg38: memref<!tpu.dma_semaphore, #tpu.memory_space<semaphore_mem>>, %arg39: memref<!tpu.dma_semaphore, #tpu.memory_space<semaphore_mem>>, %arg40: memref<!tpu.dma_semaphore, #tpu.memory_space<semaphore_mem>>, %arg41: memref<!tpu.dma_semaphore, #tpu.memory_space<semaphore_mem>>, %arg42: memref<!tpu.dma_semaphore, #tpu.memory_space<semaphore_mem>>, %arg43: memref<!tpu.dma_semaphore, #tpu.memory_space<semaphore_mem>>) attributes {dimension_semantics = [#tpu.dimension_semantics<core_parallel>, #tpu.dimension_semantics<subcore_parallel>], iteration_bounds = array<i64: 2, 16>, scalar_prefetch = 0 : i64, scratch_operands = 37 : i64, tpu.core_type = #tpu.core_type<sc_vector_subcore>, window_params = [{transform_indices = #map}, {transform_indices = #map1}, {transform_indices = #map1}, {transform_indices = #map}, {transform_indices = #map2}]} {
    %mul3A = arith.constant 16 : i32
    %mul3A_0 = arith.muli %arg0, %mul3A : i32
    %add3A = arith.addi %mul3A_0, %arg1 : i32
    %mul3A_1 = arith.constant 10240 : i32
    %mul3A_2 = arith.muli %add3A, %mul3A_1 : i32
    %mul3A_3 = arith.constant 640 : i32
    %mul3A_4 = arith.muli %arg1, %mul3A_3 : i32
    %mul3A_5 = arith.constant 640 : i32
    %mul3A_6 = arith.muli %arg1, %mul3A_5 : i32
    "tpu.region"() ({
      %run_scoped3A = tpu.sem_alloc : memref<!tpu.dma_semaphore, #tpu.memory_space<semaphore_mem>>
      %dma_start3A_71 = arith.constant 0 : i32
      %dma_start3A_72 = tpu.memref_slice %arg7[%mul3A_6, %dma_start3A_71] : memref<10240x128xf32, #tpu.memory_space<vmem_shared>> -> memref<640x128xf32, #tpu.memory_space<vmem_shared>>
      %dma_start3A_73 = arith.constant 0 : i32
      %dma_start3A_74 = tpu.memref_slice %arg5[%mul3A_4, %dma_start3A_73] : memref<10240x128xf32, #tpu.memory_space<hbm>> -> memref<640x128xf32, #tpu.memory_space<hbm>>
      tpu.enqueue_dma source(%dma_start3A_74 : memref<640x128xf32, #tpu.memory_space<hbm>>) target(%dma_start3A_72 : memref<640x128xf32, #tpu.memory_space<vmem_shared>>) target_semaphore(%run_scoped3A : memref<!tpu.dma_semaphore, #tpu.memory_space<semaphore_mem>>)
      %dma_wait3A_75 = arith.constant 0 : i32
      %dma_wait3A_76 = tpu.memref_slice %arg7[%mul3A_6, %dma_wait3A_75] : memref<10240x128xf32, #tpu.memory_space<vmem_shared>> -> memref<640x128xf32, #tpu.memory_space<vmem_shared>>
      %dma_wait3A_77 = arith.constant 0 : i32
      %dma_wait3A_78 = tpu.memref_slice %arg5[%mul3A_4, %dma_wait3A_77] : memref<10240x128xf32, #tpu.memory_space<hbm>> -> memref<640x128xf32, #tpu.memory_space<hbm>>
      tpu.wait_dma2 semaphore(%run_scoped3A : memref<!tpu.dma_semaphore, #tpu.memory_space<semaphore_mem>>) src(%dma_wait3A_78 : memref<640x128xf32, #tpu.memory_space<hbm>>) dst(%dma_wait3A_76 : memref<640x128xf32, #tpu.memory_space<vmem_shared>>)
      tpu.yield
    }) : () -> ()
    %barrier3A = arith.constant 0 : index
    tpu.barrier barrier_id(%barrier3A)
    %add3A_7 = arith.constant 0 : i32
    %add3A_8 = arith.addi %mul3A_2, %add3A_7 : i32
    %dma_start3A = tpu.memref_slice %arg3[%add3A_8] : memref<327680xi32, #tpu.memory_space<hbm>> -> memref<80xi32, #tpu.memory_space<hbm>>
    %dma_start3A_9 = tpu.memref_slice %arg3[%add3A_8] : memref<327680xi32, #tpu.memory_space<hbm>> -> memref<80xi32, #tpu.memory_space<hbm>>
    tpu.enqueue_dma source(%dma_start3A_9 : memref<80xi32, #tpu.memory_space<hbm>>) target(%arg8 : memref<80xi32, #tpu.memory_space<vmem>>) target_semaphore(%arg24 : memref<!tpu.dma_semaphore, #tpu.memory_space<semaphore_mem>>)
    %add3A_10 = arith.constant 80 : i32
    %add3A_11 = arith.addi %mul3A_2, %add3A_10 : i32
    %dma_start3A_12 = tpu.memref_slice %arg3[%add3A_11] : memref<327680xi32, #tpu.memory_space<hbm>> -> memref<80xi32, #tpu.memory_space<hbm>>
    %dma_start3A_13 = tpu.memref_slice %arg3[%add3A_11] : memref<327680xi32, #tpu.memory_space<hbm>> -> memref<80xi32, #tpu.memory_space<hbm>>
    tpu.enqueue_dma source(%dma_start3A_13 : memref<80xi32, #tpu.memory_space<hbm>>) target(%arg9 : memref<80xi32, #tpu.memory_space<vmem>>) target_semaphore(%arg25 : memref<!tpu.dma_semaphore, #tpu.memory_space<semaphore_mem>>)
    %add3A_14 = arith.constant 0 : i32
    %add3A_15 = arith.addi %mul3A_2, %add3A_14 : i32
    %dma_start3A_16 = tpu.memref_slice %arg4[%add3A_15] : memref<327680xi32, #tpu.memory_space<hbm>> -> memref<80xi32, #tpu.memory_space<hbm>>
    %dma_start3A_17 = tpu.memref_slice %arg4[%add3A_15] : memref<327680xi32, #tpu.memory_space<hbm>> -> memref<80xi32, #tpu.memory_space<hbm>>
    tpu.enqueue_dma source(%dma_start3A_17 : memref<80xi32, #tpu.memory_space<hbm>>) target(%arg12 : memref<80xi32, #tpu.memory_space<vmem>>) target_semaphore(%arg28 : memref<!tpu.dma_semaphore, #tpu.memory_space<semaphore_mem>>)
    %add3A_18 = arith.constant 80 : i32
    %add3A_19 = arith.addi %mul3A_2, %add3A_18 : i32
    %dma_start3A_20 = tpu.memref_slice %arg4[%add3A_19] : memref<327680xi32, #tpu.memory_space<hbm>> -> memref<80xi32, #tpu.memory_space<hbm>>
    %dma_start3A_21 = tpu.memref_slice %arg4[%add3A_19] : memref<327680xi32, #tpu.memory_space<hbm>> -> memref<80xi32, #tpu.memory_space<hbm>>
    tpu.enqueue_dma source(%dma_start3A_21 : memref<80xi32, #tpu.memory_space<hbm>>) target(%arg13 : memref<80xi32, #tpu.memory_space<vmem>>) target_semaphore(%arg29 : memref<!tpu.dma_semaphore, #tpu.memory_space<semaphore_mem>>)
    %add3A_22 = arith.constant 160 : i32
    %add3A_23 = arith.addi %mul3A_2, %add3A_22 : i32
    %dma_start3A_24 = tpu.memref_slice %arg4[%add3A_23] : memref<327680xi32, #tpu.memory_space<hbm>> -> memref<80xi32, #tpu.memory_space<hbm>>
    %dma_start3A_25 = tpu.memref_slice %arg4[%add3A_23] : memref<327680xi32, #tpu.memory_space<hbm>> -> memref<80xi32, #tpu.memory_space<hbm>>
    tpu.enqueue_dma source(%dma_start3A_25 : memref<80xi32, #tpu.memory_space<hbm>>) target(%arg14 : memref<80xi32, #tpu.memory_space<vmem>>) target_semaphore(%arg30 : memref<!tpu.dma_semaphore, #tpu.memory_space<semaphore_mem>>)
    %add3A_26 = arith.constant 240 : i32
    %add3A_27 = arith.addi %mul3A_2, %add3A_26 : i32
    %dma_start3A_28 = tpu.memref_slice %arg4[%add3A_27] : memref<327680xi32, #tpu.memory_space<hbm>> -> memref<80xi32, #tpu.memory_space<hbm>>
    %dma_start3A_29 = tpu.memref_slice %arg4[%add3A_27] : memref<327680xi32, #tpu.memory_space<hbm>> -> memref<80xi32, #tpu.memory_space<hbm>>
    tpu.enqueue_dma source(%dma_start3A_29 : memref<80xi32, #tpu.memory_space<hbm>>) target(%arg15 : memref<80xi32, #tpu.memory_space<vmem>>) target_semaphore(%arg31 : memref<!tpu.dma_semaphore, #tpu.memory_space<semaphore_mem>>)
    %scan3A = arith.constant 0 : i32
    %scan3A_30 = arith.constant 0 : i32
    %scan3A_31 = arith.constant 16 : i32
    %scan3A_32 = arith.addi %scan3A_30, %scan3A_31 : i32
    %scan3A_33 = arith.constant 1 : i32
    scf.for %scan3A_71 = %scan3A_30 to %scan3A_32 step %scan3A_33  : i32 {
      %mul3A_72 = arith.constant 8 : i32
      %mul3A_73 = arith.muli %scan3A_71, %mul3A_72 : i32
      %add3A_74 = arith.constant 0 : i32
      %add3A_75 = arith.addi %mul3A_73, %add3A_74 : i32
      %mul3A_76 = arith.constant 80 : i32
      %mul3A_77 = arith.muli %add3A_75, %mul3A_76 : i32
      %add3A_78 = arith.addi %mul3A_2, %mul3A_77 : i32
      %dma_wait3A_79 = tpu.memref_slice %arg3[%add3A_78] : memref<327680xi32, #tpu.memory_space<hbm>> -> memref<80xi32, #tpu.memory_space<hbm>>
      %dma_wait3A_80 = tpu.memref_slice %arg3[%add3A_78] : memref<327680xi32, #tpu.memory_space<hbm>> -> memref<80xi32, #tpu.memory_space<hbm>>
      tpu.wait_dma2 semaphore(%arg24 : memref<!tpu.dma_semaphore, #tpu.memory_space<semaphore_mem>>) src(%dma_wait3A_80 : memref<80xi32, #tpu.memory_space<hbm>>) dst(%arg8 : memref<80xi32, #tpu.memory_space<vmem>>)
      %mul3A_81 = arith.constant 80 : i32
      %mul3A_82 = arith.muli %add3A_75, %mul3A_81 : i32
      %add3A_83 = arith.addi %mul3A_2, %mul3A_82 : i32
      %dma_wait3A_84 = tpu.memref_slice %arg4[%add3A_83] : memref<327680xi32, #tpu.memory_space<hbm>> -> memref<80xi32, #tpu.memory_space<hbm>>
      %dma_wait3A_85 = tpu.memref_slice %arg4[%add3A_83] : memref<327680xi32, #tpu.memory_space<hbm>> -> memref<80xi32, #tpu.memory_space<hbm>>
      tpu.wait_dma2 semaphore(%arg28 : memref<!tpu.dma_semaphore, #tpu.memory_space<semaphore_mem>>) src(%dma_wait3A_85 : memref<80xi32, #tpu.memory_space<hbm>>) dst(%arg12 : memref<80xi32, #tpu.memory_space<vmem>>)
      %ge3A = arith.constant 4 : i32
      %ge3A_86 = arith.cmpi sge, %add3A_75, %ge3A : i32
      %convert_element_type3A_87 = arith.extui %ge3A_86 : i1 to i32
      %cond3A_88 = arith.constant 0 : i32
      %cond3A_89 = arith.cmpi ne, %convert_element_type3A_87, %cond3A_88 : i32
      scf.if %cond3A_89 {
        %dma_wait3A_399 = arith.constant 0 : i32
        %dma_wait3A_400 = arith.constant 0 : i32
        %dma_wait3A_401 = tpu.memref_slice %arg7[%dma_wait3A_399, %dma_wait3A_400] : memref<10240x128xf32, #tpu.memory_space<vmem_shared>> -> memref<10240x128xf32, #tpu.memory_space<vmem_shared>>
        tpu.wait_indirect_dma semaphore(%arg40 : memref<!tpu.dma_semaphore, #tpu.memory_space<semaphore_mem>>) src(%arg20 : memref<80x128xf32, #tpu.memory_space<vmem>>) dst(%dma_wait3A_401 : memref<10240x128xf32, #tpu.memory_space<vmem_shared>>)
      } else {
      }
      %dma_start3A_90 = arith.constant 0 : i32
      %dma_start3A_91 = arith.constant 0 : i32
      %dma_start3A_92 = tpu.memref_slice %arg2[%dma_start3A_90, %dma_start3A_91] : memref<10000x128xf32, #tpu.memory_space<hbm>> -> memref<10000x128xf32, #tpu.memory_space<hbm>>
      tpu.enqueue_indirect_dma source(%dma_start3A_92 : memref<10000x128xf32, #tpu.memory_space<hbm>>) target(%arg20 : memref<80x128xf32, #tpu.memory_space<vmem>>) offsets(%arg8 : memref<80xi32, #tpu.memory_space<vmem>>) semaphore(%arg36 : memref<!tpu.dma_semaphore, #tpu.memory_space<semaphore_mem>>)
      %ge3A_93 = arith.constant 3 : i32
      %ge3A_94 = arith.cmpi sge, %add3A_75, %ge3A_93 : i32
      %convert_element_type3A_95 = arith.extui %ge3A_94 : i1 to i32
      %cond3A_96 = arith.constant 0 : i32
      %cond3A_97 = arith.cmpi ne, %convert_element_type3A_95, %cond3A_96 : i32
      scf.if %cond3A_97 {
        %dma_wait3A_399 = arith.constant 0 : i32
        %dma_wait3A_400 = arith.constant 0 : i32
        %dma_wait3A_401 = tpu.memref_slice %arg2[%dma_wait3A_399, %dma_wait3A_400] : memref<10000x128xf32, #tpu.memory_space<hbm>> -> memref<10000x128xf32, #tpu.memory_space<hbm>>
        tpu.wait_indirect_dma semaphore(%arg37 : memref<!tpu.dma_semaphore, #tpu.memory_space<semaphore_mem>>) src(%dma_wait3A_401 : memref<10000x128xf32, #tpu.memory_space<hbm>>) dst(%arg21 : memref<80x128xf32, #tpu.memory_space<vmem>>)
        %dma_start3A_402 = arith.constant 0 : i32
        %dma_start3A_403 = arith.constant 0 : i32
        %dma_start3A_404 = tpu.memref_slice %arg7[%dma_start3A_402, %dma_start3A_403] : memref<10240x128xf32, #tpu.memory_space<vmem_shared>> -> memref<10240x128xf32, #tpu.memory_space<vmem_shared>>
        tpu.enqueue_indirect_dma source(%arg21 : memref<80x128xf32, #tpu.memory_space<vmem>>) target(%dma_start3A_404 : memref<10240x128xf32, #tpu.memory_space<vmem_shared>>) offsets(%arg17 : memref<80xi32, #tpu.memory_space<vmem>>) semaphore(%arg41 : memref<!tpu.dma_semaphore, #tpu.memory_space<semaphore_mem>>) {add = true}
      } else {
      }
      %add3A_98 = arith.constant 2 : i32
      %add3A_99 = arith.addi %add3A_75, %add3A_98 : i32
      %lt3A_100 = arith.constant 128 : i32
      %lt3A_101 = arith.cmpi slt, %add3A_99, %lt3A_100 : i32
      %convert_element_type3A_102 = arith.extui %lt3A_101 : i1 to i32
      %cond3A_103 = arith.constant 0 : i32
      %cond3A_104 = arith.cmpi ne, %convert_element_type3A_102, %cond3A_103 : i32
      scf.if %cond3A_104 {
        %add3A_399 = arith.constant 2 : i32
        %add3A_400 = arith.addi %add3A_75, %add3A_399 : i32
        %mul3A_401 = arith.constant 80 : i32
        %mul3A_402 = arith.muli %add3A_400, %mul3A_401 : i32
        %add3A_403 = arith.addi %mul3A_2, %mul3A_402 : i32
        %dma_start3A_404 = tpu.memref_slice %arg3[%add3A_403] : memref<327680xi32, #tpu.memory_space<hbm>> -> memref<80xi32, #tpu.memory_space<hbm>>
        %dma_start3A_405 = tpu.memref_slice %arg3[%add3A_403] : memref<327680xi32, #tpu.memory_space<hbm>> -> memref<80xi32, #tpu.memory_space<hbm>>
        tpu.enqueue_dma source(%dma_start3A_405 : memref<80xi32, #tpu.memory_space<hbm>>) target(%arg10 : memref<80xi32, #tpu.memory_space<vmem>>) target_semaphore(%arg26 : memref<!tpu.dma_semaphore, #tpu.memory_space<semaphore_mem>>)
      } else {
      }
      %add3A_105 = arith.constant 4 : i32
      %add3A_106 = arith.addi %add3A_75, %add3A_105 : i32
      %lt3A_107 = arith.constant 128 : i32
      %lt3A_108 = arith.cmpi slt, %add3A_106, %lt3A_107 : i32
      %convert_element_type3A_109 = arith.extui %lt3A_108 : i1 to i32
      %cond3A_110 = arith.constant 0 : i32
      %cond3A_111 = arith.cmpi ne, %convert_element_type3A_109, %cond3A_110 : i32
      scf.if %cond3A_111 {
        %add3A_399 = arith.constant 4 : i32
        %add3A_400 = arith.addi %add3A_75, %add3A_399 : i32
        %mul3A_401 = arith.constant 80 : i32
        %mul3A_402 = arith.muli %add3A_400, %mul3A_401 : i32
        %add3A_403 = arith.addi %mul3A_2, %mul3A_402 : i32
        %dma_start3A_404 = tpu.memref_slice %arg4[%add3A_403] : memref<327680xi32, #tpu.memory_space<hbm>> -> memref<80xi32, #tpu.memory_space<hbm>>
        %dma_start3A_405 = tpu.memref_slice %arg4[%add3A_403] : memref<327680xi32, #tpu.memory_space<hbm>> -> memref<80xi32, #tpu.memory_space<hbm>>
        tpu.enqueue_dma source(%dma_start3A_405 : memref<80xi32, #tpu.memory_space<hbm>>) target(%arg16 : memref<80xi32, #tpu.memory_space<vmem>>) target_semaphore(%arg32 : memref<!tpu.dma_semaphore, #tpu.memory_space<semaphore_mem>>)
      } else {
      }
      %mul3A_112 = arith.constant 8 : i32
      %mul3A_113 = arith.muli %scan3A_71, %mul3A_112 : i32
      %add3A_114 = arith.constant 1 : i32
      %add3A_115 = arith.addi %mul3A_113, %add3A_114 : i32
      %mul3A_116 = arith.constant 80 : i32
      %mul3A_117 = arith.muli %add3A_115, %mul3A_116 : i32
      %add3A_118 = arith.addi %mul3A_2, %mul3A_117 : i32
      %dma_wait3A_119 = tpu.memref_slice %arg3[%add3A_118] : memref<327680xi32, #tpu.memory_space<hbm>> -> memref<80xi32, #tpu.memory_space<hbm>>
      %dma_wait3A_120 = tpu.memref_slice %arg3[%add3A_118] : memref<327680xi32, #tpu.memory_space<hbm>> -> memref<80xi32, #tpu.memory_space<hbm>>
      tpu.wait_dma2 semaphore(%arg25 : memref<!tpu.dma_semaphore, #tpu.memory_space<semaphore_mem>>) src(%dma_wait3A_120 : memref<80xi32, #tpu.memory_space<hbm>>) dst(%arg9 : memref<80xi32, #tpu.memory_space<vmem>>)
      %mul3A_121 = arith.constant 80 : i32
      %mul3A_122 = arith.muli %add3A_115, %mul3A_121 : i32
      %add3A_123 = arith.addi %mul3A_2, %mul3A_122 : i32
      %dma_wait3A_124 = tpu.memref_slice %arg4[%add3A_123] : memref<327680xi32, #tpu.memory_space<hbm>> -> memref<80xi32, #tpu.memory_space<hbm>>
      %dma_wait3A_125 = tpu.memref_slice %arg4[%add3A_123] : memref<327680xi32, #tpu.memory_space<hbm>> -> memref<80xi32, #tpu.memory_space<hbm>>
      tpu.wait_dma2 semaphore(%arg29 : memref<!tpu.dma_semaphore, #tpu.memory_space<semaphore_mem>>) src(%dma_wait3A_125 : memref<80xi32, #tpu.memory_space<hbm>>) dst(%arg13 : memref<80xi32, #tpu.memory_space<vmem>>)
      %ge3A_126 = arith.constant 4 : i32
      %ge3A_127 = arith.cmpi sge, %add3A_115, %ge3A_126 : i32
      %convert_element_type3A_128 = arith.extui %ge3A_127 : i1 to i32
      %cond3A_129 = arith.constant 0 : i32
      %cond3A_130 = arith.cmpi ne, %convert_element_type3A_128, %cond3A_129 : i32
      scf.if %cond3A_130 {
        %dma_wait3A_399 = arith.constant 0 : i32
        %dma_wait3A_400 = arith.constant 0 : i32
        %dma_wait3A_401 = tpu.memref_slice %arg7[%dma_wait3A_399, %dma_wait3A_400] : memref<10240x128xf32, #tpu.memory_space<vmem_shared>> -> memref<10240x128xf32, #tpu.memory_space<vmem_shared>>
        tpu.wait_indirect_dma semaphore(%arg41 : memref<!tpu.dma_semaphore, #tpu.memory_space<semaphore_mem>>) src(%arg21 : memref<80x128xf32, #tpu.memory_space<vmem>>) dst(%dma_wait3A_401 : memref<10240x128xf32, #tpu.memory_space<vmem_shared>>)
      } else {
      }
      %dma_start3A_131 = arith.constant 0 : i32
      %dma_start3A_132 = arith.constant 0 : i32
      %dma_start3A_133 = tpu.memref_slice %arg2[%dma_start3A_131, %dma_start3A_132] : memref<10000x128xf32, #tpu.memory_space<hbm>> -> memref<10000x128xf32, #tpu.memory_space<hbm>>
      tpu.enqueue_indirect_dma source(%dma_start3A_133 : memref<10000x128xf32, #tpu.memory_space<hbm>>) target(%arg21 : memref<80x128xf32, #tpu.memory_space<vmem>>) offsets(%arg9 : memref<80xi32, #tpu.memory_space<vmem>>) semaphore(%arg37 : memref<!tpu.dma_semaphore, #tpu.memory_space<semaphore_mem>>)
      %ge3A_134 = arith.constant 3 : i32
      %ge3A_135 = arith.cmpi sge, %add3A_115, %ge3A_134 : i32
      %convert_element_type3A_136 = arith.extui %ge3A_135 : i1 to i32
      %cond3A_137 = arith.constant 0 : i32
      %cond3A_138 = arith.cmpi ne, %convert_element_type3A_136, %cond3A_137 : i32
      scf.if %cond3A_138 {
        %dma_wait3A_399 = arith.constant 0 : i32
        %dma_wait3A_400 = arith.constant 0 : i32
        %dma_wait3A_401 = tpu.memref_slice %arg2[%dma_wait3A_399, %dma_wait3A_400] : memref<10000x128xf32, #tpu.memory_space<hbm>> -> memref<10000x128xf32, #tpu.memory_space<hbm>>
        tpu.wait_indirect_dma semaphore(%arg38 : memref<!tpu.dma_semaphore, #tpu.memory_space<semaphore_mem>>) src(%dma_wait3A_401 : memref<10000x128xf32, #tpu.memory_space<hbm>>) dst(%arg22 : memref<80x128xf32, #tpu.memory_space<vmem>>)
        %dma_start3A_402 = arith.constant 0 : i32
        %dma_start3A_403 = arith.constant 0 : i32
        %dma_start3A_404 = tpu.memref_slice %arg7[%dma_start3A_402, %dma_start3A_403] : memref<10240x128xf32, #tpu.memory_space<vmem_shared>> -> memref<10240x128xf32, #tpu.memory_space<vmem_shared>>
        tpu.enqueue_indirect_dma source(%arg22 : memref<80x128xf32, #tpu.memory_space<vmem>>) target(%dma_start3A_404 : memref<10240x128xf32, #tpu.memory_space<vmem_shared>>) offsets(%arg18 : memref<80xi32, #tpu.memory_space<vmem>>) semaphore(%arg42 : memref<!tpu.dma_semaphore, #tpu.memory_space<semaphore_mem>>) {add = true}
      } else {
      }
      %add3A_139 = arith.constant 2 : i32
      %add3A_140 = arith.addi %add3A_115, %add3A_139 : i32
      %lt3A_141 = arith.constant 128 : i32
      %lt3A_142 = arith.cmpi slt, %add3A_140, %lt3A_141 : i32
      %convert_element_type3A_143 = arith.extui %lt3A_142 : i1 to i32
      %cond3A_144 = arith.constant 0 : i32
      %cond3A_145 = arith.cmpi ne, %convert_element_type3A_143, %cond3A_144 : i32
      scf.if %cond3A_145 {
        %add3A_399 = arith.constant 2 : i32
        %add3A_400 = arith.addi %add3A_115, %add3A_399 : i32
        %mul3A_401 = arith.constant 80 : i32
        %mul3A_402 = arith.muli %add3A_400, %mul3A_401 : i32
        %add3A_403 = arith.addi %mul3A_2, %mul3A_402 : i32
        %dma_start3A_404 = tpu.memref_slice %arg3[%add3A_403] : memref<327680xi32, #tpu.memory_space<hbm>> -> memref<80xi32, #tpu.memory_space<hbm>>
        %dma_start3A_405 = tpu.memref_slice %arg3[%add3A_403] : memref<327680xi32, #tpu.memory_space<hbm>> -> memref<80xi32, #tpu.memory_space<hbm>>
        tpu.enqueue_dma source(%dma_start3A_405 : memref<80xi32, #tpu.memory_space<hbm>>) target(%arg11 : memref<80xi32, #tpu.memory_space<vmem>>) target_semaphore(%arg27 : memref<!tpu.dma_semaphore, #tpu.memory_space<semaphore_mem>>)
      } else {
      }
      %add3A_146 = arith.constant 4 : i32
      %add3A_147 = arith.addi %add3A_115, %add3A_146 : i32
      %lt3A_148 = arith.constant 128 : i32
      %lt3A_149 = arith.cmpi slt, %add3A_147, %lt3A_148 : i32
      %convert_element_type3A_150 = arith.extui %lt3A_149 : i1 to i32
      %cond3A_151 = arith.constant 0 : i32
      %cond3A_152 = arith.cmpi ne, %convert_element_type3A_150, %cond3A_151 : i32
      scf.if %cond3A_152 {
        %add3A_399 = arith.constant 4 : i32
        %add3A_400 = arith.addi %add3A_115, %add3A_399 : i32
        %mul3A_401 = arith.constant 80 : i32
        %mul3A_402 = arith.muli %add3A_400, %mul3A_401 : i32
        %add3A_403 = arith.addi %mul3A_2, %mul3A_402 : i32
        %dma_start3A_404 = tpu.memref_slice %arg4[%add3A_403] : memref<327680xi32, #tpu.memory_space<hbm>> -> memref<80xi32, #tpu.memory_space<hbm>>
        %dma_start3A_405 = tpu.memref_slice %arg4[%add3A_403] : memref<327680xi32, #tpu.memory_space<hbm>> -> memref<80xi32, #tpu.memory_space<hbm>>
        tpu.enqueue_dma source(%dma_start3A_405 : memref<80xi32, #tpu.memory_space<hbm>>) target(%arg17 : memref<80xi32, #tpu.memory_space<vmem>>) target_semaphore(%arg33 : memref<!tpu.dma_semaphore, #tpu.memory_space<semaphore_mem>>)
      } else {
      }
      %mul3A_153 = arith.constant 8 : i32
      %mul3A_154 = arith.muli %scan3A_71, %mul3A_153 : i32
      %add3A_155 = arith.constant 2 : i32
      %add3A_156 = arith.addi %mul3A_154, %add3A_155 : i32
      %mul3A_157 = arith.constant 80 : i32
      %mul3A_158 = arith.muli %add3A_156, %mul3A_157 : i32
      %add3A_159 = arith.addi %mul3A_2, %mul3A_158 : i32
      %dma_wait3A_160 = tpu.memref_slice %arg3[%add3A_159] : memref<327680xi32, #tpu.memory_space<hbm>> -> memref<80xi32, #tpu.memory_space<hbm>>
      %dma_wait3A_161 = tpu.memref_slice %arg3[%add3A_159] : memref<327680xi32, #tpu.memory_space<hbm>> -> memref<80xi32, #tpu.memory_space<hbm>>
      tpu.wait_dma2 semaphore(%arg26 : memref<!tpu.dma_semaphore, #tpu.memory_space<semaphore_mem>>) src(%dma_wait3A_161 : memref<80xi32, #tpu.memory_space<hbm>>) dst(%arg10 : memref<80xi32, #tpu.memory_space<vmem>>)
      %mul3A_162 = arith.constant 80 : i32
      %mul3A_163 = arith.muli %add3A_156, %mul3A_162 : i32
      %add3A_164 = arith.addi %mul3A_2, %mul3A_163 : i32
      %dma_wait3A_165 = tpu.memref_slice %arg4[%add3A_164] : memref<327680xi32, #tpu.memory_space<hbm>> -> memref<80xi32, #tpu.memory_space<hbm>>
      %dma_wait3A_166 = tpu.memref_slice %arg4[%add3A_164] : memref<327680xi32, #tpu.memory_space<hbm>> -> memref<80xi32, #tpu.memory_space<hbm>>
      tpu.wait_dma2 semaphore(%arg30 : memref<!tpu.dma_semaphore, #tpu.memory_space<semaphore_mem>>) src(%dma_wait3A_166 : memref<80xi32, #tpu.memory_space<hbm>>) dst(%arg14 : memref<80xi32, #tpu.memory_space<vmem>>)
      %ge3A_167 = arith.constant 4 : i32
      %ge3A_168 = arith.cmpi sge, %add3A_156, %ge3A_167 : i32
      %convert_element_type3A_169 = arith.extui %ge3A_168 : i1 to i32
      %cond3A_170 = arith.constant 0 : i32
      %cond3A_171 = arith.cmpi ne, %convert_element_type3A_169, %cond3A_170 : i32
      scf.if %cond3A_171 {
        %dma_wait3A_399 = arith.constant 0 : i32
        %dma_wait3A_400 = arith.constant 0 : i32
        %dma_wait3A_401 = tpu.memref_slice %arg7[%dma_wait3A_399, %dma_wait3A_400] : memref<10240x128xf32, #tpu.memory_space<vmem_shared>> -> memref<10240x128xf32, #tpu.memory_space<vmem_shared>>
        tpu.wait_indirect_dma semaphore(%arg42 : memref<!tpu.dma_semaphore, #tpu.memory_space<semaphore_mem>>) src(%arg22 : memref<80x128xf32, #tpu.memory_space<vmem>>) dst(%dma_wait3A_401 : memref<10240x128xf32, #tpu.memory_space<vmem_shared>>)
      } else {
      }
      %dma_start3A_172 = arith.constant 0 : i32
      %dma_start3A_173 = arith.constant 0 : i32
      %dma_start3A_174 = tpu.memref_slice %arg2[%dma_start3A_172, %dma_start3A_173] : memref<10000x128xf32, #tpu.memory_space<hbm>> -> memref<10000x128xf32, #tpu.memory_space<hbm>>
      tpu.enqueue_indirect_dma source(%dma_start3A_174 : memref<10000x128xf32, #tpu.memory_space<hbm>>) target(%arg22 : memref<80x128xf32, #tpu.memory_space<vmem>>) offsets(%arg10 : memref<80xi32, #tpu.memory_space<vmem>>) semaphore(%arg38 : memref<!tpu.dma_semaphore, #tpu.memory_space<semaphore_mem>>)
      %ge3A_175 = arith.constant 3 : i32
      %ge3A_176 = arith.cmpi sge, %add3A_156, %ge3A_175 : i32
      %convert_element_type3A_177 = arith.extui %ge3A_176 : i1 to i32
      %cond3A_178 = arith.constant 0 : i32
      %cond3A_179 = arith.cmpi ne, %convert_element_type3A_177, %cond3A_178 : i32
      scf.if %cond3A_179 {
        %dma_wait3A_399 = arith.constant 0 : i32
        %dma_wait3A_400 = arith.constant 0 : i32
        %dma_wait3A_401 = tpu.memref_slice %arg2[%dma_wait3A_399, %dma_wait3A_400] : memref<10000x128xf32, #tpu.memory_space<hbm>> -> memref<10000x128xf32, #tpu.memory_space<hbm>>
        tpu.wait_indirect_dma semaphore(%arg39 : memref<!tpu.dma_semaphore, #tpu.memory_space<semaphore_mem>>) src(%dma_wait3A_401 : memref<10000x128xf32, #tpu.memory_space<hbm>>) dst(%arg23 : memref<80x128xf32, #tpu.memory_space<vmem>>)
        %dma_start3A_402 = arith.constant 0 : i32
        %dma_start3A_403 = arith.constant 0 : i32
        %dma_start3A_404 = tpu.memref_slice %arg7[%dma_start3A_402, %dma_start3A_403] : memref<10240x128xf32, #tpu.memory_space<vmem_shared>> -> memref<10240x128xf32, #tpu.memory_space<vmem_shared>>
        tpu.enqueue_indirect_dma source(%arg23 : memref<80x128xf32, #tpu.memory_space<vmem>>) target(%dma_start3A_404 : memref<10240x128xf32, #tpu.memory_space<vmem_shared>>) offsets(%arg19 : memref<80xi32, #tpu.memory_space<vmem>>) semaphore(%arg43 : memref<!tpu.dma_semaphore, #tpu.memory_space<semaphore_mem>>) {add = true}
      } else {
      }
      %add3A_180 = arith.constant 2 : i32
      %add3A_181 = arith.addi %add3A_156, %add3A_180 : i32
      %lt3A_182 = arith.constant 128 : i32
      %lt3A_183 = arith.cmpi slt, %add3A_181, %lt3A_182 : i32
      %convert_element_type3A_184 = arith.extui %lt3A_183 : i1 to i32
      %cond3A_185 = arith.constant 0 : i32
      %cond3A_186 = arith.cmpi ne, %convert_element_type3A_184, %cond3A_185 : i32
      scf.if %cond3A_186 {
        %add3A_399 = arith.constant 2 : i32
        %add3A_400 = arith.addi %add3A_156, %add3A_399 : i32
        %mul3A_401 = arith.constant 80 : i32
        %mul3A_402 = arith.muli %add3A_400, %mul3A_401 : i32
        %add3A_403 = arith.addi %mul3A_2, %mul3A_402 : i32
        %dma_start3A_404 = tpu.memref_slice %arg3[%add3A_403] : memref<327680xi32, #tpu.memory_space<hbm>> -> memref<80xi32, #tpu.memory_space<hbm>>
        %dma_start3A_405 = tpu.memref_slice %arg3[%add3A_403] : memref<327680xi32, #tpu.memory_space<hbm>> -> memref<80xi32, #tpu.memory_space<hbm>>
        tpu.enqueue_dma source(%dma_start3A_405 : memref<80xi32, #tpu.memory_space<hbm>>) target(%arg8 : memref<80xi32, #tpu.memory_space<vmem>>) target_semaphore(%arg24 : memref<!tpu.dma_semaphore, #tpu.memory_space<semaphore_mem>>)
      } else {
      }
      %add3A_187 = arith.constant 4 : i32
      %add3A_188 = arith.addi %add3A_156, %add3A_187 : i32
      %lt3A_189 = arith.constant 128 : i32
      %lt3A_190 = arith.cmpi slt, %add3A_188, %lt3A_189 : i32
      %convert_element_type3A_191 = arith.extui %lt3A_190 : i1 to i32
      %cond3A_192 = arith.constant 0 : i32
      %cond3A_193 = arith.cmpi ne, %convert_element_type3A_191, %cond3A_192 : i32
      scf.if %cond3A_193 {
        %add3A_399 = arith.constant 4 : i32
        %add3A_400 = arith.addi %add3A_156, %add3A_399 : i32
        %mul3A_401 = arith.constant 80 : i32
        %mul3A_402 = arith.muli %add3A_400, %mul3A_401 : i32
        %add3A_403 = arith.addi %mul3A_2, %mul3A_402 : i32
        %dma_start3A_404 = tpu.memref_slice %arg4[%add3A_403] : memref<327680xi32, #tpu.memory_space<hbm>> -> memref<80xi32, #tpu.memory_space<hbm>>
        %dma_start3A_405 = tpu.memref_slice %arg4[%add3A_403] : memref<327680xi32, #tpu.memory_space<hbm>> -> memref<80xi32, #tpu.memory_space<hbm>>
        tpu.enqueue_dma source(%dma_start3A_405 : memref<80xi32, #tpu.memory_space<hbm>>) target(%arg18 : memref<80xi32, #tpu.memory_space<vmem>>) target_semaphore(%arg34 : memref<!tpu.dma_semaphore, #tpu.memory_space<semaphore_mem>>)
      } else {
      }
      %mul3A_194 = arith.constant 8 : i32
      %mul3A_195 = arith.muli %scan3A_71, %mul3A_194 : i32
      %add3A_196 = arith.constant 3 : i32
      %add3A_197 = arith.addi %mul3A_195, %add3A_196 : i32
      %mul3A_198 = arith.constant 80 : i32
      %mul3A_199 = arith.muli %add3A_197, %mul3A_198 : i32
      %add3A_200 = arith.addi %mul3A_2, %mul3A_199 : i32
      %dma_wait3A_201 = tpu.memref_slice %arg3[%add3A_200] : memref<327680xi32, #tpu.memory_space<hbm>> -> memref<80xi32, #tpu.memory_space<hbm>>
      %dma_wait3A_202 = tpu.memref_slice %arg3[%add3A_200] : memref<327680xi32, #tpu.memory_space<hbm>> -> memref<80xi32, #tpu.memory_space<hbm>>
      tpu.wait_dma2 semaphore(%arg27 : memref<!tpu.dma_semaphore, #tpu.memory_space<semaphore_mem>>) src(%dma_wait3A_202 : memref<80xi32, #tpu.memory_space<hbm>>) dst(%arg11 : memref<80xi32, #tpu.memory_space<vmem>>)
      %mul3A_203 = arith.constant 80 : i32
      %mul3A_204 = arith.muli %add3A_197, %mul3A_203 : i32
      %add3A_205 = arith.addi %mul3A_2, %mul3A_204 : i32
      %dma_wait3A_206 = tpu.memref_slice %arg4[%add3A_205] : memref<327680xi32, #tpu.memory_space<hbm>> -> memref<80xi32, #tpu.memory_space<hbm>>
      %dma_wait3A_207 = tpu.memref_slice %arg4[%add3A_205] : memref<327680xi32, #tpu.memory_space<hbm>> -> memref<80xi32, #tpu.memory_space<hbm>>
      tpu.wait_dma2 semaphore(%arg31 : memref<!tpu.dma_semaphore, #tpu.memory_space<semaphore_mem>>) src(%dma_wait3A_207 : memref<80xi32, #tpu.memory_space<hbm>>) dst(%arg15 : memref<80xi32, #tpu.memory_space<vmem>>)
      %ge3A_208 = arith.constant 4 : i32
      %ge3A_209 = arith.cmpi sge, %add3A_197, %ge3A_208 : i32
      %convert_element_type3A_210 = arith.extui %ge3A_209 : i1 to i32
      %cond3A_211 = arith.constant 0 : i32
      %cond3A_212 = arith.cmpi ne, %convert_element_type3A_210, %cond3A_211 : i32
      scf.if %cond3A_212 {
        %dma_wait3A_399 = arith.constant 0 : i32
        %dma_wait3A_400 = arith.constant 0 : i32
        %dma_wait3A_401 = tpu.memref_slice %arg7[%dma_wait3A_399, %dma_wait3A_400] : memref<10240x128xf32, #tpu.memory_space<vmem_shared>> -> memref<10240x128xf32, #tpu.memory_space<vmem_shared>>
        tpu.wait_indirect_dma semaphore(%arg43 : memref<!tpu.dma_semaphore, #tpu.memory_space<semaphore_mem>>) src(%arg23 : memref<80x128xf32, #tpu.memory_space<vmem>>) dst(%dma_wait3A_401 : memref<10240x128xf32, #tpu.memory_space<vmem_shared>>)
      } else {
      }
      %dma_start3A_213 = arith.constant 0 : i32
      %dma_start3A_214 = arith.constant 0 : i32
      %dma_start3A_215 = tpu.memref_slice %arg2[%dma_start3A_213, %dma_start3A_214] : memref<10000x128xf32, #tpu.memory_space<hbm>> -> memref<10000x128xf32, #tpu.memory_space<hbm>>
      tpu.enqueue_indirect_dma source(%dma_start3A_215 : memref<10000x128xf32, #tpu.memory_space<hbm>>) target(%arg23 : memref<80x128xf32, #tpu.memory_space<vmem>>) offsets(%arg11 : memref<80xi32, #tpu.memory_space<vmem>>) semaphore(%arg39 : memref<!tpu.dma_semaphore, #tpu.memory_space<semaphore_mem>>)
      %ge3A_216 = arith.constant 3 : i32
      %ge3A_217 = arith.cmpi sge, %add3A_197, %ge3A_216 : i32
      %convert_element_type3A_218 = arith.extui %ge3A_217 : i1 to i32
      %cond3A_219 = arith.constant 0 : i32
      %cond3A_220 = arith.cmpi ne, %convert_element_type3A_218, %cond3A_219 : i32
      scf.if %cond3A_220 {
        %dma_wait3A_399 = arith.constant 0 : i32
        %dma_wait3A_400 = arith.constant 0 : i32
        %dma_wait3A_401 = tpu.memref_slice %arg2[%dma_wait3A_399, %dma_wait3A_400] : memref<10000x128xf32, #tpu.memory_space<hbm>> -> memref<10000x128xf32, #tpu.memory_space<hbm>>
        tpu.wait_indirect_dma semaphore(%arg36 : memref<!tpu.dma_semaphore, #tpu.memory_space<semaphore_mem>>) src(%dma_wait3A_401 : memref<10000x128xf32, #tpu.memory_space<hbm>>) dst(%arg20 : memref<80x128xf32, #tpu.memory_space<vmem>>)
        %dma_start3A_402 = arith.constant 0 : i32
        %dma_start3A_403 = arith.constant 0 : i32
        %dma_start3A_404 = tpu.memref_slice %arg7[%dma_start3A_402, %dma_start3A_403] : memref<10240x128xf32, #tpu.memory_space<vmem_shared>> -> memref<10240x128xf32, #tpu.memory_space<vmem_shared>>
        tpu.enqueue_indirect_dma source(%arg20 : memref<80x128xf32, #tpu.memory_space<vmem>>) target(%dma_start3A_404 : memref<10240x128xf32, #tpu.memory_space<vmem_shared>>) offsets(%arg12 : memref<80xi32, #tpu.memory_space<vmem>>) semaphore(%arg40 : memref<!tpu.dma_semaphore, #tpu.memory_space<semaphore_mem>>) {add = true}
      } else {
      }
      %add3A_221 = arith.constant 2 : i32
      %add3A_222 = arith.addi %add3A_197, %add3A_221 : i32
      %lt3A_223 = arith.constant 128 : i32
      %lt3A_224 = arith.cmpi slt, %add3A_222, %lt3A_223 : i32
      %convert_element_type3A_225 = arith.extui %lt3A_224 : i1 to i32
      %cond3A_226 = arith.constant 0 : i32
      %cond3A_227 = arith.cmpi ne, %convert_element_type3A_225, %cond3A_226 : i32
      scf.if %cond3A_227 {
        %add3A_399 = arith.constant 2 : i32
        %add3A_400 = arith.addi %add3A_197, %add3A_399 : i32
        %mul3A_401 = arith.constant 80 : i32
        %mul3A_402 = arith.muli %add3A_400, %mul3A_401 : i32
        %add3A_403 = arith.addi %mul3A_2, %mul3A_402 : i32
        %dma_start3A_404 = tpu.memref_slice %arg3[%add3A_403] : memref<327680xi32, #tpu.memory_space<hbm>> -> memref<80xi32, #tpu.memory_space<hbm>>
        %dma_start3A_405 = tpu.memref_slice %arg3[%add3A_403] : memref<327680xi32, #tpu.memory_space<hbm>> -> memref<80xi32, #tpu.memory_space<hbm>>
        tpu.enqueue_dma source(%dma_start3A_405 : memref<80xi32, #tpu.memory_space<hbm>>) target(%arg9 : memref<80xi32, #tpu.memory_space<vmem>>) target_semaphore(%arg25 : memref<!tpu.dma_semaphore, #tpu.memory_space<semaphore_mem>>)
      } else {
      }
      %add3A_228 = arith.constant 4 : i32
      %add3A_229 = arith.addi %add3A_197, %add3A_228 : i32
      %lt3A_230 = arith.constant 128 : i32
      %lt3A_231 = arith.cmpi slt, %add3A_229, %lt3A_230 : i32
      %convert_element_type3A_232 = arith.extui %lt3A_231 : i1 to i32
      %cond3A_233 = arith.constant 0 : i32
      %cond3A_234 = arith.cmpi ne, %convert_element_type3A_232, %cond3A_233 : i32
      scf.if %cond3A_234 {
        %add3A_399 = arith.constant 4 : i32
        %add3A_400 = arith.addi %add3A_197, %add3A_399 : i32
        %mul3A_401 = arith.constant 80 : i32
        %mul3A_402 = arith.muli %add3A_400, %mul3A_401 : i32
        %add3A_403 = arith.addi %mul3A_2, %mul3A_402 : i32
        %dma_start3A_404 = tpu.memref_slice %arg4[%add3A_403] : memref<327680xi32, #tpu.memory_space<hbm>> -> memref<80xi32, #tpu.memory_space<hbm>>
        %dma_start3A_405 = tpu.memref_slice %arg4[%add3A_403] : memref<327680xi32, #tpu.memory_space<hbm>> -> memref<80xi32, #tpu.memory_space<hbm>>
        tpu.enqueue_dma source(%dma_start3A_405 : memref<80xi32, #tpu.memory_space<hbm>>) target(%arg19 : memref<80xi32, #tpu.memory_space<vmem>>) target_semaphore(%arg35 : memref<!tpu.dma_semaphore, #tpu.memory_space<semaphore_mem>>)
      } else {
      }
      %mul3A_235 = arith.constant 8 : i32
      %mul3A_236 = arith.muli %scan3A_71, %mul3A_235 : i32
      %add3A_237 = arith.constant 4 : i32
      %add3A_238 = arith.addi %mul3A_236, %add3A_237 : i32
      %mul3A_239 = arith.constant 80 : i32
      %mul3A_240 = arith.muli %add3A_238, %mul3A_239 : i32
      %add3A_241 = arith.addi %mul3A_2, %mul3A_240 : i32
      %dma_wait3A_242 = tpu.memref_slice %arg3[%add3A_241] : memref<327680xi32, #tpu.memory_space<hbm>> -> memref<80xi32, #tpu.memory_space<hbm>>
      %dma_wait3A_243 = tpu.memref_slice %arg3[%add3A_241] : memref<327680xi32, #tpu.memory_space<hbm>> -> memref<80xi32, #tpu.memory_space<hbm>>
      tpu.wait_dma2 semaphore(%arg24 : memref<!tpu.dma_semaphore, #tpu.memory_space<semaphore_mem>>) src(%dma_wait3A_243 : memref<80xi32, #tpu.memory_space<hbm>>) dst(%arg8 : memref<80xi32, #tpu.memory_space<vmem>>)
      %mul3A_244 = arith.constant 80 : i32
      %mul3A_245 = arith.muli %add3A_238, %mul3A_244 : i32
      %add3A_246 = arith.addi %mul3A_2, %mul3A_245 : i32
      %dma_wait3A_247 = tpu.memref_slice %arg4[%add3A_246] : memref<327680xi32, #tpu.memory_space<hbm>> -> memref<80xi32, #tpu.memory_space<hbm>>
      %dma_wait3A_248 = tpu.memref_slice %arg4[%add3A_246] : memref<327680xi32, #tpu.memory_space<hbm>> -> memref<80xi32, #tpu.memory_space<hbm>>
      tpu.wait_dma2 semaphore(%arg32 : memref<!tpu.dma_semaphore, #tpu.memory_space<semaphore_mem>>) src(%dma_wait3A_248 : memref<80xi32, #tpu.memory_space<hbm>>) dst(%arg16 : memref<80xi32, #tpu.memory_space<vmem>>)
      %ge3A_249 = arith.constant 4 : i32
      %ge3A_250 = arith.cmpi sge, %add3A_238, %ge3A_249 : i32
      %convert_element_type3A_251 = arith.extui %ge3A_250 : i1 to i32
      %cond3A_252 = arith.constant 0 : i32
      %cond3A_253 = arith.cmpi ne, %convert_element_type3A_251, %cond3A_252 : i32
      scf.if %cond3A_253 {
        %dma_wait3A_399 = arith.constant 0 : i32
        %dma_wait3A_400 = arith.constant 0 : i32
        %dma_wait3A_401 = tpu.memref_slice %arg7[%dma_wait3A_399, %dma_wait3A_400] : memref<10240x128xf32, #tpu.memory_space<vmem_shared>> -> memref<10240x128xf32, #tpu.memory_space<vmem_shared>>
        tpu.wait_indirect_dma semaphore(%arg40 : memref<!tpu.dma_semaphore, #tpu.memory_space<semaphore_mem>>) src(%arg20 : memref<80x128xf32, #tpu.memory_space<vmem>>) dst(%dma_wait3A_401 : memref<10240x128xf32, #tpu.memory_space<vmem_shared>>)
      } else {
      }
      %dma_start3A_254 = arith.constant 0 : i32
      %dma_start3A_255 = arith.constant 0 : i32
      %dma_start3A_256 = tpu.memref_slice %arg2[%dma_start3A_254, %dma_start3A_255] : memref<10000x128xf32, #tpu.memory_space<hbm>> -> memref<10000x128xf32, #tpu.memory_space<hbm>>
      tpu.enqueue_indirect_dma source(%dma_start3A_256 : memref<10000x128xf32, #tpu.memory_space<hbm>>) target(%arg20 : memref<80x128xf32, #tpu.memory_space<vmem>>) offsets(%arg8 : memref<80xi32, #tpu.memory_space<vmem>>) semaphore(%arg36 : memref<!tpu.dma_semaphore, #tpu.memory_space<semaphore_mem>>)
      %ge3A_257 = arith.constant 3 : i32
      %ge3A_258 = arith.cmpi sge, %add3A_238, %ge3A_257 : i32
      %convert_element_type3A_259 = arith.extui %ge3A_258 : i1 to i32
      %cond3A_260 = arith.constant 0 : i32
      %cond3A_261 = arith.cmpi ne, %convert_element_type3A_259, %cond3A_260 : i32
      scf.if %cond3A_261 {
        %dma_wait3A_399 = arith.constant 0 : i32
        %dma_wait3A_400 = arith.constant 0 : i32
        %dma_wait3A_401 = tpu.memref_slice %arg2[%dma_wait3A_399, %dma_wait3A_400] : memref<10000x128xf32, #tpu.memory_space<hbm>> -> memref<10000x128xf32, #tpu.memory_space<hbm>>
        tpu.wait_indirect_dma semaphore(%arg37 : memref<!tpu.dma_semaphore, #tpu.memory_space<semaphore_mem>>) src(%dma_wait3A_401 : memref<10000x128xf32, #tpu.memory_space<hbm>>) dst(%arg21 : memref<80x128xf32, #tpu.memory_space<vmem>>)
        %dma_start3A_402 = arith.constant 0 : i32
        %dma_start3A_403 = arith.constant 0 : i32
        %dma_start3A_404 = tpu.memref_slice %arg7[%dma_start3A_402, %dma_start3A_403] : memref<10240x128xf32, #tpu.memory_space<vmem_shared>> -> memref<10240x128xf32, #tpu.memory_space<vmem_shared>>
        tpu.enqueue_indirect_dma source(%arg21 : memref<80x128xf32, #tpu.memory_space<vmem>>) target(%dma_start3A_404 : memref<10240x128xf32, #tpu.memory_space<vmem_shared>>) offsets(%arg13 : memref<80xi32, #tpu.memory_space<vmem>>) semaphore(%arg41 : memref<!tpu.dma_semaphore, #tpu.memory_space<semaphore_mem>>) {add = true}
      } else {
      }
      %add3A_262 = arith.constant 2 : i32
      %add3A_263 = arith.addi %add3A_238, %add3A_262 : i32
      %lt3A_264 = arith.constant 128 : i32
      %lt3A_265 = arith.cmpi slt, %add3A_263, %lt3A_264 : i32
      %convert_element_type3A_266 = arith.extui %lt3A_265 : i1 to i32
      %cond3A_267 = arith.constant 0 : i32
      %cond3A_268 = arith.cmpi ne, %convert_element_type3A_266, %cond3A_267 : i32
      scf.if %cond3A_268 {
        %add3A_399 = arith.constant 2 : i32
        %add3A_400 = arith.addi %add3A_238, %add3A_399 : i32
        %mul3A_401 = arith.constant 80 : i32
        %mul3A_402 = arith.muli %add3A_400, %mul3A_401 : i32
        %add3A_403 = arith.addi %mul3A_2, %mul3A_402 : i32
        %dma_start3A_404 = tpu.memref_slice %arg3[%add3A_403] : memref<327680xi32, #tpu.memory_space<hbm>> -> memref<80xi32, #tpu.memory_space<hbm>>
        %dma_start3A_405 = tpu.memref_slice %arg3[%add3A_403] : memref<327680xi32, #tpu.memory_space<hbm>> -> memref<80xi32, #tpu.memory_space<hbm>>
        tpu.enqueue_dma source(%dma_start3A_405 : memref<80xi32, #tpu.memory_space<hbm>>) target(%arg10 : memref<80xi32, #tpu.memory_space<vmem>>) target_semaphore(%arg26 : memref<!tpu.dma_semaphore, #tpu.memory_space<semaphore_mem>>)
      } else {
      }
      %add3A_269 = arith.constant 4 : i32
      %add3A_270 = arith.addi %add3A_238, %add3A_269 : i32
      %lt3A_271 = arith.constant 128 : i32
      %lt3A_272 = arith.cmpi slt, %add3A_270, %lt3A_271 : i32
      %convert_element_type3A_273 = arith.extui %lt3A_272 : i1 to i32
      %cond3A_274 = arith.constant 0 : i32
      %cond3A_275 = arith.cmpi ne, %convert_element_type3A_273, %cond3A_274 : i32
      scf.if %cond3A_275 {
        %add3A_399 = arith.constant 4 : i32
        %add3A_400 = arith.addi %add3A_238, %add3A_399 : i32
        %mul3A_401 = arith.constant 80 : i32
        %mul3A_402 = arith.muli %add3A_400, %mul3A_401 : i32
        %add3A_403 = arith.addi %mul3A_2, %mul3A_402 : i32
        %dma_start3A_404 = tpu.memref_slice %arg4[%add3A_403] : memref<327680xi32, #tpu.memory_space<hbm>> -> memref<80xi32, #tpu.memory_space<hbm>>
        %dma_start3A_405 = tpu.memref_slice %arg4[%add3A_403] : memref<327680xi32, #tpu.memory_space<hbm>> -> memref<80xi32, #tpu.memory_space<hbm>>
        tpu.enqueue_dma source(%dma_start3A_405 : memref<80xi32, #tpu.memory_space<hbm>>) target(%arg12 : memref<80xi32, #tpu.memory_space<vmem>>) target_semaphore(%arg28 : memref<!tpu.dma_semaphore, #tpu.memory_space<semaphore_mem>>)
      } else {
      }
      %mul3A_276 = arith.constant 8 : i32
      %mul3A_277 = arith.muli %scan3A_71, %mul3A_276 : i32
      %add3A_278 = arith.constant 5 : i32
      %add3A_279 = arith.addi %mul3A_277, %add3A_278 : i32
      %mul3A_280 = arith.constant 80 : i32
      %mul3A_281 = arith.muli %add3A_279, %mul3A_280 : i32
      %add3A_282 = arith.addi %mul3A_2, %mul3A_281 : i32
      %dma_wait3A_283 = tpu.memref_slice %arg3[%add3A_282] : memref<327680xi32, #tpu.memory_space<hbm>> -> memref<80xi32, #tpu.memory_space<hbm>>
      %dma_wait3A_284 = tpu.memref_slice %arg3[%add3A_282] : memref<327680xi32, #tpu.memory_space<hbm>> -> memref<80xi32, #tpu.memory_space<hbm>>
      tpu.wait_dma2 semaphore(%arg25 : memref<!tpu.dma_semaphore, #tpu.memory_space<semaphore_mem>>) src(%dma_wait3A_284 : memref<80xi32, #tpu.memory_space<hbm>>) dst(%arg9 : memref<80xi32, #tpu.memory_space<vmem>>)
      %mul3A_285 = arith.constant 80 : i32
      %mul3A_286 = arith.muli %add3A_279, %mul3A_285 : i32
      %add3A_287 = arith.addi %mul3A_2, %mul3A_286 : i32
      %dma_wait3A_288 = tpu.memref_slice %arg4[%add3A_287] : memref<327680xi32, #tpu.memory_space<hbm>> -> memref<80xi32, #tpu.memory_space<hbm>>
      %dma_wait3A_289 = tpu.memref_slice %arg4[%add3A_287] : memref<327680xi32, #tpu.memory_space<hbm>> -> memref<80xi32, #tpu.memory_space<hbm>>
      tpu.wait_dma2 semaphore(%arg33 : memref<!tpu.dma_semaphore, #tpu.memory_space<semaphore_mem>>) src(%dma_wait3A_289 : memref<80xi32, #tpu.memory_space<hbm>>) dst(%arg17 : memref<80xi32, #tpu.memory_space<vmem>>)
      %ge3A_290 = arith.constant 4 : i32
      %ge3A_291 = arith.cmpi sge, %add3A_279, %ge3A_290 : i32
      %convert_element_type3A_292 = arith.extui %ge3A_291 : i1 to i32
      %cond3A_293 = arith.constant 0 : i32
      %cond3A_294 = arith.cmpi ne, %convert_element_type3A_292, %cond3A_293 : i32
      scf.if %cond3A_294 {
        %dma_wait3A_399 = arith.constant 0 : i32
        %dma_wait3A_400 = arith.constant 0 : i32
        %dma_wait3A_401 = tpu.memref_slice %arg7[%dma_wait3A_399, %dma_wait3A_400] : memref<10240x128xf32, #tpu.memory_space<vmem_shared>> -> memref<10240x128xf32, #tpu.memory_space<vmem_shared>>
        tpu.wait_indirect_dma semaphore(%arg41 : memref<!tpu.dma_semaphore, #tpu.memory_space<semaphore_mem>>) src(%arg21 : memref<80x128xf32, #tpu.memory_space<vmem>>) dst(%dma_wait3A_401 : memref<10240x128xf32, #tpu.memory_space<vmem_shared>>)
      } else {
      }
      %dma_start3A_295 = arith.constant 0 : i32
      %dma_start3A_296 = arith.constant 0 : i32
      %dma_start3A_297 = tpu.memref_slice %arg2[%dma_start3A_295, %dma_start3A_296] : memref<10000x128xf32, #tpu.memory_space<hbm>> -> memref<10000x128xf32, #tpu.memory_space<hbm>>
      tpu.enqueue_indirect_dma source(%dma_start3A_297 : memref<10000x128xf32, #tpu.memory_space<hbm>>) target(%arg21 : memref<80x128xf32, #tpu.memory_space<vmem>>) offsets(%arg9 : memref<80xi32, #tpu.memory_space<vmem>>) semaphore(%arg37 : memref<!tpu.dma_semaphore, #tpu.memory_space<semaphore_mem>>)
      %ge3A_298 = arith.constant 3 : i32
      %ge3A_299 = arith.cmpi sge, %add3A_279, %ge3A_298 : i32
      %convert_element_type3A_300 = arith.extui %ge3A_299 : i1 to i32
      %cond3A_301 = arith.constant 0 : i32
      %cond3A_302 = arith.cmpi ne, %convert_element_type3A_300, %cond3A_301 : i32
      scf.if %cond3A_302 {
        %dma_wait3A_399 = arith.constant 0 : i32
        %dma_wait3A_400 = arith.constant 0 : i32
        %dma_wait3A_401 = tpu.memref_slice %arg2[%dma_wait3A_399, %dma_wait3A_400] : memref<10000x128xf32, #tpu.memory_space<hbm>> -> memref<10000x128xf32, #tpu.memory_space<hbm>>
        tpu.wait_indirect_dma semaphore(%arg38 : memref<!tpu.dma_semaphore, #tpu.memory_space<semaphore_mem>>) src(%dma_wait3A_401 : memref<10000x128xf32, #tpu.memory_space<hbm>>) dst(%arg22 : memref<80x128xf32, #tpu.memory_space<vmem>>)
        %dma_start3A_402 = arith.constant 0 : i32
        %dma_start3A_403 = arith.constant 0 : i32
        %dma_start3A_404 = tpu.memref_slice %arg7[%dma_start3A_402, %dma_start3A_403] : memref<10240x128xf32, #tpu.memory_space<vmem_shared>> -> memref<10240x128xf32, #tpu.memory_space<vmem_shared>>
        tpu.enqueue_indirect_dma source(%arg22 : memref<80x128xf32, #tpu.memory_space<vmem>>) target(%dma_start3A_404 : memref<10240x128xf32, #tpu.memory_space<vmem_shared>>) offsets(%arg14 : memref<80xi32, #tpu.memory_space<vmem>>) semaphore(%arg42 : memref<!tpu.dma_semaphore, #tpu.memory_space<semaphore_mem>>) {add = true}
      } else {
      }
      %add3A_303 = arith.constant 2 : i32
      %add3A_304 = arith.addi %add3A_279, %add3A_303 : i32
      %lt3A_305 = arith.constant 128 : i32
      %lt3A_306 = arith.cmpi slt, %add3A_304, %lt3A_305 : i32
      %convert_element_type3A_307 = arith.extui %lt3A_306 : i1 to i32
      %cond3A_308 = arith.constant 0 : i32
      %cond3A_309 = arith.cmpi ne, %convert_element_type3A_307, %cond3A_308 : i32
      scf.if %cond3A_309 {
        %add3A_399 = arith.constant 2 : i32
        %add3A_400 = arith.addi %add3A_279, %add3A_399 : i32
        %mul3A_401 = arith.constant 80 : i32
        %mul3A_402 = arith.muli %add3A_400, %mul3A_401 : i32
        %add3A_403 = arith.addi %mul3A_2, %mul3A_402 : i32
        %dma_start3A_404 = tpu.memref_slice %arg3[%add3A_403] : memref<327680xi32, #tpu.memory_space<hbm>> -> memref<80xi32, #tpu.memory_space<hbm>>
        %dma_start3A_405 = tpu.memref_slice %arg3[%add3A_403] : memref<327680xi32, #tpu.memory_space<hbm>> -> memref<80xi32, #tpu.memory_space<hbm>>
        tpu.enqueue_dma source(%dma_start3A_405 : memref<80xi32, #tpu.memory_space<hbm>>) target(%arg11 : memref<80xi32, #tpu.memory_space<vmem>>) target_semaphore(%arg27 : memref<!tpu.dma_semaphore, #tpu.memory_space<semaphore_mem>>)
      } else {
      }
      %add3A_310 = arith.constant 4 : i32
      %add3A_311 = arith.addi %add3A_279, %add3A_310 : i32
      %lt3A_312 = arith.constant 128 : i32
      %lt3A_313 = arith.cmpi slt, %add3A_311, %lt3A_312 : i32
      %convert_element_type3A_314 = arith.extui %lt3A_313 : i1 to i32
      %cond3A_315 = arith.constant 0 : i32
      %cond3A_316 = arith.cmpi ne, %convert_element_type3A_314, %cond3A_315 : i32
      scf.if %cond3A_316 {
        %add3A_399 = arith.constant 4 : i32
        %add3A_400 = arith.addi %add3A_279, %add3A_399 : i32
        %mul3A_401 = arith.constant 80 : i32
        %mul3A_402 = arith.muli %add3A_400, %mul3A_401 : i32
        %add3A_403 = arith.addi %mul3A_2, %mul3A_402 : i32
        %dma_start3A_404 = tpu.memref_slice %arg4[%add3A_403] : memref<327680xi32, #tpu.memory_space<hbm>> -> memref<80xi32, #tpu.memory_space<hbm>>
        %dma_start3A_405 = tpu.memref_slice %arg4[%add3A_403] : memref<327680xi32, #tpu.memory_space<hbm>> -> memref<80xi32, #tpu.memory_space<hbm>>
        tpu.enqueue_dma source(%dma_start3A_405 : memref<80xi32, #tpu.memory_space<hbm>>) target(%arg13 : memref<80xi32, #tpu.memory_space<vmem>>) target_semaphore(%arg29 : memref<!tpu.dma_semaphore, #tpu.memory_space<semaphore_mem>>)
      } else {
      }
      %mul3A_317 = arith.constant 8 : i32
      %mul3A_318 = arith.muli %scan3A_71, %mul3A_317 : i32
      %add3A_319 = arith.constant 6 : i32
      %add3A_320 = arith.addi %mul3A_318, %add3A_319 : i32
      %mul3A_321 = arith.constant 80 : i32
      %mul3A_322 = arith.muli %add3A_320, %mul3A_321 : i32
      %add3A_323 = arith.addi %mul3A_2, %mul3A_322 : i32
      %dma_wait3A_324 = tpu.memref_slice %arg3[%add3A_323] : memref<327680xi32, #tpu.memory_space<hbm>> -> memref<80xi32, #tpu.memory_space<hbm>>
      %dma_wait3A_325 = tpu.memref_slice %arg3[%add3A_323] : memref<327680xi32, #tpu.memory_space<hbm>> -> memref<80xi32, #tpu.memory_space<hbm>>
      tpu.wait_dma2 semaphore(%arg26 : memref<!tpu.dma_semaphore, #tpu.memory_space<semaphore_mem>>) src(%dma_wait3A_325 : memref<80xi32, #tpu.memory_space<hbm>>) dst(%arg10 : memref<80xi32, #tpu.memory_space<vmem>>)
      %mul3A_326 = arith.constant 80 : i32
      %mul3A_327 = arith.muli %add3A_320, %mul3A_326 : i32
      %add3A_328 = arith.addi %mul3A_2, %mul3A_327 : i32
      %dma_wait3A_329 = tpu.memref_slice %arg4[%add3A_328] : memref<327680xi32, #tpu.memory_space<hbm>> -> memref<80xi32, #tpu.memory_space<hbm>>
      %dma_wait3A_330 = tpu.memref_slice %arg4[%add3A_328] : memref<327680xi32, #tpu.memory_space<hbm>> -> memref<80xi32, #tpu.memory_space<hbm>>
      tpu.wait_dma2 semaphore(%arg34 : memref<!tpu.dma_semaphore, #tpu.memory_space<semaphore_mem>>) src(%dma_wait3A_330 : memref<80xi32, #tpu.memory_space<hbm>>) dst(%arg18 : memref<80xi32, #tpu.memory_space<vmem>>)
      %ge3A_331 = arith.constant 4 : i32
      %ge3A_332 = arith.cmpi sge, %add3A_320, %ge3A_331 : i32
      %convert_element_type3A_333 = arith.extui %ge3A_332 : i1 to i32
      %cond3A_334 = arith.constant 0 : i32
      %cond3A_335 = arith.cmpi ne, %convert_element_type3A_333, %cond3A_334 : i32
      scf.if %cond3A_335 {
        %dma_wait3A_399 = arith.constant 0 : i32
        %dma_wait3A_400 = arith.constant 0 : i32
        %dma_wait3A_401 = tpu.memref_slice %arg7[%dma_wait3A_399, %dma_wait3A_400] : memref<10240x128xf32, #tpu.memory_space<vmem_shared>> -> memref<10240x128xf32, #tpu.memory_space<vmem_shared>>
        tpu.wait_indirect_dma semaphore(%arg42 : memref<!tpu.dma_semaphore, #tpu.memory_space<semaphore_mem>>) src(%arg22 : memref<80x128xf32, #tpu.memory_space<vmem>>) dst(%dma_wait3A_401 : memref<10240x128xf32, #tpu.memory_space<vmem_shared>>)
      } else {
      }
      %dma_start3A_336 = arith.constant 0 : i32
      %dma_start3A_337 = arith.constant 0 : i32
      %dma_start3A_338 = tpu.memref_slice %arg2[%dma_start3A_336, %dma_start3A_337] : memref<10000x128xf32, #tpu.memory_space<hbm>> -> memref<10000x128xf32, #tpu.memory_space<hbm>>
      tpu.enqueue_indirect_dma source(%dma_start3A_338 : memref<10000x128xf32, #tpu.memory_space<hbm>>) target(%arg22 : memref<80x128xf32, #tpu.memory_space<vmem>>) offsets(%arg10 : memref<80xi32, #tpu.memory_space<vmem>>) semaphore(%arg38 : memref<!tpu.dma_semaphore, #tpu.memory_space<semaphore_mem>>)
      %ge3A_339 = arith.constant 3 : i32
      %ge3A_340 = arith.cmpi sge, %add3A_320, %ge3A_339 : i32
      %convert_element_type3A_341 = arith.extui %ge3A_340 : i1 to i32
      %cond3A_342 = arith.constant 0 : i32
      %cond3A_343 = arith.cmpi ne, %convert_element_type3A_341, %cond3A_342 : i32
      scf.if %cond3A_343 {
        %dma_wait3A_399 = arith.constant 0 : i32
        %dma_wait3A_400 = arith.constant 0 : i32
        %dma_wait3A_401 = tpu.memref_slice %arg2[%dma_wait3A_399, %dma_wait3A_400] : memref<10000x128xf32, #tpu.memory_space<hbm>> -> memref<10000x128xf32, #tpu.memory_space<hbm>>
        tpu.wait_indirect_dma semaphore(%arg39 : memref<!tpu.dma_semaphore, #tpu.memory_space<semaphore_mem>>) src(%dma_wait3A_401 : memref<10000x128xf32, #tpu.memory_space<hbm>>) dst(%arg23 : memref<80x128xf32, #tpu.memory_space<vmem>>)
        %dma_start3A_402 = arith.constant 0 : i32
        %dma_start3A_403 = arith.constant 0 : i32
        %dma_start3A_404 = tpu.memref_slice %arg7[%dma_start3A_402, %dma_start3A_403] : memref<10240x128xf32, #tpu.memory_space<vmem_shared>> -> memref<10240x128xf32, #tpu.memory_space<vmem_shared>>
        tpu.enqueue_indirect_dma source(%arg23 : memref<80x128xf32, #tpu.memory_space<vmem>>) target(%dma_start3A_404 : memref<10240x128xf32, #tpu.memory_space<vmem_shared>>) offsets(%arg15 : memref<80xi32, #tpu.memory_space<vmem>>) semaphore(%arg43 : memref<!tpu.dma_semaphore, #tpu.memory_space<semaphore_mem>>) {add = true}
      } else {
      }
      %add3A_344 = arith.constant 2 : i32
      %add3A_345 = arith.addi %add3A_320, %add3A_344 : i32
      %lt3A_346 = arith.constant 128 : i32
      %lt3A_347 = arith.cmpi slt, %add3A_345, %lt3A_346 : i32
      %convert_element_type3A_348 = arith.extui %lt3A_347 : i1 to i32
      %cond3A_349 = arith.constant 0 : i32
      %cond3A_350 = arith.cmpi ne, %convert_element_type3A_348, %cond3A_349 : i32
      scf.if %cond3A_350 {
        %add3A_399 = arith.constant 2 : i32
        %add3A_400 = arith.addi %add3A_320, %add3A_399 : i32
        %mul3A_401 = arith.constant 80 : i32
        %mul3A_402 = arith.muli %add3A_400, %mul3A_401 : i32
        %add3A_403 = arith.addi %mul3A_2, %mul3A_402 : i32
        %dma_start3A_404 = tpu.memref_slice %arg3[%add3A_403] : memref<327680xi32, #tpu.memory_space<hbm>> -> memref<80xi32, #tpu.memory_space<hbm>>
        %dma_start3A_405 = tpu.memref_slice %arg3[%add3A_403] : memref<327680xi32, #tpu.memory_space<hbm>> -> memref<80xi32, #tpu.memory_space<hbm>>
        tpu.enqueue_dma source(%dma_start3A_405 : memref<80xi32, #tpu.memory_space<hbm>>) target(%arg8 : memref<80xi32, #tpu.memory_space<vmem>>) target_semaphore(%arg24 : memref<!tpu.dma_semaphore, #tpu.memory_space<semaphore_mem>>)
      } else {
      }
      %add3A_351 = arith.constant 4 : i32
      %add3A_352 = arith.addi %add3A_320, %add3A_351 : i32
      %lt3A_353 = arith.constant 128 : i32
      %lt3A_354 = arith.cmpi slt, %add3A_352, %lt3A_353 : i32
      %convert_element_type3A_355 = arith.extui %lt3A_354 : i1 to i32
      %cond3A_356 = arith.constant 0 : i32
      %cond3A_357 = arith.cmpi ne, %convert_element_type3A_355, %cond3A_356 : i32
      scf.if %cond3A_357 {
        %add3A_399 = arith.constant 4 : i32
        %add3A_400 = arith.addi %add3A_320, %add3A_399 : i32
        %mul3A_401 = arith.constant 80 : i32
        %mul3A_402 = arith.muli %add3A_400, %mul3A_401 : i32
        %add3A_403 = arith.addi %mul3A_2, %mul3A_402 : i32
        %dma_start3A_404 = tpu.memref_slice %arg4[%add3A_403] : memref<327680xi32, #tpu.memory_space<hbm>> -> memref<80xi32, #tpu.memory_space<hbm>>
        %dma_start3A_405 = tpu.memref_slice %arg4[%add3A_403] : memref<327680xi32, #tpu.memory_space<hbm>> -> memref<80xi32, #tpu.memory_space<hbm>>
        tpu.enqueue_dma source(%dma_start3A_405 : memref<80xi32, #tpu.memory_space<hbm>>) target(%arg14 : memref<80xi32, #tpu.memory_space<vmem>>) target_semaphore(%arg30 : memref<!tpu.dma_semaphore, #tpu.memory_space<semaphore_mem>>)
      } else {
      }
      %mul3A_358 = arith.constant 8 : i32
      %mul3A_359 = arith.muli %scan3A_71, %mul3A_358 : i32
      %add3A_360 = arith.constant 7 : i32
      %add3A_361 = arith.addi %mul3A_359, %add3A_360 : i32
      %mul3A_362 = arith.constant 80 : i32
      %mul3A_363 = arith.muli %add3A_361, %mul3A_362 : i32
      %add3A_364 = arith.addi %mul3A_2, %mul3A_363 : i32
      %dma_wait3A_365 = tpu.memref_slice %arg3[%add3A_364] : memref<327680xi32, #tpu.memory_space<hbm>> -> memref<80xi32, #tpu.memory_space<hbm>>
      %dma_wait3A_366 = tpu.memref_slice %arg3[%add3A_364] : memref<327680xi32, #tpu.memory_space<hbm>> -> memref<80xi32, #tpu.memory_space<hbm>>
      tpu.wait_dma2 semaphore(%arg27 : memref<!tpu.dma_semaphore, #tpu.memory_space<semaphore_mem>>) src(%dma_wait3A_366 : memref<80xi32, #tpu.memory_space<hbm>>) dst(%arg11 : memref<80xi32, #tpu.memory_space<vmem>>)
      %mul3A_367 = arith.constant 80 : i32
      %mul3A_368 = arith.muli %add3A_361, %mul3A_367 : i32
      %add3A_369 = arith.addi %mul3A_2, %mul3A_368 : i32
      %dma_wait3A_370 = tpu.memref_slice %arg4[%add3A_369] : memref<327680xi32, #tpu.memory_space<hbm>> -> memref<80xi32, #tpu.memory_space<hbm>>
      %dma_wait3A_371 = tpu.memref_slice %arg4[%add3A_369] : memref<327680xi32, #tpu.memory_space<hbm>> -> memref<80xi32, #tpu.memory_space<hbm>>
      tpu.wait_dma2 semaphore(%arg35 : memref<!tpu.dma_semaphore, #tpu.memory_space<semaphore_mem>>) src(%dma_wait3A_371 : memref<80xi32, #tpu.memory_space<hbm>>) dst(%arg19 : memref<80xi32, #tpu.memory_space<vmem>>)
      %ge3A_372 = arith.constant 4 : i32
      %ge3A_373 = arith.cmpi sge, %add3A_361, %ge3A_372 : i32
      %convert_element_type3A_374 = arith.extui %ge3A_373 : i1 to i32
      %cond3A_375 = arith.constant 0 : i32
      %cond3A_376 = arith.cmpi ne, %convert_element_type3A_374, %cond3A_375 : i32
      scf.if %cond3A_376 {
        %dma_wait3A_399 = arith.constant 0 : i32
        %dma_wait3A_400 = arith.constant 0 : i32
        %dma_wait3A_401 = tpu.memref_slice %arg7[%dma_wait3A_399, %dma_wait3A_400] : memref<10240x128xf32, #tpu.memory_space<vmem_shared>> -> memref<10240x128xf32, #tpu.memory_space<vmem_shared>>
        tpu.wait_indirect_dma semaphore(%arg43 : memref<!tpu.dma_semaphore, #tpu.memory_space<semaphore_mem>>) src(%arg23 : memref<80x128xf32, #tpu.memory_space<vmem>>) dst(%dma_wait3A_401 : memref<10240x128xf32, #tpu.memory_space<vmem_shared>>)
      } else {
      }
      %dma_start3A_377 = arith.constant 0 : i32
      %dma_start3A_378 = arith.constant 0 : i32
      %dma_start3A_379 = tpu.memref_slice %arg2[%dma_start3A_377, %dma_start3A_378] : memref<10000x128xf32, #tpu.memory_space<hbm>> -> memref<10000x128xf32, #tpu.memory_space<hbm>>
      tpu.enqueue_indirect_dma source(%dma_start3A_379 : memref<10000x128xf32, #tpu.memory_space<hbm>>) target(%arg23 : memref<80x128xf32, #tpu.memory_space<vmem>>) offsets(%arg11 : memref<80xi32, #tpu.memory_space<vmem>>) semaphore(%arg39 : memref<!tpu.dma_semaphore, #tpu.memory_space<semaphore_mem>>)
      %ge3A_380 = arith.constant 3 : i32
      %ge3A_381 = arith.cmpi sge, %add3A_361, %ge3A_380 : i32
      %convert_element_type3A_382 = arith.extui %ge3A_381 : i1 to i32
      %cond3A_383 = arith.constant 0 : i32
      %cond3A_384 = arith.cmpi ne, %convert_element_type3A_382, %cond3A_383 : i32
      scf.if %cond3A_384 {
        %dma_wait3A_399 = arith.constant 0 : i32
        %dma_wait3A_400 = arith.constant 0 : i32
        %dma_wait3A_401 = tpu.memref_slice %arg2[%dma_wait3A_399, %dma_wait3A_400] : memref<10000x128xf32, #tpu.memory_space<hbm>> -> memref<10000x128xf32, #tpu.memory_space<hbm>>
        tpu.wait_indirect_dma semaphore(%arg36 : memref<!tpu.dma_semaphore, #tpu.memory_space<semaphore_mem>>) src(%dma_wait3A_401 : memref<10000x128xf32, #tpu.memory_space<hbm>>) dst(%arg20 : memref<80x128xf32, #tpu.memory_space<vmem>>)
        %dma_start3A_402 = arith.constant 0 : i32
        %dma_start3A_403 = arith.constant 0 : i32
        %dma_start3A_404 = tpu.memref_slice %arg7[%dma_start3A_402, %dma_start3A_403] : memref<10240x128xf32, #tpu.memory_space<vmem_shared>> -> memref<10240x128xf32, #tpu.memory_space<vmem_shared>>
        tpu.enqueue_indirect_dma source(%arg20 : memref<80x128xf32, #tpu.memory_space<vmem>>) target(%dma_start3A_404 : memref<10240x128xf32, #tpu.memory_space<vmem_shared>>) offsets(%arg16 : memref<80xi32, #tpu.memory_space<vmem>>) semaphore(%arg40 : memref<!tpu.dma_semaphore, #tpu.memory_space<semaphore_mem>>) {add = true}
      } else {
      }
      %add3A_385 = arith.constant 2 : i32
      %add3A_386 = arith.addi %add3A_361, %add3A_385 : i32
      %lt3A_387 = arith.constant 128 : i32
      %lt3A_388 = arith.cmpi slt, %add3A_386, %lt3A_387 : i32
      %convert_element_type3A_389 = arith.extui %lt3A_388 : i1 to i32
      %cond3A_390 = arith.constant 0 : i32
      %cond3A_391 = arith.cmpi ne, %convert_element_type3A_389, %cond3A_390 : i32
      scf.if %cond3A_391 {
        %add3A_399 = arith.constant 2 : i32
        %add3A_400 = arith.addi %add3A_361, %add3A_399 : i32
        %mul3A_401 = arith.constant 80 : i32
        %mul3A_402 = arith.muli %add3A_400, %mul3A_401 : i32
        %add3A_403 = arith.addi %mul3A_2, %mul3A_402 : i32
        %dma_start3A_404 = tpu.memref_slice %arg3[%add3A_403] : memref<327680xi32, #tpu.memory_space<hbm>> -> memref<80xi32, #tpu.memory_space<hbm>>
        %dma_start3A_405 = tpu.memref_slice %arg3[%add3A_403] : memref<327680xi32, #tpu.memory_space<hbm>> -> memref<80xi32, #tpu.memory_space<hbm>>
        tpu.enqueue_dma source(%dma_start3A_405 : memref<80xi32, #tpu.memory_space<hbm>>) target(%arg9 : memref<80xi32, #tpu.memory_space<vmem>>) target_semaphore(%arg25 : memref<!tpu.dma_semaphore, #tpu.memory_space<semaphore_mem>>)
      } else {
      }
      %add3A_392 = arith.constant 4 : i32
      %add3A_393 = arith.addi %add3A_361, %add3A_392 : i32
      %lt3A_394 = arith.constant 128 : i32
      %lt3A_395 = arith.cmpi slt, %add3A_393, %lt3A_394 : i32
      %convert_element_type3A_396 = arith.extui %lt3A_395 : i1 to i32
      %cond3A_397 = arith.constant 0 : i32
      %cond3A_398 = arith.cmpi ne, %convert_element_type3A_396, %cond3A_397 : i32
      scf.if %cond3A_398 {
        %add3A_399 = arith.constant 4 : i32
        %add3A_400 = arith.addi %add3A_361, %add3A_399 : i32
        %mul3A_401 = arith.constant 80 : i32
        %mul3A_402 = arith.muli %add3A_400, %mul3A_401 : i32
        %add3A_403 = arith.addi %mul3A_2, %mul3A_402 : i32
        %dma_start3A_404 = tpu.memref_slice %arg4[%add3A_403] : memref<327680xi32, #tpu.memory_space<hbm>> -> memref<80xi32, #tpu.memory_space<hbm>>
        %dma_start3A_405 = tpu.memref_slice %arg4[%add3A_403] : memref<327680xi32, #tpu.memory_space<hbm>> -> memref<80xi32, #tpu.memory_space<hbm>>
        tpu.enqueue_dma source(%dma_start3A_405 : memref<80xi32, #tpu.memory_space<hbm>>) target(%arg15 : memref<80xi32, #tpu.memory_space<vmem>>) target_semaphore(%arg31 : memref<!tpu.dma_semaphore, #tpu.memory_space<semaphore_mem>>)
      } else {
      }
    }
    %scan3A_34 = arith.constant 16 : i32
    %dma_wait3A = arith.constant 0 : i32
    %dma_wait3A_35 = arith.constant 0 : i32
    %dma_wait3A_36 = tpu.memref_slice %arg2[%dma_wait3A, %dma_wait3A_35] : memref<10000x128xf32, #tpu.memory_space<hbm>> -> memref<10000x128xf32, #tpu.memory_space<hbm>>
    tpu.wait_indirect_dma semaphore(%arg37 : memref<!tpu.dma_semaphore, #tpu.memory_space<semaphore_mem>>) src(%dma_wait3A_36 : memref<10000x128xf32, #tpu.memory_space<hbm>>) dst(%arg21 : memref<80x128xf32, #tpu.memory_space<vmem>>)
    %dma_start3A_37 = arith.constant 0 : i32
    %dma_start3A_38 = arith.constant 0 : i32
    %dma_start3A_39 = tpu.memref_slice %arg7[%dma_start3A_37, %dma_start3A_38] : memref<10240x128xf32, #tpu.memory_space<vmem_shared>> -> memref<10240x128xf32, #tpu.memory_space<vmem_shared>>
    tpu.enqueue_indirect_dma source(%arg21 : memref<80x128xf32, #tpu.memory_space<vmem>>) target(%dma_start3A_39 : memref<10240x128xf32, #tpu.memory_space<vmem_shared>>) offsets(%arg17 : memref<80xi32, #tpu.memory_space<vmem>>) semaphore(%arg41 : memref<!tpu.dma_semaphore, #tpu.memory_space<semaphore_mem>>) {add = true}
    %dma_wait3A_40 = arith.constant 0 : i32
    %dma_wait3A_41 = arith.constant 0 : i32
    %dma_wait3A_42 = tpu.memref_slice %arg2[%dma_wait3A_40, %dma_wait3A_41] : memref<10000x128xf32, #tpu.memory_space<hbm>> -> memref<10000x128xf32, #tpu.memory_space<hbm>>
    tpu.wait_indirect_dma semaphore(%arg38 : memref<!tpu.dma_semaphore, #tpu.memory_space<semaphore_mem>>) src(%dma_wait3A_42 : memref<10000x128xf32, #tpu.memory_space<hbm>>) dst(%arg22 : memref<80x128xf32, #tpu.memory_space<vmem>>)
    %dma_start3A_43 = arith.constant 0 : i32
    %dma_start3A_44 = arith.constant 0 : i32
    %dma_start3A_45 = tpu.memref_slice %arg7[%dma_start3A_43, %dma_start3A_44] : memref<10240x128xf32, #tpu.memory_space<vmem_shared>> -> memref<10240x128xf32, #tpu.memory_space<vmem_shared>>
    tpu.enqueue_indirect_dma source(%arg22 : memref<80x128xf32, #tpu.memory_space<vmem>>) target(%dma_start3A_45 : memref<10240x128xf32, #tpu.memory_space<vmem_shared>>) offsets(%arg18 : memref<80xi32, #tpu.memory_space<vmem>>) semaphore(%arg42 : memref<!tpu.dma_semaphore, #tpu.memory_space<semaphore_mem>>) {add = true}
    %dma_wait3A_46 = arith.constant 0 : i32
    %dma_wait3A_47 = arith.constant 0 : i32
    %dma_wait3A_48 = tpu.memref_slice %arg2[%dma_wait3A_46, %dma_wait3A_47] : memref<10000x128xf32, #tpu.memory_space<hbm>> -> memref<10000x128xf32, #tpu.memory_space<hbm>>
    tpu.wait_indirect_dma semaphore(%arg39 : memref<!tpu.dma_semaphore, #tpu.memory_space<semaphore_mem>>) src(%dma_wait3A_48 : memref<10000x128xf32, #tpu.memory_space<hbm>>) dst(%arg23 : memref<80x128xf32, #tpu.memory_space<vmem>>)
    %dma_start3A_49 = arith.constant 0 : i32
    %dma_start3A_50 = arith.constant 0 : i32
    %dma_start3A_51 = tpu.memref_slice %arg7[%dma_start3A_49, %dma_start3A_50] : memref<10240x128xf32, #tpu.memory_space<vmem_shared>> -> memref<10240x128xf32, #tpu.memory_space<vmem_shared>>
    tpu.enqueue_indirect_dma source(%arg23 : memref<80x128xf32, #tpu.memory_space<vmem>>) target(%dma_start3A_51 : memref<10240x128xf32, #tpu.memory_space<vmem_shared>>) offsets(%arg19 : memref<80xi32, #tpu.memory_space<vmem>>) semaphore(%arg43 : memref<!tpu.dma_semaphore, #tpu.memory_space<semaphore_mem>>) {add = true}
    %dma_wait3A_52 = arith.constant 0 : i32
    %dma_wait3A_53 = arith.constant 0 : i32
    %dma_wait3A_54 = tpu.memref_slice %arg7[%dma_wait3A_52, %dma_wait3A_53] : memref<10240x128xf32, #tpu.memory_space<vmem_shared>> -> memref<10240x128xf32, #tpu.memory_space<vmem_shared>>
    tpu.wait_indirect_dma semaphore(%arg40 : memref<!tpu.dma_semaphore, #tpu.memory_space<semaphore_mem>>) src(%arg20 : memref<80x128xf32, #tpu.memory_space<vmem>>) dst(%dma_wait3A_54 : memref<10240x128xf32, #tpu.memory_space<vmem_shared>>)
    %dma_wait3A_55 = arith.constant 0 : i32
    %dma_wait3A_56 = arith.constant 0 : i32
    %dma_wait3A_57 = tpu.memref_slice %arg7[%dma_wait3A_55, %dma_wait3A_56] : memref<10240x128xf32, #tpu.memory_space<vmem_shared>> -> memref<10240x128xf32, #tpu.memory_space<vmem_shared>>
    tpu.wait_indirect_dma semaphore(%arg41 : memref<!tpu.dma_semaphore, #tpu.memory_space<semaphore_mem>>) src(%arg21 : memref<80x128xf32, #tpu.memory_space<vmem>>) dst(%dma_wait3A_57 : memref<10240x128xf32, #tpu.memory_space<vmem_shared>>)
    %dma_wait3A_58 = arith.constant 0 : i32
    %dma_wait3A_59 = arith.constant 0 : i32
    %dma_wait3A_60 = tpu.memref_slice %arg7[%dma_wait3A_58, %dma_wait3A_59] : memref<10240x128xf32, #tpu.memory_space<vmem_shared>> -> memref<10240x128xf32, #tpu.memory_space<vmem_shared>>
    tpu.wait_indirect_dma semaphore(%arg42 : memref<!tpu.dma_semaphore, #tpu.memory_space<semaphore_mem>>) src(%arg22 : memref<80x128xf32, #tpu.memory_space<vmem>>) dst(%dma_wait3A_60 : memref<10240x128xf32, #tpu.memory_space<vmem_shared>>)
    %dma_wait3A_61 = arith.constant 0 : i32
    %dma_wait3A_62 = arith.constant 0 : i32
    %dma_wait3A_63 = tpu.memref_slice %arg7[%dma_wait3A_61, %dma_wait3A_62] : memref<10240x128xf32, #tpu.memory_space<vmem_shared>> -> memref<10240x128xf32, #tpu.memory_space<vmem_shared>>
    tpu.wait_indirect_dma semaphore(%arg43 : memref<!tpu.dma_semaphore, #tpu.memory_space<semaphore_mem>>) src(%arg23 : memref<80x128xf32, #tpu.memory_space<vmem>>) dst(%dma_wait3A_63 : memref<10240x128xf32, #tpu.memory_space<vmem_shared>>)
    %barrier3A_64 = arith.constant 0 : index
    tpu.barrier barrier_id(%barrier3A_64)
    %lt3A = arith.constant 15 : i32
    %lt3A_65 = arith.cmpi slt, %arg1, %lt3A : i32
    %convert_element_type3A = arith.extui %lt3A_65 : i1 to i32
    %cond3A = arith.constant 0 : i32
    %cond3A_66 = arith.cmpi ne, %convert_element_type3A, %cond3A : i32
    scf.if %cond3A_66 {
      %mul3A_71 = arith.constant 640 : i32
      %mul3A_72 = arith.muli %arg1, %mul3A_71 : i32
      "tpu.region"() ({
        %run_scoped3A = tpu.sem_alloc : memref<!tpu.dma_semaphore, #tpu.memory_space<semaphore_mem>>
        %dma_start3A_73 = arith.constant 0 : i32
        %dma_start3A_74 = tpu.memref_slice %arg6[%arg0, %mul3A_72, %dma_start3A_73] : memref<2x10000x128xf32, #tpu.memory_space<hbm>> -> memref<1x640x128xf32, #tpu.memory_space<hbm>>
        %dma_start3A_75 = tpu.memref_squeeze %dma_start3A_74 : memref<1x640x128xf32, #tpu.memory_space<hbm>> -> memref<640x128xf32, #tpu.memory_space<hbm>>
        %dma_start3A_76 = arith.constant 0 : i32
        %dma_start3A_77 = tpu.memref_slice %arg7[%mul3A_72, %dma_start3A_76] : memref<10240x128xf32, #tpu.memory_space<vmem_shared>> -> memref<640x128xf32, #tpu.memory_space<vmem_shared>>
        tpu.enqueue_dma source(%dma_start3A_77 : memref<640x128xf32, #tpu.memory_space<vmem_shared>>) target(%dma_start3A_75 : memref<640x128xf32, #tpu.memory_space<hbm>>) target_semaphore(%run_scoped3A : memref<!tpu.dma_semaphore, #tpu.memory_space<semaphore_mem>>)
        %dma_wait3A_78 = arith.constant 0 : i32
        %dma_wait3A_79 = tpu.memref_slice %arg6[%arg0, %mul3A_72, %dma_wait3A_78] : memref<2x10000x128xf32, #tpu.memory_space<hbm>> -> memref<1x640x128xf32, #tpu.memory_space<hbm>>
        %dma_wait3A_80 = tpu.memref_squeeze %dma_wait3A_79 : memref<1x640x128xf32, #tpu.memory_space<hbm>> -> memref<640x128xf32, #tpu.memory_space<hbm>>
        %dma_wait3A_81 = arith.constant 0 : i32
        %dma_wait3A_82 = tpu.memref_slice %arg7[%mul3A_72, %dma_wait3A_81] : memref<10240x128xf32, #tpu.memory_space<vmem_shared>> -> memref<640x128xf32, #tpu.memory_space<vmem_shared>>
        tpu.wait_dma2 semaphore(%run_scoped3A : memref<!tpu.dma_semaphore, #tpu.memory_space<semaphore_mem>>) src(%dma_wait3A_82 : memref<640x128xf32, #tpu.memory_space<vmem_shared>>) dst(%dma_wait3A_80 : memref<640x128xf32, #tpu.memory_space<hbm>>)
        tpu.yield
      }) : () -> ()
    } else {
    }
    %eq3A = arith.constant 15 : i32
    %eq3A_67 = arith.cmpi eq, %arg1, %eq3A : i32
    %convert_element_type3A_68 = arith.extui %eq3A_67 : i1 to i32
    %cond3A_69 = arith.constant 0 : i32
    %cond3A_70 = arith.cmpi ne, %convert_element_type3A_68, %cond3A_69 : i32
    scf.if %cond3A_70 {
      "tpu.region"() ({
        %run_scoped3A = tpu.sem_alloc : memref<!tpu.dma_semaphore, #tpu.memory_space<semaphore_mem>>
        %dma_start3A_71 = arith.constant 9600 : i32
        %dma_start3A_72 = arith.constant 0 : i32
        %dma_start3A_73 = tpu.memref_slice %arg6[%arg0, %dma_start3A_71, %dma_start3A_72] : memref<2x10000x128xf32, #tpu.memory_space<hbm>> -> memref<1x400x128xf32, #tpu.memory_space<hbm>>
        %dma_start3A_74 = tpu.memref_squeeze %dma_start3A_73 : memref<1x400x128xf32, #tpu.memory_space<hbm>> -> memref<400x128xf32, #tpu.memory_space<hbm>>
        %dma_start3A_75 = arith.constant 9600 : i32
        %dma_start3A_76 = arith.constant 0 : i32
        %dma_start3A_77 = tpu.memref_slice %arg7[%dma_start3A_75, %dma_start3A_76] : memref<10240x128xf32, #tpu.memory_space<vmem_shared>> -> memref<400x128xf32, #tpu.memory_space<vmem_shared>>
        tpu.enqueue_dma source(%dma_start3A_77 : memref<400x128xf32, #tpu.memory_space<vmem_shared>>) target(%dma_start3A_74 : memref<400x128xf32, #tpu.memory_space<hbm>>) target_semaphore(%run_scoped3A : memref<!tpu.dma_semaphore, #tpu.memory_space<semaphore_mem>>)
        %dma_wait3A_78 = arith.constant 9600 : i32
        %dma_wait3A_79 = arith.constant 0 : i32
        %dma_wait3A_80 = tpu.memref_slice %arg6[%arg0, %dma_wait3A_78, %dma_wait3A_79] : memref<2x10000x128xf32, #tpu.memory_space<hbm>> -> memref<1x400x128xf32, #tpu.memory_space<hbm>>
        %dma_wait3A_81 = tpu.memref_squeeze %dma_wait3A_80 : memref<1x400x128xf32, #tpu.memory_space<hbm>> -> memref<400x128xf32, #tpu.memory_space<hbm>>
        %dma_wait3A_82 = arith.constant 9600 : i32
        %dma_wait3A_83 = arith.constant 0 : i32
        %dma_wait3A_84 = tpu.memref_slice %arg7[%dma_wait3A_82, %dma_wait3A_83] : memref<10240x128xf32, #tpu.memory_space<vmem_shared>> -> memref<400x128xf32, #tpu.memory_space<vmem_shared>>
        tpu.wait_dma2 semaphore(%run_scoped3A : memref<!tpu.dma_semaphore, #tpu.memory_space<semaphore_mem>>) src(%dma_wait3A_84 : memref<400x128xf32, #tpu.memory_space<vmem_shared>>) dst(%dma_wait3A_81 : memref<400x128xf32, #tpu.memory_space<hbm>>)
        tpu.yield
      }) : () -> ()
    } else {
    }
    return
  }
}

#map = affine_map<(d0, d1) -> (0, 0)>
#map1 = affine_map<(d0, d1) -> (0)>
#map2 = affine_map<(d0, d1) -> (0, 0, 0)>
module attributes {stable_mosaic.version = 14 : i64} {
  func.func @_sc_agg_body(%arg0: i32, %arg1: i32, %arg2: memref<10000x128xf32, #tpu.memory_space<hbm>>, %arg3: memref<327680xi32, #tpu.memory_space<hbm>>, %arg4: memref<327680xi32, #tpu.memory_space<hbm>>, %arg5: memref<10240x128xf32, #tpu.memory_space<hbm>>, %arg6: memref<2x10000x128xf32, #tpu.memory_space<hbm>>, %arg7: memref<2x10240xf32, #tpu.memory_space<hbm>>, %arg8: memref<10240x128xf32, #tpu.memory_space<vmem_shared>>, %arg9: memref<10240xf32, #tpu.memory_space<vmem_shared>>, %arg10: memref<80xi32, #tpu.memory_space<vmem>>, %arg11: memref<80xi32, #tpu.memory_space<vmem>>, %arg12: memref<80xi32, #tpu.memory_space<vmem>>, %arg13: memref<80xi32, #tpu.memory_space<vmem>>, %arg14: memref<80xi32, #tpu.memory_space<vmem>>, %arg15: memref<80xi32, #tpu.memory_space<vmem>>, %arg16: memref<80xi32, #tpu.memory_space<vmem>>, %arg17: memref<80xi32, #tpu.memory_space<vmem>>, %arg18: memref<80xi32, #tpu.memory_space<vmem>>, %arg19: memref<80xi32, #tpu.memory_space<vmem>>, %arg20: memref<80xi32, #tpu.memory_space<vmem>>, %arg21: memref<80xi32, #tpu.memory_space<vmem>>, %arg22: memref<80x128xf32, #tpu.memory_space<vmem>>, %arg23: memref<80x128xf32, #tpu.memory_space<vmem>>, %arg24: memref<80x128xf32, #tpu.memory_space<vmem>>, %arg25: memref<80x128xf32, #tpu.memory_space<vmem>>, %arg26: memref<80xf32, #tpu.memory_space<vmem>>, %arg27: memref<640xf32, #tpu.memory_space<vmem>>, %arg28: memref<!tpu.dma_semaphore, #tpu.memory_space<semaphore_mem>>, %arg29: memref<!tpu.dma_semaphore, #tpu.memory_space<semaphore_mem>>, %arg30: memref<!tpu.dma_semaphore, #tpu.memory_space<semaphore_mem>>, %arg31: memref<!tpu.dma_semaphore, #tpu.memory_space<semaphore_mem>>, %arg32: memref<!tpu.dma_semaphore, #tpu.memory_space<semaphore_mem>>, %arg33: memref<!tpu.dma_semaphore, #tpu.memory_space<semaphore_mem>>, %arg34: memref<!tpu.dma_semaphore, #tpu.memory_space<semaphore_mem>>, %arg35: memref<!tpu.dma_semaphore, #tpu.memory_space<semaphore_mem>>, %arg36: memref<!tpu.dma_semaphore, #tpu.memory_space<semaphore_mem>>, %arg37: memref<!tpu.dma_semaphore, #tpu.memory_space<semaphore_mem>>, %arg38: memref<!tpu.dma_semaphore, #tpu.memory_space<semaphore_mem>>, %arg39: memref<!tpu.dma_semaphore, #tpu.memory_space<semaphore_mem>>, %arg40: memref<!tpu.dma_semaphore, #tpu.memory_space<semaphore_mem>>, %arg41: memref<!tpu.dma_semaphore, #tpu.memory_space<semaphore_mem>>, %arg42: memref<!tpu.dma_semaphore, #tpu.memory_space<semaphore_mem>>, %arg43: memref<!tpu.dma_semaphore, #tpu.memory_space<semaphore_mem>>, %arg44: memref<!tpu.dma_semaphore, #tpu.memory_space<semaphore_mem>>, %arg45: memref<!tpu.dma_semaphore, #tpu.memory_space<semaphore_mem>>, %arg46: memref<!tpu.dma_semaphore, #tpu.memory_space<semaphore_mem>>, %arg47: memref<!tpu.dma_semaphore, #tpu.memory_space<semaphore_mem>>) attributes {dimension_semantics = [#tpu.dimension_semantics<core_parallel>, #tpu.dimension_semantics<subcore_parallel>], iteration_bounds = array<i64: 2, 16>, scalar_prefetch = 0 : i64, scratch_operands = 40 : i64, tpu.core_type = #tpu.core_type<sc_vector_subcore>, window_params = [{transform_indices = #map}, {transform_indices = #map1}, {transform_indices = #map1}, {transform_indices = #map}, {transform_indices = #map2}, {transform_indices = #map}]} {
    %mul3A = arith.constant 16 : i32
    %mul3A_0 = arith.muli %arg0, %mul3A : i32
    %add3A = arith.addi %mul3A_0, %arg1 : i32
    %mul3A_1 = arith.constant 10240 : i32
    %mul3A_2 = arith.muli %add3A, %mul3A_1 : i32
    %mul3A_3 = arith.constant 640 : i32
    %mul3A_4 = arith.muli %arg1, %mul3A_3 : i32
    %mul3A_5 = arith.constant 640 : i32
    %mul3A_6 = arith.muli %arg1, %mul3A_5 : i32
    "tpu.region"() ({
      %run_scoped3A = tpu.sem_alloc : memref<!tpu.dma_semaphore, #tpu.memory_space<semaphore_mem>>
      %dma_start3A_357 = arith.constant 0 : i32
      %dma_start3A_358 = tpu.memref_slice %arg8[%mul3A_6, %dma_start3A_357] : memref<10240x128xf32, #tpu.memory_space<vmem_shared>> -> memref<640x128xf32, #tpu.memory_space<vmem_shared>>
      %dma_start3A_359 = arith.constant 0 : i32
      %dma_start3A_360 = tpu.memref_slice %arg5[%mul3A_4, %dma_start3A_359] : memref<10240x128xf32, #tpu.memory_space<hbm>> -> memref<640x128xf32, #tpu.memory_space<hbm>>
      tpu.enqueue_dma source(%dma_start3A_360 : memref<640x128xf32, #tpu.memory_space<hbm>>) target(%dma_start3A_358 : memref<640x128xf32, #tpu.memory_space<vmem_shared>>) target_semaphore(%run_scoped3A : memref<!tpu.dma_semaphore, #tpu.memory_space<semaphore_mem>>)
      %dma_wait3A_361 = arith.constant 0 : i32
      %dma_wait3A_362 = tpu.memref_slice %arg8[%mul3A_6, %dma_wait3A_361] : memref<10240x128xf32, #tpu.memory_space<vmem_shared>> -> memref<640x128xf32, #tpu.memory_space<vmem_shared>>
      %dma_wait3A_363 = arith.constant 0 : i32
      %dma_wait3A_364 = tpu.memref_slice %arg5[%mul3A_4, %dma_wait3A_363] : memref<10240x128xf32, #tpu.memory_space<hbm>> -> memref<640x128xf32, #tpu.memory_space<hbm>>
      tpu.wait_dma2 semaphore(%run_scoped3A : memref<!tpu.dma_semaphore, #tpu.memory_space<semaphore_mem>>) src(%dma_wait3A_364 : memref<640x128xf32, #tpu.memory_space<hbm>>) dst(%dma_wait3A_362 : memref<640x128xf32, #tpu.memory_space<vmem_shared>>)
      tpu.yield
    }) : () -> ()
    %broadcast_in_dim3A = arith.constant 0.000000e+00 : f32
    %broadcast_in_dim3A_7 = vector.broadcast %broadcast_in_dim3A : f32 to vector<16xf32>
    %swap3A = arith.constant 0 : index
    %swap3A_8 = tpu.vector_load %arg27[%swap3A] {strides = array<i32>} : memref<640xf32, #tpu.memory_space<vmem>>, vector<16xf32>,
    %swap3A_9 = vector.shape_cast %swap3A_8 : vector<16xf32> to vector<16xf32>
    %swap3A_10 = vector.shape_cast %broadcast_in_dim3A_7 : vector<16xf32> to vector<16xf32>
    tpu.vector_store %arg27[%swap3A], %swap3A_10 {strides = array<i32>} : memref<640xf32, #tpu.memory_space<vmem>>, vector<16xf32>,
    %broadcast_in_dim3A_11 = arith.constant 0.000000e+00 : f32
    %broadcast_in_dim3A_12 = vector.broadcast %broadcast_in_dim3A_11 : f32 to vector<16xf32>
    %swap3A_13 = arith.constant 16 : index
    %swap3A_14 = tpu.vector_load %arg27[%swap3A_13] {strides = array<i32>} : memref<640xf32, #tpu.memory_space<vmem>>, vector<16xf32>,
    %swap3A_15 = vector.shape_cast %swap3A_14 : vector<16xf32> to vector<16xf32>
    %swap3A_16 = vector.shape_cast %broadcast_in_dim3A_12 : vector<16xf32> to vector<16xf32>
    tpu.vector_store %arg27[%swap3A_13], %swap3A_16 {strides = array<i32>} : memref<640xf32, #tpu.memory_space<vmem>>, vector<16xf32>,
    %broadcast_in_dim3A_17 = arith.constant 0.000000e+00 : f32
    %broadcast_in_dim3A_18 = vector.broadcast %broadcast_in_dim3A_17 : f32 to vector<16xf32>
    %swap3A_19 = arith.constant 32 : index
    %swap3A_20 = tpu.vector_load %arg27[%swap3A_19] {strides = array<i32>} : memref<640xf32, #tpu.memory_space<vmem>>, vector<16xf32>,
    %swap3A_21 = vector.shape_cast %swap3A_20 : vector<16xf32> to vector<16xf32>
    %swap3A_22 = vector.shape_cast %broadcast_in_dim3A_18 : vector<16xf32> to vector<16xf32>
    tpu.vector_store %arg27[%swap3A_19], %swap3A_22 {strides = array<i32>} : memref<640xf32, #tpu.memory_space<vmem>>, vector<16xf32>,
    %broadcast_in_dim3A_23 = arith.constant 0.000000e+00 : f32
    %broadcast_in_dim3A_24 = vector.broadcast %broadcast_in_dim3A_23 : f32 to vector<16xf32>
    %swap3A_25 = arith.constant 48 : index
    %swap3A_26 = tpu.vector_load %arg27[%swap3A_25] {strides = array<i32>} : memref<640xf32, #tpu.memory_space<vmem>>, vector<16xf32>,
    %swap3A_27 = vector.shape_cast %swap3A_26 : vector<16xf32> to vector<16xf32>
    %swap3A_28 = vector.shape_cast %broadcast_in_dim3A_24 : vector<16xf32> to vector<16xf32>
    tpu.vector_store %arg27[%swap3A_25], %swap3A_28 {strides = array<i32>} : memref<640xf32, #tpu.memory_space<vmem>>, vector<16xf32>,
    %broadcast_in_dim3A_29 = arith.constant 0.000000e+00 : f32
    %broadcast_in_dim3A_30 = vector.broadcast %broadcast_in_dim3A_29 : f32 to vector<16xf32>
    %swap3A_31 = arith.constant 64 : index
    %swap3A_32 = tpu.vector_load %arg27[%swap3A_31] {strides = array<i32>} : memref<640xf32, #tpu.memory_space<vmem>>, vector<16xf32>,
    %swap3A_33 = vector.shape_cast %swap3A_32 : vector<16xf32> to vector<16xf32>
    %swap3A_34 = vector.shape_cast %broadcast_in_dim3A_30 : vector<16xf32> to vector<16xf32>
    tpu.vector_store %arg27[%swap3A_31], %swap3A_34 {strides = array<i32>} : memref<640xf32, #tpu.memory_space<vmem>>, vector<16xf32>,
    %broadcast_in_dim3A_35 = arith.constant 0.000000e+00 : f32
    %broadcast_in_dim3A_36 = vector.broadcast %broadcast_in_dim3A_35 : f32 to vector<16xf32>
    %swap3A_37 = arith.constant 80 : index
    %swap3A_38 = tpu.vector_load %arg27[%swap3A_37] {strides = array<i32>} : memref<640xf32, #tpu.memory_space<vmem>>, vector<16xf32>,
    %swap3A_39 = vector.shape_cast %swap3A_38 : vector<16xf32> to vector<16xf32>
    %swap3A_40 = vector.shape_cast %broadcast_in_dim3A_36 : vector<16xf32> to vector<16xf32>
    tpu.vector_store %arg27[%swap3A_37], %swap3A_40 {strides = array<i32>} : memref<640xf32, #tpu.memory_space<vmem>>, vector<16xf32>,
    %broadcast_in_dim3A_41 = arith.constant 0.000000e+00 : f32
    %broadcast_in_dim3A_42 = vector.broadcast %broadcast_in_dim3A_41 : f32 to vector<16xf32>
    %swap3A_43 = arith.constant 96 : index
    %swap3A_44 = tpu.vector_load %arg27[%swap3A_43] {strides = array<i32>} : memref<640xf32, #tpu.memory_space<vmem>>, vector<16xf32>,
    %swap3A_45 = vector.shape_cast %swap3A_44 : vector<16xf32> to vector<16xf32>
    %swap3A_46 = vector.shape_cast %broadcast_in_dim3A_42 : vector<16xf32> to vector<16xf32>
    tpu.vector_store %arg27[%swap3A_43], %swap3A_46 {strides = array<i32>} : memref<640xf32, #tpu.memory_space<vmem>>, vector<16xf32>,
    %broadcast_in_dim3A_47 = arith.constant 0.000000e+00 : f32
    %broadcast_in_dim3A_48 = vector.broadcast %broadcast_in_dim3A_47 : f32 to vector<16xf32>
    %swap3A_49 = arith.constant 112 : index
    %swap3A_50 = tpu.vector_load %arg27[%swap3A_49] {strides = array<i32>} : memref<640xf32, #tpu.memory_space<vmem>>, vector<16xf32>,
    %swap3A_51 = vector.shape_cast %swap3A_50 : vector<16xf32> to vector<16xf32>
    %swap3A_52 = vector.shape_cast %broadcast_in_dim3A_48 : vector<16xf32> to vector<16xf32>
    tpu.vector_store %arg27[%swap3A_49], %swap3A_52 {strides = array<i32>} : memref<640xf32, #tpu.memory_space<vmem>>, vector<16xf32>,
    %broadcast_in_dim3A_53 = arith.constant 0.000000e+00 : f32
    %broadcast_in_dim3A_54 = vector.broadcast %broadcast_in_dim3A_53 : f32 to vector<16xf32>
    %swap3A_55 = arith.constant 128 : index
    %swap3A_56 = tpu.vector_load %arg27[%swap3A_55] {strides = array<i32>} : memref<640xf32, #tpu.memory_space<vmem>>, vector<16xf32>,
    %swap3A_57 = vector.shape_cast %swap3A_56 : vector<16xf32> to vector<16xf32>
    %swap3A_58 = vector.shape_cast %broadcast_in_dim3A_54 : vector<16xf32> to vector<16xf32>
    tpu.vector_store %arg27[%swap3A_55], %swap3A_58 {strides = array<i32>} : memref<640xf32, #tpu.memory_space<vmem>>, vector<16xf32>,
    %broadcast_in_dim3A_59 = arith.constant 0.000000e+00 : f32
    %broadcast_in_dim3A_60 = vector.broadcast %broadcast_in_dim3A_59 : f32 to vector<16xf32>
    %swap3A_61 = arith.constant 144 : index
    %swap3A_62 = tpu.vector_load %arg27[%swap3A_61] {strides = array<i32>} : memref<640xf32, #tpu.memory_space<vmem>>, vector<16xf32>,
    %swap3A_63 = vector.shape_cast %swap3A_62 : vector<16xf32> to vector<16xf32>
    %swap3A_64 = vector.shape_cast %broadcast_in_dim3A_60 : vector<16xf32> to vector<16xf32>
    tpu.vector_store %arg27[%swap3A_61], %swap3A_64 {strides = array<i32>} : memref<640xf32, #tpu.memory_space<vmem>>, vector<16xf32>,
    %broadcast_in_dim3A_65 = arith.constant 0.000000e+00 : f32
    %broadcast_in_dim3A_66 = vector.broadcast %broadcast_in_dim3A_65 : f32 to vector<16xf32>
    %swap3A_67 = arith.constant 160 : index
    %swap3A_68 = tpu.vector_load %arg27[%swap3A_67] {strides = array<i32>} : memref<640xf32, #tpu.memory_space<vmem>>, vector<16xf32>,
    %swap3A_69 = vector.shape_cast %swap3A_68 : vector<16xf32> to vector<16xf32>
    %swap3A_70 = vector.shape_cast %broadcast_in_dim3A_66 : vector<16xf32> to vector<16xf32>
    tpu.vector_store %arg27[%swap3A_67], %swap3A_70 {strides = array<i32>} : memref<640xf32, #tpu.memory_space<vmem>>, vector<16xf32>,
    %broadcast_in_dim3A_71 = arith.constant 0.000000e+00 : f32
    %broadcast_in_dim3A_72 = vector.broadcast %broadcast_in_dim3A_71 : f32 to vector<16xf32>
    %swap3A_73 = arith.constant 176 : index
    %swap3A_74 = tpu.vector_load %arg27[%swap3A_73] {strides = array<i32>} : memref<640xf32, #tpu.memory_space<vmem>>, vector<16xf32>,
    %swap3A_75 = vector.shape_cast %swap3A_74 : vector<16xf32> to vector<16xf32>
    %swap3A_76 = vector.shape_cast %broadcast_in_dim3A_72 : vector<16xf32> to vector<16xf32>
    tpu.vector_store %arg27[%swap3A_73], %swap3A_76 {strides = array<i32>} : memref<640xf32, #tpu.memory_space<vmem>>, vector<16xf32>,
    %broadcast_in_dim3A_77 = arith.constant 0.000000e+00 : f32
    %broadcast_in_dim3A_78 = vector.broadcast %broadcast_in_dim3A_77 : f32 to vector<16xf32>
    %swap3A_79 = arith.constant 192 : index
    %swap3A_80 = tpu.vector_load %arg27[%swap3A_79] {strides = array<i32>} : memref<640xf32, #tpu.memory_space<vmem>>, vector<16xf32>,
    %swap3A_81 = vector.shape_cast %swap3A_80 : vector<16xf32> to vector<16xf32>
    %swap3A_82 = vector.shape_cast %broadcast_in_dim3A_78 : vector<16xf32> to vector<16xf32>
    tpu.vector_store %arg27[%swap3A_79], %swap3A_82 {strides = array<i32>} : memref<640xf32, #tpu.memory_space<vmem>>, vector<16xf32>,
    %broadcast_in_dim3A_83 = arith.constant 0.000000e+00 : f32
    %broadcast_in_dim3A_84 = vector.broadcast %broadcast_in_dim3A_83 : f32 to vector<16xf32>
    %swap3A_85 = arith.constant 208 : index
    %swap3A_86 = tpu.vector_load %arg27[%swap3A_85] {strides = array<i32>} : memref<640xf32, #tpu.memory_space<vmem>>, vector<16xf32>,
    %swap3A_87 = vector.shape_cast %swap3A_86 : vector<16xf32> to vector<16xf32>
    %swap3A_88 = vector.shape_cast %broadcast_in_dim3A_84 : vector<16xf32> to vector<16xf32>
    tpu.vector_store %arg27[%swap3A_85], %swap3A_88 {strides = array<i32>} : memref<640xf32, #tpu.memory_space<vmem>>, vector<16xf32>,
    %broadcast_in_dim3A_89 = arith.constant 0.000000e+00 : f32
    %broadcast_in_dim3A_90 = vector.broadcast %broadcast_in_dim3A_89 : f32 to vector<16xf32>
    %swap3A_91 = arith.constant 224 : index
    %swap3A_92 = tpu.vector_load %arg27[%swap3A_91] {strides = array<i32>} : memref<640xf32, #tpu.memory_space<vmem>>, vector<16xf32>,
    %swap3A_93 = vector.shape_cast %swap3A_92 : vector<16xf32> to vector<16xf32>
    %swap3A_94 = vector.shape_cast %broadcast_in_dim3A_90 : vector<16xf32> to vector<16xf32>
    tpu.vector_store %arg27[%swap3A_91], %swap3A_94 {strides = array<i32>} : memref<640xf32, #tpu.memory_space<vmem>>, vector<16xf32>,
    %broadcast_in_dim3A_95 = arith.constant 0.000000e+00 : f32
    %broadcast_in_dim3A_96 = vector.broadcast %broadcast_in_dim3A_95 : f32 to vector<16xf32>
    %swap3A_97 = arith.constant 240 : index
    %swap3A_98 = tpu.vector_load %arg27[%swap3A_97] {strides = array<i32>} : memref<640xf32, #tpu.memory_space<vmem>>, vector<16xf32>,
    %swap3A_99 = vector.shape_cast %swap3A_98 : vector<16xf32> to vector<16xf32>
    %swap3A_100 = vector.shape_cast %broadcast_in_dim3A_96 : vector<16xf32> to vector<16xf32>
    tpu.vector_store %arg27[%swap3A_97], %swap3A_100 {strides = array<i32>} : memref<640xf32, #tpu.memory_space<vmem>>, vector<16xf32>,
    %broadcast_in_dim3A_101 = arith.constant 0.000000e+00 : f32
    %broadcast_in_dim3A_102 = vector.broadcast %broadcast_in_dim3A_101 : f32 to vector<16xf32>
    %swap3A_103 = arith.constant 256 : index
    %swap3A_104 = tpu.vector_load %arg27[%swap3A_103] {strides = array<i32>} : memref<640xf32, #tpu.memory_space<vmem>>, vector<16xf32>,
    %swap3A_105 = vector.shape_cast %swap3A_104 : vector<16xf32> to vector<16xf32>
    %swap3A_106 = vector.shape_cast %broadcast_in_dim3A_102 : vector<16xf32> to vector<16xf32>
    tpu.vector_store %arg27[%swap3A_103], %swap3A_106 {strides = array<i32>} : memref<640xf32, #tpu.memory_space<vmem>>, vector<16xf32>,
    %broadcast_in_dim3A_107 = arith.constant 0.000000e+00 : f32
    %broadcast_in_dim3A_108 = vector.broadcast %broadcast_in_dim3A_107 : f32 to vector<16xf32>
    %swap3A_109 = arith.constant 272 : index
    %swap3A_110 = tpu.vector_load %arg27[%swap3A_109] {strides = array<i32>} : memref<640xf32, #tpu.memory_space<vmem>>, vector<16xf32>,
    %swap3A_111 = vector.shape_cast %swap3A_110 : vector<16xf32> to vector<16xf32>
    %swap3A_112 = vector.shape_cast %broadcast_in_dim3A_108 : vector<16xf32> to vector<16xf32>
    tpu.vector_store %arg27[%swap3A_109], %swap3A_112 {strides = array<i32>} : memref<640xf32, #tpu.memory_space<vmem>>, vector<16xf32>,
    %broadcast_in_dim3A_113 = arith.constant 0.000000e+00 : f32
    %broadcast_in_dim3A_114 = vector.broadcast %broadcast_in_dim3A_113 : f32 to vector<16xf32>
    %swap3A_115 = arith.constant 288 : index
    %swap3A_116 = tpu.vector_load %arg27[%swap3A_115] {strides = array<i32>} : memref<640xf32, #tpu.memory_space<vmem>>, vector<16xf32>,
    %swap3A_117 = vector.shape_cast %swap3A_116 : vector<16xf32> to vector<16xf32>
    %swap3A_118 = vector.shape_cast %broadcast_in_dim3A_114 : vector<16xf32> to vector<16xf32>
    tpu.vector_store %arg27[%swap3A_115], %swap3A_118 {strides = array<i32>} : memref<640xf32, #tpu.memory_space<vmem>>, vector<16xf32>,
    %broadcast_in_dim3A_119 = arith.constant 0.000000e+00 : f32
    %broadcast_in_dim3A_120 = vector.broadcast %broadcast_in_dim3A_119 : f32 to vector<16xf32>
    %swap3A_121 = arith.constant 304 : index
    %swap3A_122 = tpu.vector_load %arg27[%swap3A_121] {strides = array<i32>} : memref<640xf32, #tpu.memory_space<vmem>>, vector<16xf32>,
    %swap3A_123 = vector.shape_cast %swap3A_122 : vector<16xf32> to vector<16xf32>
    %swap3A_124 = vector.shape_cast %broadcast_in_dim3A_120 : vector<16xf32> to vector<16xf32>
    tpu.vector_store %arg27[%swap3A_121], %swap3A_124 {strides = array<i32>} : memref<640xf32, #tpu.memory_space<vmem>>, vector<16xf32>,
    %broadcast_in_dim3A_125 = arith.constant 0.000000e+00 : f32
    %broadcast_in_dim3A_126 = vector.broadcast %broadcast_in_dim3A_125 : f32 to vector<16xf32>
    %swap3A_127 = arith.constant 320 : index
    %swap3A_128 = tpu.vector_load %arg27[%swap3A_127] {strides = array<i32>} : memref<640xf32, #tpu.memory_space<vmem>>, vector<16xf32>,
    %swap3A_129 = vector.shape_cast %swap3A_128 : vector<16xf32> to vector<16xf32>
    %swap3A_130 = vector.shape_cast %broadcast_in_dim3A_126 : vector<16xf32> to vector<16xf32>
    tpu.vector_store %arg27[%swap3A_127], %swap3A_130 {strides = array<i32>} : memref<640xf32, #tpu.memory_space<vmem>>, vector<16xf32>,
    %broadcast_in_dim3A_131 = arith.constant 0.000000e+00 : f32
    %broadcast_in_dim3A_132 = vector.broadcast %broadcast_in_dim3A_131 : f32 to vector<16xf32>
    %swap3A_133 = arith.constant 336 : index
    %swap3A_134 = tpu.vector_load %arg27[%swap3A_133] {strides = array<i32>} : memref<640xf32, #tpu.memory_space<vmem>>, vector<16xf32>,
    %swap3A_135 = vector.shape_cast %swap3A_134 : vector<16xf32> to vector<16xf32>
    %swap3A_136 = vector.shape_cast %broadcast_in_dim3A_132 : vector<16xf32> to vector<16xf32>
    tpu.vector_store %arg27[%swap3A_133], %swap3A_136 {strides = array<i32>} : memref<640xf32, #tpu.memory_space<vmem>>, vector<16xf32>,
    %broadcast_in_dim3A_137 = arith.constant 0.000000e+00 : f32
    %broadcast_in_dim3A_138 = vector.broadcast %broadcast_in_dim3A_137 : f32 to vector<16xf32>
    %swap3A_139 = arith.constant 352 : index
    %swap3A_140 = tpu.vector_load %arg27[%swap3A_139] {strides = array<i32>} : memref<640xf32, #tpu.memory_space<vmem>>, vector<16xf32>,
    %swap3A_141 = vector.shape_cast %swap3A_140 : vector<16xf32> to vector<16xf32>
    %swap3A_142 = vector.shape_cast %broadcast_in_dim3A_138 : vector<16xf32> to vector<16xf32>
    tpu.vector_store %arg27[%swap3A_139], %swap3A_142 {strides = array<i32>} : memref<640xf32, #tpu.memory_space<vmem>>, vector<16xf32>,
    %broadcast_in_dim3A_143 = arith.constant 0.000000e+00 : f32
    %broadcast_in_dim3A_144 = vector.broadcast %broadcast_in_dim3A_143 : f32 to vector<16xf32>
    %swap3A_145 = arith.constant 368 : index
    %swap3A_146 = tpu.vector_load %arg27[%swap3A_145] {strides = array<i32>} : memref<640xf32, #tpu.memory_space<vmem>>, vector<16xf32>,
    %swap3A_147 = vector.shape_cast %swap3A_146 : vector<16xf32> to vector<16xf32>
    %swap3A_148 = vector.shape_cast %broadcast_in_dim3A_144 : vector<16xf32> to vector<16xf32>
    tpu.vector_store %arg27[%swap3A_145], %swap3A_148 {strides = array<i32>} : memref<640xf32, #tpu.memory_space<vmem>>, vector<16xf32>,
    %broadcast_in_dim3A_149 = arith.constant 0.000000e+00 : f32
    %broadcast_in_dim3A_150 = vector.broadcast %broadcast_in_dim3A_149 : f32 to vector<16xf32>
    %swap3A_151 = arith.constant 384 : index
    %swap3A_152 = tpu.vector_load %arg27[%swap3A_151] {strides = array<i32>} : memref<640xf32, #tpu.memory_space<vmem>>, vector<16xf32>,
    %swap3A_153 = vector.shape_cast %swap3A_152 : vector<16xf32> to vector<16xf32>
    %swap3A_154 = vector.shape_cast %broadcast_in_dim3A_150 : vector<16xf32> to vector<16xf32>
    tpu.vector_store %arg27[%swap3A_151], %swap3A_154 {strides = array<i32>} : memref<640xf32, #tpu.memory_space<vmem>>, vector<16xf32>,
    %broadcast_in_dim3A_155 = arith.constant 0.000000e+00 : f32
    %broadcast_in_dim3A_156 = vector.broadcast %broadcast_in_dim3A_155 : f32 to vector<16xf32>
    %swap3A_157 = arith.constant 400 : index
    %swap3A_158 = tpu.vector_load %arg27[%swap3A_157] {strides = array<i32>} : memref<640xf32, #tpu.memory_space<vmem>>, vector<16xf32>,
    %swap3A_159 = vector.shape_cast %swap3A_158 : vector<16xf32> to vector<16xf32>
    %swap3A_160 = vector.shape_cast %broadcast_in_dim3A_156 : vector<16xf32> to vector<16xf32>
    tpu.vector_store %arg27[%swap3A_157], %swap3A_160 {strides = array<i32>} : memref<640xf32, #tpu.memory_space<vmem>>, vector<16xf32>,
    %broadcast_in_dim3A_161 = arith.constant 0.000000e+00 : f32
    %broadcast_in_dim3A_162 = vector.broadcast %broadcast_in_dim3A_161 : f32 to vector<16xf32>
    %swap3A_163 = arith.constant 416 : index
    %swap3A_164 = tpu.vector_load %arg27[%swap3A_163] {strides = array<i32>} : memref<640xf32, #tpu.memory_space<vmem>>, vector<16xf32>,
    %swap3A_165 = vector.shape_cast %swap3A_164 : vector<16xf32> to vector<16xf32>
    %swap3A_166 = vector.shape_cast %broadcast_in_dim3A_162 : vector<16xf32> to vector<16xf32>
    tpu.vector_store %arg27[%swap3A_163], %swap3A_166 {strides = array<i32>} : memref<640xf32, #tpu.memory_space<vmem>>, vector<16xf32>,
    %broadcast_in_dim3A_167 = arith.constant 0.000000e+00 : f32
    %broadcast_in_dim3A_168 = vector.broadcast %broadcast_in_dim3A_167 : f32 to vector<16xf32>
    %swap3A_169 = arith.constant 432 : index
    %swap3A_170 = tpu.vector_load %arg27[%swap3A_169] {strides = array<i32>} : memref<640xf32, #tpu.memory_space<vmem>>, vector<16xf32>,
    %swap3A_171 = vector.shape_cast %swap3A_170 : vector<16xf32> to vector<16xf32>
    %swap3A_172 = vector.shape_cast %broadcast_in_dim3A_168 : vector<16xf32> to vector<16xf32>
    tpu.vector_store %arg27[%swap3A_169], %swap3A_172 {strides = array<i32>} : memref<640xf32, #tpu.memory_space<vmem>>, vector<16xf32>,
    %broadcast_in_dim3A_173 = arith.constant 0.000000e+00 : f32
    %broadcast_in_dim3A_174 = vector.broadcast %broadcast_in_dim3A_173 : f32 to vector<16xf32>
    %swap3A_175 = arith.constant 448 : index
    %swap3A_176 = tpu.vector_load %arg27[%swap3A_175] {strides = array<i32>} : memref<640xf32, #tpu.memory_space<vmem>>, vector<16xf32>,
    %swap3A_177 = vector.shape_cast %swap3A_176 : vector<16xf32> to vector<16xf32>
    %swap3A_178 = vector.shape_cast %broadcast_in_dim3A_174 : vector<16xf32> to vector<16xf32>
    tpu.vector_store %arg27[%swap3A_175], %swap3A_178 {strides = array<i32>} : memref<640xf32, #tpu.memory_space<vmem>>, vector<16xf32>,
    %broadcast_in_dim3A_179 = arith.constant 0.000000e+00 : f32
    %broadcast_in_dim3A_180 = vector.broadcast %broadcast_in_dim3A_179 : f32 to vector<16xf32>
    %swap3A_181 = arith.constant 464 : index
    %swap3A_182 = tpu.vector_load %arg27[%swap3A_181] {strides = array<i32>} : memref<640xf32, #tpu.memory_space<vmem>>, vector<16xf32>,
    %swap3A_183 = vector.shape_cast %swap3A_182 : vector<16xf32> to vector<16xf32>
    %swap3A_184 = vector.shape_cast %broadcast_in_dim3A_180 : vector<16xf32> to vector<16xf32>
    tpu.vector_store %arg27[%swap3A_181], %swap3A_184 {strides = array<i32>} : memref<640xf32, #tpu.memory_space<vmem>>, vector<16xf32>,
    %broadcast_in_dim3A_185 = arith.constant 0.000000e+00 : f32
    %broadcast_in_dim3A_186 = vector.broadcast %broadcast_in_dim3A_185 : f32 to vector<16xf32>
    %swap3A_187 = arith.constant 480 : index
    %swap3A_188 = tpu.vector_load %arg27[%swap3A_187] {strides = array<i32>} : memref<640xf32, #tpu.memory_space<vmem>>, vector<16xf32>,
    %swap3A_189 = vector.shape_cast %swap3A_188 : vector<16xf32> to vector<16xf32>
    %swap3A_190 = vector.shape_cast %broadcast_in_dim3A_186 : vector<16xf32> to vector<16xf32>
    tpu.vector_store %arg27[%swap3A_187], %swap3A_190 {strides = array<i32>} : memref<640xf32, #tpu.memory_space<vmem>>, vector<16xf32>,
    %broadcast_in_dim3A_191 = arith.constant 0.000000e+00 : f32
    %broadcast_in_dim3A_192 = vector.broadcast %broadcast_in_dim3A_191 : f32 to vector<16xf32>
    %swap3A_193 = arith.constant 496 : index
    %swap3A_194 = tpu.vector_load %arg27[%swap3A_193] {strides = array<i32>} : memref<640xf32, #tpu.memory_space<vmem>>, vector<16xf32>,
    %swap3A_195 = vector.shape_cast %swap3A_194 : vector<16xf32> to vector<16xf32>
    %swap3A_196 = vector.shape_cast %broadcast_in_dim3A_192 : vector<16xf32> to vector<16xf32>
    tpu.vector_store %arg27[%swap3A_193], %swap3A_196 {strides = array<i32>} : memref<640xf32, #tpu.memory_space<vmem>>, vector<16xf32>,
    %broadcast_in_dim3A_197 = arith.constant 0.000000e+00 : f32
    %broadcast_in_dim3A_198 = vector.broadcast %broadcast_in_dim3A_197 : f32 to vector<16xf32>
    %swap3A_199 = arith.constant 512 : index
    %swap3A_200 = tpu.vector_load %arg27[%swap3A_199] {strides = array<i32>} : memref<640xf32, #tpu.memory_space<vmem>>, vector<16xf32>,
    %swap3A_201 = vector.shape_cast %swap3A_200 : vector<16xf32> to vector<16xf32>
    %swap3A_202 = vector.shape_cast %broadcast_in_dim3A_198 : vector<16xf32> to vector<16xf32>
    tpu.vector_store %arg27[%swap3A_199], %swap3A_202 {strides = array<i32>} : memref<640xf32, #tpu.memory_space<vmem>>, vector<16xf32>,
    %broadcast_in_dim3A_203 = arith.constant 0.000000e+00 : f32
    %broadcast_in_dim3A_204 = vector.broadcast %broadcast_in_dim3A_203 : f32 to vector<16xf32>
    %swap3A_205 = arith.constant 528 : index
    %swap3A_206 = tpu.vector_load %arg27[%swap3A_205] {strides = array<i32>} : memref<640xf32, #tpu.memory_space<vmem>>, vector<16xf32>,
    %swap3A_207 = vector.shape_cast %swap3A_206 : vector<16xf32> to vector<16xf32>
    %swap3A_208 = vector.shape_cast %broadcast_in_dim3A_204 : vector<16xf32> to vector<16xf32>
    tpu.vector_store %arg27[%swap3A_205], %swap3A_208 {strides = array<i32>} : memref<640xf32, #tpu.memory_space<vmem>>, vector<16xf32>,
    %broadcast_in_dim3A_209 = arith.constant 0.000000e+00 : f32
    %broadcast_in_dim3A_210 = vector.broadcast %broadcast_in_dim3A_209 : f32 to vector<16xf32>
    %swap3A_211 = arith.constant 544 : index
    %swap3A_212 = tpu.vector_load %arg27[%swap3A_211] {strides = array<i32>} : memref<640xf32, #tpu.memory_space<vmem>>, vector<16xf32>,
    %swap3A_213 = vector.shape_cast %swap3A_212 : vector<16xf32> to vector<16xf32>
    %swap3A_214 = vector.shape_cast %broadcast_in_dim3A_210 : vector<16xf32> to vector<16xf32>
    tpu.vector_store %arg27[%swap3A_211], %swap3A_214 {strides = array<i32>} : memref<640xf32, #tpu.memory_space<vmem>>, vector<16xf32>,
    %broadcast_in_dim3A_215 = arith.constant 0.000000e+00 : f32
    %broadcast_in_dim3A_216 = vector.broadcast %broadcast_in_dim3A_215 : f32 to vector<16xf32>
    %swap3A_217 = arith.constant 560 : index
    %swap3A_218 = tpu.vector_load %arg27[%swap3A_217] {strides = array<i32>} : memref<640xf32, #tpu.memory_space<vmem>>, vector<16xf32>,
    %swap3A_219 = vector.shape_cast %swap3A_218 : vector<16xf32> to vector<16xf32>
    %swap3A_220 = vector.shape_cast %broadcast_in_dim3A_216 : vector<16xf32> to vector<16xf32>
    tpu.vector_store %arg27[%swap3A_217], %swap3A_220 {strides = array<i32>} : memref<640xf32, #tpu.memory_space<vmem>>, vector<16xf32>,
    %broadcast_in_dim3A_221 = arith.constant 0.000000e+00 : f32
    %broadcast_in_dim3A_222 = vector.broadcast %broadcast_in_dim3A_221 : f32 to vector<16xf32>
    %swap3A_223 = arith.constant 576 : index
    %swap3A_224 = tpu.vector_load %arg27[%swap3A_223] {strides = array<i32>} : memref<640xf32, #tpu.memory_space<vmem>>, vector<16xf32>,
    %swap3A_225 = vector.shape_cast %swap3A_224 : vector<16xf32> to vector<16xf32>
    %swap3A_226 = vector.shape_cast %broadcast_in_dim3A_222 : vector<16xf32> to vector<16xf32>
    tpu.vector_store %arg27[%swap3A_223], %swap3A_226 {strides = array<i32>} : memref<640xf32, #tpu.memory_space<vmem>>, vector<16xf32>,
    %broadcast_in_dim3A_227 = arith.constant 0.000000e+00 : f32
    %broadcast_in_dim3A_228 = vector.broadcast %broadcast_in_dim3A_227 : f32 to vector<16xf32>
    %swap3A_229 = arith.constant 592 : index
    %swap3A_230 = tpu.vector_load %arg27[%swap3A_229] {strides = array<i32>} : memref<640xf32, #tpu.memory_space<vmem>>, vector<16xf32>,
    %swap3A_231 = vector.shape_cast %swap3A_230 : vector<16xf32> to vector<16xf32>
    %swap3A_232 = vector.shape_cast %broadcast_in_dim3A_228 : vector<16xf32> to vector<16xf32>
    tpu.vector_store %arg27[%swap3A_229], %swap3A_232 {strides = array<i32>} : memref<640xf32, #tpu.memory_space<vmem>>, vector<16xf32>,
    %broadcast_in_dim3A_233 = arith.constant 0.000000e+00 : f32
    %broadcast_in_dim3A_234 = vector.broadcast %broadcast_in_dim3A_233 : f32 to vector<16xf32>
    %swap3A_235 = arith.constant 608 : index
    %swap3A_236 = tpu.vector_load %arg27[%swap3A_235] {strides = array<i32>} : memref<640xf32, #tpu.memory_space<vmem>>, vector<16xf32>,
    %swap3A_237 = vector.shape_cast %swap3A_236 : vector<16xf32> to vector<16xf32>
    %swap3A_238 = vector.shape_cast %broadcast_in_dim3A_234 : vector<16xf32> to vector<16xf32>
    tpu.vector_store %arg27[%swap3A_235], %swap3A_238 {strides = array<i32>} : memref<640xf32, #tpu.memory_space<vmem>>, vector<16xf32>,
    %broadcast_in_dim3A_239 = arith.constant 0.000000e+00 : f32
    %broadcast_in_dim3A_240 = vector.broadcast %broadcast_in_dim3A_239 : f32 to vector<16xf32>
    %swap3A_241 = arith.constant 624 : index
    %swap3A_242 = tpu.vector_load %arg27[%swap3A_241] {strides = array<i32>} : memref<640xf32, #tpu.memory_space<vmem>>, vector<16xf32>,
    %swap3A_243 = vector.shape_cast %swap3A_242 : vector<16xf32> to vector<16xf32>
    %swap3A_244 = vector.shape_cast %broadcast_in_dim3A_240 : vector<16xf32> to vector<16xf32>
    tpu.vector_store %arg27[%swap3A_241], %swap3A_244 {strides = array<i32>} : memref<640xf32, #tpu.memory_space<vmem>>, vector<16xf32>,
    %mul3A_245 = arith.constant 640 : i32
    %mul3A_246 = arith.muli %arg1, %mul3A_245 : i32
    "tpu.region"() ({
      %run_scoped3A = tpu.sem_alloc : memref<!tpu.dma_semaphore, #tpu.memory_space<semaphore_mem>>
      %dma_start3A_357 = tpu.memref_slice %arg9[%mul3A_246] : memref<10240xf32, #tpu.memory_space<vmem_shared>> -> memref<640xf32, #tpu.memory_space<vmem_shared>>
      %dma_start3A_358 = tpu.memref_slice %arg9[%mul3A_246] : memref<10240xf32, #tpu.memory_space<vmem_shared>> -> memref<640xf32, #tpu.memory_space<vmem_shared>>
      tpu.enqueue_dma source(%arg27 : memref<640xf32, #tpu.memory_space<vmem>>) target(%dma_start3A_358 : memref<640xf32, #tpu.memory_space<vmem_shared>>) target_semaphore(%run_scoped3A : memref<!tpu.dma_semaphore, #tpu.memory_space<semaphore_mem>>)
      %dma_wait3A_359 = tpu.memref_slice %arg9[%mul3A_246] : memref<10240xf32, #tpu.memory_space<vmem_shared>> -> memref<640xf32, #tpu.memory_space<vmem_shared>>
      %dma_wait3A_360 = tpu.memref_slice %arg9[%mul3A_246] : memref<10240xf32, #tpu.memory_space<vmem_shared>> -> memref<640xf32, #tpu.memory_space<vmem_shared>>
      tpu.wait_dma2 semaphore(%run_scoped3A : memref<!tpu.dma_semaphore, #tpu.memory_space<semaphore_mem>>) src(%arg27 : memref<640xf32, #tpu.memory_space<vmem>>) dst(%dma_wait3A_360 : memref<640xf32, #tpu.memory_space<vmem_shared>>)
      tpu.yield
    }) : () -> ()
    %broadcast_in_dim3A_247 = arith.constant 1.000000e+00 : f32
    %broadcast_in_dim3A_248 = vector.broadcast %broadcast_in_dim3A_247 : f32 to vector<16xf32>
    %swap3A_249 = arith.constant 0 : index
    %swap3A_250 = tpu.vector_load %arg26[%swap3A_249] {strides = array<i32>} : memref<80xf32, #tpu.memory_space<vmem>>, vector<16xf32>,
    %swap3A_251 = vector.shape_cast %swap3A_250 : vector<16xf32> to vector<16xf32>
    %swap3A_252 = vector.shape_cast %broadcast_in_dim3A_248 : vector<16xf32> to vector<16xf32>
    tpu.vector_store %arg26[%swap3A_249], %swap3A_252 {strides = array<i32>} : memref<80xf32, #tpu.memory_space<vmem>>, vector<16xf32>,
    %broadcast_in_dim3A_253 = arith.constant 1.000000e+00 : f32
    %broadcast_in_dim3A_254 = vector.broadcast %broadcast_in_dim3A_253 : f32 to vector<16xf32>
    %swap3A_255 = arith.constant 16 : index
    %swap3A_256 = tpu.vector_load %arg26[%swap3A_255] {strides = array<i32>} : memref<80xf32, #tpu.memory_space<vmem>>, vector<16xf32>,
    %swap3A_257 = vector.shape_cast %swap3A_256 : vector<16xf32> to vector<16xf32>
    %swap3A_258 = vector.shape_cast %broadcast_in_dim3A_254 : vector<16xf32> to vector<16xf32>
    tpu.vector_store %arg26[%swap3A_255], %swap3A_258 {strides = array<i32>} : memref<80xf32, #tpu.memory_space<vmem>>, vector<16xf32>,
    %broadcast_in_dim3A_259 = arith.constant 1.000000e+00 : f32
    %broadcast_in_dim3A_260 = vector.broadcast %broadcast_in_dim3A_259 : f32 to vector<16xf32>
    %swap3A_261 = arith.constant 32 : index
    %swap3A_262 = tpu.vector_load %arg26[%swap3A_261] {strides = array<i32>} : memref<80xf32, #tpu.memory_space<vmem>>, vector<16xf32>,
    %swap3A_263 = vector.shape_cast %swap3A_262 : vector<16xf32> to vector<16xf32>
    %swap3A_264 = vector.shape_cast %broadcast_in_dim3A_260 : vector<16xf32> to vector<16xf32>
    tpu.vector_store %arg26[%swap3A_261], %swap3A_264 {strides = array<i32>} : memref<80xf32, #tpu.memory_space<vmem>>, vector<16xf32>,
    %broadcast_in_dim3A_265 = arith.constant 1.000000e+00 : f32
    %broadcast_in_dim3A_266 = vector.broadcast %broadcast_in_dim3A_265 : f32 to vector<16xf32>
    %swap3A_267 = arith.constant 48 : index
    %swap3A_268 = tpu.vector_load %arg26[%swap3A_267] {strides = array<i32>} : memref<80xf32, #tpu.memory_space<vmem>>, vector<16xf32>,
    %swap3A_269 = vector.shape_cast %swap3A_268 : vector<16xf32> to vector<16xf32>
    %swap3A_270 = vector.shape_cast %broadcast_in_dim3A_266 : vector<16xf32> to vector<16xf32>
    tpu.vector_store %arg26[%swap3A_267], %swap3A_270 {strides = array<i32>} : memref<80xf32, #tpu.memory_space<vmem>>, vector<16xf32>,
    %broadcast_in_dim3A_271 = arith.constant 1.000000e+00 : f32
    %broadcast_in_dim3A_272 = vector.broadcast %broadcast_in_dim3A_271 : f32 to vector<16xf32>
    %swap3A_273 = arith.constant 64 : index
    %swap3A_274 = tpu.vector_load %arg26[%swap3A_273] {strides = array<i32>} : memref<80xf32, #tpu.memory_space<vmem>>, vector<16xf32>,
    %swap3A_275 = vector.shape_cast %swap3A_274 : vector<16xf32> to vector<16xf32>
    %swap3A_276 = vector.shape_cast %broadcast_in_dim3A_272 : vector<16xf32> to vector<16xf32>
    tpu.vector_store %arg26[%swap3A_273], %swap3A_276 {strides = array<i32>} : memref<80xf32, #tpu.memory_space<vmem>>, vector<16xf32>,
    %barrier3A = arith.constant 0 : index
    tpu.barrier barrier_id(%barrier3A)
    %add3A_277 = arith.constant 0 : i32
    %add3A_278 = arith.addi %mul3A_2, %add3A_277 : i32
    %dma_start3A = tpu.memref_slice %arg3[%add3A_278] : memref<327680xi32, #tpu.memory_space<hbm>> -> memref<80xi32, #tpu.memory_space<hbm>>
    %dma_start3A_279 = tpu.memref_slice %arg3[%add3A_278] : memref<327680xi32, #tpu.memory_space<hbm>> -> memref<80xi32, #tpu.memory_space<hbm>>
    tpu.enqueue_dma source(%dma_start3A_279 : memref<80xi32, #tpu.memory_space<hbm>>) target(%arg10 : memref<80xi32, #tpu.memory_space<vmem>>) target_semaphore(%arg28 : memref<!tpu.dma_semaphore, #tpu.memory_space<semaphore_mem>>)
    %add3A_280 = arith.constant 80 : i32
    %add3A_281 = arith.addi %mul3A_2, %add3A_280 : i32
    %dma_start3A_282 = tpu.memref_slice %arg3[%add3A_281] : memref<327680xi32, #tpu.memory_space<hbm>> -> memref<80xi32, #tpu.memory_space<hbm>>
    %dma_start3A_283 = tpu.memref_slice %arg3[%add3A_281] : memref<327680xi32, #tpu.memory_space<hbm>> -> memref<80xi32, #tpu.memory_space<hbm>>
    tpu.enqueue_dma source(%dma_start3A_283 : memref<80xi32, #tpu.memory_space<hbm>>) target(%arg11 : memref<80xi32, #tpu.memory_space<vmem>>) target_semaphore(%arg29 : memref<!tpu.dma_semaphore, #tpu.memory_space<semaphore_mem>>)
    %add3A_284 = arith.constant 0 : i32
    %add3A_285 = arith.addi %mul3A_2, %add3A_284 : i32
    %dma_start3A_286 = tpu.memref_slice %arg4[%add3A_285] : memref<327680xi32, #tpu.memory_space<hbm>> -> memref<80xi32, #tpu.memory_space<hbm>>
    %dma_start3A_287 = tpu.memref_slice %arg4[%add3A_285] : memref<327680xi32, #tpu.memory_space<hbm>> -> memref<80xi32, #tpu.memory_space<hbm>>
    tpu.enqueue_dma source(%dma_start3A_287 : memref<80xi32, #tpu.memory_space<hbm>>) target(%arg14 : memref<80xi32, #tpu.memory_space<vmem>>) target_semaphore(%arg32 : memref<!tpu.dma_semaphore, #tpu.memory_space<semaphore_mem>>)
    %add3A_288 = arith.constant 80 : i32
    %add3A_289 = arith.addi %mul3A_2, %add3A_288 : i32
    %dma_start3A_290 = tpu.memref_slice %arg4[%add3A_289] : memref<327680xi32, #tpu.memory_space<hbm>> -> memref<80xi32, #tpu.memory_space<hbm>>
    %dma_start3A_291 = tpu.memref_slice %arg4[%add3A_289] : memref<327680xi32, #tpu.memory_space<hbm>> -> memref<80xi32, #tpu.memory_space<hbm>>
    tpu.enqueue_dma source(%dma_start3A_291 : memref<80xi32, #tpu.memory_space<hbm>>) target(%arg15 : memref<80xi32, #tpu.memory_space<vmem>>) target_semaphore(%arg33 : memref<!tpu.dma_semaphore, #tpu.memory_space<semaphore_mem>>)
    %add3A_292 = arith.constant 160 : i32
    %add3A_293 = arith.addi %mul3A_2, %add3A_292 : i32
    %dma_start3A_294 = tpu.memref_slice %arg4[%add3A_293] : memref<327680xi32, #tpu.memory_space<hbm>> -> memref<80xi32, #tpu.memory_space<hbm>>
    %dma_start3A_295 = tpu.memref_slice %arg4[%add3A_293] : memref<327680xi32, #tpu.memory_space<hbm>> -> memref<80xi32, #tpu.memory_space<hbm>>
    tpu.enqueue_dma source(%dma_start3A_295 : memref<80xi32, #tpu.memory_space<hbm>>) target(%arg16 : memref<80xi32, #tpu.memory_space<vmem>>) target_semaphore(%arg34 : memref<!tpu.dma_semaphore, #tpu.memory_space<semaphore_mem>>)
    %add3A_296 = arith.constant 240 : i32
    %add3A_297 = arith.addi %mul3A_2, %add3A_296 : i32
    %dma_start3A_298 = tpu.memref_slice %arg4[%add3A_297] : memref<327680xi32, #tpu.memory_space<hbm>> -> memref<80xi32, #tpu.memory_space<hbm>>
    %dma_start3A_299 = tpu.memref_slice %arg4[%add3A_297] : memref<327680xi32, #tpu.memory_space<hbm>> -> memref<80xi32, #tpu.memory_space<hbm>>
    tpu.enqueue_dma source(%dma_start3A_299 : memref<80xi32, #tpu.memory_space<hbm>>) target(%arg17 : memref<80xi32, #tpu.memory_space<vmem>>) target_semaphore(%arg35 : memref<!tpu.dma_semaphore, #tpu.memory_space<semaphore_mem>>)
    %scan3A = arith.constant 0 : i32
    %scan3A_300 = arith.constant 0 : i32
    %scan3A_301 = arith.constant 16 : i32
    %scan3A_302 = arith.addi %scan3A_300, %scan3A_301 : i32
    %scan3A_303 = arith.constant 1 : i32
    scf.for %scan3A_357 = %scan3A_300 to %scan3A_302 step %scan3A_303  : i32 {
      %mul3A_358 = arith.constant 8 : i32
      %mul3A_359 = arith.muli %scan3A_357, %mul3A_358 : i32
      %add3A_360 = arith.constant 0 : i32
      %add3A_361 = arith.addi %mul3A_359, %add3A_360 : i32
      %mul3A_362 = arith.constant 80 : i32
      %mul3A_363 = arith.muli %add3A_361, %mul3A_362 : i32
      %add3A_364 = arith.addi %mul3A_2, %mul3A_363 : i32
      %dma_wait3A_365 = tpu.memref_slice %arg3[%add3A_364] : memref<327680xi32, #tpu.memory_space<hbm>> -> memref<80xi32, #tpu.memory_space<hbm>>
      %dma_wait3A_366 = tpu.memref_slice %arg3[%add3A_364] : memref<327680xi32, #tpu.memory_space<hbm>> -> memref<80xi32, #tpu.memory_space<hbm>>
      tpu.wait_dma2 semaphore(%arg28 : memref<!tpu.dma_semaphore, #tpu.memory_space<semaphore_mem>>) src(%dma_wait3A_366 : memref<80xi32, #tpu.memory_space<hbm>>) dst(%arg10 : memref<80xi32, #tpu.memory_space<vmem>>)
      %mul3A_367 = arith.constant 80 : i32
      %mul3A_368 = arith.muli %add3A_361, %mul3A_367 : i32
      %add3A_369 = arith.addi %mul3A_2, %mul3A_368 : i32
      %dma_wait3A_370 = tpu.memref_slice %arg4[%add3A_369] : memref<327680xi32, #tpu.memory_space<hbm>> -> memref<80xi32, #tpu.memory_space<hbm>>
      %dma_wait3A_371 = tpu.memref_slice %arg4[%add3A_369] : memref<327680xi32, #tpu.memory_space<hbm>> -> memref<80xi32, #tpu.memory_space<hbm>>
      tpu.wait_dma2 semaphore(%arg32 : memref<!tpu.dma_semaphore, #tpu.memory_space<semaphore_mem>>) src(%dma_wait3A_371 : memref<80xi32, #tpu.memory_space<hbm>>) dst(%arg14 : memref<80xi32, #tpu.memory_space<vmem>>)
      %ge3A = arith.constant 4 : i32
      %ge3A_372 = arith.cmpi sge, %add3A_361, %ge3A : i32
      %convert_element_type3A_373 = arith.extui %ge3A_372 : i1 to i32
      %cond3A_374 = arith.constant 0 : i32
      %cond3A_375 = arith.cmpi ne, %convert_element_type3A_373, %cond3A_374 : i32
      scf.if %cond3A_375 {
        %dma_wait3A_685 = arith.constant 0 : i32
        %dma_wait3A_686 = arith.constant 0 : i32
        %dma_wait3A_687 = tpu.memref_slice %arg8[%dma_wait3A_685, %dma_wait3A_686] : memref<10240x128xf32, #tpu.memory_space<vmem_shared>> -> memref<10240x128xf32, #tpu.memory_space<vmem_shared>>
        tpu.wait_indirect_dma semaphore(%arg44 : memref<!tpu.dma_semaphore, #tpu.memory_space<semaphore_mem>>) src(%arg22 : memref<80x128xf32, #tpu.memory_space<vmem>>) dst(%dma_wait3A_687 : memref<10240x128xf32, #tpu.memory_space<vmem_shared>>)
        %dma_wait3A_688 = arith.constant 0 : i32
        %dma_wait3A_689 = tpu.memref_slice %arg9[%dma_wait3A_688] : memref<10240xf32, #tpu.memory_space<vmem_shared>> -> memref<10240xf32, #tpu.memory_space<vmem_shared>>
        tpu.wait_indirect_dma semaphore(%arg44 : memref<!tpu.dma_semaphore, #tpu.memory_space<semaphore_mem>>) src(%arg26 : memref<80xf32, #tpu.memory_space<vmem>>) dst(%dma_wait3A_689 : memref<10240xf32, #tpu.memory_space<vmem_shared>>)
      } else {
      }
      %dma_start3A_376 = arith.constant 0 : i32
      %dma_start3A_377 = arith.constant 0 : i32
      %dma_start3A_378 = tpu.memref_slice %arg2[%dma_start3A_376, %dma_start3A_377] : memref<10000x128xf32, #tpu.memory_space<hbm>> -> memref<10000x128xf32, #tpu.memory_space<hbm>>
      tpu.enqueue_indirect_dma source(%dma_start3A_378 : memref<10000x128xf32, #tpu.memory_space<hbm>>) target(%arg22 : memref<80x128xf32, #tpu.memory_space<vmem>>) offsets(%arg10 : memref<80xi32, #tpu.memory_space<vmem>>) semaphore(%arg40 : memref<!tpu.dma_semaphore, #tpu.memory_space<semaphore_mem>>)
      %ge3A_379 = arith.constant 3 : i32
      %ge3A_380 = arith.cmpi sge, %add3A_361, %ge3A_379 : i32
      %convert_element_type3A_381 = arith.extui %ge3A_380 : i1 to i32
      %cond3A_382 = arith.constant 0 : i32
      %cond3A_383 = arith.cmpi ne, %convert_element_type3A_381, %cond3A_382 : i32
      scf.if %cond3A_383 {
        %dma_wait3A_685 = arith.constant 0 : i32
        %dma_wait3A_686 = arith.constant 0 : i32
        %dma_wait3A_687 = tpu.memref_slice %arg2[%dma_wait3A_685, %dma_wait3A_686] : memref<10000x128xf32, #tpu.memory_space<hbm>> -> memref<10000x128xf32, #tpu.memory_space<hbm>>
        tpu.wait_indirect_dma semaphore(%arg41 : memref<!tpu.dma_semaphore, #tpu.memory_space<semaphore_mem>>) src(%dma_wait3A_687 : memref<10000x128xf32, #tpu.memory_space<hbm>>) dst(%arg23 : memref<80x128xf32, #tpu.memory_space<vmem>>)
        %dma_start3A_688 = arith.constant 0 : i32
        %dma_start3A_689 = arith.constant 0 : i32
        %dma_start3A_690 = tpu.memref_slice %arg8[%dma_start3A_688, %dma_start3A_689] : memref<10240x128xf32, #tpu.memory_space<vmem_shared>> -> memref<10240x128xf32, #tpu.memory_space<vmem_shared>>
        tpu.enqueue_indirect_dma source(%arg23 : memref<80x128xf32, #tpu.memory_space<vmem>>) target(%dma_start3A_690 : memref<10240x128xf32, #tpu.memory_space<vmem_shared>>) offsets(%arg19 : memref<80xi32, #tpu.memory_space<vmem>>) semaphore(%arg45 : memref<!tpu.dma_semaphore, #tpu.memory_space<semaphore_mem>>) {add = true}
        %dma_start3A_691 = arith.constant 0 : i32
        %dma_start3A_692 = tpu.memref_slice %arg9[%dma_start3A_691] : memref<10240xf32, #tpu.memory_space<vmem_shared>> -> memref<10240xf32, #tpu.memory_space<vmem_shared>>
        tpu.enqueue_indirect_dma source(%arg26 : memref<80xf32, #tpu.memory_space<vmem>>) target(%dma_start3A_692 : memref<10240xf32, #tpu.memory_space<vmem_shared>>) offsets(%arg19 : memref<80xi32, #tpu.memory_space<vmem>>) semaphore(%arg45 : memref<!tpu.dma_semaphore, #tpu.memory_space<semaphore_mem>>) {add = true}
      } else {
      }
      %add3A_384 = arith.constant 2 : i32
      %add3A_385 = arith.addi %add3A_361, %add3A_384 : i32
      %lt3A_386 = arith.constant 128 : i32
      %lt3A_387 = arith.cmpi slt, %add3A_385, %lt3A_386 : i32
      %convert_element_type3A_388 = arith.extui %lt3A_387 : i1 to i32
      %cond3A_389 = arith.constant 0 : i32
      %cond3A_390 = arith.cmpi ne, %convert_element_type3A_388, %cond3A_389 : i32
      scf.if %cond3A_390 {
        %add3A_685 = arith.constant 2 : i32
        %add3A_686 = arith.addi %add3A_361, %add3A_685 : i32
        %mul3A_687 = arith.constant 80 : i32
        %mul3A_688 = arith.muli %add3A_686, %mul3A_687 : i32
        %add3A_689 = arith.addi %mul3A_2, %mul3A_688 : i32
        %dma_start3A_690 = tpu.memref_slice %arg3[%add3A_689] : memref<327680xi32, #tpu.memory_space<hbm>> -> memref<80xi32, #tpu.memory_space<hbm>>
        %dma_start3A_691 = tpu.memref_slice %arg3[%add3A_689] : memref<327680xi32, #tpu.memory_space<hbm>> -> memref<80xi32, #tpu.memory_space<hbm>>
        tpu.enqueue_dma source(%dma_start3A_691 : memref<80xi32, #tpu.memory_space<hbm>>) target(%arg12 : memref<80xi32, #tpu.memory_space<vmem>>) target_semaphore(%arg30 : memref<!tpu.dma_semaphore, #tpu.memory_space<semaphore_mem>>)
      } else {
      }
      %add3A_391 = arith.constant 4 : i32
      %add3A_392 = arith.addi %add3A_361, %add3A_391 : i32
      %lt3A_393 = arith.constant 128 : i32
      %lt3A_394 = arith.cmpi slt, %add3A_392, %lt3A_393 : i32
      %convert_element_type3A_395 = arith.extui %lt3A_394 : i1 to i32
      %cond3A_396 = arith.constant 0 : i32
      %cond3A_397 = arith.cmpi ne, %convert_element_type3A_395, %cond3A_396 : i32
      scf.if %cond3A_397 {
        %add3A_685 = arith.constant 4 : i32
        %add3A_686 = arith.addi %add3A_361, %add3A_685 : i32
        %mul3A_687 = arith.constant 80 : i32
        %mul3A_688 = arith.muli %add3A_686, %mul3A_687 : i32
        %add3A_689 = arith.addi %mul3A_2, %mul3A_688 : i32
        %dma_start3A_690 = tpu.memref_slice %arg4[%add3A_689] : memref<327680xi32, #tpu.memory_space<hbm>> -> memref<80xi32, #tpu.memory_space<hbm>>
        %dma_start3A_691 = tpu.memref_slice %arg4[%add3A_689] : memref<327680xi32, #tpu.memory_space<hbm>> -> memref<80xi32, #tpu.memory_space<hbm>>
        tpu.enqueue_dma source(%dma_start3A_691 : memref<80xi32, #tpu.memory_space<hbm>>) target(%arg18 : memref<80xi32, #tpu.memory_space<vmem>>) target_semaphore(%arg36 : memref<!tpu.dma_semaphore, #tpu.memory_space<semaphore_mem>>)
      } else {
      }
      %mul3A_398 = arith.constant 8 : i32
      %mul3A_399 = arith.muli %scan3A_357, %mul3A_398 : i32
      %add3A_400 = arith.constant 1 : i32
      %add3A_401 = arith.addi %mul3A_399, %add3A_400 : i32
      %mul3A_402 = arith.constant 80 : i32
      %mul3A_403 = arith.muli %add3A_401, %mul3A_402 : i32
      %add3A_404 = arith.addi %mul3A_2, %mul3A_403 : i32
      %dma_wait3A_405 = tpu.memref_slice %arg3[%add3A_404] : memref<327680xi32, #tpu.memory_space<hbm>> -> memref<80xi32, #tpu.memory_space<hbm>>
      %dma_wait3A_406 = tpu.memref_slice %arg3[%add3A_404] : memref<327680xi32, #tpu.memory_space<hbm>> -> memref<80xi32, #tpu.memory_space<hbm>>
      tpu.wait_dma2 semaphore(%arg29 : memref<!tpu.dma_semaphore, #tpu.memory_space<semaphore_mem>>) src(%dma_wait3A_406 : memref<80xi32, #tpu.memory_space<hbm>>) dst(%arg11 : memref<80xi32, #tpu.memory_space<vmem>>)
      %mul3A_407 = arith.constant 80 : i32
      %mul3A_408 = arith.muli %add3A_401, %mul3A_407 : i32
      %add3A_409 = arith.addi %mul3A_2, %mul3A_408 : i32
      %dma_wait3A_410 = tpu.memref_slice %arg4[%add3A_409] : memref<327680xi32, #tpu.memory_space<hbm>> -> memref<80xi32, #tpu.memory_space<hbm>>
      %dma_wait3A_411 = tpu.memref_slice %arg4[%add3A_409] : memref<327680xi32, #tpu.memory_space<hbm>> -> memref<80xi32, #tpu.memory_space<hbm>>
      tpu.wait_dma2 semaphore(%arg33 : memref<!tpu.dma_semaphore, #tpu.memory_space<semaphore_mem>>) src(%dma_wait3A_411 : memref<80xi32, #tpu.memory_space<hbm>>) dst(%arg15 : memref<80xi32, #tpu.memory_space<vmem>>)
      %ge3A_412 = arith.constant 4 : i32
      %ge3A_413 = arith.cmpi sge, %add3A_401, %ge3A_412 : i32
      %convert_element_type3A_414 = arith.extui %ge3A_413 : i1 to i32
      %cond3A_415 = arith.constant 0 : i32
      %cond3A_416 = arith.cmpi ne, %convert_element_type3A_414, %cond3A_415 : i32
      scf.if %cond3A_416 {
        %dma_wait3A_685 = arith.constant 0 : i32
        %dma_wait3A_686 = arith.constant 0 : i32
        %dma_wait3A_687 = tpu.memref_slice %arg8[%dma_wait3A_685, %dma_wait3A_686] : memref<10240x128xf32, #tpu.memory_space<vmem_shared>> -> memref<10240x128xf32, #tpu.memory_space<vmem_shared>>
        tpu.wait_indirect_dma semaphore(%arg45 : memref<!tpu.dma_semaphore, #tpu.memory_space<semaphore_mem>>) src(%arg23 : memref<80x128xf32, #tpu.memory_space<vmem>>) dst(%dma_wait3A_687 : memref<10240x128xf32, #tpu.memory_space<vmem_shared>>)
        %dma_wait3A_688 = arith.constant 0 : i32
        %dma_wait3A_689 = tpu.memref_slice %arg9[%dma_wait3A_688] : memref<10240xf32, #tpu.memory_space<vmem_shared>> -> memref<10240xf32, #tpu.memory_space<vmem_shared>>
        tpu.wait_indirect_dma semaphore(%arg45 : memref<!tpu.dma_semaphore, #tpu.memory_space<semaphore_mem>>) src(%arg26 : memref<80xf32, #tpu.memory_space<vmem>>) dst(%dma_wait3A_689 : memref<10240xf32, #tpu.memory_space<vmem_shared>>)
      } else {
      }
      %dma_start3A_417 = arith.constant 0 : i32
      %dma_start3A_418 = arith.constant 0 : i32
      %dma_start3A_419 = tpu.memref_slice %arg2[%dma_start3A_417, %dma_start3A_418] : memref<10000x128xf32, #tpu.memory_space<hbm>> -> memref<10000x128xf32, #tpu.memory_space<hbm>>
      tpu.enqueue_indirect_dma source(%dma_start3A_419 : memref<10000x128xf32, #tpu.memory_space<hbm>>) target(%arg23 : memref<80x128xf32, #tpu.memory_space<vmem>>) offsets(%arg11 : memref<80xi32, #tpu.memory_space<vmem>>) semaphore(%arg41 : memref<!tpu.dma_semaphore, #tpu.memory_space<semaphore_mem>>)
      %ge3A_420 = arith.constant 3 : i32
      %ge3A_421 = arith.cmpi sge, %add3A_401, %ge3A_420 : i32
      %convert_element_type3A_422 = arith.extui %ge3A_421 : i1 to i32
      %cond3A_423 = arith.constant 0 : i32
      %cond3A_424 = arith.cmpi ne, %convert_element_type3A_422, %cond3A_423 : i32
      scf.if %cond3A_424 {
        %dma_wait3A_685 = arith.constant 0 : i32
        %dma_wait3A_686 = arith.constant 0 : i32
        %dma_wait3A_687 = tpu.memref_slice %arg2[%dma_wait3A_685, %dma_wait3A_686] : memref<10000x128xf32, #tpu.memory_space<hbm>> -> memref<10000x128xf32, #tpu.memory_space<hbm>>
        tpu.wait_indirect_dma semaphore(%arg42 : memref<!tpu.dma_semaphore, #tpu.memory_space<semaphore_mem>>) src(%dma_wait3A_687 : memref<10000x128xf32, #tpu.memory_space<hbm>>) dst(%arg24 : memref<80x128xf32, #tpu.memory_space<vmem>>)
        %dma_start3A_688 = arith.constant 0 : i32
        %dma_start3A_689 = arith.constant 0 : i32
        %dma_start3A_690 = tpu.memref_slice %arg8[%dma_start3A_688, %dma_start3A_689] : memref<10240x128xf32, #tpu.memory_space<vmem_shared>> -> memref<10240x128xf32, #tpu.memory_space<vmem_shared>>
        tpu.enqueue_indirect_dma source(%arg24 : memref<80x128xf32, #tpu.memory_space<vmem>>) target(%dma_start3A_690 : memref<10240x128xf32, #tpu.memory_space<vmem_shared>>) offsets(%arg20 : memref<80xi32, #tpu.memory_space<vmem>>) semaphore(%arg46 : memref<!tpu.dma_semaphore, #tpu.memory_space<semaphore_mem>>) {add = true}
        %dma_start3A_691 = arith.constant 0 : i32
        %dma_start3A_692 = tpu.memref_slice %arg9[%dma_start3A_691] : memref<10240xf32, #tpu.memory_space<vmem_shared>> -> memref<10240xf32, #tpu.memory_space<vmem_shared>>
        tpu.enqueue_indirect_dma source(%arg26 : memref<80xf32, #tpu.memory_space<vmem>>) target(%dma_start3A_692 : memref<10240xf32, #tpu.memory_space<vmem_shared>>) offsets(%arg20 : memref<80xi32, #tpu.memory_space<vmem>>) semaphore(%arg46 : memref<!tpu.dma_semaphore, #tpu.memory_space<semaphore_mem>>) {add = true}
      } else {
      }
      %add3A_425 = arith.constant 2 : i32
      %add3A_426 = arith.addi %add3A_401, %add3A_425 : i32
      %lt3A_427 = arith.constant 128 : i32
      %lt3A_428 = arith.cmpi slt, %add3A_426, %lt3A_427 : i32
      %convert_element_type3A_429 = arith.extui %lt3A_428 : i1 to i32
      %cond3A_430 = arith.constant 0 : i32
      %cond3A_431 = arith.cmpi ne, %convert_element_type3A_429, %cond3A_430 : i32
      scf.if %cond3A_431 {
        %add3A_685 = arith.constant 2 : i32
        %add3A_686 = arith.addi %add3A_401, %add3A_685 : i32
        %mul3A_687 = arith.constant 80 : i32
        %mul3A_688 = arith.muli %add3A_686, %mul3A_687 : i32
        %add3A_689 = arith.addi %mul3A_2, %mul3A_688 : i32
        %dma_start3A_690 = tpu.memref_slice %arg3[%add3A_689] : memref<327680xi32, #tpu.memory_space<hbm>> -> memref<80xi32, #tpu.memory_space<hbm>>
        %dma_start3A_691 = tpu.memref_slice %arg3[%add3A_689] : memref<327680xi32, #tpu.memory_space<hbm>> -> memref<80xi32, #tpu.memory_space<hbm>>
        tpu.enqueue_dma source(%dma_start3A_691 : memref<80xi32, #tpu.memory_space<hbm>>) target(%arg13 : memref<80xi32, #tpu.memory_space<vmem>>) target_semaphore(%arg31 : memref<!tpu.dma_semaphore, #tpu.memory_space<semaphore_mem>>)
      } else {
      }
      %add3A_432 = arith.constant 4 : i32
      %add3A_433 = arith.addi %add3A_401, %add3A_432 : i32
      %lt3A_434 = arith.constant 128 : i32
      %lt3A_435 = arith.cmpi slt, %add3A_433, %lt3A_434 : i32
      %convert_element_type3A_436 = arith.extui %lt3A_435 : i1 to i32
      %cond3A_437 = arith.constant 0 : i32
      %cond3A_438 = arith.cmpi ne, %convert_element_type3A_436, %cond3A_437 : i32
      scf.if %cond3A_438 {
        %add3A_685 = arith.constant 4 : i32
        %add3A_686 = arith.addi %add3A_401, %add3A_685 : i32
        %mul3A_687 = arith.constant 80 : i32
        %mul3A_688 = arith.muli %add3A_686, %mul3A_687 : i32
        %add3A_689 = arith.addi %mul3A_2, %mul3A_688 : i32
        %dma_start3A_690 = tpu.memref_slice %arg4[%add3A_689] : memref<327680xi32, #tpu.memory_space<hbm>> -> memref<80xi32, #tpu.memory_space<hbm>>
        %dma_start3A_691 = tpu.memref_slice %arg4[%add3A_689] : memref<327680xi32, #tpu.memory_space<hbm>> -> memref<80xi32, #tpu.memory_space<hbm>>
        tpu.enqueue_dma source(%dma_start3A_691 : memref<80xi32, #tpu.memory_space<hbm>>) target(%arg19 : memref<80xi32, #tpu.memory_space<vmem>>) target_semaphore(%arg37 : memref<!tpu.dma_semaphore, #tpu.memory_space<semaphore_mem>>)
      } else {
      }
      %mul3A_439 = arith.constant 8 : i32
      %mul3A_440 = arith.muli %scan3A_357, %mul3A_439 : i32
      %add3A_441 = arith.constant 2 : i32
      %add3A_442 = arith.addi %mul3A_440, %add3A_441 : i32
      %mul3A_443 = arith.constant 80 : i32
      %mul3A_444 = arith.muli %add3A_442, %mul3A_443 : i32
      %add3A_445 = arith.addi %mul3A_2, %mul3A_444 : i32
      %dma_wait3A_446 = tpu.memref_slice %arg3[%add3A_445] : memref<327680xi32, #tpu.memory_space<hbm>> -> memref<80xi32, #tpu.memory_space<hbm>>
      %dma_wait3A_447 = tpu.memref_slice %arg3[%add3A_445] : memref<327680xi32, #tpu.memory_space<hbm>> -> memref<80xi32, #tpu.memory_space<hbm>>
      tpu.wait_dma2 semaphore(%arg30 : memref<!tpu.dma_semaphore, #tpu.memory_space<semaphore_mem>>) src(%dma_wait3A_447 : memref<80xi32, #tpu.memory_space<hbm>>) dst(%arg12 : memref<80xi32, #tpu.memory_space<vmem>>)
      %mul3A_448 = arith.constant 80 : i32
      %mul3A_449 = arith.muli %add3A_442, %mul3A_448 : i32
      %add3A_450 = arith.addi %mul3A_2, %mul3A_449 : i32
      %dma_wait3A_451 = tpu.memref_slice %arg4[%add3A_450] : memref<327680xi32, #tpu.memory_space<hbm>> -> memref<80xi32, #tpu.memory_space<hbm>>
      %dma_wait3A_452 = tpu.memref_slice %arg4[%add3A_450] : memref<327680xi32, #tpu.memory_space<hbm>> -> memref<80xi32, #tpu.memory_space<hbm>>
      tpu.wait_dma2 semaphore(%arg34 : memref<!tpu.dma_semaphore, #tpu.memory_space<semaphore_mem>>) src(%dma_wait3A_452 : memref<80xi32, #tpu.memory_space<hbm>>) dst(%arg16 : memref<80xi32, #tpu.memory_space<vmem>>)
      %ge3A_453 = arith.constant 4 : i32
      %ge3A_454 = arith.cmpi sge, %add3A_442, %ge3A_453 : i32
      %convert_element_type3A_455 = arith.extui %ge3A_454 : i1 to i32
      %cond3A_456 = arith.constant 0 : i32
      %cond3A_457 = arith.cmpi ne, %convert_element_type3A_455, %cond3A_456 : i32
      scf.if %cond3A_457 {
        %dma_wait3A_685 = arith.constant 0 : i32
        %dma_wait3A_686 = arith.constant 0 : i32
        %dma_wait3A_687 = tpu.memref_slice %arg8[%dma_wait3A_685, %dma_wait3A_686] : memref<10240x128xf32, #tpu.memory_space<vmem_shared>> -> memref<10240x128xf32, #tpu.memory_space<vmem_shared>>
        tpu.wait_indirect_dma semaphore(%arg46 : memref<!tpu.dma_semaphore, #tpu.memory_space<semaphore_mem>>) src(%arg24 : memref<80x128xf32, #tpu.memory_space<vmem>>) dst(%dma_wait3A_687 : memref<10240x128xf32, #tpu.memory_space<vmem_shared>>)
        %dma_wait3A_688 = arith.constant 0 : i32
        %dma_wait3A_689 = tpu.memref_slice %arg9[%dma_wait3A_688] : memref<10240xf32, #tpu.memory_space<vmem_shared>> -> memref<10240xf32, #tpu.memory_space<vmem_shared>>
        tpu.wait_indirect_dma semaphore(%arg46 : memref<!tpu.dma_semaphore, #tpu.memory_space<semaphore_mem>>) src(%arg26 : memref<80xf32, #tpu.memory_space<vmem>>) dst(%dma_wait3A_689 : memref<10240xf32, #tpu.memory_space<vmem_shared>>)
      } else {
      }
      %dma_start3A_458 = arith.constant 0 : i32
      %dma_start3A_459 = arith.constant 0 : i32
      %dma_start3A_460 = tpu.memref_slice %arg2[%dma_start3A_458, %dma_start3A_459] : memref<10000x128xf32, #tpu.memory_space<hbm>> -> memref<10000x128xf32, #tpu.memory_space<hbm>>
      tpu.enqueue_indirect_dma source(%dma_start3A_460 : memref<10000x128xf32, #tpu.memory_space<hbm>>) target(%arg24 : memref<80x128xf32, #tpu.memory_space<vmem>>) offsets(%arg12 : memref<80xi32, #tpu.memory_space<vmem>>) semaphore(%arg42 : memref<!tpu.dma_semaphore, #tpu.memory_space<semaphore_mem>>)
      %ge3A_461 = arith.constant 3 : i32
      %ge3A_462 = arith.cmpi sge, %add3A_442, %ge3A_461 : i32
      %convert_element_type3A_463 = arith.extui %ge3A_462 : i1 to i32
      %cond3A_464 = arith.constant 0 : i32
      %cond3A_465 = arith.cmpi ne, %convert_element_type3A_463, %cond3A_464 : i32
      scf.if %cond3A_465 {
        %dma_wait3A_685 = arith.constant 0 : i32
        %dma_wait3A_686 = arith.constant 0 : i32
        %dma_wait3A_687 = tpu.memref_slice %arg2[%dma_wait3A_685, %dma_wait3A_686] : memref<10000x128xf32, #tpu.memory_space<hbm>> -> memref<10000x128xf32, #tpu.memory_space<hbm>>
        tpu.wait_indirect_dma semaphore(%arg43 : memref<!tpu.dma_semaphore, #tpu.memory_space<semaphore_mem>>) src(%dma_wait3A_687 : memref<10000x128xf32, #tpu.memory_space<hbm>>) dst(%arg25 : memref<80x128xf32, #tpu.memory_space<vmem>>)
        %dma_start3A_688 = arith.constant 0 : i32
        %dma_start3A_689 = arith.constant 0 : i32
        %dma_start3A_690 = tpu.memref_slice %arg8[%dma_start3A_688, %dma_start3A_689] : memref<10240x128xf32, #tpu.memory_space<vmem_shared>> -> memref<10240x128xf32, #tpu.memory_space<vmem_shared>>
        tpu.enqueue_indirect_dma source(%arg25 : memref<80x128xf32, #tpu.memory_space<vmem>>) target(%dma_start3A_690 : memref<10240x128xf32, #tpu.memory_space<vmem_shared>>) offsets(%arg21 : memref<80xi32, #tpu.memory_space<vmem>>) semaphore(%arg47 : memref<!tpu.dma_semaphore, #tpu.memory_space<semaphore_mem>>) {add = true}
        %dma_start3A_691 = arith.constant 0 : i32
        %dma_start3A_692 = tpu.memref_slice %arg9[%dma_start3A_691] : memref<10240xf32, #tpu.memory_space<vmem_shared>> -> memref<10240xf32, #tpu.memory_space<vmem_shared>>
        tpu.enqueue_indirect_dma source(%arg26 : memref<80xf32, #tpu.memory_space<vmem>>) target(%dma_start3A_692 : memref<10240xf32, #tpu.memory_space<vmem_shared>>) offsets(%arg21 : memref<80xi32, #tpu.memory_space<vmem>>) semaphore(%arg47 : memref<!tpu.dma_semaphore, #tpu.memory_space<semaphore_mem>>) {add = true}
      } else {
      }
      %add3A_466 = arith.constant 2 : i32
      %add3A_467 = arith.addi %add3A_442, %add3A_466 : i32
      %lt3A_468 = arith.constant 128 : i32
      %lt3A_469 = arith.cmpi slt, %add3A_467, %lt3A_468 : i32
      %convert_element_type3A_470 = arith.extui %lt3A_469 : i1 to i32
      %cond3A_471 = arith.constant 0 : i32
      %cond3A_472 = arith.cmpi ne, %convert_element_type3A_470, %cond3A_471 : i32
      scf.if %cond3A_472 {
        %add3A_685 = arith.constant 2 : i32
        %add3A_686 = arith.addi %add3A_442, %add3A_685 : i32
        %mul3A_687 = arith.constant 80 : i32
        %mul3A_688 = arith.muli %add3A_686, %mul3A_687 : i32
        %add3A_689 = arith.addi %mul3A_2, %mul3A_688 : i32
        %dma_start3A_690 = tpu.memref_slice %arg3[%add3A_689] : memref<327680xi32, #tpu.memory_space<hbm>> -> memref<80xi32, #tpu.memory_space<hbm>>
        %dma_start3A_691 = tpu.memref_slice %arg3[%add3A_689] : memref<327680xi32, #tpu.memory_space<hbm>> -> memref<80xi32, #tpu.memory_space<hbm>>
        tpu.enqueue_dma source(%dma_start3A_691 : memref<80xi32, #tpu.memory_space<hbm>>) target(%arg10 : memref<80xi32, #tpu.memory_space<vmem>>) target_semaphore(%arg28 : memref<!tpu.dma_semaphore, #tpu.memory_space<semaphore_mem>>)
      } else {
      }
      %add3A_473 = arith.constant 4 : i32
      %add3A_474 = arith.addi %add3A_442, %add3A_473 : i32
      %lt3A_475 = arith.constant 128 : i32
      %lt3A_476 = arith.cmpi slt, %add3A_474, %lt3A_475 : i32
      %convert_element_type3A_477 = arith.extui %lt3A_476 : i1 to i32
      %cond3A_478 = arith.constant 0 : i32
      %cond3A_479 = arith.cmpi ne, %convert_element_type3A_477, %cond3A_478 : i32
      scf.if %cond3A_479 {
        %add3A_685 = arith.constant 4 : i32
        %add3A_686 = arith.addi %add3A_442, %add3A_685 : i32
        %mul3A_687 = arith.constant 80 : i32
        %mul3A_688 = arith.muli %add3A_686, %mul3A_687 : i32
        %add3A_689 = arith.addi %mul3A_2, %mul3A_688 : i32
        %dma_start3A_690 = tpu.memref_slice %arg4[%add3A_689] : memref<327680xi32, #tpu.memory_space<hbm>> -> memref<80xi32, #tpu.memory_space<hbm>>
        %dma_start3A_691 = tpu.memref_slice %arg4[%add3A_689] : memref<327680xi32, #tpu.memory_space<hbm>> -> memref<80xi32, #tpu.memory_space<hbm>>
        tpu.enqueue_dma source(%dma_start3A_691 : memref<80xi32, #tpu.memory_space<hbm>>) target(%arg20 : memref<80xi32, #tpu.memory_space<vmem>>) target_semaphore(%arg38 : memref<!tpu.dma_semaphore, #tpu.memory_space<semaphore_mem>>)
      } else {
      }
      %mul3A_480 = arith.constant 8 : i32
      %mul3A_481 = arith.muli %scan3A_357, %mul3A_480 : i32
      %add3A_482 = arith.constant 3 : i32
      %add3A_483 = arith.addi %mul3A_481, %add3A_482 : i32
      %mul3A_484 = arith.constant 80 : i32
      %mul3A_485 = arith.muli %add3A_483, %mul3A_484 : i32
      %add3A_486 = arith.addi %mul3A_2, %mul3A_485 : i32
      %dma_wait3A_487 = tpu.memref_slice %arg3[%add3A_486] : memref<327680xi32, #tpu.memory_space<hbm>> -> memref<80xi32, #tpu.memory_space<hbm>>
      %dma_wait3A_488 = tpu.memref_slice %arg3[%add3A_486] : memref<327680xi32, #tpu.memory_space<hbm>> -> memref<80xi32, #tpu.memory_space<hbm>>
      tpu.wait_dma2 semaphore(%arg31 : memref<!tpu.dma_semaphore, #tpu.memory_space<semaphore_mem>>) src(%dma_wait3A_488 : memref<80xi32, #tpu.memory_space<hbm>>) dst(%arg13 : memref<80xi32, #tpu.memory_space<vmem>>)
      %mul3A_489 = arith.constant 80 : i32
      %mul3A_490 = arith.muli %add3A_483, %mul3A_489 : i32
      %add3A_491 = arith.addi %mul3A_2, %mul3A_490 : i32
      %dma_wait3A_492 = tpu.memref_slice %arg4[%add3A_491] : memref<327680xi32, #tpu.memory_space<hbm>> -> memref<80xi32, #tpu.memory_space<hbm>>
      %dma_wait3A_493 = tpu.memref_slice %arg4[%add3A_491] : memref<327680xi32, #tpu.memory_space<hbm>> -> memref<80xi32, #tpu.memory_space<hbm>>
      tpu.wait_dma2 semaphore(%arg35 : memref<!tpu.dma_semaphore, #tpu.memory_space<semaphore_mem>>) src(%dma_wait3A_493 : memref<80xi32, #tpu.memory_space<hbm>>) dst(%arg17 : memref<80xi32, #tpu.memory_space<vmem>>)
      %ge3A_494 = arith.constant 4 : i32
      %ge3A_495 = arith.cmpi sge, %add3A_483, %ge3A_494 : i32
      %convert_element_type3A_496 = arith.extui %ge3A_495 : i1 to i32
      %cond3A_497 = arith.constant 0 : i32
      %cond3A_498 = arith.cmpi ne, %convert_element_type3A_496, %cond3A_497 : i32
      scf.if %cond3A_498 {
        %dma_wait3A_685 = arith.constant 0 : i32
        %dma_wait3A_686 = arith.constant 0 : i32
        %dma_wait3A_687 = tpu.memref_slice %arg8[%dma_wait3A_685, %dma_wait3A_686] : memref<10240x128xf32, #tpu.memory_space<vmem_shared>> -> memref<10240x128xf32, #tpu.memory_space<vmem_shared>>
        tpu.wait_indirect_dma semaphore(%arg47 : memref<!tpu.dma_semaphore, #tpu.memory_space<semaphore_mem>>) src(%arg25 : memref<80x128xf32, #tpu.memory_space<vmem>>) dst(%dma_wait3A_687 : memref<10240x128xf32, #tpu.memory_space<vmem_shared>>)
        %dma_wait3A_688 = arith.constant 0 : i32
        %dma_wait3A_689 = tpu.memref_slice %arg9[%dma_wait3A_688] : memref<10240xf32, #tpu.memory_space<vmem_shared>> -> memref<10240xf32, #tpu.memory_space<vmem_shared>>
        tpu.wait_indirect_dma semaphore(%arg47 : memref<!tpu.dma_semaphore, #tpu.memory_space<semaphore_mem>>) src(%arg26 : memref<80xf32, #tpu.memory_space<vmem>>) dst(%dma_wait3A_689 : memref<10240xf32, #tpu.memory_space<vmem_shared>>)
      } else {
      }
      %dma_start3A_499 = arith.constant 0 : i32
      %dma_start3A_500 = arith.constant 0 : i32
      %dma_start3A_501 = tpu.memref_slice %arg2[%dma_start3A_499, %dma_start3A_500] : memref<10000x128xf32, #tpu.memory_space<hbm>> -> memref<10000x128xf32, #tpu.memory_space<hbm>>
      tpu.enqueue_indirect_dma source(%dma_start3A_501 : memref<10000x128xf32, #tpu.memory_space<hbm>>) target(%arg25 : memref<80x128xf32, #tpu.memory_space<vmem>>) offsets(%arg13 : memref<80xi32, #tpu.memory_space<vmem>>) semaphore(%arg43 : memref<!tpu.dma_semaphore, #tpu.memory_space<semaphore_mem>>)
      %ge3A_502 = arith.constant 3 : i32
      %ge3A_503 = arith.cmpi sge, %add3A_483, %ge3A_502 : i32
      %convert_element_type3A_504 = arith.extui %ge3A_503 : i1 to i32
      %cond3A_505 = arith.constant 0 : i32
      %cond3A_506 = arith.cmpi ne, %convert_element_type3A_504, %cond3A_505 : i32
      scf.if %cond3A_506 {
        %dma_wait3A_685 = arith.constant 0 : i32
        %dma_wait3A_686 = arith.constant 0 : i32
        %dma_wait3A_687 = tpu.memref_slice %arg2[%dma_wait3A_685, %dma_wait3A_686] : memref<10000x128xf32, #tpu.memory_space<hbm>> -> memref<10000x128xf32, #tpu.memory_space<hbm>>
        tpu.wait_indirect_dma semaphore(%arg40 : memref<!tpu.dma_semaphore, #tpu.memory_space<semaphore_mem>>) src(%dma_wait3A_687 : memref<10000x128xf32, #tpu.memory_space<hbm>>) dst(%arg22 : memref<80x128xf32, #tpu.memory_space<vmem>>)
        %dma_start3A_688 = arith.constant 0 : i32
        %dma_start3A_689 = arith.constant 0 : i32
        %dma_start3A_690 = tpu.memref_slice %arg8[%dma_start3A_688, %dma_start3A_689] : memref<10240x128xf32, #tpu.memory_space<vmem_shared>> -> memref<10240x128xf32, #tpu.memory_space<vmem_shared>>
        tpu.enqueue_indirect_dma source(%arg22 : memref<80x128xf32, #tpu.memory_space<vmem>>) target(%dma_start3A_690 : memref<10240x128xf32, #tpu.memory_space<vmem_shared>>) offsets(%arg14 : memref<80xi32, #tpu.memory_space<vmem>>) semaphore(%arg44 : memref<!tpu.dma_semaphore, #tpu.memory_space<semaphore_mem>>) {add = true}
        %dma_start3A_691 = arith.constant 0 : i32
        %dma_start3A_692 = tpu.memref_slice %arg9[%dma_start3A_691] : memref<10240xf32, #tpu.memory_space<vmem_shared>> -> memref<10240xf32, #tpu.memory_space<vmem_shared>>
        tpu.enqueue_indirect_dma source(%arg26 : memref<80xf32, #tpu.memory_space<vmem>>) target(%dma_start3A_692 : memref<10240xf32, #tpu.memory_space<vmem_shared>>) offsets(%arg14 : memref<80xi32, #tpu.memory_space<vmem>>) semaphore(%arg44 : memref<!tpu.dma_semaphore, #tpu.memory_space<semaphore_mem>>) {add = true}
      } else {
      }
      %add3A_507 = arith.constant 2 : i32
      %add3A_508 = arith.addi %add3A_483, %add3A_507 : i32
      %lt3A_509 = arith.constant 128 : i32
      %lt3A_510 = arith.cmpi slt, %add3A_508, %lt3A_509 : i32
      %convert_element_type3A_511 = arith.extui %lt3A_510 : i1 to i32
      %cond3A_512 = arith.constant 0 : i32
      %cond3A_513 = arith.cmpi ne, %convert_element_type3A_511, %cond3A_512 : i32
      scf.if %cond3A_513 {
        %add3A_685 = arith.constant 2 : i32
        %add3A_686 = arith.addi %add3A_483, %add3A_685 : i32
        %mul3A_687 = arith.constant 80 : i32
        %mul3A_688 = arith.muli %add3A_686, %mul3A_687 : i32
        %add3A_689 = arith.addi %mul3A_2, %mul3A_688 : i32
        %dma_start3A_690 = tpu.memref_slice %arg3[%add3A_689] : memref<327680xi32, #tpu.memory_space<hbm>> -> memref<80xi32, #tpu.memory_space<hbm>>
        %dma_start3A_691 = tpu.memref_slice %arg3[%add3A_689] : memref<327680xi32, #tpu.memory_space<hbm>> -> memref<80xi32, #tpu.memory_space<hbm>>
        tpu.enqueue_dma source(%dma_start3A_691 : memref<80xi32, #tpu.memory_space<hbm>>) target(%arg11 : memref<80xi32, #tpu.memory_space<vmem>>) target_semaphore(%arg29 : memref<!tpu.dma_semaphore, #tpu.memory_space<semaphore_mem>>)
      } else {
      }
      %add3A_514 = arith.constant 4 : i32
      %add3A_515 = arith.addi %add3A_483, %add3A_514 : i32
      %lt3A_516 = arith.constant 128 : i32
      %lt3A_517 = arith.cmpi slt, %add3A_515, %lt3A_516 : i32
      %convert_element_type3A_518 = arith.extui %lt3A_517 : i1 to i32
      %cond3A_519 = arith.constant 0 : i32
      %cond3A_520 = arith.cmpi ne, %convert_element_type3A_518, %cond3A_519 : i32
      scf.if %cond3A_520 {
        %add3A_685 = arith.constant 4 : i32
        %add3A_686 = arith.addi %add3A_483, %add3A_685 : i32
        %mul3A_687 = arith.constant 80 : i32
        %mul3A_688 = arith.muli %add3A_686, %mul3A_687 : i32
        %add3A_689 = arith.addi %mul3A_2, %mul3A_688 : i32
        %dma_start3A_690 = tpu.memref_slice %arg4[%add3A_689] : memref<327680xi32, #tpu.memory_space<hbm>> -> memref<80xi32, #tpu.memory_space<hbm>>
        %dma_start3A_691 = tpu.memref_slice %arg4[%add3A_689] : memref<327680xi32, #tpu.memory_space<hbm>> -> memref<80xi32, #tpu.memory_space<hbm>>
        tpu.enqueue_dma source(%dma_start3A_691 : memref<80xi32, #tpu.memory_space<hbm>>) target(%arg21 : memref<80xi32, #tpu.memory_space<vmem>>) target_semaphore(%arg39 : memref<!tpu.dma_semaphore, #tpu.memory_space<semaphore_mem>>)
      } else {
      }
      %mul3A_521 = arith.constant 8 : i32
      %mul3A_522 = arith.muli %scan3A_357, %mul3A_521 : i32
      %add3A_523 = arith.constant 4 : i32
      %add3A_524 = arith.addi %mul3A_522, %add3A_523 : i32
      %mul3A_525 = arith.constant 80 : i32
      %mul3A_526 = arith.muli %add3A_524, %mul3A_525 : i32
      %add3A_527 = arith.addi %mul3A_2, %mul3A_526 : i32
      %dma_wait3A_528 = tpu.memref_slice %arg3[%add3A_527] : memref<327680xi32, #tpu.memory_space<hbm>> -> memref<80xi32, #tpu.memory_space<hbm>>
      %dma_wait3A_529 = tpu.memref_slice %arg3[%add3A_527] : memref<327680xi32, #tpu.memory_space<hbm>> -> memref<80xi32, #tpu.memory_space<hbm>>
      tpu.wait_dma2 semaphore(%arg28 : memref<!tpu.dma_semaphore, #tpu.memory_space<semaphore_mem>>) src(%dma_wait3A_529 : memref<80xi32, #tpu.memory_space<hbm>>) dst(%arg10 : memref<80xi32, #tpu.memory_space<vmem>>)
      %mul3A_530 = arith.constant 80 : i32
      %mul3A_531 = arith.muli %add3A_524, %mul3A_530 : i32
      %add3A_532 = arith.addi %mul3A_2, %mul3A_531 : i32
      %dma_wait3A_533 = tpu.memref_slice %arg4[%add3A_532] : memref<327680xi32, #tpu.memory_space<hbm>> -> memref<80xi32, #tpu.memory_space<hbm>>
      %dma_wait3A_534 = tpu.memref_slice %arg4[%add3A_532] : memref<327680xi32, #tpu.memory_space<hbm>> -> memref<80xi32, #tpu.memory_space<hbm>>
      tpu.wait_dma2 semaphore(%arg36 : memref<!tpu.dma_semaphore, #tpu.memory_space<semaphore_mem>>) src(%dma_wait3A_534 : memref<80xi32, #tpu.memory_space<hbm>>) dst(%arg18 : memref<80xi32, #tpu.memory_space<vmem>>)
      %ge3A_535 = arith.constant 4 : i32
      %ge3A_536 = arith.cmpi sge, %add3A_524, %ge3A_535 : i32
      %convert_element_type3A_537 = arith.extui %ge3A_536 : i1 to i32
      %cond3A_538 = arith.constant 0 : i32
      %cond3A_539 = arith.cmpi ne, %convert_element_type3A_537, %cond3A_538 : i32
      scf.if %cond3A_539 {
        %dma_wait3A_685 = arith.constant 0 : i32
        %dma_wait3A_686 = arith.constant 0 : i32
        %dma_wait3A_687 = tpu.memref_slice %arg8[%dma_wait3A_685, %dma_wait3A_686] : memref<10240x128xf32, #tpu.memory_space<vmem_shared>> -> memref<10240x128xf32, #tpu.memory_space<vmem_shared>>
        tpu.wait_indirect_dma semaphore(%arg44 : memref<!tpu.dma_semaphore, #tpu.memory_space<semaphore_mem>>) src(%arg22 : memref<80x128xf32, #tpu.memory_space<vmem>>) dst(%dma_wait3A_687 : memref<10240x128xf32, #tpu.memory_space<vmem_shared>>)
        %dma_wait3A_688 = arith.constant 0 : i32
        %dma_wait3A_689 = tpu.memref_slice %arg9[%dma_wait3A_688] : memref<10240xf32, #tpu.memory_space<vmem_shared>> -> memref<10240xf32, #tpu.memory_space<vmem_shared>>
        tpu.wait_indirect_dma semaphore(%arg44 : memref<!tpu.dma_semaphore, #tpu.memory_space<semaphore_mem>>) src(%arg26 : memref<80xf32, #tpu.memory_space<vmem>>) dst(%dma_wait3A_689 : memref<10240xf32, #tpu.memory_space<vmem_shared>>)
      } else {
      }
      %dma_start3A_540 = arith.constant 0 : i32
      %dma_start3A_541 = arith.constant 0 : i32
      %dma_start3A_542 = tpu.memref_slice %arg2[%dma_start3A_540, %dma_start3A_541] : memref<10000x128xf32, #tpu.memory_space<hbm>> -> memref<10000x128xf32, #tpu.memory_space<hbm>>
      tpu.enqueue_indirect_dma source(%dma_start3A_542 : memref<10000x128xf32, #tpu.memory_space<hbm>>) target(%arg22 : memref<80x128xf32, #tpu.memory_space<vmem>>) offsets(%arg10 : memref<80xi32, #tpu.memory_space<vmem>>) semaphore(%arg40 : memref<!tpu.dma_semaphore, #tpu.memory_space<semaphore_mem>>)
      %ge3A_543 = arith.constant 3 : i32
      %ge3A_544 = arith.cmpi sge, %add3A_524, %ge3A_543 : i32
      %convert_element_type3A_545 = arith.extui %ge3A_544 : i1 to i32
      %cond3A_546 = arith.constant 0 : i32
      %cond3A_547 = arith.cmpi ne, %convert_element_type3A_545, %cond3A_546 : i32
      scf.if %cond3A_547 {
        %dma_wait3A_685 = arith.constant 0 : i32
        %dma_wait3A_686 = arith.constant 0 : i32
        %dma_wait3A_687 = tpu.memref_slice %arg2[%dma_wait3A_685, %dma_wait3A_686] : memref<10000x128xf32, #tpu.memory_space<hbm>> -> memref<10000x128xf32, #tpu.memory_space<hbm>>
        tpu.wait_indirect_dma semaphore(%arg41 : memref<!tpu.dma_semaphore, #tpu.memory_space<semaphore_mem>>) src(%dma_wait3A_687 : memref<10000x128xf32, #tpu.memory_space<hbm>>) dst(%arg23 : memref<80x128xf32, #tpu.memory_space<vmem>>)
        %dma_start3A_688 = arith.constant 0 : i32
        %dma_start3A_689 = arith.constant 0 : i32
        %dma_start3A_690 = tpu.memref_slice %arg8[%dma_start3A_688, %dma_start3A_689] : memref<10240x128xf32, #tpu.memory_space<vmem_shared>> -> memref<10240x128xf32, #tpu.memory_space<vmem_shared>>
        tpu.enqueue_indirect_dma source(%arg23 : memref<80x128xf32, #tpu.memory_space<vmem>>) target(%dma_start3A_690 : memref<10240x128xf32, #tpu.memory_space<vmem_shared>>) offsets(%arg15 : memref<80xi32, #tpu.memory_space<vmem>>) semaphore(%arg45 : memref<!tpu.dma_semaphore, #tpu.memory_space<semaphore_mem>>) {add = true}
        %dma_start3A_691 = arith.constant 0 : i32
        %dma_start3A_692 = tpu.memref_slice %arg9[%dma_start3A_691] : memref<10240xf32, #tpu.memory_space<vmem_shared>> -> memref<10240xf32, #tpu.memory_space<vmem_shared>>
        tpu.enqueue_indirect_dma source(%arg26 : memref<80xf32, #tpu.memory_space<vmem>>) target(%dma_start3A_692 : memref<10240xf32, #tpu.memory_space<vmem_shared>>) offsets(%arg15 : memref<80xi32, #tpu.memory_space<vmem>>) semaphore(%arg45 : memref<!tpu.dma_semaphore, #tpu.memory_space<semaphore_mem>>) {add = true}
      } else {
      }
      %add3A_548 = arith.constant 2 : i32
      %add3A_549 = arith.addi %add3A_524, %add3A_548 : i32
      %lt3A_550 = arith.constant 128 : i32
      %lt3A_551 = arith.cmpi slt, %add3A_549, %lt3A_550 : i32
      %convert_element_type3A_552 = arith.extui %lt3A_551 : i1 to i32
      %cond3A_553 = arith.constant 0 : i32
      %cond3A_554 = arith.cmpi ne, %convert_element_type3A_552, %cond3A_553 : i32
      scf.if %cond3A_554 {
        %add3A_685 = arith.constant 2 : i32
        %add3A_686 = arith.addi %add3A_524, %add3A_685 : i32
        %mul3A_687 = arith.constant 80 : i32
        %mul3A_688 = arith.muli %add3A_686, %mul3A_687 : i32
        %add3A_689 = arith.addi %mul3A_2, %mul3A_688 : i32
        %dma_start3A_690 = tpu.memref_slice %arg3[%add3A_689] : memref<327680xi32, #tpu.memory_space<hbm>> -> memref<80xi32, #tpu.memory_space<hbm>>
        %dma_start3A_691 = tpu.memref_slice %arg3[%add3A_689] : memref<327680xi32, #tpu.memory_space<hbm>> -> memref<80xi32, #tpu.memory_space<hbm>>
        tpu.enqueue_dma source(%dma_start3A_691 : memref<80xi32, #tpu.memory_space<hbm>>) target(%arg12 : memref<80xi32, #tpu.memory_space<vmem>>) target_semaphore(%arg30 : memref<!tpu.dma_semaphore, #tpu.memory_space<semaphore_mem>>)
      } else {
      }
      %add3A_555 = arith.constant 4 : i32
      %add3A_556 = arith.addi %add3A_524, %add3A_555 : i32
      %lt3A_557 = arith.constant 128 : i32
      %lt3A_558 = arith.cmpi slt, %add3A_556, %lt3A_557 : i32
      %convert_element_type3A_559 = arith.extui %lt3A_558 : i1 to i32
      %cond3A_560 = arith.constant 0 : i32
      %cond3A_561 = arith.cmpi ne, %convert_element_type3A_559, %cond3A_560 : i32
      scf.if %cond3A_561 {
        %add3A_685 = arith.constant 4 : i32
        %add3A_686 = arith.addi %add3A_524, %add3A_685 : i32
        %mul3A_687 = arith.constant 80 : i32
        %mul3A_688 = arith.muli %add3A_686, %mul3A_687 : i32
        %add3A_689 = arith.addi %mul3A_2, %mul3A_688 : i32
        %dma_start3A_690 = tpu.memref_slice %arg4[%add3A_689] : memref<327680xi32, #tpu.memory_space<hbm>> -> memref<80xi32, #tpu.memory_space<hbm>>
        %dma_start3A_691 = tpu.memref_slice %arg4[%add3A_689] : memref<327680xi32, #tpu.memory_space<hbm>> -> memref<80xi32, #tpu.memory_space<hbm>>
        tpu.enqueue_dma source(%dma_start3A_691 : memref<80xi32, #tpu.memory_space<hbm>>) target(%arg14 : memref<80xi32, #tpu.memory_space<vmem>>) target_semaphore(%arg32 : memref<!tpu.dma_semaphore, #tpu.memory_space<semaphore_mem>>)
      } else {
      }
      %mul3A_562 = arith.constant 8 : i32
      %mul3A_563 = arith.muli %scan3A_357, %mul3A_562 : i32
      %add3A_564 = arith.constant 5 : i32
      %add3A_565 = arith.addi %mul3A_563, %add3A_564 : i32
      %mul3A_566 = arith.constant 80 : i32
      %mul3A_567 = arith.muli %add3A_565, %mul3A_566 : i32
      %add3A_568 = arith.addi %mul3A_2, %mul3A_567 : i32
      %dma_wait3A_569 = tpu.memref_slice %arg3[%add3A_568] : memref<327680xi32, #tpu.memory_space<hbm>> -> memref<80xi32, #tpu.memory_space<hbm>>
      %dma_wait3A_570 = tpu.memref_slice %arg3[%add3A_568] : memref<327680xi32, #tpu.memory_space<hbm>> -> memref<80xi32, #tpu.memory_space<hbm>>
      tpu.wait_dma2 semaphore(%arg29 : memref<!tpu.dma_semaphore, #tpu.memory_space<semaphore_mem>>) src(%dma_wait3A_570 : memref<80xi32, #tpu.memory_space<hbm>>) dst(%arg11 : memref<80xi32, #tpu.memory_space<vmem>>)
      %mul3A_571 = arith.constant 80 : i32
      %mul3A_572 = arith.muli %add3A_565, %mul3A_571 : i32
      %add3A_573 = arith.addi %mul3A_2, %mul3A_572 : i32
      %dma_wait3A_574 = tpu.memref_slice %arg4[%add3A_573] : memref<327680xi32, #tpu.memory_space<hbm>> -> memref<80xi32, #tpu.memory_space<hbm>>
      %dma_wait3A_575 = tpu.memref_slice %arg4[%add3A_573] : memref<327680xi32, #tpu.memory_space<hbm>> -> memref<80xi32, #tpu.memory_space<hbm>>
      tpu.wait_dma2 semaphore(%arg37 : memref<!tpu.dma_semaphore, #tpu.memory_space<semaphore_mem>>) src(%dma_wait3A_575 : memref<80xi32, #tpu.memory_space<hbm>>) dst(%arg19 : memref<80xi32, #tpu.memory_space<vmem>>)
      %ge3A_576 = arith.constant 4 : i32
      %ge3A_577 = arith.cmpi sge, %add3A_565, %ge3A_576 : i32
      %convert_element_type3A_578 = arith.extui %ge3A_577 : i1 to i32
      %cond3A_579 = arith.constant 0 : i32
      %cond3A_580 = arith.cmpi ne, %convert_element_type3A_578, %cond3A_579 : i32
      scf.if %cond3A_580 {
        %dma_wait3A_685 = arith.constant 0 : i32
        %dma_wait3A_686 = arith.constant 0 : i32
        %dma_wait3A_687 = tpu.memref_slice %arg8[%dma_wait3A_685, %dma_wait3A_686] : memref<10240x128xf32, #tpu.memory_space<vmem_shared>> -> memref<10240x128xf32, #tpu.memory_space<vmem_shared>>
        tpu.wait_indirect_dma semaphore(%arg45 : memref<!tpu.dma_semaphore, #tpu.memory_space<semaphore_mem>>) src(%arg23 : memref<80x128xf32, #tpu.memory_space<vmem>>) dst(%dma_wait3A_687 : memref<10240x128xf32, #tpu.memory_space<vmem_shared>>)
        %dma_wait3A_688 = arith.constant 0 : i32
        %dma_wait3A_689 = tpu.memref_slice %arg9[%dma_wait3A_688] : memref<10240xf32, #tpu.memory_space<vmem_shared>> -> memref<10240xf32, #tpu.memory_space<vmem_shared>>
        tpu.wait_indirect_dma semaphore(%arg45 : memref<!tpu.dma_semaphore, #tpu.memory_space<semaphore_mem>>) src(%arg26 : memref<80xf32, #tpu.memory_space<vmem>>) dst(%dma_wait3A_689 : memref<10240xf32, #tpu.memory_space<vmem_shared>>)
      } else {
      }
      %dma_start3A_581 = arith.constant 0 : i32
      %dma_start3A_582 = arith.constant 0 : i32
      %dma_start3A_583 = tpu.memref_slice %arg2[%dma_start3A_581, %dma_start3A_582] : memref<10000x128xf32, #tpu.memory_space<hbm>> -> memref<10000x128xf32, #tpu.memory_space<hbm>>
      tpu.enqueue_indirect_dma source(%dma_start3A_583 : memref<10000x128xf32, #tpu.memory_space<hbm>>) target(%arg23 : memref<80x128xf32, #tpu.memory_space<vmem>>) offsets(%arg11 : memref<80xi32, #tpu.memory_space<vmem>>) semaphore(%arg41 : memref<!tpu.dma_semaphore, #tpu.memory_space<semaphore_mem>>)
      %ge3A_584 = arith.constant 3 : i32
      %ge3A_585 = arith.cmpi sge, %add3A_565, %ge3A_584 : i32
      %convert_element_type3A_586 = arith.extui %ge3A_585 : i1 to i32
      %cond3A_587 = arith.constant 0 : i32
      %cond3A_588 = arith.cmpi ne, %convert_element_type3A_586, %cond3A_587 : i32
      scf.if %cond3A_588 {
        %dma_wait3A_685 = arith.constant 0 : i32
        %dma_wait3A_686 = arith.constant 0 : i32
        %dma_wait3A_687 = tpu.memref_slice %arg2[%dma_wait3A_685, %dma_wait3A_686] : memref<10000x128xf32, #tpu.memory_space<hbm>> -> memref<10000x128xf32, #tpu.memory_space<hbm>>
        tpu.wait_indirect_dma semaphore(%arg42 : memref<!tpu.dma_semaphore, #tpu.memory_space<semaphore_mem>>) src(%dma_wait3A_687 : memref<10000x128xf32, #tpu.memory_space<hbm>>) dst(%arg24 : memref<80x128xf32, #tpu.memory_space<vmem>>)
        %dma_start3A_688 = arith.constant 0 : i32
        %dma_start3A_689 = arith.constant 0 : i32
        %dma_start3A_690 = tpu.memref_slice %arg8[%dma_start3A_688, %dma_start3A_689] : memref<10240x128xf32, #tpu.memory_space<vmem_shared>> -> memref<10240x128xf32, #tpu.memory_space<vmem_shared>>
        tpu.enqueue_indirect_dma source(%arg24 : memref<80x128xf32, #tpu.memory_space<vmem>>) target(%dma_start3A_690 : memref<10240x128xf32, #tpu.memory_space<vmem_shared>>) offsets(%arg16 : memref<80xi32, #tpu.memory_space<vmem>>) semaphore(%arg46 : memref<!tpu.dma_semaphore, #tpu.memory_space<semaphore_mem>>) {add = true}
        %dma_start3A_691 = arith.constant 0 : i32
        %dma_start3A_692 = tpu.memref_slice %arg9[%dma_start3A_691] : memref<10240xf32, #tpu.memory_space<vmem_shared>> -> memref<10240xf32, #tpu.memory_space<vmem_shared>>
        tpu.enqueue_indirect_dma source(%arg26 : memref<80xf32, #tpu.memory_space<vmem>>) target(%dma_start3A_692 : memref<10240xf32, #tpu.memory_space<vmem_shared>>) offsets(%arg16 : memref<80xi32, #tpu.memory_space<vmem>>) semaphore(%arg46 : memref<!tpu.dma_semaphore, #tpu.memory_space<semaphore_mem>>) {add = true}
      } else {
      }
      %add3A_589 = arith.constant 2 : i32
      %add3A_590 = arith.addi %add3A_565, %add3A_589 : i32
      %lt3A_591 = arith.constant 128 : i32
      %lt3A_592 = arith.cmpi slt, %add3A_590, %lt3A_591 : i32
      %convert_element_type3A_593 = arith.extui %lt3A_592 : i1 to i32
      %cond3A_594 = arith.constant 0 : i32
      %cond3A_595 = arith.cmpi ne, %convert_element_type3A_593, %cond3A_594 : i32
      scf.if %cond3A_595 {
        %add3A_685 = arith.constant 2 : i32
        %add3A_686 = arith.addi %add3A_565, %add3A_685 : i32
        %mul3A_687 = arith.constant 80 : i32
        %mul3A_688 = arith.muli %add3A_686, %mul3A_687 : i32
        %add3A_689 = arith.addi %mul3A_2, %mul3A_688 : i32
        %dma_start3A_690 = tpu.memref_slice %arg3[%add3A_689] : memref<327680xi32, #tpu.memory_space<hbm>> -> memref<80xi32, #tpu.memory_space<hbm>>
        %dma_start3A_691 = tpu.memref_slice %arg3[%add3A_689] : memref<327680xi32, #tpu.memory_space<hbm>> -> memref<80xi32, #tpu.memory_space<hbm>>
        tpu.enqueue_dma source(%dma_start3A_691 : memref<80xi32, #tpu.memory_space<hbm>>) target(%arg13 : memref<80xi32, #tpu.memory_space<vmem>>) target_semaphore(%arg31 : memref<!tpu.dma_semaphore, #tpu.memory_space<semaphore_mem>>)
      } else {
      }
      %add3A_596 = arith.constant 4 : i32
      %add3A_597 = arith.addi %add3A_565, %add3A_596 : i32
      %lt3A_598 = arith.constant 128 : i32
      %lt3A_599 = arith.cmpi slt, %add3A_597, %lt3A_598 : i32
      %convert_element_type3A_600 = arith.extui %lt3A_599 : i1 to i32
      %cond3A_601 = arith.constant 0 : i32
      %cond3A_602 = arith.cmpi ne, %convert_element_type3A_600, %cond3A_601 : i32
      scf.if %cond3A_602 {
        %add3A_685 = arith.constant 4 : i32
        %add3A_686 = arith.addi %add3A_565, %add3A_685 : i32
        %mul3A_687 = arith.constant 80 : i32
        %mul3A_688 = arith.muli %add3A_686, %mul3A_687 : i32
        %add3A_689 = arith.addi %mul3A_2, %mul3A_688 : i32
        %dma_start3A_690 = tpu.memref_slice %arg4[%add3A_689] : memref<327680xi32, #tpu.memory_space<hbm>> -> memref<80xi32, #tpu.memory_space<hbm>>
        %dma_start3A_691 = tpu.memref_slice %arg4[%add3A_689] : memref<327680xi32, #tpu.memory_space<hbm>> -> memref<80xi32, #tpu.memory_space<hbm>>
        tpu.enqueue_dma source(%dma_start3A_691 : memref<80xi32, #tpu.memory_space<hbm>>) target(%arg15 : memref<80xi32, #tpu.memory_space<vmem>>) target_semaphore(%arg33 : memref<!tpu.dma_semaphore, #tpu.memory_space<semaphore_mem>>)
      } else {
      }
      %mul3A_603 = arith.constant 8 : i32
      %mul3A_604 = arith.muli %scan3A_357, %mul3A_603 : i32
      %add3A_605 = arith.constant 6 : i32
      %add3A_606 = arith.addi %mul3A_604, %add3A_605 : i32
      %mul3A_607 = arith.constant 80 : i32
      %mul3A_608 = arith.muli %add3A_606, %mul3A_607 : i32
      %add3A_609 = arith.addi %mul3A_2, %mul3A_608 : i32
      %dma_wait3A_610 = tpu.memref_slice %arg3[%add3A_609] : memref<327680xi32, #tpu.memory_space<hbm>> -> memref<80xi32, #tpu.memory_space<hbm>>
      %dma_wait3A_611 = tpu.memref_slice %arg3[%add3A_609] : memref<327680xi32, #tpu.memory_space<hbm>> -> memref<80xi32, #tpu.memory_space<hbm>>
      tpu.wait_dma2 semaphore(%arg30 : memref<!tpu.dma_semaphore, #tpu.memory_space<semaphore_mem>>) src(%dma_wait3A_611 : memref<80xi32, #tpu.memory_space<hbm>>) dst(%arg12 : memref<80xi32, #tpu.memory_space<vmem>>)
      %mul3A_612 = arith.constant 80 : i32
      %mul3A_613 = arith.muli %add3A_606, %mul3A_612 : i32
      %add3A_614 = arith.addi %mul3A_2, %mul3A_613 : i32
      %dma_wait3A_615 = tpu.memref_slice %arg4[%add3A_614] : memref<327680xi32, #tpu.memory_space<hbm>> -> memref<80xi32, #tpu.memory_space<hbm>>
      %dma_wait3A_616 = tpu.memref_slice %arg4[%add3A_614] : memref<327680xi32, #tpu.memory_space<hbm>> -> memref<80xi32, #tpu.memory_space<hbm>>
      tpu.wait_dma2 semaphore(%arg38 : memref<!tpu.dma_semaphore, #tpu.memory_space<semaphore_mem>>) src(%dma_wait3A_616 : memref<80xi32, #tpu.memory_space<hbm>>) dst(%arg20 : memref<80xi32, #tpu.memory_space<vmem>>)
      %ge3A_617 = arith.constant 4 : i32
      %ge3A_618 = arith.cmpi sge, %add3A_606, %ge3A_617 : i32
      %convert_element_type3A_619 = arith.extui %ge3A_618 : i1 to i32
      %cond3A_620 = arith.constant 0 : i32
      %cond3A_621 = arith.cmpi ne, %convert_element_type3A_619, %cond3A_620 : i32
      scf.if %cond3A_621 {
        %dma_wait3A_685 = arith.constant 0 : i32
        %dma_wait3A_686 = arith.constant 0 : i32
        %dma_wait3A_687 = tpu.memref_slice %arg8[%dma_wait3A_685, %dma_wait3A_686] : memref<10240x128xf32, #tpu.memory_space<vmem_shared>> -> memref<10240x128xf32, #tpu.memory_space<vmem_shared>>
        tpu.wait_indirect_dma semaphore(%arg46 : memref<!tpu.dma_semaphore, #tpu.memory_space<semaphore_mem>>) src(%arg24 : memref<80x128xf32, #tpu.memory_space<vmem>>) dst(%dma_wait3A_687 : memref<10240x128xf32, #tpu.memory_space<vmem_shared>>)
        %dma_wait3A_688 = arith.constant 0 : i32
        %dma_wait3A_689 = tpu.memref_slice %arg9[%dma_wait3A_688] : memref<10240xf32, #tpu.memory_space<vmem_shared>> -> memref<10240xf32, #tpu.memory_space<vmem_shared>>
        tpu.wait_indirect_dma semaphore(%arg46 : memref<!tpu.dma_semaphore, #tpu.memory_space<semaphore_mem>>) src(%arg26 : memref<80xf32, #tpu.memory_space<vmem>>) dst(%dma_wait3A_689 : memref<10240xf32, #tpu.memory_space<vmem_shared>>)
      } else {
      }
      %dma_start3A_622 = arith.constant 0 : i32
      %dma_start3A_623 = arith.constant 0 : i32
      %dma_start3A_624 = tpu.memref_slice %arg2[%dma_start3A_622, %dma_start3A_623] : memref<10000x128xf32, #tpu.memory_space<hbm>> -> memref<10000x128xf32, #tpu.memory_space<hbm>>
      tpu.enqueue_indirect_dma source(%dma_start3A_624 : memref<10000x128xf32, #tpu.memory_space<hbm>>) target(%arg24 : memref<80x128xf32, #tpu.memory_space<vmem>>) offsets(%arg12 : memref<80xi32, #tpu.memory_space<vmem>>) semaphore(%arg42 : memref<!tpu.dma_semaphore, #tpu.memory_space<semaphore_mem>>)
      %ge3A_625 = arith.constant 3 : i32
      %ge3A_626 = arith.cmpi sge, %add3A_606, %ge3A_625 : i32
      %convert_element_type3A_627 = arith.extui %ge3A_626 : i1 to i32
      %cond3A_628 = arith.constant 0 : i32
      %cond3A_629 = arith.cmpi ne, %convert_element_type3A_627, %cond3A_628 : i32
      scf.if %cond3A_629 {
        %dma_wait3A_685 = arith.constant 0 : i32
        %dma_wait3A_686 = arith.constant 0 : i32
        %dma_wait3A_687 = tpu.memref_slice %arg2[%dma_wait3A_685, %dma_wait3A_686] : memref<10000x128xf32, #tpu.memory_space<hbm>> -> memref<10000x128xf32, #tpu.memory_space<hbm>>
        tpu.wait_indirect_dma semaphore(%arg43 : memref<!tpu.dma_semaphore, #tpu.memory_space<semaphore_mem>>) src(%dma_wait3A_687 : memref<10000x128xf32, #tpu.memory_space<hbm>>) dst(%arg25 : memref<80x128xf32, #tpu.memory_space<vmem>>)
        %dma_start3A_688 = arith.constant 0 : i32
        %dma_start3A_689 = arith.constant 0 : i32
        %dma_start3A_690 = tpu.memref_slice %arg8[%dma_start3A_688, %dma_start3A_689] : memref<10240x128xf32, #tpu.memory_space<vmem_shared>> -> memref<10240x128xf32, #tpu.memory_space<vmem_shared>>
        tpu.enqueue_indirect_dma source(%arg25 : memref<80x128xf32, #tpu.memory_space<vmem>>) target(%dma_start3A_690 : memref<10240x128xf32, #tpu.memory_space<vmem_shared>>) offsets(%arg17 : memref<80xi32, #tpu.memory_space<vmem>>) semaphore(%arg47 : memref<!tpu.dma_semaphore, #tpu.memory_space<semaphore_mem>>) {add = true}
        %dma_start3A_691 = arith.constant 0 : i32
        %dma_start3A_692 = tpu.memref_slice %arg9[%dma_start3A_691] : memref<10240xf32, #tpu.memory_space<vmem_shared>> -> memref<10240xf32, #tpu.memory_space<vmem_shared>>
        tpu.enqueue_indirect_dma source(%arg26 : memref<80xf32, #tpu.memory_space<vmem>>) target(%dma_start3A_692 : memref<10240xf32, #tpu.memory_space<vmem_shared>>) offsets(%arg17 : memref<80xi32, #tpu.memory_space<vmem>>) semaphore(%arg47 : memref<!tpu.dma_semaphore, #tpu.memory_space<semaphore_mem>>) {add = true}
      } else {
      }
      %add3A_630 = arith.constant 2 : i32
      %add3A_631 = arith.addi %add3A_606, %add3A_630 : i32
      %lt3A_632 = arith.constant 128 : i32
      %lt3A_633 = arith.cmpi slt, %add3A_631, %lt3A_632 : i32
      %convert_element_type3A_634 = arith.extui %lt3A_633 : i1 to i32
      %cond3A_635 = arith.constant 0 : i32
      %cond3A_636 = arith.cmpi ne, %convert_element_type3A_634, %cond3A_635 : i32
      scf.if %cond3A_636 {
        %add3A_685 = arith.constant 2 : i32
        %add3A_686 = arith.addi %add3A_606, %add3A_685 : i32
        %mul3A_687 = arith.constant 80 : i32
        %mul3A_688 = arith.muli %add3A_686, %mul3A_687 : i32
        %add3A_689 = arith.addi %mul3A_2, %mul3A_688 : i32
        %dma_start3A_690 = tpu.memref_slice %arg3[%add3A_689] : memref<327680xi32, #tpu.memory_space<hbm>> -> memref<80xi32, #tpu.memory_space<hbm>>
        %dma_start3A_691 = tpu.memref_slice %arg3[%add3A_689] : memref<327680xi32, #tpu.memory_space<hbm>> -> memref<80xi32, #tpu.memory_space<hbm>>
        tpu.enqueue_dma source(%dma_start3A_691 : memref<80xi32, #tpu.memory_space<hbm>>) target(%arg10 : memref<80xi32, #tpu.memory_space<vmem>>) target_semaphore(%arg28 : memref<!tpu.dma_semaphore, #tpu.memory_space<semaphore_mem>>)
      } else {
      }
      %add3A_637 = arith.constant 4 : i32
      %add3A_638 = arith.addi %add3A_606, %add3A_637 : i32
      %lt3A_639 = arith.constant 128 : i32
      %lt3A_640 = arith.cmpi slt, %add3A_638, %lt3A_639 : i32
      %convert_element_type3A_641 = arith.extui %lt3A_640 : i1 to i32
      %cond3A_642 = arith.constant 0 : i32
      %cond3A_643 = arith.cmpi ne, %convert_element_type3A_641, %cond3A_642 : i32
      scf.if %cond3A_643 {
        %add3A_685 = arith.constant 4 : i32
        %add3A_686 = arith.addi %add3A_606, %add3A_685 : i32
        %mul3A_687 = arith.constant 80 : i32
        %mul3A_688 = arith.muli %add3A_686, %mul3A_687 : i32
        %add3A_689 = arith.addi %mul3A_2, %mul3A_688 : i32
        %dma_start3A_690 = tpu.memref_slice %arg4[%add3A_689] : memref<327680xi32, #tpu.memory_space<hbm>> -> memref<80xi32, #tpu.memory_space<hbm>>
        %dma_start3A_691 = tpu.memref_slice %arg4[%add3A_689] : memref<327680xi32, #tpu.memory_space<hbm>> -> memref<80xi32, #tpu.memory_space<hbm>>
        tpu.enqueue_dma source(%dma_start3A_691 : memref<80xi32, #tpu.memory_space<hbm>>) target(%arg16 : memref<80xi32, #tpu.memory_space<vmem>>) target_semaphore(%arg34 : memref<!tpu.dma_semaphore, #tpu.memory_space<semaphore_mem>>)
      } else {
      }
      %mul3A_644 = arith.constant 8 : i32
      %mul3A_645 = arith.muli %scan3A_357, %mul3A_644 : i32
      %add3A_646 = arith.constant 7 : i32
      %add3A_647 = arith.addi %mul3A_645, %add3A_646 : i32
      %mul3A_648 = arith.constant 80 : i32
      %mul3A_649 = arith.muli %add3A_647, %mul3A_648 : i32
      %add3A_650 = arith.addi %mul3A_2, %mul3A_649 : i32
      %dma_wait3A_651 = tpu.memref_slice %arg3[%add3A_650] : memref<327680xi32, #tpu.memory_space<hbm>> -> memref<80xi32, #tpu.memory_space<hbm>>
      %dma_wait3A_652 = tpu.memref_slice %arg3[%add3A_650] : memref<327680xi32, #tpu.memory_space<hbm>> -> memref<80xi32, #tpu.memory_space<hbm>>
      tpu.wait_dma2 semaphore(%arg31 : memref<!tpu.dma_semaphore, #tpu.memory_space<semaphore_mem>>) src(%dma_wait3A_652 : memref<80xi32, #tpu.memory_space<hbm>>) dst(%arg13 : memref<80xi32, #tpu.memory_space<vmem>>)
      %mul3A_653 = arith.constant 80 : i32
      %mul3A_654 = arith.muli %add3A_647, %mul3A_653 : i32
      %add3A_655 = arith.addi %mul3A_2, %mul3A_654 : i32
      %dma_wait3A_656 = tpu.memref_slice %arg4[%add3A_655] : memref<327680xi32, #tpu.memory_space<hbm>> -> memref<80xi32, #tpu.memory_space<hbm>>
      %dma_wait3A_657 = tpu.memref_slice %arg4[%add3A_655] : memref<327680xi32, #tpu.memory_space<hbm>> -> memref<80xi32, #tpu.memory_space<hbm>>
      tpu.wait_dma2 semaphore(%arg39 : memref<!tpu.dma_semaphore, #tpu.memory_space<semaphore_mem>>) src(%dma_wait3A_657 : memref<80xi32, #tpu.memory_space<hbm>>) dst(%arg21 : memref<80xi32, #tpu.memory_space<vmem>>)
      %ge3A_658 = arith.constant 4 : i32
      %ge3A_659 = arith.cmpi sge, %add3A_647, %ge3A_658 : i32
      %convert_element_type3A_660 = arith.extui %ge3A_659 : i1 to i32
      %cond3A_661 = arith.constant 0 : i32
      %cond3A_662 = arith.cmpi ne, %convert_element_type3A_660, %cond3A_661 : i32
      scf.if %cond3A_662 {
        %dma_wait3A_685 = arith.constant 0 : i32
        %dma_wait3A_686 = arith.constant 0 : i32
        %dma_wait3A_687 = tpu.memref_slice %arg8[%dma_wait3A_685, %dma_wait3A_686] : memref<10240x128xf32, #tpu.memory_space<vmem_shared>> -> memref<10240x128xf32, #tpu.memory_space<vmem_shared>>
        tpu.wait_indirect_dma semaphore(%arg47 : memref<!tpu.dma_semaphore, #tpu.memory_space<semaphore_mem>>) src(%arg25 : memref<80x128xf32, #tpu.memory_space<vmem>>) dst(%dma_wait3A_687 : memref<10240x128xf32, #tpu.memory_space<vmem_shared>>)
        %dma_wait3A_688 = arith.constant 0 : i32
        %dma_wait3A_689 = tpu.memref_slice %arg9[%dma_wait3A_688] : memref<10240xf32, #tpu.memory_space<vmem_shared>> -> memref<10240xf32, #tpu.memory_space<vmem_shared>>
        tpu.wait_indirect_dma semaphore(%arg47 : memref<!tpu.dma_semaphore, #tpu.memory_space<semaphore_mem>>) src(%arg26 : memref<80xf32, #tpu.memory_space<vmem>>) dst(%dma_wait3A_689 : memref<10240xf32, #tpu.memory_space<vmem_shared>>)
      } else {
      }
      %dma_start3A_663 = arith.constant 0 : i32
      %dma_start3A_664 = arith.constant 0 : i32
      %dma_start3A_665 = tpu.memref_slice %arg2[%dma_start3A_663, %dma_start3A_664] : memref<10000x128xf32, #tpu.memory_space<hbm>> -> memref<10000x128xf32, #tpu.memory_space<hbm>>
      tpu.enqueue_indirect_dma source(%dma_start3A_665 : memref<10000x128xf32, #tpu.memory_space<hbm>>) target(%arg25 : memref<80x128xf32, #tpu.memory_space<vmem>>) offsets(%arg13 : memref<80xi32, #tpu.memory_space<vmem>>) semaphore(%arg43 : memref<!tpu.dma_semaphore, #tpu.memory_space<semaphore_mem>>)
      %ge3A_666 = arith.constant 3 : i32
      %ge3A_667 = arith.cmpi sge, %add3A_647, %ge3A_666 : i32
      %convert_element_type3A_668 = arith.extui %ge3A_667 : i1 to i32
      %cond3A_669 = arith.constant 0 : i32
      %cond3A_670 = arith.cmpi ne, %convert_element_type3A_668, %cond3A_669 : i32
      scf.if %cond3A_670 {
        %dma_wait3A_685 = arith.constant 0 : i32
        %dma_wait3A_686 = arith.constant 0 : i32
        %dma_wait3A_687 = tpu.memref_slice %arg2[%dma_wait3A_685, %dma_wait3A_686] : memref<10000x128xf32, #tpu.memory_space<hbm>> -> memref<10000x128xf32, #tpu.memory_space<hbm>>
        tpu.wait_indirect_dma semaphore(%arg40 : memref<!tpu.dma_semaphore, #tpu.memory_space<semaphore_mem>>) src(%dma_wait3A_687 : memref<10000x128xf32, #tpu.memory_space<hbm>>) dst(%arg22 : memref<80x128xf32, #tpu.memory_space<vmem>>)
        %dma_start3A_688 = arith.constant 0 : i32
        %dma_start3A_689 = arith.constant 0 : i32
        %dma_start3A_690 = tpu.memref_slice %arg8[%dma_start3A_688, %dma_start3A_689] : memref<10240x128xf32, #tpu.memory_space<vmem_shared>> -> memref<10240x128xf32, #tpu.memory_space<vmem_shared>>
        tpu.enqueue_indirect_dma source(%arg22 : memref<80x128xf32, #tpu.memory_space<vmem>>) target(%dma_start3A_690 : memref<10240x128xf32, #tpu.memory_space<vmem_shared>>) offsets(%arg18 : memref<80xi32, #tpu.memory_space<vmem>>) semaphore(%arg44 : memref<!tpu.dma_semaphore, #tpu.memory_space<semaphore_mem>>) {add = true}
        %dma_start3A_691 = arith.constant 0 : i32
        %dma_start3A_692 = tpu.memref_slice %arg9[%dma_start3A_691] : memref<10240xf32, #tpu.memory_space<vmem_shared>> -> memref<10240xf32, #tpu.memory_space<vmem_shared>>
        tpu.enqueue_indirect_dma source(%arg26 : memref<80xf32, #tpu.memory_space<vmem>>) target(%dma_start3A_692 : memref<10240xf32, #tpu.memory_space<vmem_shared>>) offsets(%arg18 : memref<80xi32, #tpu.memory_space<vmem>>) semaphore(%arg44 : memref<!tpu.dma_semaphore, #tpu.memory_space<semaphore_mem>>) {add = true}
      } else {
      }
      %add3A_671 = arith.constant 2 : i32
      %add3A_672 = arith.addi %add3A_647, %add3A_671 : i32
      %lt3A_673 = arith.constant 128 : i32
      %lt3A_674 = arith.cmpi slt, %add3A_672, %lt3A_673 : i32
      %convert_element_type3A_675 = arith.extui %lt3A_674 : i1 to i32
      %cond3A_676 = arith.constant 0 : i32
      %cond3A_677 = arith.cmpi ne, %convert_element_type3A_675, %cond3A_676 : i32
      scf.if %cond3A_677 {
        %add3A_685 = arith.constant 2 : i32
        %add3A_686 = arith.addi %add3A_647, %add3A_685 : i32
        %mul3A_687 = arith.constant 80 : i32
        %mul3A_688 = arith.muli %add3A_686, %mul3A_687 : i32
        %add3A_689 = arith.addi %mul3A_2, %mul3A_688 : i32
        %dma_start3A_690 = tpu.memref_slice %arg3[%add3A_689] : memref<327680xi32, #tpu.memory_space<hbm>> -> memref<80xi32, #tpu.memory_space<hbm>>
        %dma_start3A_691 = tpu.memref_slice %arg3[%add3A_689] : memref<327680xi32, #tpu.memory_space<hbm>> -> memref<80xi32, #tpu.memory_space<hbm>>
        tpu.enqueue_dma source(%dma_start3A_691 : memref<80xi32, #tpu.memory_space<hbm>>) target(%arg11 : memref<80xi32, #tpu.memory_space<vmem>>) target_semaphore(%arg29 : memref<!tpu.dma_semaphore, #tpu.memory_space<semaphore_mem>>)
      } else {
      }
      %add3A_678 = arith.constant 4 : i32
      %add3A_679 = arith.addi %add3A_647, %add3A_678 : i32
      %lt3A_680 = arith.constant 128 : i32
      %lt3A_681 = arith.cmpi slt, %add3A_679, %lt3A_680 : i32
      %convert_element_type3A_682 = arith.extui %lt3A_681 : i1 to i32
      %cond3A_683 = arith.constant 0 : i32
      %cond3A_684 = arith.cmpi ne, %convert_element_type3A_682, %cond3A_683 : i32
      scf.if %cond3A_684 {
        %add3A_685 = arith.constant 4 : i32
        %add3A_686 = arith.addi %add3A_647, %add3A_685 : i32
        %mul3A_687 = arith.constant 80 : i32
        %mul3A_688 = arith.muli %add3A_686, %mul3A_687 : i32
        %add3A_689 = arith.addi %mul3A_2, %mul3A_688 : i32
        %dma_start3A_690 = tpu.memref_slice %arg4[%add3A_689] : memref<327680xi32, #tpu.memory_space<hbm>> -> memref<80xi32, #tpu.memory_space<hbm>>
        %dma_start3A_691 = tpu.memref_slice %arg4[%add3A_689] : memref<327680xi32, #tpu.memory_space<hbm>> -> memref<80xi32, #tpu.memory_space<hbm>>
        tpu.enqueue_dma source(%dma_start3A_691 : memref<80xi32, #tpu.memory_space<hbm>>) target(%arg17 : memref<80xi32, #tpu.memory_space<vmem>>) target_semaphore(%arg35 : memref<!tpu.dma_semaphore, #tpu.memory_space<semaphore_mem>>)
      } else {
      }
    }
    %scan3A_304 = arith.constant 16 : i32
    %dma_wait3A = arith.constant 0 : i32
    %dma_wait3A_305 = arith.constant 0 : i32
    %dma_wait3A_306 = tpu.memref_slice %arg2[%dma_wait3A, %dma_wait3A_305] : memref<10000x128xf32, #tpu.memory_space<hbm>> -> memref<10000x128xf32, #tpu.memory_space<hbm>>
    tpu.wait_indirect_dma semaphore(%arg41 : memref<!tpu.dma_semaphore, #tpu.memory_space<semaphore_mem>>) src(%dma_wait3A_306 : memref<10000x128xf32, #tpu.memory_space<hbm>>) dst(%arg23 : memref<80x128xf32, #tpu.memory_space<vmem>>)
    %dma_start3A_307 = arith.constant 0 : i32
    %dma_start3A_308 = arith.constant 0 : i32
    %dma_start3A_309 = tpu.memref_slice %arg8[%dma_start3A_307, %dma_start3A_308] : memref<10240x128xf32, #tpu.memory_space<vmem_shared>> -> memref<10240x128xf32, #tpu.memory_space<vmem_shared>>
    tpu.enqueue_indirect_dma source(%arg23 : memref<80x128xf32, #tpu.memory_space<vmem>>) target(%dma_start3A_309 : memref<10240x128xf32, #tpu.memory_space<vmem_shared>>) offsets(%arg19 : memref<80xi32, #tpu.memory_space<vmem>>) semaphore(%arg45 : memref<!tpu.dma_semaphore, #tpu.memory_space<semaphore_mem>>) {add = true}
    %dma_start3A_310 = arith.constant 0 : i32
    %dma_start3A_311 = tpu.memref_slice %arg9[%dma_start3A_310] : memref<10240xf32, #tpu.memory_space<vmem_shared>> -> memref<10240xf32, #tpu.memory_space<vmem_shared>>
    tpu.enqueue_indirect_dma source(%arg26 : memref<80xf32, #tpu.memory_space<vmem>>) target(%dma_start3A_311 : memref<10240xf32, #tpu.memory_space<vmem_shared>>) offsets(%arg19 : memref<80xi32, #tpu.memory_space<vmem>>) semaphore(%arg45 : memref<!tpu.dma_semaphore, #tpu.memory_space<semaphore_mem>>) {add = true}
    %dma_wait3A_312 = arith.constant 0 : i32
    %dma_wait3A_313 = arith.constant 0 : i32
    %dma_wait3A_314 = tpu.memref_slice %arg2[%dma_wait3A_312, %dma_wait3A_313] : memref<10000x128xf32, #tpu.memory_space<hbm>> -> memref<10000x128xf32, #tpu.memory_space<hbm>>
    tpu.wait_indirect_dma semaphore(%arg42 : memref<!tpu.dma_semaphore, #tpu.memory_space<semaphore_mem>>) src(%dma_wait3A_314 : memref<10000x128xf32, #tpu.memory_space<hbm>>) dst(%arg24 : memref<80x128xf32, #tpu.memory_space<vmem>>)
    %dma_start3A_315 = arith.constant 0 : i32
    %dma_start3A_316 = arith.constant 0 : i32
    %dma_start3A_317 = tpu.memref_slice %arg8[%dma_start3A_315, %dma_start3A_316] : memref<10240x128xf32, #tpu.memory_space<vmem_shared>> -> memref<10240x128xf32, #tpu.memory_space<vmem_shared>>
    tpu.enqueue_indirect_dma source(%arg24 : memref<80x128xf32, #tpu.memory_space<vmem>>) target(%dma_start3A_317 : memref<10240x128xf32, #tpu.memory_space<vmem_shared>>) offsets(%arg20 : memref<80xi32, #tpu.memory_space<vmem>>) semaphore(%arg46 : memref<!tpu.dma_semaphore, #tpu.memory_space<semaphore_mem>>) {add = true}
    %dma_start3A_318 = arith.constant 0 : i32
    %dma_start3A_319 = tpu.memref_slice %arg9[%dma_start3A_318] : memref<10240xf32, #tpu.memory_space<vmem_shared>> -> memref<10240xf32, #tpu.memory_space<vmem_shared>>
    tpu.enqueue_indirect_dma source(%arg26 : memref<80xf32, #tpu.memory_space<vmem>>) target(%dma_start3A_319 : memref<10240xf32, #tpu.memory_space<vmem_shared>>) offsets(%arg20 : memref<80xi32, #tpu.memory_space<vmem>>) semaphore(%arg46 : memref<!tpu.dma_semaphore, #tpu.memory_space<semaphore_mem>>) {add = true}
    %dma_wait3A_320 = arith.constant 0 : i32
    %dma_wait3A_321 = arith.constant 0 : i32
    %dma_wait3A_322 = tpu.memref_slice %arg2[%dma_wait3A_320, %dma_wait3A_321] : memref<10000x128xf32, #tpu.memory_space<hbm>> -> memref<10000x128xf32, #tpu.memory_space<hbm>>
    tpu.wait_indirect_dma semaphore(%arg43 : memref<!tpu.dma_semaphore, #tpu.memory_space<semaphore_mem>>) src(%dma_wait3A_322 : memref<10000x128xf32, #tpu.memory_space<hbm>>) dst(%arg25 : memref<80x128xf32, #tpu.memory_space<vmem>>)
    %dma_start3A_323 = arith.constant 0 : i32
    %dma_start3A_324 = arith.constant 0 : i32
    %dma_start3A_325 = tpu.memref_slice %arg8[%dma_start3A_323, %dma_start3A_324] : memref<10240x128xf32, #tpu.memory_space<vmem_shared>> -> memref<10240x128xf32, #tpu.memory_space<vmem_shared>>
    tpu.enqueue_indirect_dma source(%arg25 : memref<80x128xf32, #tpu.memory_space<vmem>>) target(%dma_start3A_325 : memref<10240x128xf32, #tpu.memory_space<vmem_shared>>) offsets(%arg21 : memref<80xi32, #tpu.memory_space<vmem>>) semaphore(%arg47 : memref<!tpu.dma_semaphore, #tpu.memory_space<semaphore_mem>>) {add = true}
    %dma_start3A_326 = arith.constant 0 : i32
    %dma_start3A_327 = tpu.memref_slice %arg9[%dma_start3A_326] : memref<10240xf32, #tpu.memory_space<vmem_shared>> -> memref<10240xf32, #tpu.memory_space<vmem_shared>>
    tpu.enqueue_indirect_dma source(%arg26 : memref<80xf32, #tpu.memory_space<vmem>>) target(%dma_start3A_327 : memref<10240xf32, #tpu.memory_space<vmem_shared>>) offsets(%arg21 : memref<80xi32, #tpu.memory_space<vmem>>) semaphore(%arg47 : memref<!tpu.dma_semaphore, #tpu.memory_space<semaphore_mem>>) {add = true}
    %dma_wait3A_328 = arith.constant 0 : i32
    %dma_wait3A_329 = arith.constant 0 : i32
    %dma_wait3A_330 = tpu.memref_slice %arg8[%dma_wait3A_328, %dma_wait3A_329] : memref<10240x128xf32, #tpu.memory_space<vmem_shared>> -> memref<10240x128xf32, #tpu.memory_space<vmem_shared>>
    tpu.wait_indirect_dma semaphore(%arg44 : memref<!tpu.dma_semaphore, #tpu.memory_space<semaphore_mem>>) src(%arg22 : memref<80x128xf32, #tpu.memory_space<vmem>>) dst(%dma_wait3A_330 : memref<10240x128xf32, #tpu.memory_space<vmem_shared>>)
    %dma_wait3A_331 = arith.constant 0 : i32
    %dma_wait3A_332 = tpu.memref_slice %arg9[%dma_wait3A_331] : memref<10240xf32, #tpu.memory_space<vmem_shared>> -> memref<10240xf32, #tpu.memory_space<vmem_shared>>
    tpu.wait_indirect_dma semaphore(%arg44 : memref<!tpu.dma_semaphore, #tpu.memory_space<semaphore_mem>>) src(%arg26 : memref<80xf32, #tpu.memory_space<vmem>>) dst(%dma_wait3A_332 : memref<10240xf32, #tpu.memory_space<vmem_shared>>)
    %dma_wait3A_333 = arith.constant 0 : i32
    %dma_wait3A_334 = arith.constant 0 : i32
    %dma_wait3A_335 = tpu.memref_slice %arg8[%dma_wait3A_333, %dma_wait3A_334] : memref<10240x128xf32, #tpu.memory_space<vmem_shared>> -> memref<10240x128xf32, #tpu.memory_space<vmem_shared>>
    tpu.wait_indirect_dma semaphore(%arg45 : memref<!tpu.dma_semaphore, #tpu.memory_space<semaphore_mem>>) src(%arg23 : memref<80x128xf32, #tpu.memory_space<vmem>>) dst(%dma_wait3A_335 : memref<10240x128xf32, #tpu.memory_space<vmem_shared>>)
    %dma_wait3A_336 = arith.constant 0 : i32
    %dma_wait3A_337 = tpu.memref_slice %arg9[%dma_wait3A_336] : memref<10240xf32, #tpu.memory_space<vmem_shared>> -> memref<10240xf32, #tpu.memory_space<vmem_shared>>
    tpu.wait_indirect_dma semaphore(%arg45 : memref<!tpu.dma_semaphore, #tpu.memory_space<semaphore_mem>>) src(%arg26 : memref<80xf32, #tpu.memory_space<vmem>>) dst(%dma_wait3A_337 : memref<10240xf32, #tpu.memory_space<vmem_shared>>)
    %dma_wait3A_338 = arith.constant 0 : i32
    %dma_wait3A_339 = arith.constant 0 : i32
    %dma_wait3A_340 = tpu.memref_slice %arg8[%dma_wait3A_338, %dma_wait3A_339] : memref<10240x128xf32, #tpu.memory_space<vmem_shared>> -> memref<10240x128xf32, #tpu.memory_space<vmem_shared>>
    tpu.wait_indirect_dma semaphore(%arg46 : memref<!tpu.dma_semaphore, #tpu.memory_space<semaphore_mem>>) src(%arg24 : memref<80x128xf32, #tpu.memory_space<vmem>>) dst(%dma_wait3A_340 : memref<10240x128xf32, #tpu.memory_space<vmem_shared>>)
    %dma_wait3A_341 = arith.constant 0 : i32
    %dma_wait3A_342 = tpu.memref_slice %arg9[%dma_wait3A_341] : memref<10240xf32, #tpu.memory_space<vmem_shared>> -> memref<10240xf32, #tpu.memory_space<vmem_shared>>
    tpu.wait_indirect_dma semaphore(%arg46 : memref<!tpu.dma_semaphore, #tpu.memory_space<semaphore_mem>>) src(%arg26 : memref<80xf32, #tpu.memory_space<vmem>>) dst(%dma_wait3A_342 : memref<10240xf32, #tpu.memory_space<vmem_shared>>)
    %dma_wait3A_343 = arith.constant 0 : i32
    %dma_wait3A_344 = arith.constant 0 : i32
    %dma_wait3A_345 = tpu.memref_slice %arg8[%dma_wait3A_343, %dma_wait3A_344] : memref<10240x128xf32, #tpu.memory_space<vmem_shared>> -> memref<10240x128xf32, #tpu.memory_space<vmem_shared>>
    tpu.wait_indirect_dma semaphore(%arg47 : memref<!tpu.dma_semaphore, #tpu.memory_space<semaphore_mem>>) src(%arg25 : memref<80x128xf32, #tpu.memory_space<vmem>>) dst(%dma_wait3A_345 : memref<10240x128xf32, #tpu.memory_space<vmem_shared>>)
    %dma_wait3A_346 = arith.constant 0 : i32
    %dma_wait3A_347 = tpu.memref_slice %arg9[%dma_wait3A_346] : memref<10240xf32, #tpu.memory_space<vmem_shared>> -> memref<10240xf32, #tpu.memory_space<vmem_shared>>
    tpu.wait_indirect_dma semaphore(%arg47 : memref<!tpu.dma_semaphore, #tpu.memory_space<semaphore_mem>>) src(%arg26 : memref<80xf32, #tpu.memory_space<vmem>>) dst(%dma_wait3A_347 : memref<10240xf32, #tpu.memory_space<vmem_shared>>)
    %barrier3A_348 = arith.constant 0 : index
    tpu.barrier barrier_id(%barrier3A_348)
    %lt3A = arith.constant 15 : i32
    %lt3A_349 = arith.cmpi slt, %arg1, %lt3A : i32
    %convert_element_type3A = arith.extui %lt3A_349 : i1 to i32
    %cond3A = arith.constant 0 : i32
    %cond3A_350 = arith.cmpi ne, %convert_element_type3A, %cond3A : i32
    scf.if %cond3A_350 {
      %mul3A_357 = arith.constant 640 : i32
      %mul3A_358 = arith.muli %arg1, %mul3A_357 : i32
      "tpu.region"() ({
        %run_scoped3A = tpu.sem_alloc : memref<!tpu.dma_semaphore, #tpu.memory_space<semaphore_mem>>
        %dma_start3A_359 = arith.constant 0 : i32
        %dma_start3A_360 = tpu.memref_slice %arg6[%arg0, %mul3A_358, %dma_start3A_359] : memref<2x10000x128xf32, #tpu.memory_space<hbm>> -> memref<1x640x128xf32, #tpu.memory_space<hbm>>
        %dma_start3A_361 = tpu.memref_squeeze %dma_start3A_360 : memref<1x640x128xf32, #tpu.memory_space<hbm>> -> memref<640x128xf32, #tpu.memory_space<hbm>>
        %dma_start3A_362 = arith.constant 0 : i32
        %dma_start3A_363 = tpu.memref_slice %arg8[%mul3A_358, %dma_start3A_362] : memref<10240x128xf32, #tpu.memory_space<vmem_shared>> -> memref<640x128xf32, #tpu.memory_space<vmem_shared>>
        tpu.enqueue_dma source(%dma_start3A_363 : memref<640x128xf32, #tpu.memory_space<vmem_shared>>) target(%dma_start3A_361 : memref<640x128xf32, #tpu.memory_space<hbm>>) target_semaphore(%run_scoped3A : memref<!tpu.dma_semaphore, #tpu.memory_space<semaphore_mem>>)
        %dma_wait3A_364 = arith.constant 0 : i32
        %dma_wait3A_365 = tpu.memref_slice %arg6[%arg0, %mul3A_358, %dma_wait3A_364] : memref<2x10000x128xf32, #tpu.memory_space<hbm>> -> memref<1x640x128xf32, #tpu.memory_space<hbm>>
        %dma_wait3A_366 = tpu.memref_squeeze %dma_wait3A_365 : memref<1x640x128xf32, #tpu.memory_space<hbm>> -> memref<640x128xf32, #tpu.memory_space<hbm>>
        %dma_wait3A_367 = arith.constant 0 : i32
        %dma_wait3A_368 = tpu.memref_slice %arg8[%mul3A_358, %dma_wait3A_367] : memref<10240x128xf32, #tpu.memory_space<vmem_shared>> -> memref<640x128xf32, #tpu.memory_space<vmem_shared>>
        tpu.wait_dma2 semaphore(%run_scoped3A : memref<!tpu.dma_semaphore, #tpu.memory_space<semaphore_mem>>) src(%dma_wait3A_368 : memref<640x128xf32, #tpu.memory_space<vmem_shared>>) dst(%dma_wait3A_366 : memref<640x128xf32, #tpu.memory_space<hbm>>)
        tpu.yield
      }) : () -> ()
    } else {
    }
    %eq3A = arith.constant 15 : i32
    %eq3A_351 = arith.cmpi eq, %arg1, %eq3A : i32
    %convert_element_type3A_352 = arith.extui %eq3A_351 : i1 to i32
    %cond3A_353 = arith.constant 0 : i32
    %cond3A_354 = arith.cmpi ne, %convert_element_type3A_352, %cond3A_353 : i32
    scf.if %cond3A_354 {
      "tpu.region"() ({
        %run_scoped3A = tpu.sem_alloc : memref<!tpu.dma_semaphore, #tpu.memory_space<semaphore_mem>>
        %dma_start3A_357 = arith.constant 9600 : i32
        %dma_start3A_358 = arith.constant 0 : i32
        %dma_start3A_359 = tpu.memref_slice %arg6[%arg0, %dma_start3A_357, %dma_start3A_358] : memref<2x10000x128xf32, #tpu.memory_space<hbm>> -> memref<1x400x128xf32, #tpu.memory_space<hbm>>
        %dma_start3A_360 = tpu.memref_squeeze %dma_start3A_359 : memref<1x400x128xf32, #tpu.memory_space<hbm>> -> memref<400x128xf32, #tpu.memory_space<hbm>>
        %dma_start3A_361 = arith.constant 9600 : i32
        %dma_start3A_362 = arith.constant 0 : i32
        %dma_start3A_363 = tpu.memref_slice %arg8[%dma_start3A_361, %dma_start3A_362] : memref<10240x128xf32, #tpu.memory_space<vmem_shared>> -> memref<400x128xf32, #tpu.memory_space<vmem_shared>>
        tpu.enqueue_dma source(%dma_start3A_363 : memref<400x128xf32, #tpu.memory_space<vmem_shared>>) target(%dma_start3A_360 : memref<400x128xf32, #tpu.memory_space<hbm>>) target_semaphore(%run_scoped3A : memref<!tpu.dma_semaphore, #tpu.memory_space<semaphore_mem>>)
        %dma_wait3A_364 = arith.constant 9600 : i32
        %dma_wait3A_365 = arith.constant 0 : i32
        %dma_wait3A_366 = tpu.memref_slice %arg6[%arg0, %dma_wait3A_364, %dma_wait3A_365] : memref<2x10000x128xf32, #tpu.memory_space<hbm>> -> memref<1x400x128xf32, #tpu.memory_space<hbm>>
        %dma_wait3A_367 = tpu.memref_squeeze %dma_wait3A_366 : memref<1x400x128xf32, #tpu.memory_space<hbm>> -> memref<400x128xf32, #tpu.memory_space<hbm>>
        %dma_wait3A_368 = arith.constant 9600 : i32
        %dma_wait3A_369 = arith.constant 0 : i32
        %dma_wait3A_370 = tpu.memref_slice %arg8[%dma_wait3A_368, %dma_wait3A_369] : memref<10240x128xf32, #tpu.memory_space<vmem_shared>> -> memref<400x128xf32, #tpu.memory_space<vmem_shared>>
        tpu.wait_dma2 semaphore(%run_scoped3A : memref<!tpu.dma_semaphore, #tpu.memory_space<semaphore_mem>>) src(%dma_wait3A_370 : memref<400x128xf32, #tpu.memory_space<vmem_shared>>) dst(%dma_wait3A_367 : memref<400x128xf32, #tpu.memory_space<hbm>>)
        tpu.yield
      }) : () -> ()
    } else {
    }
    %mul3A_355 = arith.constant 640 : i32
    %mul3A_356 = arith.muli %arg1, %mul3A_355 : i32
    "tpu.region"() ({
      %run_scoped3A = tpu.sem_alloc : memref<!tpu.dma_semaphore, #tpu.memory_space<semaphore_mem>>
      %dma_start3A_357 = tpu.memref_slice %arg9[%mul3A_356] : memref<10240xf32, #tpu.memory_space<vmem_shared>> -> memref<640xf32, #tpu.memory_space<vmem_shared>>
      %dma_start3A_358 = tpu.memref_slice %arg9[%mul3A_356] : memref<10240xf32, #tpu.memory_space<vmem_shared>> -> memref<640xf32, #tpu.memory_space<vmem_shared>>
      tpu.enqueue_dma source(%dma_start3A_358 : memref<640xf32, #tpu.memory_space<vmem_shared>>) target(%arg27 : memref<640xf32, #tpu.memory_space<vmem>>) target_semaphore(%run_scoped3A : memref<!tpu.dma_semaphore, #tpu.memory_space<semaphore_mem>>)
      %dma_wait3A_359 = tpu.memref_slice %arg9[%mul3A_356] : memref<10240xf32, #tpu.memory_space<vmem_shared>> -> memref<640xf32, #tpu.memory_space<vmem_shared>>
      %dma_wait3A_360 = tpu.memref_slice %arg9[%mul3A_356] : memref<10240xf32, #tpu.memory_space<vmem_shared>> -> memref<640xf32, #tpu.memory_space<vmem_shared>>
      tpu.wait_dma2 semaphore(%run_scoped3A : memref<!tpu.dma_semaphore, #tpu.memory_space<semaphore_mem>>) src(%dma_wait3A_360 : memref<640xf32, #tpu.memory_space<vmem_shared>>) dst(%arg27 : memref<640xf32, #tpu.memory_space<vmem>>)
      tpu.yield
    }) : () -> ()
    "tpu.region"() ({
      %run_scoped3A = tpu.sem_alloc : memref<!tpu.dma_semaphore, #tpu.memory_space<semaphore_mem>>
      %dma_start3A_357 = tpu.memref_slice %arg7[%arg0, %mul3A_356] : memref<2x10240xf32, #tpu.memory_space<hbm>> -> memref<1x640xf32, #tpu.memory_space<hbm>>
      %dma_start3A_358 = tpu.memref_squeeze %dma_start3A_357 : memref<1x640xf32, #tpu.memory_space<hbm>> -> memref<640xf32, #tpu.memory_space<hbm>>
      %dma_start3A_359 = tpu.memref_slice %arg7[%arg0, %mul3A_356] : memref<2x10240xf32, #tpu.memory_space<hbm>> -> memref<1x640xf32, #tpu.memory_space<hbm>>
      %dma_start3A_360 = tpu.memref_squeeze %dma_start3A_359 : memref<1x640xf32, #tpu.memory_space<hbm>> -> memref<640xf32, #tpu.memory_space<hbm>>
      tpu.enqueue_dma source(%arg27 : memref<640xf32, #tpu.memory_space<vmem>>) target(%dma_start3A_360 : memref<640xf32, #tpu.memory_space<hbm>>) target_semaphore(%run_scoped3A : memref<!tpu.dma_semaphore, #tpu.memory_space<semaphore_mem>>)
      %dma_wait3A_361 = tpu.memref_slice %arg7[%arg0, %mul3A_356] : memref<2x10240xf32, #tpu.memory_space<hbm>> -> memref<1x640xf32, #tpu.memory_space<hbm>>
      %dma_wait3A_362 = tpu.memref_squeeze %dma_wait3A_361 : memref<1x640xf32, #tpu.memory_space<hbm>> -> memref<640xf32, #tpu.memory_space<hbm>>
      %dma_wait3A_363 = tpu.memref_slice %arg7[%arg0, %mul3A_356] : memref<2x10240xf32, #tpu.memory_space<hbm>> -> memref<1x640xf32, #tpu.memory_space<hbm>>
      %dma_wait3A_364 = tpu.memref_squeeze %dma_wait3A_363 : memref<1x640xf32, #tpu.memory_space<hbm>> -> memref<640xf32, #tpu.memory_space<hbm>>
      tpu.wait_dma2 semaphore(%run_scoped3A : memref<!tpu.dma_semaphore, #tpu.memory_space<semaphore_mem>>) src(%arg27 : memref<640xf32, #tpu.memory_space<vmem>>) dst(%dma_wait3A_364 : memref<640xf32, #tpu.memory_space<hbm>>)
      tpu.yield
    }) : () -> ()
    return
  }
}

#map = affine_map<(d0, d1) -> (0, 0)>
#map1 = affine_map<(d0, d1) -> (0)>
#map2 = affine_map<(d0, d1) -> (0, 0, 0)>
module attributes {stable_mosaic.version = 14 : i64} {
  func.func @_sc_agg_body(%arg0: i32, %arg1: i32, %arg2: memref<10000x128xf32, #tpu.memory_space<hbm>>, %arg3: memref<327680xi32, #tpu.memory_space<hbm>>, %arg4: memref<327680xi32, #tpu.memory_space<hbm>>, %arg5: memref<10240x128xf32, #tpu.memory_space<hbm>>, %arg6: memref<2x10000x128xf32, #tpu.memory_space<hbm>>, %arg7: memref<10240x128xf32, #tpu.memory_space<vmem_shared>>, %arg8: memref<80xi32, #tpu.memory_space<vmem>>, %arg9: memref<80xi32, #tpu.memory_space<vmem>>, %arg10: memref<80xi32, #tpu.memory_space<vmem>>, %arg11: memref<80xi32, #tpu.memory_space<vmem>>, %arg12: memref<80xi32, #tpu.memory_space<vmem>>, %arg13: memref<80xi32, #tpu.memory_space<vmem>>, %arg14: memref<80xi32, #tpu.memory_space<vmem>>, %arg15: memref<80xi32, #tpu.memory_space<vmem>>, %arg16: memref<80xi32, #tpu.memory_space<vmem>>, %arg17: memref<80xi32, #tpu.memory_space<vmem>>, %arg18: memref<80xi32, #tpu.memory_space<vmem>>, %arg19: memref<80xi32, #tpu.memory_space<vmem>>, %arg20: memref<80x128xf32, #tpu.memory_space<vmem>>, %arg21: memref<80x128xf32, #tpu.memory_space<vmem>>, %arg22: memref<80x128xf32, #tpu.memory_space<vmem>>, %arg23: memref<80x128xf32, #tpu.memory_space<vmem>>, %arg24: memref<!tpu.dma_semaphore, #tpu.memory_space<semaphore_mem>>, %arg25: memref<!tpu.dma_semaphore, #tpu.memory_space<semaphore_mem>>, %arg26: memref<!tpu.dma_semaphore, #tpu.memory_space<semaphore_mem>>, %arg27: memref<!tpu.dma_semaphore, #tpu.memory_space<semaphore_mem>>, %arg28: memref<!tpu.dma_semaphore, #tpu.memory_space<semaphore_mem>>, %arg29: memref<!tpu.dma_semaphore, #tpu.memory_space<semaphore_mem>>, %arg30: memref<!tpu.dma_semaphore, #tpu.memory_space<semaphore_mem>>, %arg31: memref<!tpu.dma_semaphore, #tpu.memory_space<semaphore_mem>>, %arg32: memref<!tpu.dma_semaphore, #tpu.memory_space<semaphore_mem>>, %arg33: memref<!tpu.dma_semaphore, #tpu.memory_space<semaphore_mem>>, %arg34: memref<!tpu.dma_semaphore, #tpu.memory_space<semaphore_mem>>, %arg35: memref<!tpu.dma_semaphore, #tpu.memory_space<semaphore_mem>>, %arg36: memref<!tpu.dma_semaphore, #tpu.memory_space<semaphore_mem>>, %arg37: memref<!tpu.dma_semaphore, #tpu.memory_space<semaphore_mem>>, %arg38: memref<!tpu.dma_semaphore, #tpu.memory_space<semaphore_mem>>, %arg39: memref<!tpu.dma_semaphore, #tpu.memory_space<semaphore_mem>>, %arg40: memref<!tpu.dma_semaphore, #tpu.memory_space<semaphore_mem>>, %arg41: memref<!tpu.dma_semaphore, #tpu.memory_space<semaphore_mem>>, %arg42: memref<!tpu.dma_semaphore, #tpu.memory_space<semaphore_mem>>, %arg43: memref<!tpu.dma_semaphore, #tpu.memory_space<semaphore_mem>>) attributes {dimension_semantics = [#tpu.dimension_semantics<core_parallel>, #tpu.dimension_semantics<subcore_parallel>], iteration_bounds = array<i64: 2, 16>, scalar_prefetch = 0 : i64, scratch_operands = 37 : i64, tpu.core_type = #tpu.core_type<sc_vector_subcore>, window_params = [{transform_indices = #map}, {transform_indices = #map1}, {transform_indices = #map1}, {transform_indices = #map}, {transform_indices = #map2}]} {
    %mul3A = arith.constant 16 : i32
    %mul3A_0 = arith.muli %arg0, %mul3A : i32
    %add3A = arith.addi %mul3A_0, %arg1 : i32
    %mul3A_1 = arith.constant 10240 : i32
    %mul3A_2 = arith.muli %add3A, %mul3A_1 : i32
    %mul3A_3 = arith.constant 640 : i32
    %mul3A_4 = arith.muli %arg1, %mul3A_3 : i32
    %mul3A_5 = arith.constant 640 : i32
    %mul3A_6 = arith.muli %arg1, %mul3A_5 : i32
    "tpu.region"() ({
      %run_scoped3A = tpu.sem_alloc : memref<!tpu.dma_semaphore, #tpu.memory_space<semaphore_mem>>
      %dma_start3A_71 = arith.constant 0 : i32
      %dma_start3A_72 = tpu.memref_slice %arg7[%mul3A_6, %dma_start3A_71] : memref<10240x128xf32, #tpu.memory_space<vmem_shared>> -> memref<640x128xf32, #tpu.memory_space<vmem_shared>>
      %dma_start3A_73 = arith.constant 0 : i32
      %dma_start3A_74 = tpu.memref_slice %arg5[%mul3A_4, %dma_start3A_73] : memref<10240x128xf32, #tpu.memory_space<hbm>> -> memref<640x128xf32, #tpu.memory_space<hbm>>
      tpu.enqueue_dma source(%dma_start3A_74 : memref<640x128xf32, #tpu.memory_space<hbm>>) target(%dma_start3A_72 : memref<640x128xf32, #tpu.memory_space<vmem_shared>>) target_semaphore(%run_scoped3A : memref<!tpu.dma_semaphore, #tpu.memory_space<semaphore_mem>>)
      %dma_wait3A_75 = arith.constant 0 : i32
      %dma_wait3A_76 = tpu.memref_slice %arg7[%mul3A_6, %dma_wait3A_75] : memref<10240x128xf32, #tpu.memory_space<vmem_shared>> -> memref<640x128xf32, #tpu.memory_space<vmem_shared>>
      %dma_wait3A_77 = arith.constant 0 : i32
      %dma_wait3A_78 = tpu.memref_slice %arg5[%mul3A_4, %dma_wait3A_77] : memref<10240x128xf32, #tpu.memory_space<hbm>> -> memref<640x128xf32, #tpu.memory_space<hbm>>
      tpu.wait_dma2 semaphore(%run_scoped3A : memref<!tpu.dma_semaphore, #tpu.memory_space<semaphore_mem>>) src(%dma_wait3A_78 : memref<640x128xf32, #tpu.memory_space<hbm>>) dst(%dma_wait3A_76 : memref<640x128xf32, #tpu.memory_space<vmem_shared>>)
      tpu.yield
    }) : () -> ()
    %barrier3A = arith.constant 0 : index
    tpu.barrier barrier_id(%barrier3A)
    %add3A_7 = arith.constant 0 : i32
    %add3A_8 = arith.addi %mul3A_2, %add3A_7 : i32
    %dma_start3A = tpu.memref_slice %arg3[%add3A_8] : memref<327680xi32, #tpu.memory_space<hbm>> -> memref<80xi32, #tpu.memory_space<hbm>>
    %dma_start3A_9 = tpu.memref_slice %arg3[%add3A_8] : memref<327680xi32, #tpu.memory_space<hbm>> -> memref<80xi32, #tpu.memory_space<hbm>>
    tpu.enqueue_dma source(%dma_start3A_9 : memref<80xi32, #tpu.memory_space<hbm>>) target(%arg8 : memref<80xi32, #tpu.memory_space<vmem>>) target_semaphore(%arg24 : memref<!tpu.dma_semaphore, #tpu.memory_space<semaphore_mem>>)
    %add3A_10 = arith.constant 80 : i32
    %add3A_11 = arith.addi %mul3A_2, %add3A_10 : i32
    %dma_start3A_12 = tpu.memref_slice %arg3[%add3A_11] : memref<327680xi32, #tpu.memory_space<hbm>> -> memref<80xi32, #tpu.memory_space<hbm>>
    %dma_start3A_13 = tpu.memref_slice %arg3[%add3A_11] : memref<327680xi32, #tpu.memory_space<hbm>> -> memref<80xi32, #tpu.memory_space<hbm>>
    tpu.enqueue_dma source(%dma_start3A_13 : memref<80xi32, #tpu.memory_space<hbm>>) target(%arg9 : memref<80xi32, #tpu.memory_space<vmem>>) target_semaphore(%arg25 : memref<!tpu.dma_semaphore, #tpu.memory_space<semaphore_mem>>)
    %add3A_14 = arith.constant 0 : i32
    %add3A_15 = arith.addi %mul3A_2, %add3A_14 : i32
    %dma_start3A_16 = tpu.memref_slice %arg4[%add3A_15] : memref<327680xi32, #tpu.memory_space<hbm>> -> memref<80xi32, #tpu.memory_space<hbm>>
    %dma_start3A_17 = tpu.memref_slice %arg4[%add3A_15] : memref<327680xi32, #tpu.memory_space<hbm>> -> memref<80xi32, #tpu.memory_space<hbm>>
    tpu.enqueue_dma source(%dma_start3A_17 : memref<80xi32, #tpu.memory_space<hbm>>) target(%arg12 : memref<80xi32, #tpu.memory_space<vmem>>) target_semaphore(%arg28 : memref<!tpu.dma_semaphore, #tpu.memory_space<semaphore_mem>>)
    %add3A_18 = arith.constant 80 : i32
    %add3A_19 = arith.addi %mul3A_2, %add3A_18 : i32
    %dma_start3A_20 = tpu.memref_slice %arg4[%add3A_19] : memref<327680xi32, #tpu.memory_space<hbm>> -> memref<80xi32, #tpu.memory_space<hbm>>
    %dma_start3A_21 = tpu.memref_slice %arg4[%add3A_19] : memref<327680xi32, #tpu.memory_space<hbm>> -> memref<80xi32, #tpu.memory_space<hbm>>
    tpu.enqueue_dma source(%dma_start3A_21 : memref<80xi32, #tpu.memory_space<hbm>>) target(%arg13 : memref<80xi32, #tpu.memory_space<vmem>>) target_semaphore(%arg29 : memref<!tpu.dma_semaphore, #tpu.memory_space<semaphore_mem>>)
    %add3A_22 = arith.constant 160 : i32
    %add3A_23 = arith.addi %mul3A_2, %add3A_22 : i32
    %dma_start3A_24 = tpu.memref_slice %arg4[%add3A_23] : memref<327680xi32, #tpu.memory_space<hbm>> -> memref<80xi32, #tpu.memory_space<hbm>>
    %dma_start3A_25 = tpu.memref_slice %arg4[%add3A_23] : memref<327680xi32, #tpu.memory_space<hbm>> -> memref<80xi32, #tpu.memory_space<hbm>>
    tpu.enqueue_dma source(%dma_start3A_25 : memref<80xi32, #tpu.memory_space<hbm>>) target(%arg14 : memref<80xi32, #tpu.memory_space<vmem>>) target_semaphore(%arg30 : memref<!tpu.dma_semaphore, #tpu.memory_space<semaphore_mem>>)
    %add3A_26 = arith.constant 240 : i32
    %add3A_27 = arith.addi %mul3A_2, %add3A_26 : i32
    %dma_start3A_28 = tpu.memref_slice %arg4[%add3A_27] : memref<327680xi32, #tpu.memory_space<hbm>> -> memref<80xi32, #tpu.memory_space<hbm>>
    %dma_start3A_29 = tpu.memref_slice %arg4[%add3A_27] : memref<327680xi32, #tpu.memory_space<hbm>> -> memref<80xi32, #tpu.memory_space<hbm>>
    tpu.enqueue_dma source(%dma_start3A_29 : memref<80xi32, #tpu.memory_space<hbm>>) target(%arg15 : memref<80xi32, #tpu.memory_space<vmem>>) target_semaphore(%arg31 : memref<!tpu.dma_semaphore, #tpu.memory_space<semaphore_mem>>)
    %scan3A = arith.constant 0 : i32
    %scan3A_30 = arith.constant 0 : i32
    %scan3A_31 = arith.constant 16 : i32
    %scan3A_32 = arith.addi %scan3A_30, %scan3A_31 : i32
    %scan3A_33 = arith.constant 1 : i32
    scf.for %scan3A_71 = %scan3A_30 to %scan3A_32 step %scan3A_33  : i32 {
      %mul3A_72 = arith.constant 8 : i32
      %mul3A_73 = arith.muli %scan3A_71, %mul3A_72 : i32
      %add3A_74 = arith.constant 0 : i32
      %add3A_75 = arith.addi %mul3A_73, %add3A_74 : i32
      %mul3A_76 = arith.constant 80 : i32
      %mul3A_77 = arith.muli %add3A_75, %mul3A_76 : i32
      %add3A_78 = arith.addi %mul3A_2, %mul3A_77 : i32
      %dma_wait3A_79 = tpu.memref_slice %arg3[%add3A_78] : memref<327680xi32, #tpu.memory_space<hbm>> -> memref<80xi32, #tpu.memory_space<hbm>>
      %dma_wait3A_80 = tpu.memref_slice %arg3[%add3A_78] : memref<327680xi32, #tpu.memory_space<hbm>> -> memref<80xi32, #tpu.memory_space<hbm>>
      tpu.wait_dma2 semaphore(%arg24 : memref<!tpu.dma_semaphore, #tpu.memory_space<semaphore_mem>>) src(%dma_wait3A_80 : memref<80xi32, #tpu.memory_space<hbm>>) dst(%arg8 : memref<80xi32, #tpu.memory_space<vmem>>)
      %mul3A_81 = arith.constant 80 : i32
      %mul3A_82 = arith.muli %add3A_75, %mul3A_81 : i32
      %add3A_83 = arith.addi %mul3A_2, %mul3A_82 : i32
      %dma_wait3A_84 = tpu.memref_slice %arg4[%add3A_83] : memref<327680xi32, #tpu.memory_space<hbm>> -> memref<80xi32, #tpu.memory_space<hbm>>
      %dma_wait3A_85 = tpu.memref_slice %arg4[%add3A_83] : memref<327680xi32, #tpu.memory_space<hbm>> -> memref<80xi32, #tpu.memory_space<hbm>>
      tpu.wait_dma2 semaphore(%arg28 : memref<!tpu.dma_semaphore, #tpu.memory_space<semaphore_mem>>) src(%dma_wait3A_85 : memref<80xi32, #tpu.memory_space<hbm>>) dst(%arg12 : memref<80xi32, #tpu.memory_space<vmem>>)
      %ge3A = arith.constant 4 : i32
      %ge3A_86 = arith.cmpi sge, %add3A_75, %ge3A : i32
      %convert_element_type3A_87 = arith.extui %ge3A_86 : i1 to i32
      %cond3A_88 = arith.constant 0 : i32
      %cond3A_89 = arith.cmpi ne, %convert_element_type3A_87, %cond3A_88 : i32
      scf.if %cond3A_89 {
        %dma_wait3A_399 = arith.constant 0 : i32
        %dma_wait3A_400 = arith.constant 0 : i32
        %dma_wait3A_401 = tpu.memref_slice %arg7[%dma_wait3A_399, %dma_wait3A_400] : memref<10240x128xf32, #tpu.memory_space<vmem_shared>> -> memref<10240x128xf32, #tpu.memory_space<vmem_shared>>
        tpu.wait_indirect_dma semaphore(%arg40 : memref<!tpu.dma_semaphore, #tpu.memory_space<semaphore_mem>>) src(%arg20 : memref<80x128xf32, #tpu.memory_space<vmem>>) dst(%dma_wait3A_401 : memref<10240x128xf32, #tpu.memory_space<vmem_shared>>)
      } else {
      }
      %dma_start3A_90 = arith.constant 0 : i32
      %dma_start3A_91 = arith.constant 0 : i32
      %dma_start3A_92 = tpu.memref_slice %arg2[%dma_start3A_90, %dma_start3A_91] : memref<10000x128xf32, #tpu.memory_space<hbm>> -> memref<10000x128xf32, #tpu.memory_space<hbm>>
      tpu.enqueue_indirect_dma source(%dma_start3A_92 : memref<10000x128xf32, #tpu.memory_space<hbm>>) target(%arg20 : memref<80x128xf32, #tpu.memory_space<vmem>>) offsets(%arg8 : memref<80xi32, #tpu.memory_space<vmem>>) semaphore(%arg36 : memref<!tpu.dma_semaphore, #tpu.memory_space<semaphore_mem>>)
      %ge3A_93 = arith.constant 3 : i32
      %ge3A_94 = arith.cmpi sge, %add3A_75, %ge3A_93 : i32
      %convert_element_type3A_95 = arith.extui %ge3A_94 : i1 to i32
      %cond3A_96 = arith.constant 0 : i32
      %cond3A_97 = arith.cmpi ne, %convert_element_type3A_95, %cond3A_96 : i32
      scf.if %cond3A_97 {
        %dma_wait3A_399 = arith.constant 0 : i32
        %dma_wait3A_400 = arith.constant 0 : i32
        %dma_wait3A_401 = tpu.memref_slice %arg2[%dma_wait3A_399, %dma_wait3A_400] : memref<10000x128xf32, #tpu.memory_space<hbm>> -> memref<10000x128xf32, #tpu.memory_space<hbm>>
        tpu.wait_indirect_dma semaphore(%arg37 : memref<!tpu.dma_semaphore, #tpu.memory_space<semaphore_mem>>) src(%dma_wait3A_401 : memref<10000x128xf32, #tpu.memory_space<hbm>>) dst(%arg21 : memref<80x128xf32, #tpu.memory_space<vmem>>)
        %dma_start3A_402 = arith.constant 0 : i32
        %dma_start3A_403 = arith.constant 0 : i32
        %dma_start3A_404 = tpu.memref_slice %arg7[%dma_start3A_402, %dma_start3A_403] : memref<10240x128xf32, #tpu.memory_space<vmem_shared>> -> memref<10240x128xf32, #tpu.memory_space<vmem_shared>>
        tpu.enqueue_indirect_dma source(%arg21 : memref<80x128xf32, #tpu.memory_space<vmem>>) target(%dma_start3A_404 : memref<10240x128xf32, #tpu.memory_space<vmem_shared>>) offsets(%arg17 : memref<80xi32, #tpu.memory_space<vmem>>) semaphore(%arg41 : memref<!tpu.dma_semaphore, #tpu.memory_space<semaphore_mem>>) {add = true}
      } else {
      }
      %add3A_98 = arith.constant 2 : i32
      %add3A_99 = arith.addi %add3A_75, %add3A_98 : i32
      %lt3A_100 = arith.constant 128 : i32
      %lt3A_101 = arith.cmpi slt, %add3A_99, %lt3A_100 : i32
      %convert_element_type3A_102 = arith.extui %lt3A_101 : i1 to i32
      %cond3A_103 = arith.constant 0 : i32
      %cond3A_104 = arith.cmpi ne, %convert_element_type3A_102, %cond3A_103 : i32
      scf.if %cond3A_104 {
        %add3A_399 = arith.constant 2 : i32
        %add3A_400 = arith.addi %add3A_75, %add3A_399 : i32
        %mul3A_401 = arith.constant 80 : i32
        %mul3A_402 = arith.muli %add3A_400, %mul3A_401 : i32
        %add3A_403 = arith.addi %mul3A_2, %mul3A_402 : i32
        %dma_start3A_404 = tpu.memref_slice %arg3[%add3A_403] : memref<327680xi32, #tpu.memory_space<hbm>> -> memref<80xi32, #tpu.memory_space<hbm>>
        %dma_start3A_405 = tpu.memref_slice %arg3[%add3A_403] : memref<327680xi32, #tpu.memory_space<hbm>> -> memref<80xi32, #tpu.memory_space<hbm>>
        tpu.enqueue_dma source(%dma_start3A_405 : memref<80xi32, #tpu.memory_space<hbm>>) target(%arg10 : memref<80xi32, #tpu.memory_space<vmem>>) target_semaphore(%arg26 : memref<!tpu.dma_semaphore, #tpu.memory_space<semaphore_mem>>)
      } else {
      }
      %add3A_105 = arith.constant 4 : i32
      %add3A_106 = arith.addi %add3A_75, %add3A_105 : i32
      %lt3A_107 = arith.constant 128 : i32
      %lt3A_108 = arith.cmpi slt, %add3A_106, %lt3A_107 : i32
      %convert_element_type3A_109 = arith.extui %lt3A_108 : i1 to i32
      %cond3A_110 = arith.constant 0 : i32
      %cond3A_111 = arith.cmpi ne, %convert_element_type3A_109, %cond3A_110 : i32
      scf.if %cond3A_111 {
        %add3A_399 = arith.constant 4 : i32
        %add3A_400 = arith.addi %add3A_75, %add3A_399 : i32
        %mul3A_401 = arith.constant 80 : i32
        %mul3A_402 = arith.muli %add3A_400, %mul3A_401 : i32
        %add3A_403 = arith.addi %mul3A_2, %mul3A_402 : i32
        %dma_start3A_404 = tpu.memref_slice %arg4[%add3A_403] : memref<327680xi32, #tpu.memory_space<hbm>> -> memref<80xi32, #tpu.memory_space<hbm>>
        %dma_start3A_405 = tpu.memref_slice %arg4[%add3A_403] : memref<327680xi32, #tpu.memory_space<hbm>> -> memref<80xi32, #tpu.memory_space<hbm>>
        tpu.enqueue_dma source(%dma_start3A_405 : memref<80xi32, #tpu.memory_space<hbm>>) target(%arg16 : memref<80xi32, #tpu.memory_space<vmem>>) target_semaphore(%arg32 : memref<!tpu.dma_semaphore, #tpu.memory_space<semaphore_mem>>)
      } else {
      }
      %mul3A_112 = arith.constant 8 : i32
      %mul3A_113 = arith.muli %scan3A_71, %mul3A_112 : i32
      %add3A_114 = arith.constant 1 : i32
      %add3A_115 = arith.addi %mul3A_113, %add3A_114 : i32
      %mul3A_116 = arith.constant 80 : i32
      %mul3A_117 = arith.muli %add3A_115, %mul3A_116 : i32
      %add3A_118 = arith.addi %mul3A_2, %mul3A_117 : i32
      %dma_wait3A_119 = tpu.memref_slice %arg3[%add3A_118] : memref<327680xi32, #tpu.memory_space<hbm>> -> memref<80xi32, #tpu.memory_space<hbm>>
      %dma_wait3A_120 = tpu.memref_slice %arg3[%add3A_118] : memref<327680xi32, #tpu.memory_space<hbm>> -> memref<80xi32, #tpu.memory_space<hbm>>
      tpu.wait_dma2 semaphore(%arg25 : memref<!tpu.dma_semaphore, #tpu.memory_space<semaphore_mem>>) src(%dma_wait3A_120 : memref<80xi32, #tpu.memory_space<hbm>>) dst(%arg9 : memref<80xi32, #tpu.memory_space<vmem>>)
      %mul3A_121 = arith.constant 80 : i32
      %mul3A_122 = arith.muli %add3A_115, %mul3A_121 : i32
      %add3A_123 = arith.addi %mul3A_2, %mul3A_122 : i32
      %dma_wait3A_124 = tpu.memref_slice %arg4[%add3A_123] : memref<327680xi32, #tpu.memory_space<hbm>> -> memref<80xi32, #tpu.memory_space<hbm>>
      %dma_wait3A_125 = tpu.memref_slice %arg4[%add3A_123] : memref<327680xi32, #tpu.memory_space<hbm>> -> memref<80xi32, #tpu.memory_space<hbm>>
      tpu.wait_dma2 semaphore(%arg29 : memref<!tpu.dma_semaphore, #tpu.memory_space<semaphore_mem>>) src(%dma_wait3A_125 : memref<80xi32, #tpu.memory_space<hbm>>) dst(%arg13 : memref<80xi32, #tpu.memory_space<vmem>>)
      %ge3A_126 = arith.constant 4 : i32
      %ge3A_127 = arith.cmpi sge, %add3A_115, %ge3A_126 : i32
      %convert_element_type3A_128 = arith.extui %ge3A_127 : i1 to i32
      %cond3A_129 = arith.constant 0 : i32
      %cond3A_130 = arith.cmpi ne, %convert_element_type3A_128, %cond3A_129 : i32
      scf.if %cond3A_130 {
        %dma_wait3A_399 = arith.constant 0 : i32
        %dma_wait3A_400 = arith.constant 0 : i32
        %dma_wait3A_401 = tpu.memref_slice %arg7[%dma_wait3A_399, %dma_wait3A_400] : memref<10240x128xf32, #tpu.memory_space<vmem_shared>> -> memref<10240x128xf32, #tpu.memory_space<vmem_shared>>
        tpu.wait_indirect_dma semaphore(%arg41 : memref<!tpu.dma_semaphore, #tpu.memory_space<semaphore_mem>>) src(%arg21 : memref<80x128xf32, #tpu.memory_space<vmem>>) dst(%dma_wait3A_401 : memref<10240x128xf32, #tpu.memory_space<vmem_shared>>)
      } else {
      }
      %dma_start3A_131 = arith.constant 0 : i32
      %dma_start3A_132 = arith.constant 0 : i32
      %dma_start3A_133 = tpu.memref_slice %arg2[%dma_start3A_131, %dma_start3A_132] : memref<10000x128xf32, #tpu.memory_space<hbm>> -> memref<10000x128xf32, #tpu.memory_space<hbm>>
      tpu.enqueue_indirect_dma source(%dma_start3A_133 : memref<10000x128xf32, #tpu.memory_space<hbm>>) target(%arg21 : memref<80x128xf32, #tpu.memory_space<vmem>>) offsets(%arg9 : memref<80xi32, #tpu.memory_space<vmem>>) semaphore(%arg37 : memref<!tpu.dma_semaphore, #tpu.memory_space<semaphore_mem>>)
      %ge3A_134 = arith.constant 3 : i32
      %ge3A_135 = arith.cmpi sge, %add3A_115, %ge3A_134 : i32
      %convert_element_type3A_136 = arith.extui %ge3A_135 : i1 to i32
      %cond3A_137 = arith.constant 0 : i32
      %cond3A_138 = arith.cmpi ne, %convert_element_type3A_136, %cond3A_137 : i32
      scf.if %cond3A_138 {
        %dma_wait3A_399 = arith.constant 0 : i32
        %dma_wait3A_400 = arith.constant 0 : i32
        %dma_wait3A_401 = tpu.memref_slice %arg2[%dma_wait3A_399, %dma_wait3A_400] : memref<10000x128xf32, #tpu.memory_space<hbm>> -> memref<10000x128xf32, #tpu.memory_space<hbm>>
        tpu.wait_indirect_dma semaphore(%arg38 : memref<!tpu.dma_semaphore, #tpu.memory_space<semaphore_mem>>) src(%dma_wait3A_401 : memref<10000x128xf32, #tpu.memory_space<hbm>>) dst(%arg22 : memref<80x128xf32, #tpu.memory_space<vmem>>)
        %dma_start3A_402 = arith.constant 0 : i32
        %dma_start3A_403 = arith.constant 0 : i32
        %dma_start3A_404 = tpu.memref_slice %arg7[%dma_start3A_402, %dma_start3A_403] : memref<10240x128xf32, #tpu.memory_space<vmem_shared>> -> memref<10240x128xf32, #tpu.memory_space<vmem_shared>>
        tpu.enqueue_indirect_dma source(%arg22 : memref<80x128xf32, #tpu.memory_space<vmem>>) target(%dma_start3A_404 : memref<10240x128xf32, #tpu.memory_space<vmem_shared>>) offsets(%arg18 : memref<80xi32, #tpu.memory_space<vmem>>) semaphore(%arg42 : memref<!tpu.dma_semaphore, #tpu.memory_space<semaphore_mem>>) {add = true}
      } else {
      }
      %add3A_139 = arith.constant 2 : i32
      %add3A_140 = arith.addi %add3A_115, %add3A_139 : i32
      %lt3A_141 = arith.constant 128 : i32
      %lt3A_142 = arith.cmpi slt, %add3A_140, %lt3A_141 : i32
      %convert_element_type3A_143 = arith.extui %lt3A_142 : i1 to i32
      %cond3A_144 = arith.constant 0 : i32
      %cond3A_145 = arith.cmpi ne, %convert_element_type3A_143, %cond3A_144 : i32
      scf.if %cond3A_145 {
        %add3A_399 = arith.constant 2 : i32
        %add3A_400 = arith.addi %add3A_115, %add3A_399 : i32
        %mul3A_401 = arith.constant 80 : i32
        %mul3A_402 = arith.muli %add3A_400, %mul3A_401 : i32
        %add3A_403 = arith.addi %mul3A_2, %mul3A_402 : i32
        %dma_start3A_404 = tpu.memref_slice %arg3[%add3A_403] : memref<327680xi32, #tpu.memory_space<hbm>> -> memref<80xi32, #tpu.memory_space<hbm>>
        %dma_start3A_405 = tpu.memref_slice %arg3[%add3A_403] : memref<327680xi32, #tpu.memory_space<hbm>> -> memref<80xi32, #tpu.memory_space<hbm>>
        tpu.enqueue_dma source(%dma_start3A_405 : memref<80xi32, #tpu.memory_space<hbm>>) target(%arg11 : memref<80xi32, #tpu.memory_space<vmem>>) target_semaphore(%arg27 : memref<!tpu.dma_semaphore, #tpu.memory_space<semaphore_mem>>)
      } else {
      }
      %add3A_146 = arith.constant 4 : i32
      %add3A_147 = arith.addi %add3A_115, %add3A_146 : i32
      %lt3A_148 = arith.constant 128 : i32
      %lt3A_149 = arith.cmpi slt, %add3A_147, %lt3A_148 : i32
      %convert_element_type3A_150 = arith.extui %lt3A_149 : i1 to i32
      %cond3A_151 = arith.constant 0 : i32
      %cond3A_152 = arith.cmpi ne, %convert_element_type3A_150, %cond3A_151 : i32
      scf.if %cond3A_152 {
        %add3A_399 = arith.constant 4 : i32
        %add3A_400 = arith.addi %add3A_115, %add3A_399 : i32
        %mul3A_401 = arith.constant 80 : i32
        %mul3A_402 = arith.muli %add3A_400, %mul3A_401 : i32
        %add3A_403 = arith.addi %mul3A_2, %mul3A_402 : i32
        %dma_start3A_404 = tpu.memref_slice %arg4[%add3A_403] : memref<327680xi32, #tpu.memory_space<hbm>> -> memref<80xi32, #tpu.memory_space<hbm>>
        %dma_start3A_405 = tpu.memref_slice %arg4[%add3A_403] : memref<327680xi32, #tpu.memory_space<hbm>> -> memref<80xi32, #tpu.memory_space<hbm>>
        tpu.enqueue_dma source(%dma_start3A_405 : memref<80xi32, #tpu.memory_space<hbm>>) target(%arg17 : memref<80xi32, #tpu.memory_space<vmem>>) target_semaphore(%arg33 : memref<!tpu.dma_semaphore, #tpu.memory_space<semaphore_mem>>)
      } else {
      }
      %mul3A_153 = arith.constant 8 : i32
      %mul3A_154 = arith.muli %scan3A_71, %mul3A_153 : i32
      %add3A_155 = arith.constant 2 : i32
      %add3A_156 = arith.addi %mul3A_154, %add3A_155 : i32
      %mul3A_157 = arith.constant 80 : i32
      %mul3A_158 = arith.muli %add3A_156, %mul3A_157 : i32
      %add3A_159 = arith.addi %mul3A_2, %mul3A_158 : i32
      %dma_wait3A_160 = tpu.memref_slice %arg3[%add3A_159] : memref<327680xi32, #tpu.memory_space<hbm>> -> memref<80xi32, #tpu.memory_space<hbm>>
      %dma_wait3A_161 = tpu.memref_slice %arg3[%add3A_159] : memref<327680xi32, #tpu.memory_space<hbm>> -> memref<80xi32, #tpu.memory_space<hbm>>
      tpu.wait_dma2 semaphore(%arg26 : memref<!tpu.dma_semaphore, #tpu.memory_space<semaphore_mem>>) src(%dma_wait3A_161 : memref<80xi32, #tpu.memory_space<hbm>>) dst(%arg10 : memref<80xi32, #tpu.memory_space<vmem>>)
      %mul3A_162 = arith.constant 80 : i32
      %mul3A_163 = arith.muli %add3A_156, %mul3A_162 : i32
      %add3A_164 = arith.addi %mul3A_2, %mul3A_163 : i32
      %dma_wait3A_165 = tpu.memref_slice %arg4[%add3A_164] : memref<327680xi32, #tpu.memory_space<hbm>> -> memref<80xi32, #tpu.memory_space<hbm>>
      %dma_wait3A_166 = tpu.memref_slice %arg4[%add3A_164] : memref<327680xi32, #tpu.memory_space<hbm>> -> memref<80xi32, #tpu.memory_space<hbm>>
      tpu.wait_dma2 semaphore(%arg30 : memref<!tpu.dma_semaphore, #tpu.memory_space<semaphore_mem>>) src(%dma_wait3A_166 : memref<80xi32, #tpu.memory_space<hbm>>) dst(%arg14 : memref<80xi32, #tpu.memory_space<vmem>>)
      %ge3A_167 = arith.constant 4 : i32
      %ge3A_168 = arith.cmpi sge, %add3A_156, %ge3A_167 : i32
      %convert_element_type3A_169 = arith.extui %ge3A_168 : i1 to i32
      %cond3A_170 = arith.constant 0 : i32
      %cond3A_171 = arith.cmpi ne, %convert_element_type3A_169, %cond3A_170 : i32
      scf.if %cond3A_171 {
        %dma_wait3A_399 = arith.constant 0 : i32
        %dma_wait3A_400 = arith.constant 0 : i32
        %dma_wait3A_401 = tpu.memref_slice %arg7[%dma_wait3A_399, %dma_wait3A_400] : memref<10240x128xf32, #tpu.memory_space<vmem_shared>> -> memref<10240x128xf32, #tpu.memory_space<vmem_shared>>
        tpu.wait_indirect_dma semaphore(%arg42 : memref<!tpu.dma_semaphore, #tpu.memory_space<semaphore_mem>>) src(%arg22 : memref<80x128xf32, #tpu.memory_space<vmem>>) dst(%dma_wait3A_401 : memref<10240x128xf32, #tpu.memory_space<vmem_shared>>)
      } else {
      }
      %dma_start3A_172 = arith.constant 0 : i32
      %dma_start3A_173 = arith.constant 0 : i32
      %dma_start3A_174 = tpu.memref_slice %arg2[%dma_start3A_172, %dma_start3A_173] : memref<10000x128xf32, #tpu.memory_space<hbm>> -> memref<10000x128xf32, #tpu.memory_space<hbm>>
      tpu.enqueue_indirect_dma source(%dma_start3A_174 : memref<10000x128xf32, #tpu.memory_space<hbm>>) target(%arg22 : memref<80x128xf32, #tpu.memory_space<vmem>>) offsets(%arg10 : memref<80xi32, #tpu.memory_space<vmem>>) semaphore(%arg38 : memref<!tpu.dma_semaphore, #tpu.memory_space<semaphore_mem>>)
      %ge3A_175 = arith.constant 3 : i32
      %ge3A_176 = arith.cmpi sge, %add3A_156, %ge3A_175 : i32
      %convert_element_type3A_177 = arith.extui %ge3A_176 : i1 to i32
      %cond3A_178 = arith.constant 0 : i32
      %cond3A_179 = arith.cmpi ne, %convert_element_type3A_177, %cond3A_178 : i32
      scf.if %cond3A_179 {
        %dma_wait3A_399 = arith.constant 0 : i32
        %dma_wait3A_400 = arith.constant 0 : i32
        %dma_wait3A_401 = tpu.memref_slice %arg2[%dma_wait3A_399, %dma_wait3A_400] : memref<10000x128xf32, #tpu.memory_space<hbm>> -> memref<10000x128xf32, #tpu.memory_space<hbm>>
        tpu.wait_indirect_dma semaphore(%arg39 : memref<!tpu.dma_semaphore, #tpu.memory_space<semaphore_mem>>) src(%dma_wait3A_401 : memref<10000x128xf32, #tpu.memory_space<hbm>>) dst(%arg23 : memref<80x128xf32, #tpu.memory_space<vmem>>)
        %dma_start3A_402 = arith.constant 0 : i32
        %dma_start3A_403 = arith.constant 0 : i32
        %dma_start3A_404 = tpu.memref_slice %arg7[%dma_start3A_402, %dma_start3A_403] : memref<10240x128xf32, #tpu.memory_space<vmem_shared>> -> memref<10240x128xf32, #tpu.memory_space<vmem_shared>>
        tpu.enqueue_indirect_dma source(%arg23 : memref<80x128xf32, #tpu.memory_space<vmem>>) target(%dma_start3A_404 : memref<10240x128xf32, #tpu.memory_space<vmem_shared>>) offsets(%arg19 : memref<80xi32, #tpu.memory_space<vmem>>) semaphore(%arg43 : memref<!tpu.dma_semaphore, #tpu.memory_space<semaphore_mem>>) {add = true}
      } else {
      }
      %add3A_180 = arith.constant 2 : i32
      %add3A_181 = arith.addi %add3A_156, %add3A_180 : i32
      %lt3A_182 = arith.constant 128 : i32
      %lt3A_183 = arith.cmpi slt, %add3A_181, %lt3A_182 : i32
      %convert_element_type3A_184 = arith.extui %lt3A_183 : i1 to i32
      %cond3A_185 = arith.constant 0 : i32
      %cond3A_186 = arith.cmpi ne, %convert_element_type3A_184, %cond3A_185 : i32
      scf.if %cond3A_186 {
        %add3A_399 = arith.constant 2 : i32
        %add3A_400 = arith.addi %add3A_156, %add3A_399 : i32
        %mul3A_401 = arith.constant 80 : i32
        %mul3A_402 = arith.muli %add3A_400, %mul3A_401 : i32
        %add3A_403 = arith.addi %mul3A_2, %mul3A_402 : i32
        %dma_start3A_404 = tpu.memref_slice %arg3[%add3A_403] : memref<327680xi32, #tpu.memory_space<hbm>> -> memref<80xi32, #tpu.memory_space<hbm>>
        %dma_start3A_405 = tpu.memref_slice %arg3[%add3A_403] : memref<327680xi32, #tpu.memory_space<hbm>> -> memref<80xi32, #tpu.memory_space<hbm>>
        tpu.enqueue_dma source(%dma_start3A_405 : memref<80xi32, #tpu.memory_space<hbm>>) target(%arg8 : memref<80xi32, #tpu.memory_space<vmem>>) target_semaphore(%arg24 : memref<!tpu.dma_semaphore, #tpu.memory_space<semaphore_mem>>)
      } else {
      }
      %add3A_187 = arith.constant 4 : i32
      %add3A_188 = arith.addi %add3A_156, %add3A_187 : i32
      %lt3A_189 = arith.constant 128 : i32
      %lt3A_190 = arith.cmpi slt, %add3A_188, %lt3A_189 : i32
      %convert_element_type3A_191 = arith.extui %lt3A_190 : i1 to i32
      %cond3A_192 = arith.constant 0 : i32
      %cond3A_193 = arith.cmpi ne, %convert_element_type3A_191, %cond3A_192 : i32
      scf.if %cond3A_193 {
        %add3A_399 = arith.constant 4 : i32
        %add3A_400 = arith.addi %add3A_156, %add3A_399 : i32
        %mul3A_401 = arith.constant 80 : i32
        %mul3A_402 = arith.muli %add3A_400, %mul3A_401 : i32
        %add3A_403 = arith.addi %mul3A_2, %mul3A_402 : i32
        %dma_start3A_404 = tpu.memref_slice %arg4[%add3A_403] : memref<327680xi32, #tpu.memory_space<hbm>> -> memref<80xi32, #tpu.memory_space<hbm>>
        %dma_start3A_405 = tpu.memref_slice %arg4[%add3A_403] : memref<327680xi32, #tpu.memory_space<hbm>> -> memref<80xi32, #tpu.memory_space<hbm>>
        tpu.enqueue_dma source(%dma_start3A_405 : memref<80xi32, #tpu.memory_space<hbm>>) target(%arg18 : memref<80xi32, #tpu.memory_space<vmem>>) target_semaphore(%arg34 : memref<!tpu.dma_semaphore, #tpu.memory_space<semaphore_mem>>)
      } else {
      }
      %mul3A_194 = arith.constant 8 : i32
      %mul3A_195 = arith.muli %scan3A_71, %mul3A_194 : i32
      %add3A_196 = arith.constant 3 : i32
      %add3A_197 = arith.addi %mul3A_195, %add3A_196 : i32
      %mul3A_198 = arith.constant 80 : i32
      %mul3A_199 = arith.muli %add3A_197, %mul3A_198 : i32
      %add3A_200 = arith.addi %mul3A_2, %mul3A_199 : i32
      %dma_wait3A_201 = tpu.memref_slice %arg3[%add3A_200] : memref<327680xi32, #tpu.memory_space<hbm>> -> memref<80xi32, #tpu.memory_space<hbm>>
      %dma_wait3A_202 = tpu.memref_slice %arg3[%add3A_200] : memref<327680xi32, #tpu.memory_space<hbm>> -> memref<80xi32, #tpu.memory_space<hbm>>
      tpu.wait_dma2 semaphore(%arg27 : memref<!tpu.dma_semaphore, #tpu.memory_space<semaphore_mem>>) src(%dma_wait3A_202 : memref<80xi32, #tpu.memory_space<hbm>>) dst(%arg11 : memref<80xi32, #tpu.memory_space<vmem>>)
      %mul3A_203 = arith.constant 80 : i32
      %mul3A_204 = arith.muli %add3A_197, %mul3A_203 : i32
      %add3A_205 = arith.addi %mul3A_2, %mul3A_204 : i32
      %dma_wait3A_206 = tpu.memref_slice %arg4[%add3A_205] : memref<327680xi32, #tpu.memory_space<hbm>> -> memref<80xi32, #tpu.memory_space<hbm>>
      %dma_wait3A_207 = tpu.memref_slice %arg4[%add3A_205] : memref<327680xi32, #tpu.memory_space<hbm>> -> memref<80xi32, #tpu.memory_space<hbm>>
      tpu.wait_dma2 semaphore(%arg31 : memref<!tpu.dma_semaphore, #tpu.memory_space<semaphore_mem>>) src(%dma_wait3A_207 : memref<80xi32, #tpu.memory_space<hbm>>) dst(%arg15 : memref<80xi32, #tpu.memory_space<vmem>>)
      %ge3A_208 = arith.constant 4 : i32
      %ge3A_209 = arith.cmpi sge, %add3A_197, %ge3A_208 : i32
      %convert_element_type3A_210 = arith.extui %ge3A_209 : i1 to i32
      %cond3A_211 = arith.constant 0 : i32
      %cond3A_212 = arith.cmpi ne, %convert_element_type3A_210, %cond3A_211 : i32
      scf.if %cond3A_212 {
        %dma_wait3A_399 = arith.constant 0 : i32
        %dma_wait3A_400 = arith.constant 0 : i32
        %dma_wait3A_401 = tpu.memref_slice %arg7[%dma_wait3A_399, %dma_wait3A_400] : memref<10240x128xf32, #tpu.memory_space<vmem_shared>> -> memref<10240x128xf32, #tpu.memory_space<vmem_shared>>
        tpu.wait_indirect_dma semaphore(%arg43 : memref<!tpu.dma_semaphore, #tpu.memory_space<semaphore_mem>>) src(%arg23 : memref<80x128xf32, #tpu.memory_space<vmem>>) dst(%dma_wait3A_401 : memref<10240x128xf32, #tpu.memory_space<vmem_shared>>)
      } else {
      }
      %dma_start3A_213 = arith.constant 0 : i32
      %dma_start3A_214 = arith.constant 0 : i32
      %dma_start3A_215 = tpu.memref_slice %arg2[%dma_start3A_213, %dma_start3A_214] : memref<10000x128xf32, #tpu.memory_space<hbm>> -> memref<10000x128xf32, #tpu.memory_space<hbm>>
      tpu.enqueue_indirect_dma source(%dma_start3A_215 : memref<10000x128xf32, #tpu.memory_space<hbm>>) target(%arg23 : memref<80x128xf32, #tpu.memory_space<vmem>>) offsets(%arg11 : memref<80xi32, #tpu.memory_space<vmem>>) semaphore(%arg39 : memref<!tpu.dma_semaphore, #tpu.memory_space<semaphore_mem>>)
      %ge3A_216 = arith.constant 3 : i32
      %ge3A_217 = arith.cmpi sge, %add3A_197, %ge3A_216 : i32
      %convert_element_type3A_218 = arith.extui %ge3A_217 : i1 to i32
      %cond3A_219 = arith.constant 0 : i32
      %cond3A_220 = arith.cmpi ne, %convert_element_type3A_218, %cond3A_219 : i32
      scf.if %cond3A_220 {
        %dma_wait3A_399 = arith.constant 0 : i32
        %dma_wait3A_400 = arith.constant 0 : i32
        %dma_wait3A_401 = tpu.memref_slice %arg2[%dma_wait3A_399, %dma_wait3A_400] : memref<10000x128xf32, #tpu.memory_space<hbm>> -> memref<10000x128xf32, #tpu.memory_space<hbm>>
        tpu.wait_indirect_dma semaphore(%arg36 : memref<!tpu.dma_semaphore, #tpu.memory_space<semaphore_mem>>) src(%dma_wait3A_401 : memref<10000x128xf32, #tpu.memory_space<hbm>>) dst(%arg20 : memref<80x128xf32, #tpu.memory_space<vmem>>)
        %dma_start3A_402 = arith.constant 0 : i32
        %dma_start3A_403 = arith.constant 0 : i32
        %dma_start3A_404 = tpu.memref_slice %arg7[%dma_start3A_402, %dma_start3A_403] : memref<10240x128xf32, #tpu.memory_space<vmem_shared>> -> memref<10240x128xf32, #tpu.memory_space<vmem_shared>>
        tpu.enqueue_indirect_dma source(%arg20 : memref<80x128xf32, #tpu.memory_space<vmem>>) target(%dma_start3A_404 : memref<10240x128xf32, #tpu.memory_space<vmem_shared>>) offsets(%arg12 : memref<80xi32, #tpu.memory_space<vmem>>) semaphore(%arg40 : memref<!tpu.dma_semaphore, #tpu.memory_space<semaphore_mem>>) {add = true}
      } else {
      }
      %add3A_221 = arith.constant 2 : i32
      %add3A_222 = arith.addi %add3A_197, %add3A_221 : i32
      %lt3A_223 = arith.constant 128 : i32
      %lt3A_224 = arith.cmpi slt, %add3A_222, %lt3A_223 : i32
      %convert_element_type3A_225 = arith.extui %lt3A_224 : i1 to i32
      %cond3A_226 = arith.constant 0 : i32
      %cond3A_227 = arith.cmpi ne, %convert_element_type3A_225, %cond3A_226 : i32
      scf.if %cond3A_227 {
        %add3A_399 = arith.constant 2 : i32
        %add3A_400 = arith.addi %add3A_197, %add3A_399 : i32
        %mul3A_401 = arith.constant 80 : i32
        %mul3A_402 = arith.muli %add3A_400, %mul3A_401 : i32
        %add3A_403 = arith.addi %mul3A_2, %mul3A_402 : i32
        %dma_start3A_404 = tpu.memref_slice %arg3[%add3A_403] : memref<327680xi32, #tpu.memory_space<hbm>> -> memref<80xi32, #tpu.memory_space<hbm>>
        %dma_start3A_405 = tpu.memref_slice %arg3[%add3A_403] : memref<327680xi32, #tpu.memory_space<hbm>> -> memref<80xi32, #tpu.memory_space<hbm>>
        tpu.enqueue_dma source(%dma_start3A_405 : memref<80xi32, #tpu.memory_space<hbm>>) target(%arg9 : memref<80xi32, #tpu.memory_space<vmem>>) target_semaphore(%arg25 : memref<!tpu.dma_semaphore, #tpu.memory_space<semaphore_mem>>)
      } else {
      }
      %add3A_228 = arith.constant 4 : i32
      %add3A_229 = arith.addi %add3A_197, %add3A_228 : i32
      %lt3A_230 = arith.constant 128 : i32
      %lt3A_231 = arith.cmpi slt, %add3A_229, %lt3A_230 : i32
      %convert_element_type3A_232 = arith.extui %lt3A_231 : i1 to i32
      %cond3A_233 = arith.constant 0 : i32
      %cond3A_234 = arith.cmpi ne, %convert_element_type3A_232, %cond3A_233 : i32
      scf.if %cond3A_234 {
        %add3A_399 = arith.constant 4 : i32
        %add3A_400 = arith.addi %add3A_197, %add3A_399 : i32
        %mul3A_401 = arith.constant 80 : i32
        %mul3A_402 = arith.muli %add3A_400, %mul3A_401 : i32
        %add3A_403 = arith.addi %mul3A_2, %mul3A_402 : i32
        %dma_start3A_404 = tpu.memref_slice %arg4[%add3A_403] : memref<327680xi32, #tpu.memory_space<hbm>> -> memref<80xi32, #tpu.memory_space<hbm>>
        %dma_start3A_405 = tpu.memref_slice %arg4[%add3A_403] : memref<327680xi32, #tpu.memory_space<hbm>> -> memref<80xi32, #tpu.memory_space<hbm>>
        tpu.enqueue_dma source(%dma_start3A_405 : memref<80xi32, #tpu.memory_space<hbm>>) target(%arg19 : memref<80xi32, #tpu.memory_space<vmem>>) target_semaphore(%arg35 : memref<!tpu.dma_semaphore, #tpu.memory_space<semaphore_mem>>)
      } else {
      }
      %mul3A_235 = arith.constant 8 : i32
      %mul3A_236 = arith.muli %scan3A_71, %mul3A_235 : i32
      %add3A_237 = arith.constant 4 : i32
      %add3A_238 = arith.addi %mul3A_236, %add3A_237 : i32
      %mul3A_239 = arith.constant 80 : i32
      %mul3A_240 = arith.muli %add3A_238, %mul3A_239 : i32
      %add3A_241 = arith.addi %mul3A_2, %mul3A_240 : i32
      %dma_wait3A_242 = tpu.memref_slice %arg3[%add3A_241] : memref<327680xi32, #tpu.memory_space<hbm>> -> memref<80xi32, #tpu.memory_space<hbm>>
      %dma_wait3A_243 = tpu.memref_slice %arg3[%add3A_241] : memref<327680xi32, #tpu.memory_space<hbm>> -> memref<80xi32, #tpu.memory_space<hbm>>
      tpu.wait_dma2 semaphore(%arg24 : memref<!tpu.dma_semaphore, #tpu.memory_space<semaphore_mem>>) src(%dma_wait3A_243 : memref<80xi32, #tpu.memory_space<hbm>>) dst(%arg8 : memref<80xi32, #tpu.memory_space<vmem>>)
      %mul3A_244 = arith.constant 80 : i32
      %mul3A_245 = arith.muli %add3A_238, %mul3A_244 : i32
      %add3A_246 = arith.addi %mul3A_2, %mul3A_245 : i32
      %dma_wait3A_247 = tpu.memref_slice %arg4[%add3A_246] : memref<327680xi32, #tpu.memory_space<hbm>> -> memref<80xi32, #tpu.memory_space<hbm>>
      %dma_wait3A_248 = tpu.memref_slice %arg4[%add3A_246] : memref<327680xi32, #tpu.memory_space<hbm>> -> memref<80xi32, #tpu.memory_space<hbm>>
      tpu.wait_dma2 semaphore(%arg32 : memref<!tpu.dma_semaphore, #tpu.memory_space<semaphore_mem>>) src(%dma_wait3A_248 : memref<80xi32, #tpu.memory_space<hbm>>) dst(%arg16 : memref<80xi32, #tpu.memory_space<vmem>>)
      %ge3A_249 = arith.constant 4 : i32
      %ge3A_250 = arith.cmpi sge, %add3A_238, %ge3A_249 : i32
      %convert_element_type3A_251 = arith.extui %ge3A_250 : i1 to i32
      %cond3A_252 = arith.constant 0 : i32
      %cond3A_253 = arith.cmpi ne, %convert_element_type3A_251, %cond3A_252 : i32
      scf.if %cond3A_253 {
        %dma_wait3A_399 = arith.constant 0 : i32
        %dma_wait3A_400 = arith.constant 0 : i32
        %dma_wait3A_401 = tpu.memref_slice %arg7[%dma_wait3A_399, %dma_wait3A_400] : memref<10240x128xf32, #tpu.memory_space<vmem_shared>> -> memref<10240x128xf32, #tpu.memory_space<vmem_shared>>
        tpu.wait_indirect_dma semaphore(%arg40 : memref<!tpu.dma_semaphore, #tpu.memory_space<semaphore_mem>>) src(%arg20 : memref<80x128xf32, #tpu.memory_space<vmem>>) dst(%dma_wait3A_401 : memref<10240x128xf32, #tpu.memory_space<vmem_shared>>)
      } else {
      }
      %dma_start3A_254 = arith.constant 0 : i32
      %dma_start3A_255 = arith.constant 0 : i32
      %dma_start3A_256 = tpu.memref_slice %arg2[%dma_start3A_254, %dma_start3A_255] : memref<10000x128xf32, #tpu.memory_space<hbm>> -> memref<10000x128xf32, #tpu.memory_space<hbm>>
      tpu.enqueue_indirect_dma source(%dma_start3A_256 : memref<10000x128xf32, #tpu.memory_space<hbm>>) target(%arg20 : memref<80x128xf32, #tpu.memory_space<vmem>>) offsets(%arg8 : memref<80xi32, #tpu.memory_space<vmem>>) semaphore(%arg36 : memref<!tpu.dma_semaphore, #tpu.memory_space<semaphore_mem>>)
      %ge3A_257 = arith.constant 3 : i32
      %ge3A_258 = arith.cmpi sge, %add3A_238, %ge3A_257 : i32
      %convert_element_type3A_259 = arith.extui %ge3A_258 : i1 to i32
      %cond3A_260 = arith.constant 0 : i32
      %cond3A_261 = arith.cmpi ne, %convert_element_type3A_259, %cond3A_260 : i32
      scf.if %cond3A_261 {
        %dma_wait3A_399 = arith.constant 0 : i32
        %dma_wait3A_400 = arith.constant 0 : i32
        %dma_wait3A_401 = tpu.memref_slice %arg2[%dma_wait3A_399, %dma_wait3A_400] : memref<10000x128xf32, #tpu.memory_space<hbm>> -> memref<10000x128xf32, #tpu.memory_space<hbm>>
        tpu.wait_indirect_dma semaphore(%arg37 : memref<!tpu.dma_semaphore, #tpu.memory_space<semaphore_mem>>) src(%dma_wait3A_401 : memref<10000x128xf32, #tpu.memory_space<hbm>>) dst(%arg21 : memref<80x128xf32, #tpu.memory_space<vmem>>)
        %dma_start3A_402 = arith.constant 0 : i32
        %dma_start3A_403 = arith.constant 0 : i32
        %dma_start3A_404 = tpu.memref_slice %arg7[%dma_start3A_402, %dma_start3A_403] : memref<10240x128xf32, #tpu.memory_space<vmem_shared>> -> memref<10240x128xf32, #tpu.memory_space<vmem_shared>>
        tpu.enqueue_indirect_dma source(%arg21 : memref<80x128xf32, #tpu.memory_space<vmem>>) target(%dma_start3A_404 : memref<10240x128xf32, #tpu.memory_space<vmem_shared>>) offsets(%arg13 : memref<80xi32, #tpu.memory_space<vmem>>) semaphore(%arg41 : memref<!tpu.dma_semaphore, #tpu.memory_space<semaphore_mem>>) {add = true}
      } else {
      }
      %add3A_262 = arith.constant 2 : i32
      %add3A_263 = arith.addi %add3A_238, %add3A_262 : i32
      %lt3A_264 = arith.constant 128 : i32
      %lt3A_265 = arith.cmpi slt, %add3A_263, %lt3A_264 : i32
      %convert_element_type3A_266 = arith.extui %lt3A_265 : i1 to i32
      %cond3A_267 = arith.constant 0 : i32
      %cond3A_268 = arith.cmpi ne, %convert_element_type3A_266, %cond3A_267 : i32
      scf.if %cond3A_268 {
        %add3A_399 = arith.constant 2 : i32
        %add3A_400 = arith.addi %add3A_238, %add3A_399 : i32
        %mul3A_401 = arith.constant 80 : i32
        %mul3A_402 = arith.muli %add3A_400, %mul3A_401 : i32
        %add3A_403 = arith.addi %mul3A_2, %mul3A_402 : i32
        %dma_start3A_404 = tpu.memref_slice %arg3[%add3A_403] : memref<327680xi32, #tpu.memory_space<hbm>> -> memref<80xi32, #tpu.memory_space<hbm>>
        %dma_start3A_405 = tpu.memref_slice %arg3[%add3A_403] : memref<327680xi32, #tpu.memory_space<hbm>> -> memref<80xi32, #tpu.memory_space<hbm>>
        tpu.enqueue_dma source(%dma_start3A_405 : memref<80xi32, #tpu.memory_space<hbm>>) target(%arg10 : memref<80xi32, #tpu.memory_space<vmem>>) target_semaphore(%arg26 : memref<!tpu.dma_semaphore, #tpu.memory_space<semaphore_mem>>)
      } else {
      }
      %add3A_269 = arith.constant 4 : i32
      %add3A_270 = arith.addi %add3A_238, %add3A_269 : i32
      %lt3A_271 = arith.constant 128 : i32
      %lt3A_272 = arith.cmpi slt, %add3A_270, %lt3A_271 : i32
      %convert_element_type3A_273 = arith.extui %lt3A_272 : i1 to i32
      %cond3A_274 = arith.constant 0 : i32
      %cond3A_275 = arith.cmpi ne, %convert_element_type3A_273, %cond3A_274 : i32
      scf.if %cond3A_275 {
        %add3A_399 = arith.constant 4 : i32
        %add3A_400 = arith.addi %add3A_238, %add3A_399 : i32
        %mul3A_401 = arith.constant 80 : i32
        %mul3A_402 = arith.muli %add3A_400, %mul3A_401 : i32
        %add3A_403 = arith.addi %mul3A_2, %mul3A_402 : i32
        %dma_start3A_404 = tpu.memref_slice %arg4[%add3A_403] : memref<327680xi32, #tpu.memory_space<hbm>> -> memref<80xi32, #tpu.memory_space<hbm>>
        %dma_start3A_405 = tpu.memref_slice %arg4[%add3A_403] : memref<327680xi32, #tpu.memory_space<hbm>> -> memref<80xi32, #tpu.memory_space<hbm>>
        tpu.enqueue_dma source(%dma_start3A_405 : memref<80xi32, #tpu.memory_space<hbm>>) target(%arg12 : memref<80xi32, #tpu.memory_space<vmem>>) target_semaphore(%arg28 : memref<!tpu.dma_semaphore, #tpu.memory_space<semaphore_mem>>)
      } else {
      }
      %mul3A_276 = arith.constant 8 : i32
      %mul3A_277 = arith.muli %scan3A_71, %mul3A_276 : i32
      %add3A_278 = arith.constant 5 : i32
      %add3A_279 = arith.addi %mul3A_277, %add3A_278 : i32
      %mul3A_280 = arith.constant 80 : i32
      %mul3A_281 = arith.muli %add3A_279, %mul3A_280 : i32
      %add3A_282 = arith.addi %mul3A_2, %mul3A_281 : i32
      %dma_wait3A_283 = tpu.memref_slice %arg3[%add3A_282] : memref<327680xi32, #tpu.memory_space<hbm>> -> memref<80xi32, #tpu.memory_space<hbm>>
      %dma_wait3A_284 = tpu.memref_slice %arg3[%add3A_282] : memref<327680xi32, #tpu.memory_space<hbm>> -> memref<80xi32, #tpu.memory_space<hbm>>
      tpu.wait_dma2 semaphore(%arg25 : memref<!tpu.dma_semaphore, #tpu.memory_space<semaphore_mem>>) src(%dma_wait3A_284 : memref<80xi32, #tpu.memory_space<hbm>>) dst(%arg9 : memref<80xi32, #tpu.memory_space<vmem>>)
      %mul3A_285 = arith.constant 80 : i32
      %mul3A_286 = arith.muli %add3A_279, %mul3A_285 : i32
      %add3A_287 = arith.addi %mul3A_2, %mul3A_286 : i32
      %dma_wait3A_288 = tpu.memref_slice %arg4[%add3A_287] : memref<327680xi32, #tpu.memory_space<hbm>> -> memref<80xi32, #tpu.memory_space<hbm>>
      %dma_wait3A_289 = tpu.memref_slice %arg4[%add3A_287] : memref<327680xi32, #tpu.memory_space<hbm>> -> memref<80xi32, #tpu.memory_space<hbm>>
      tpu.wait_dma2 semaphore(%arg33 : memref<!tpu.dma_semaphore, #tpu.memory_space<semaphore_mem>>) src(%dma_wait3A_289 : memref<80xi32, #tpu.memory_space<hbm>>) dst(%arg17 : memref<80xi32, #tpu.memory_space<vmem>>)
      %ge3A_290 = arith.constant 4 : i32
      %ge3A_291 = arith.cmpi sge, %add3A_279, %ge3A_290 : i32
      %convert_element_type3A_292 = arith.extui %ge3A_291 : i1 to i32
      %cond3A_293 = arith.constant 0 : i32
      %cond3A_294 = arith.cmpi ne, %convert_element_type3A_292, %cond3A_293 : i32
      scf.if %cond3A_294 {
        %dma_wait3A_399 = arith.constant 0 : i32
        %dma_wait3A_400 = arith.constant 0 : i32
        %dma_wait3A_401 = tpu.memref_slice %arg7[%dma_wait3A_399, %dma_wait3A_400] : memref<10240x128xf32, #tpu.memory_space<vmem_shared>> -> memref<10240x128xf32, #tpu.memory_space<vmem_shared>>
        tpu.wait_indirect_dma semaphore(%arg41 : memref<!tpu.dma_semaphore, #tpu.memory_space<semaphore_mem>>) src(%arg21 : memref<80x128xf32, #tpu.memory_space<vmem>>) dst(%dma_wait3A_401 : memref<10240x128xf32, #tpu.memory_space<vmem_shared>>)
      } else {
      }
      %dma_start3A_295 = arith.constant 0 : i32
      %dma_start3A_296 = arith.constant 0 : i32
      %dma_start3A_297 = tpu.memref_slice %arg2[%dma_start3A_295, %dma_start3A_296] : memref<10000x128xf32, #tpu.memory_space<hbm>> -> memref<10000x128xf32, #tpu.memory_space<hbm>>
      tpu.enqueue_indirect_dma source(%dma_start3A_297 : memref<10000x128xf32, #tpu.memory_space<hbm>>) target(%arg21 : memref<80x128xf32, #tpu.memory_space<vmem>>) offsets(%arg9 : memref<80xi32, #tpu.memory_space<vmem>>) semaphore(%arg37 : memref<!tpu.dma_semaphore, #tpu.memory_space<semaphore_mem>>)
      %ge3A_298 = arith.constant 3 : i32
      %ge3A_299 = arith.cmpi sge, %add3A_279, %ge3A_298 : i32
      %convert_element_type3A_300 = arith.extui %ge3A_299 : i1 to i32
      %cond3A_301 = arith.constant 0 : i32
      %cond3A_302 = arith.cmpi ne, %convert_element_type3A_300, %cond3A_301 : i32
      scf.if %cond3A_302 {
        %dma_wait3A_399 = arith.constant 0 : i32
        %dma_wait3A_400 = arith.constant 0 : i32
        %dma_wait3A_401 = tpu.memref_slice %arg2[%dma_wait3A_399, %dma_wait3A_400] : memref<10000x128xf32, #tpu.memory_space<hbm>> -> memref<10000x128xf32, #tpu.memory_space<hbm>>
        tpu.wait_indirect_dma semaphore(%arg38 : memref<!tpu.dma_semaphore, #tpu.memory_space<semaphore_mem>>) src(%dma_wait3A_401 : memref<10000x128xf32, #tpu.memory_space<hbm>>) dst(%arg22 : memref<80x128xf32, #tpu.memory_space<vmem>>)
        %dma_start3A_402 = arith.constant 0 : i32
        %dma_start3A_403 = arith.constant 0 : i32
        %dma_start3A_404 = tpu.memref_slice %arg7[%dma_start3A_402, %dma_start3A_403] : memref<10240x128xf32, #tpu.memory_space<vmem_shared>> -> memref<10240x128xf32, #tpu.memory_space<vmem_shared>>
        tpu.enqueue_indirect_dma source(%arg22 : memref<80x128xf32, #tpu.memory_space<vmem>>) target(%dma_start3A_404 : memref<10240x128xf32, #tpu.memory_space<vmem_shared>>) offsets(%arg14 : memref<80xi32, #tpu.memory_space<vmem>>) semaphore(%arg42 : memref<!tpu.dma_semaphore, #tpu.memory_space<semaphore_mem>>) {add = true}
      } else {
      }
      %add3A_303 = arith.constant 2 : i32
      %add3A_304 = arith.addi %add3A_279, %add3A_303 : i32
      %lt3A_305 = arith.constant 128 : i32
      %lt3A_306 = arith.cmpi slt, %add3A_304, %lt3A_305 : i32
      %convert_element_type3A_307 = arith.extui %lt3A_306 : i1 to i32
      %cond3A_308 = arith.constant 0 : i32
      %cond3A_309 = arith.cmpi ne, %convert_element_type3A_307, %cond3A_308 : i32
      scf.if %cond3A_309 {
        %add3A_399 = arith.constant 2 : i32
        %add3A_400 = arith.addi %add3A_279, %add3A_399 : i32
        %mul3A_401 = arith.constant 80 : i32
        %mul3A_402 = arith.muli %add3A_400, %mul3A_401 : i32
        %add3A_403 = arith.addi %mul3A_2, %mul3A_402 : i32
        %dma_start3A_404 = tpu.memref_slice %arg3[%add3A_403] : memref<327680xi32, #tpu.memory_space<hbm>> -> memref<80xi32, #tpu.memory_space<hbm>>
        %dma_start3A_405 = tpu.memref_slice %arg3[%add3A_403] : memref<327680xi32, #tpu.memory_space<hbm>> -> memref<80xi32, #tpu.memory_space<hbm>>
        tpu.enqueue_dma source(%dma_start3A_405 : memref<80xi32, #tpu.memory_space<hbm>>) target(%arg11 : memref<80xi32, #tpu.memory_space<vmem>>) target_semaphore(%arg27 : memref<!tpu.dma_semaphore, #tpu.memory_space<semaphore_mem>>)
      } else {
      }
      %add3A_310 = arith.constant 4 : i32
      %add3A_311 = arith.addi %add3A_279, %add3A_310 : i32
      %lt3A_312 = arith.constant 128 : i32
      %lt3A_313 = arith.cmpi slt, %add3A_311, %lt3A_312 : i32
      %convert_element_type3A_314 = arith.extui %lt3A_313 : i1 to i32
      %cond3A_315 = arith.constant 0 : i32
      %cond3A_316 = arith.cmpi ne, %convert_element_type3A_314, %cond3A_315 : i32
      scf.if %cond3A_316 {
        %add3A_399 = arith.constant 4 : i32
        %add3A_400 = arith.addi %add3A_279, %add3A_399 : i32
        %mul3A_401 = arith.constant 80 : i32
        %mul3A_402 = arith.muli %add3A_400, %mul3A_401 : i32
        %add3A_403 = arith.addi %mul3A_2, %mul3A_402 : i32
        %dma_start3A_404 = tpu.memref_slice %arg4[%add3A_403] : memref<327680xi32, #tpu.memory_space<hbm>> -> memref<80xi32, #tpu.memory_space<hbm>>
        %dma_start3A_405 = tpu.memref_slice %arg4[%add3A_403] : memref<327680xi32, #tpu.memory_space<hbm>> -> memref<80xi32, #tpu.memory_space<hbm>>
        tpu.enqueue_dma source(%dma_start3A_405 : memref<80xi32, #tpu.memory_space<hbm>>) target(%arg13 : memref<80xi32, #tpu.memory_space<vmem>>) target_semaphore(%arg29 : memref<!tpu.dma_semaphore, #tpu.memory_space<semaphore_mem>>)
      } else {
      }
      %mul3A_317 = arith.constant 8 : i32
      %mul3A_318 = arith.muli %scan3A_71, %mul3A_317 : i32
      %add3A_319 = arith.constant 6 : i32
      %add3A_320 = arith.addi %mul3A_318, %add3A_319 : i32
      %mul3A_321 = arith.constant 80 : i32
      %mul3A_322 = arith.muli %add3A_320, %mul3A_321 : i32
      %add3A_323 = arith.addi %mul3A_2, %mul3A_322 : i32
      %dma_wait3A_324 = tpu.memref_slice %arg3[%add3A_323] : memref<327680xi32, #tpu.memory_space<hbm>> -> memref<80xi32, #tpu.memory_space<hbm>>
      %dma_wait3A_325 = tpu.memref_slice %arg3[%add3A_323] : memref<327680xi32, #tpu.memory_space<hbm>> -> memref<80xi32, #tpu.memory_space<hbm>>
      tpu.wait_dma2 semaphore(%arg26 : memref<!tpu.dma_semaphore, #tpu.memory_space<semaphore_mem>>) src(%dma_wait3A_325 : memref<80xi32, #tpu.memory_space<hbm>>) dst(%arg10 : memref<80xi32, #tpu.memory_space<vmem>>)
      %mul3A_326 = arith.constant 80 : i32
      %mul3A_327 = arith.muli %add3A_320, %mul3A_326 : i32
      %add3A_328 = arith.addi %mul3A_2, %mul3A_327 : i32
      %dma_wait3A_329 = tpu.memref_slice %arg4[%add3A_328] : memref<327680xi32, #tpu.memory_space<hbm>> -> memref<80xi32, #tpu.memory_space<hbm>>
      %dma_wait3A_330 = tpu.memref_slice %arg4[%add3A_328] : memref<327680xi32, #tpu.memory_space<hbm>> -> memref<80xi32, #tpu.memory_space<hbm>>
      tpu.wait_dma2 semaphore(%arg34 : memref<!tpu.dma_semaphore, #tpu.memory_space<semaphore_mem>>) src(%dma_wait3A_330 : memref<80xi32, #tpu.memory_space<hbm>>) dst(%arg18 : memref<80xi32, #tpu.memory_space<vmem>>)
      %ge3A_331 = arith.constant 4 : i32
      %ge3A_332 = arith.cmpi sge, %add3A_320, %ge3A_331 : i32
      %convert_element_type3A_333 = arith.extui %ge3A_332 : i1 to i32
      %cond3A_334 = arith.constant 0 : i32
      %cond3A_335 = arith.cmpi ne, %convert_element_type3A_333, %cond3A_334 : i32
      scf.if %cond3A_335 {
        %dma_wait3A_399 = arith.constant 0 : i32
        %dma_wait3A_400 = arith.constant 0 : i32
        %dma_wait3A_401 = tpu.memref_slice %arg7[%dma_wait3A_399, %dma_wait3A_400] : memref<10240x128xf32, #tpu.memory_space<vmem_shared>> -> memref<10240x128xf32, #tpu.memory_space<vmem_shared>>
        tpu.wait_indirect_dma semaphore(%arg42 : memref<!tpu.dma_semaphore, #tpu.memory_space<semaphore_mem>>) src(%arg22 : memref<80x128xf32, #tpu.memory_space<vmem>>) dst(%dma_wait3A_401 : memref<10240x128xf32, #tpu.memory_space<vmem_shared>>)
      } else {
      }
      %dma_start3A_336 = arith.constant 0 : i32
      %dma_start3A_337 = arith.constant 0 : i32
      %dma_start3A_338 = tpu.memref_slice %arg2[%dma_start3A_336, %dma_start3A_337] : memref<10000x128xf32, #tpu.memory_space<hbm>> -> memref<10000x128xf32, #tpu.memory_space<hbm>>
      tpu.enqueue_indirect_dma source(%dma_start3A_338 : memref<10000x128xf32, #tpu.memory_space<hbm>>) target(%arg22 : memref<80x128xf32, #tpu.memory_space<vmem>>) offsets(%arg10 : memref<80xi32, #tpu.memory_space<vmem>>) semaphore(%arg38 : memref<!tpu.dma_semaphore, #tpu.memory_space<semaphore_mem>>)
      %ge3A_339 = arith.constant 3 : i32
      %ge3A_340 = arith.cmpi sge, %add3A_320, %ge3A_339 : i32
      %convert_element_type3A_341 = arith.extui %ge3A_340 : i1 to i32
      %cond3A_342 = arith.constant 0 : i32
      %cond3A_343 = arith.cmpi ne, %convert_element_type3A_341, %cond3A_342 : i32
      scf.if %cond3A_343 {
        %dma_wait3A_399 = arith.constant 0 : i32
        %dma_wait3A_400 = arith.constant 0 : i32
        %dma_wait3A_401 = tpu.memref_slice %arg2[%dma_wait3A_399, %dma_wait3A_400] : memref<10000x128xf32, #tpu.memory_space<hbm>> -> memref<10000x128xf32, #tpu.memory_space<hbm>>
        tpu.wait_indirect_dma semaphore(%arg39 : memref<!tpu.dma_semaphore, #tpu.memory_space<semaphore_mem>>) src(%dma_wait3A_401 : memref<10000x128xf32, #tpu.memory_space<hbm>>) dst(%arg23 : memref<80x128xf32, #tpu.memory_space<vmem>>)
        %dma_start3A_402 = arith.constant 0 : i32
        %dma_start3A_403 = arith.constant 0 : i32
        %dma_start3A_404 = tpu.memref_slice %arg7[%dma_start3A_402, %dma_start3A_403] : memref<10240x128xf32, #tpu.memory_space<vmem_shared>> -> memref<10240x128xf32, #tpu.memory_space<vmem_shared>>
        tpu.enqueue_indirect_dma source(%arg23 : memref<80x128xf32, #tpu.memory_space<vmem>>) target(%dma_start3A_404 : memref<10240x128xf32, #tpu.memory_space<vmem_shared>>) offsets(%arg15 : memref<80xi32, #tpu.memory_space<vmem>>) semaphore(%arg43 : memref<!tpu.dma_semaphore, #tpu.memory_space<semaphore_mem>>) {add = true}
      } else {
      }
      %add3A_344 = arith.constant 2 : i32
      %add3A_345 = arith.addi %add3A_320, %add3A_344 : i32
      %lt3A_346 = arith.constant 128 : i32
      %lt3A_347 = arith.cmpi slt, %add3A_345, %lt3A_346 : i32
      %convert_element_type3A_348 = arith.extui %lt3A_347 : i1 to i32
      %cond3A_349 = arith.constant 0 : i32
      %cond3A_350 = arith.cmpi ne, %convert_element_type3A_348, %cond3A_349 : i32
      scf.if %cond3A_350 {
        %add3A_399 = arith.constant 2 : i32
        %add3A_400 = arith.addi %add3A_320, %add3A_399 : i32
        %mul3A_401 = arith.constant 80 : i32
        %mul3A_402 = arith.muli %add3A_400, %mul3A_401 : i32
        %add3A_403 = arith.addi %mul3A_2, %mul3A_402 : i32
        %dma_start3A_404 = tpu.memref_slice %arg3[%add3A_403] : memref<327680xi32, #tpu.memory_space<hbm>> -> memref<80xi32, #tpu.memory_space<hbm>>
        %dma_start3A_405 = tpu.memref_slice %arg3[%add3A_403] : memref<327680xi32, #tpu.memory_space<hbm>> -> memref<80xi32, #tpu.memory_space<hbm>>
        tpu.enqueue_dma source(%dma_start3A_405 : memref<80xi32, #tpu.memory_space<hbm>>) target(%arg8 : memref<80xi32, #tpu.memory_space<vmem>>) target_semaphore(%arg24 : memref<!tpu.dma_semaphore, #tpu.memory_space<semaphore_mem>>)
      } else {
      }
      %add3A_351 = arith.constant 4 : i32
      %add3A_352 = arith.addi %add3A_320, %add3A_351 : i32
      %lt3A_353 = arith.constant 128 : i32
      %lt3A_354 = arith.cmpi slt, %add3A_352, %lt3A_353 : i32
      %convert_element_type3A_355 = arith.extui %lt3A_354 : i1 to i32
      %cond3A_356 = arith.constant 0 : i32
      %cond3A_357 = arith.cmpi ne, %convert_element_type3A_355, %cond3A_356 : i32
      scf.if %cond3A_357 {
        %add3A_399 = arith.constant 4 : i32
        %add3A_400 = arith.addi %add3A_320, %add3A_399 : i32
        %mul3A_401 = arith.constant 80 : i32
        %mul3A_402 = arith.muli %add3A_400, %mul3A_401 : i32
        %add3A_403 = arith.addi %mul3A_2, %mul3A_402 : i32
        %dma_start3A_404 = tpu.memref_slice %arg4[%add3A_403] : memref<327680xi32, #tpu.memory_space<hbm>> -> memref<80xi32, #tpu.memory_space<hbm>>
        %dma_start3A_405 = tpu.memref_slice %arg4[%add3A_403] : memref<327680xi32, #tpu.memory_space<hbm>> -> memref<80xi32, #tpu.memory_space<hbm>>
        tpu.enqueue_dma source(%dma_start3A_405 : memref<80xi32, #tpu.memory_space<hbm>>) target(%arg14 : memref<80xi32, #tpu.memory_space<vmem>>) target_semaphore(%arg30 : memref<!tpu.dma_semaphore, #tpu.memory_space<semaphore_mem>>)
      } else {
      }
      %mul3A_358 = arith.constant 8 : i32
      %mul3A_359 = arith.muli %scan3A_71, %mul3A_358 : i32
      %add3A_360 = arith.constant 7 : i32
      %add3A_361 = arith.addi %mul3A_359, %add3A_360 : i32
      %mul3A_362 = arith.constant 80 : i32
      %mul3A_363 = arith.muli %add3A_361, %mul3A_362 : i32
      %add3A_364 = arith.addi %mul3A_2, %mul3A_363 : i32
      %dma_wait3A_365 = tpu.memref_slice %arg3[%add3A_364] : memref<327680xi32, #tpu.memory_space<hbm>> -> memref<80xi32, #tpu.memory_space<hbm>>
      %dma_wait3A_366 = tpu.memref_slice %arg3[%add3A_364] : memref<327680xi32, #tpu.memory_space<hbm>> -> memref<80xi32, #tpu.memory_space<hbm>>
      tpu.wait_dma2 semaphore(%arg27 : memref<!tpu.dma_semaphore, #tpu.memory_space<semaphore_mem>>) src(%dma_wait3A_366 : memref<80xi32, #tpu.memory_space<hbm>>) dst(%arg11 : memref<80xi32, #tpu.memory_space<vmem>>)
      %mul3A_367 = arith.constant 80 : i32
      %mul3A_368 = arith.muli %add3A_361, %mul3A_367 : i32
      %add3A_369 = arith.addi %mul3A_2, %mul3A_368 : i32
      %dma_wait3A_370 = tpu.memref_slice %arg4[%add3A_369] : memref<327680xi32, #tpu.memory_space<hbm>> -> memref<80xi32, #tpu.memory_space<hbm>>
      %dma_wait3A_371 = tpu.memref_slice %arg4[%add3A_369] : memref<327680xi32, #tpu.memory_space<hbm>> -> memref<80xi32, #tpu.memory_space<hbm>>
      tpu.wait_dma2 semaphore(%arg35 : memref<!tpu.dma_semaphore, #tpu.memory_space<semaphore_mem>>) src(%dma_wait3A_371 : memref<80xi32, #tpu.memory_space<hbm>>) dst(%arg19 : memref<80xi32, #tpu.memory_space<vmem>>)
      %ge3A_372 = arith.constant 4 : i32
      %ge3A_373 = arith.cmpi sge, %add3A_361, %ge3A_372 : i32
      %convert_element_type3A_374 = arith.extui %ge3A_373 : i1 to i32
      %cond3A_375 = arith.constant 0 : i32
      %cond3A_376 = arith.cmpi ne, %convert_element_type3A_374, %cond3A_375 : i32
      scf.if %cond3A_376 {
        %dma_wait3A_399 = arith.constant 0 : i32
        %dma_wait3A_400 = arith.constant 0 : i32
        %dma_wait3A_401 = tpu.memref_slice %arg7[%dma_wait3A_399, %dma_wait3A_400] : memref<10240x128xf32, #tpu.memory_space<vmem_shared>> -> memref<10240x128xf32, #tpu.memory_space<vmem_shared>>
        tpu.wait_indirect_dma semaphore(%arg43 : memref<!tpu.dma_semaphore, #tpu.memory_space<semaphore_mem>>) src(%arg23 : memref<80x128xf32, #tpu.memory_space<vmem>>) dst(%dma_wait3A_401 : memref<10240x128xf32, #tpu.memory_space<vmem_shared>>)
      } else {
      }
      %dma_start3A_377 = arith.constant 0 : i32
      %dma_start3A_378 = arith.constant 0 : i32
      %dma_start3A_379 = tpu.memref_slice %arg2[%dma_start3A_377, %dma_start3A_378] : memref<10000x128xf32, #tpu.memory_space<hbm>> -> memref<10000x128xf32, #tpu.memory_space<hbm>>
      tpu.enqueue_indirect_dma source(%dma_start3A_379 : memref<10000x128xf32, #tpu.memory_space<hbm>>) target(%arg23 : memref<80x128xf32, #tpu.memory_space<vmem>>) offsets(%arg11 : memref<80xi32, #tpu.memory_space<vmem>>) semaphore(%arg39 : memref<!tpu.dma_semaphore, #tpu.memory_space<semaphore_mem>>)
      %ge3A_380 = arith.constant 3 : i32
      %ge3A_381 = arith.cmpi sge, %add3A_361, %ge3A_380 : i32
      %convert_element_type3A_382 = arith.extui %ge3A_381 : i1 to i32
      %cond3A_383 = arith.constant 0 : i32
      %cond3A_384 = arith.cmpi ne, %convert_element_type3A_382, %cond3A_383 : i32
      scf.if %cond3A_384 {
        %dma_wait3A_399 = arith.constant 0 : i32
        %dma_wait3A_400 = arith.constant 0 : i32
        %dma_wait3A_401 = tpu.memref_slice %arg2[%dma_wait3A_399, %dma_wait3A_400] : memref<10000x128xf32, #tpu.memory_space<hbm>> -> memref<10000x128xf32, #tpu.memory_space<hbm>>
        tpu.wait_indirect_dma semaphore(%arg36 : memref<!tpu.dma_semaphore, #tpu.memory_space<semaphore_mem>>) src(%dma_wait3A_401 : memref<10000x128xf32, #tpu.memory_space<hbm>>) dst(%arg20 : memref<80x128xf32, #tpu.memory_space<vmem>>)
        %dma_start3A_402 = arith.constant 0 : i32
        %dma_start3A_403 = arith.constant 0 : i32
        %dma_start3A_404 = tpu.memref_slice %arg7[%dma_start3A_402, %dma_start3A_403] : memref<10240x128xf32, #tpu.memory_space<vmem_shared>> -> memref<10240x128xf32, #tpu.memory_space<vmem_shared>>
        tpu.enqueue_indirect_dma source(%arg20 : memref<80x128xf32, #tpu.memory_space<vmem>>) target(%dma_start3A_404 : memref<10240x128xf32, #tpu.memory_space<vmem_shared>>) offsets(%arg16 : memref<80xi32, #tpu.memory_space<vmem>>) semaphore(%arg40 : memref<!tpu.dma_semaphore, #tpu.memory_space<semaphore_mem>>) {add = true}
      } else {
      }
      %add3A_385 = arith.constant 2 : i32
      %add3A_386 = arith.addi %add3A_361, %add3A_385 : i32
      %lt3A_387 = arith.constant 128 : i32
      %lt3A_388 = arith.cmpi slt, %add3A_386, %lt3A_387 : i32
      %convert_element_type3A_389 = arith.extui %lt3A_388 : i1 to i32
      %cond3A_390 = arith.constant 0 : i32
      %cond3A_391 = arith.cmpi ne, %convert_element_type3A_389, %cond3A_390 : i32
      scf.if %cond3A_391 {
        %add3A_399 = arith.constant 2 : i32
        %add3A_400 = arith.addi %add3A_361, %add3A_399 : i32
        %mul3A_401 = arith.constant 80 : i32
        %mul3A_402 = arith.muli %add3A_400, %mul3A_401 : i32
        %add3A_403 = arith.addi %mul3A_2, %mul3A_402 : i32
        %dma_start3A_404 = tpu.memref_slice %arg3[%add3A_403] : memref<327680xi32, #tpu.memory_space<hbm>> -> memref<80xi32, #tpu.memory_space<hbm>>
        %dma_start3A_405 = tpu.memref_slice %arg3[%add3A_403] : memref<327680xi32, #tpu.memory_space<hbm>> -> memref<80xi32, #tpu.memory_space<hbm>>
        tpu.enqueue_dma source(%dma_start3A_405 : memref<80xi32, #tpu.memory_space<hbm>>) target(%arg9 : memref<80xi32, #tpu.memory_space<vmem>>) target_semaphore(%arg25 : memref<!tpu.dma_semaphore, #tpu.memory_space<semaphore_mem>>)
      } else {
      }
      %add3A_392 = arith.constant 4 : i32
      %add3A_393 = arith.addi %add3A_361, %add3A_392 : i32
      %lt3A_394 = arith.constant 128 : i32
      %lt3A_395 = arith.cmpi slt, %add3A_393, %lt3A_394 : i32
      %convert_element_type3A_396 = arith.extui %lt3A_395 : i1 to i32
      %cond3A_397 = arith.constant 0 : i32
      %cond3A_398 = arith.cmpi ne, %convert_element_type3A_396, %cond3A_397 : i32
      scf.if %cond3A_398 {
        %add3A_399 = arith.constant 4 : i32
        %add3A_400 = arith.addi %add3A_361, %add3A_399 : i32
        %mul3A_401 = arith.constant 80 : i32
        %mul3A_402 = arith.muli %add3A_400, %mul3A_401 : i32
        %add3A_403 = arith.addi %mul3A_2, %mul3A_402 : i32
        %dma_start3A_404 = tpu.memref_slice %arg4[%add3A_403] : memref<327680xi32, #tpu.memory_space<hbm>> -> memref<80xi32, #tpu.memory_space<hbm>>
        %dma_start3A_405 = tpu.memref_slice %arg4[%add3A_403] : memref<327680xi32, #tpu.memory_space<hbm>> -> memref<80xi32, #tpu.memory_space<hbm>>
        tpu.enqueue_dma source(%dma_start3A_405 : memref<80xi32, #tpu.memory_space<hbm>>) target(%arg15 : memref<80xi32, #tpu.memory_space<vmem>>) target_semaphore(%arg31 : memref<!tpu.dma_semaphore, #tpu.memory_space<semaphore_mem>>)
      } else {
      }
    }
    %scan3A_34 = arith.constant 16 : i32
    %dma_wait3A = arith.constant 0 : i32
    %dma_wait3A_35 = arith.constant 0 : i32
    %dma_wait3A_36 = tpu.memref_slice %arg2[%dma_wait3A, %dma_wait3A_35] : memref<10000x128xf32, #tpu.memory_space<hbm>> -> memref<10000x128xf32, #tpu.memory_space<hbm>>
    tpu.wait_indirect_dma semaphore(%arg37 : memref<!tpu.dma_semaphore, #tpu.memory_space<semaphore_mem>>) src(%dma_wait3A_36 : memref<10000x128xf32, #tpu.memory_space<hbm>>) dst(%arg21 : memref<80x128xf32, #tpu.memory_space<vmem>>)
    %dma_start3A_37 = arith.constant 0 : i32
    %dma_start3A_38 = arith.constant 0 : i32
    %dma_start3A_39 = tpu.memref_slice %arg7[%dma_start3A_37, %dma_start3A_38] : memref<10240x128xf32, #tpu.memory_space<vmem_shared>> -> memref<10240x128xf32, #tpu.memory_space<vmem_shared>>
    tpu.enqueue_indirect_dma source(%arg21 : memref<80x128xf32, #tpu.memory_space<vmem>>) target(%dma_start3A_39 : memref<10240x128xf32, #tpu.memory_space<vmem_shared>>) offsets(%arg17 : memref<80xi32, #tpu.memory_space<vmem>>) semaphore(%arg41 : memref<!tpu.dma_semaphore, #tpu.memory_space<semaphore_mem>>) {add = true}
    %dma_wait3A_40 = arith.constant 0 : i32
    %dma_wait3A_41 = arith.constant 0 : i32
    %dma_wait3A_42 = tpu.memref_slice %arg2[%dma_wait3A_40, %dma_wait3A_41] : memref<10000x128xf32, #tpu.memory_space<hbm>> -> memref<10000x128xf32, #tpu.memory_space<hbm>>
    tpu.wait_indirect_dma semaphore(%arg38 : memref<!tpu.dma_semaphore, #tpu.memory_space<semaphore_mem>>) src(%dma_wait3A_42 : memref<10000x128xf32, #tpu.memory_space<hbm>>) dst(%arg22 : memref<80x128xf32, #tpu.memory_space<vmem>>)
    %dma_start3A_43 = arith.constant 0 : i32
    %dma_start3A_44 = arith.constant 0 : i32
    %dma_start3A_45 = tpu.memref_slice %arg7[%dma_start3A_43, %dma_start3A_44] : memref<10240x128xf32, #tpu.memory_space<vmem_shared>> -> memref<10240x128xf32, #tpu.memory_space<vmem_shared>>
    tpu.enqueue_indirect_dma source(%arg22 : memref<80x128xf32, #tpu.memory_space<vmem>>) target(%dma_start3A_45 : memref<10240x128xf32, #tpu.memory_space<vmem_shared>>) offsets(%arg18 : memref<80xi32, #tpu.memory_space<vmem>>) semaphore(%arg42 : memref<!tpu.dma_semaphore, #tpu.memory_space<semaphore_mem>>) {add = true}
    %dma_wait3A_46 = arith.constant 0 : i32
    %dma_wait3A_47 = arith.constant 0 : i32
    %dma_wait3A_48 = tpu.memref_slice %arg2[%dma_wait3A_46, %dma_wait3A_47] : memref<10000x128xf32, #tpu.memory_space<hbm>> -> memref<10000x128xf32, #tpu.memory_space<hbm>>
    tpu.wait_indirect_dma semaphore(%arg39 : memref<!tpu.dma_semaphore, #tpu.memory_space<semaphore_mem>>) src(%dma_wait3A_48 : memref<10000x128xf32, #tpu.memory_space<hbm>>) dst(%arg23 : memref<80x128xf32, #tpu.memory_space<vmem>>)
    %dma_start3A_49 = arith.constant 0 : i32
    %dma_start3A_50 = arith.constant 0 : i32
    %dma_start3A_51 = tpu.memref_slice %arg7[%dma_start3A_49, %dma_start3A_50] : memref<10240x128xf32, #tpu.memory_space<vmem_shared>> -> memref<10240x128xf32, #tpu.memory_space<vmem_shared>>
    tpu.enqueue_indirect_dma source(%arg23 : memref<80x128xf32, #tpu.memory_space<vmem>>) target(%dma_start3A_51 : memref<10240x128xf32, #tpu.memory_space<vmem_shared>>) offsets(%arg19 : memref<80xi32, #tpu.memory_space<vmem>>) semaphore(%arg43 : memref<!tpu.dma_semaphore, #tpu.memory_space<semaphore_mem>>) {add = true}
    %dma_wait3A_52 = arith.constant 0 : i32
    %dma_wait3A_53 = arith.constant 0 : i32
    %dma_wait3A_54 = tpu.memref_slice %arg7[%dma_wait3A_52, %dma_wait3A_53] : memref<10240x128xf32, #tpu.memory_space<vmem_shared>> -> memref<10240x128xf32, #tpu.memory_space<vmem_shared>>
    tpu.wait_indirect_dma semaphore(%arg40 : memref<!tpu.dma_semaphore, #tpu.memory_space<semaphore_mem>>) src(%arg20 : memref<80x128xf32, #tpu.memory_space<vmem>>) dst(%dma_wait3A_54 : memref<10240x128xf32, #tpu.memory_space<vmem_shared>>)
    %dma_wait3A_55 = arith.constant 0 : i32
    %dma_wait3A_56 = arith.constant 0 : i32
    %dma_wait3A_57 = tpu.memref_slice %arg7[%dma_wait3A_55, %dma_wait3A_56] : memref<10240x128xf32, #tpu.memory_space<vmem_shared>> -> memref<10240x128xf32, #tpu.memory_space<vmem_shared>>
    tpu.wait_indirect_dma semaphore(%arg41 : memref<!tpu.dma_semaphore, #tpu.memory_space<semaphore_mem>>) src(%arg21 : memref<80x128xf32, #tpu.memory_space<vmem>>) dst(%dma_wait3A_57 : memref<10240x128xf32, #tpu.memory_space<vmem_shared>>)
    %dma_wait3A_58 = arith.constant 0 : i32
    %dma_wait3A_59 = arith.constant 0 : i32
    %dma_wait3A_60 = tpu.memref_slice %arg7[%dma_wait3A_58, %dma_wait3A_59] : memref<10240x128xf32, #tpu.memory_space<vmem_shared>> -> memref<10240x128xf32, #tpu.memory_space<vmem_shared>>
    tpu.wait_indirect_dma semaphore(%arg42 : memref<!tpu.dma_semaphore, #tpu.memory_space<semaphore_mem>>) src(%arg22 : memref<80x128xf32, #tpu.memory_space<vmem>>) dst(%dma_wait3A_60 : memref<10240x128xf32, #tpu.memory_space<vmem_shared>>)
    %dma_wait3A_61 = arith.constant 0 : i32
    %dma_wait3A_62 = arith.constant 0 : i32
    %dma_wait3A_63 = tpu.memref_slice %arg7[%dma_wait3A_61, %dma_wait3A_62] : memref<10240x128xf32, #tpu.memory_space<vmem_shared>> -> memref<10240x128xf32, #tpu.memory_space<vmem_shared>>
    tpu.wait_indirect_dma semaphore(%arg43 : memref<!tpu.dma_semaphore, #tpu.memory_space<semaphore_mem>>) src(%arg23 : memref<80x128xf32, #tpu.memory_space<vmem>>) dst(%dma_wait3A_63 : memref<10240x128xf32, #tpu.memory_space<vmem_shared>>)
    %barrier3A_64 = arith.constant 0 : index
    tpu.barrier barrier_id(%barrier3A_64)
    %lt3A = arith.constant 15 : i32
    %lt3A_65 = arith.cmpi slt, %arg1, %lt3A : i32
    %convert_element_type3A = arith.extui %lt3A_65 : i1 to i32
    %cond3A = arith.constant 0 : i32
    %cond3A_66 = arith.cmpi ne, %convert_element_type3A, %cond3A : i32
    scf.if %cond3A_66 {
      %mul3A_71 = arith.constant 640 : i32
      %mul3A_72 = arith.muli %arg1, %mul3A_71 : i32
      "tpu.region"() ({
        %run_scoped3A = tpu.sem_alloc : memref<!tpu.dma_semaphore, #tpu.memory_space<semaphore_mem>>
        %dma_start3A_73 = arith.constant 0 : i32
        %dma_start3A_74 = tpu.memref_slice %arg6[%arg0, %mul3A_72, %dma_start3A_73] : memref<2x10000x128xf32, #tpu.memory_space<hbm>> -> memref<1x640x128xf32, #tpu.memory_space<hbm>>
        %dma_start3A_75 = tpu.memref_squeeze %dma_start3A_74 : memref<1x640x128xf32, #tpu.memory_space<hbm>> -> memref<640x128xf32, #tpu.memory_space<hbm>>
        %dma_start3A_76 = arith.constant 0 : i32
        %dma_start3A_77 = tpu.memref_slice %arg7[%mul3A_72, %dma_start3A_76] : memref<10240x128xf32, #tpu.memory_space<vmem_shared>> -> memref<640x128xf32, #tpu.memory_space<vmem_shared>>
        tpu.enqueue_dma source(%dma_start3A_77 : memref<640x128xf32, #tpu.memory_space<vmem_shared>>) target(%dma_start3A_75 : memref<640x128xf32, #tpu.memory_space<hbm>>) target_semaphore(%run_scoped3A : memref<!tpu.dma_semaphore, #tpu.memory_space<semaphore_mem>>)
        %dma_wait3A_78 = arith.constant 0 : i32
        %dma_wait3A_79 = tpu.memref_slice %arg6[%arg0, %mul3A_72, %dma_wait3A_78] : memref<2x10000x128xf32, #tpu.memory_space<hbm>> -> memref<1x640x128xf32, #tpu.memory_space<hbm>>
        %dma_wait3A_80 = tpu.memref_squeeze %dma_wait3A_79 : memref<1x640x128xf32, #tpu.memory_space<hbm>> -> memref<640x128xf32, #tpu.memory_space<hbm>>
        %dma_wait3A_81 = arith.constant 0 : i32
        %dma_wait3A_82 = tpu.memref_slice %arg7[%mul3A_72, %dma_wait3A_81] : memref<10240x128xf32, #tpu.memory_space<vmem_shared>> -> memref<640x128xf32, #tpu.memory_space<vmem_shared>>
        tpu.wait_dma2 semaphore(%run_scoped3A : memref<!tpu.dma_semaphore, #tpu.memory_space<semaphore_mem>>) src(%dma_wait3A_82 : memref<640x128xf32, #tpu.memory_space<vmem_shared>>) dst(%dma_wait3A_80 : memref<640x128xf32, #tpu.memory_space<hbm>>)
        tpu.yield
      }) : () -> ()
    } else {
    }
    %eq3A = arith.constant 15 : i32
    %eq3A_67 = arith.cmpi eq, %arg1, %eq3A : i32
    %convert_element_type3A_68 = arith.extui %eq3A_67 : i1 to i32
    %cond3A_69 = arith.constant 0 : i32
    %cond3A_70 = arith.cmpi ne, %convert_element_type3A_68, %cond3A_69 : i32
    scf.if %cond3A_70 {
      "tpu.region"() ({
        %run_scoped3A = tpu.sem_alloc : memref<!tpu.dma_semaphore, #tpu.memory_space<semaphore_mem>>
        %dma_start3A_71 = arith.constant 9600 : i32
        %dma_start3A_72 = arith.constant 0 : i32
        %dma_start3A_73 = tpu.memref_slice %arg6[%arg0, %dma_start3A_71, %dma_start3A_72] : memref<2x10000x128xf32, #tpu.memory_space<hbm>> -> memref<1x400x128xf32, #tpu.memory_space<hbm>>
        %dma_start3A_74 = tpu.memref_squeeze %dma_start3A_73 : memref<1x400x128xf32, #tpu.memory_space<hbm>> -> memref<400x128xf32, #tpu.memory_space<hbm>>
        %dma_start3A_75 = arith.constant 9600 : i32
        %dma_start3A_76 = arith.constant 0 : i32
        %dma_start3A_77 = tpu.memref_slice %arg7[%dma_start3A_75, %dma_start3A_76] : memref<10240x128xf32, #tpu.memory_space<vmem_shared>> -> memref<400x128xf32, #tpu.memory_space<vmem_shared>>
        tpu.enqueue_dma source(%dma_start3A_77 : memref<400x128xf32, #tpu.memory_space<vmem_shared>>) target(%dma_start3A_74 : memref<400x128xf32, #tpu.memory_space<hbm>>) target_semaphore(%run_scoped3A : memref<!tpu.dma_semaphore, #tpu.memory_space<semaphore_mem>>)
        %dma_wait3A_78 = arith.constant 9600 : i32
        %dma_wait3A_79 = arith.constant 0 : i32
        %dma_wait3A_80 = tpu.memref_slice %arg6[%arg0, %dma_wait3A_78, %dma_wait3A_79] : memref<2x10000x128xf32, #tpu.memory_space<hbm>> -> memref<1x400x128xf32, #tpu.memory_space<hbm>>
        %dma_wait3A_81 = tpu.memref_squeeze %dma_wait3A_80 : memref<1x400x128xf32, #tpu.memory_space<hbm>> -> memref<400x128xf32, #tpu.memory_space<hbm>>
        %dma_wait3A_82 = arith.constant 9600 : i32
        %dma_wait3A_83 = arith.constant 0 : i32
        %dma_wait3A_84 = tpu.memref_slice %arg7[%dma_wait3A_82, %dma_wait3A_83] : memref<10240x128xf32, #tpu.memory_space<vmem_shared>> -> memref<400x128xf32, #tpu.memory_space<vmem_shared>>
        tpu.wait_dma2 semaphore(%run_scoped3A : memref<!tpu.dma_semaphore, #tpu.memory_space<semaphore_mem>>) src(%dma_wait3A_84 : memref<400x128xf32, #tpu.memory_space<vmem_shared>>) dst(%dma_wait3A_81 : memref<400x128xf32, #tpu.memory_space<hbm>>)
        tpu.yield
      }) : () -> ()
    } else {
    }
    return
  }
}

module attributes {stable_mosaic.version = 14 : i64} {
  func.func @_tc_pre_body(%arg0: i32, %arg1: memref<1000x128xf32, #tpu.memory_space<vmem>>, %arg2: memref<128x128xf32, #tpu.memory_space<vmem>>, %arg3: memref<1x128xf32, #tpu.memory_space<vmem>>, %arg4: memref<1000x128xf32, #tpu.memory_space<vmem>>) attributes {dimension_semantics = [#tpu.dimension_semantics<arbitrary>], iteration_bounds = array<i64: 10>, scalar_prefetch = 0 : i64, scratch_operands = 0 : i64, tpu.core_type = #tpu.core_type<tc>, window_params = [{transform_indices = @transform_0, window_bounds = array<i64: 1000, 128>}, {pipeline_mode = #tpu.pipeline_mode<synchronous>, transform_indices = @transform_1, window_bounds = array<i64: 128, 128>}, {pipeline_mode = #tpu.pipeline_mode<synchronous>, transform_indices = @transform_2, window_bounds = array<i64: 1, 128>}, {transform_indices = @transform_3, window_bounds = array<i64: 1000, 128>}]} {
    %get3A = arith.constant 0 : index
    %get3A_0 = arith.constant 0 : index
    %get3A_1 = vector.load %arg1[%get3A, %get3A_0] : memref<1000x128xf32, #tpu.memory_space<vmem>>, vector<1000x128xf32>
    %get3A_2 = arith.constant 0 : index
    %get3A_3 = arith.constant 0 : index
    %get3A_4 = vector.load %arg2[%get3A_2, %get3A_3] : memref<128x128xf32, #tpu.memory_space<vmem>>, vector<128x128xf32>
    %dot_general3A = arith.constant dense<0.000000e+00> : vector<1000x128xf32>
    %dot_general3A_5 = tpu.matmul %get3A_1, %get3A_4, %dot_general3A {dimension_numbers = #tpu.dot_dimension_numbers<[1], [0], [0], [1], [0, 0, 1, 1], [], []>, transpose_lhs_hint = false} : vector<1000x128xf32>, vector<128x128xf32>, vector<1000x128xf32> -> vector<1000x128xf32>
    %get3A_6 = arith.constant 0 : index
    %get3A_7 = arith.constant 0 : index
    %get3A_8 = vector.load %arg3[%get3A_6, %get3A_7] : memref<1x128xf32, #tpu.memory_space<vmem>>, vector<1x128xf32>
    %add3A = vector.broadcast %get3A_8 : vector<1x128xf32> to vector<1000x128xf32>
    %add3A_9 = arith.addf %dot_general3A_5, %add3A : vector<1000x128xf32>
    %swap3A = arith.constant 0 : index
    %swap3A_10 = arith.constant 0 : index
    %swap3A_11 = vector.load %arg4[%swap3A, %swap3A_10] : memref<1000x128xf32, #tpu.memory_space<vmem>>, vector<1000x128xf32>
    tpu.vector_store %arg4[%swap3A, %swap3A_10], %add3A_9 {strides = array<i32>} : memref<1000x128xf32, #tpu.memory_space<vmem>>, vector<1000x128xf32>,
    return
  }
  func.func @transform_0(%arg0: i32) -> (i32, i32) {
    %c0_i32 = arith.constant 0 : i32
    %c0_i32_0 = arith.constant 0 : i32
    return %arg0, %c0_i32 : i32, i32
  }
  func.func @transform_1(%arg0: i32) -> (i32, i32) {
    %c0_i32 = arith.constant 0 : i32
    %c0_i32_0 = arith.constant 0 : i32
    %c0_i32_1 = arith.constant 0 : i32
    return %c0_i32, %c0_i32_0 : i32, i32
  }
  func.func @transform_2(%arg0: i32) -> (i32, i32) {
    %c0_i32 = arith.constant 0 : i32
    %c0_i32_0 = arith.constant 0 : i32
    %c0_i32_1 = arith.constant 0 : i32
    return %c0_i32, %c0_i32_0 : i32, i32
  }
  func.func @transform_3(%arg0: i32) -> (i32, i32) {
    %c0_i32 = arith.constant 0 : i32
    %c0_i32_0 = arith.constant 0 : i32
    return %arg0, %c0_i32 : i32, i32
  }
}

module attributes {stable_mosaic.version = 14 : i64} {
  func.func @_tc_post0_body(%arg0: i32, %arg1: memref<1000x128xf32, #tpu.memory_space<vmem>>, %arg2: memref<1x1000x128xf32, #tpu.memory_space<vmem>>, %arg3: memref<1x1000x128xf32, #tpu.memory_space<vmem>>, %arg4: memref<1x1000x1xf32, #tpu.memory_space<vmem>>, %arg5: memref<1x1000x1xf32, #tpu.memory_space<vmem>>, %arg6: memref<128x128xf32, #tpu.memory_space<vmem>>, %arg7: memref<1000x128xf32, #tpu.memory_space<vmem>>, %arg8: memref<1000x1xf32, #tpu.memory_space<vmem>>) attributes {dimension_semantics = [#tpu.dimension_semantics<arbitrary>], iteration_bounds = array<i64: 10>, scalar_prefetch = 0 : i64, scratch_operands = 0 : i64, tpu.core_type = #tpu.core_type<tc>, window_params = [{transform_indices = @transform_0, window_bounds = array<i64: 1000, 128>}, {transform_indices = @transform_1, window_bounds = array<i64: 1, 1000, 128>}, {transform_indices = @transform_2, window_bounds = array<i64: 1, 1000, 128>}, {transform_indices = @transform_3, window_bounds = array<i64: 1, 1000, 1>}, {transform_indices = @transform_4, window_bounds = array<i64: 1, 1000, 1>}, {pipeline_mode = #tpu.pipeline_mode<synchronous>, transform_indices = @transform_5, window_bounds = array<i64: 128, 128>}, {transform_indices = @transform_6, window_bounds = array<i64: 1000, 128>}, {transform_indices = @transform_7, window_bounds = array<i64: 1000, 1>}]} {
    %get3A = arith.constant 0 : index
    %get3A_0 = arith.constant 0 : index
    %get3A_1 = arith.constant 0 : index
    %get3A_2 = vector.load %arg4[%get3A, %get3A_0, %get3A_1] : memref<1x1000x1xf32, #tpu.memory_space<vmem>>, vector<1x1000x1xf32>
    %get3A_3 = vector.shape_cast %get3A_2 : vector<1x1000x1xf32> to vector<1000x1xf32>
    %get3A_4 = arith.constant 0 : index
    %get3A_5 = arith.constant 0 : index
    %get3A_6 = arith.constant 0 : index
    %get3A_7 = vector.load %arg5[%get3A_4, %get3A_5, %get3A_6] : memref<1x1000x1xf32, #tpu.memory_space<vmem>>, vector<1x1000x1xf32>
    %get3A_8 = vector.shape_cast %get3A_7 : vector<1x1000x1xf32> to vector<1000x1xf32>
    %add3A = arith.addf %get3A_3, %get3A_8 : vector<1000x1xf32>
    %max3A = arith.constant 1.000000e+00 : f32
    %max3A_9 = vector.broadcast %max3A : f32 to vector<1000x1xf32>
    %max3A_10 = arith.maximumf %add3A, %max3A_9 : vector<1000x1xf32>
    %div3A = arith.constant 1.000000e+00 : f32
    %div3A_11 = vector.broadcast %div3A : f32 to vector<1000x1xf32>
    %div3A_12 = arith.divf %div3A_11, %max3A_10 : vector<1000x1xf32>
    %get3A_13 = arith.constant 0 : index
    %get3A_14 = arith.constant 0 : index
    %get3A_15 = arith.constant 0 : index
    %get3A_16 = vector.load %arg2[%get3A_13, %get3A_14, %get3A_15] : memref<1x1000x128xf32, #tpu.memory_space<vmem>>, vector<1x1000x128xf32>
    %get3A_17 = vector.shape_cast %get3A_16 : vector<1x1000x128xf32> to vector<1000x128xf32>
    %get3A_18 = arith.constant 0 : index
    %get3A_19 = arith.constant 0 : index
    %get3A_20 = arith.constant 0 : index
    %get3A_21 = vector.load %arg3[%get3A_18, %get3A_19, %get3A_20] : memref<1x1000x128xf32, #tpu.memory_space<vmem>>, vector<1x1000x128xf32>
    %get3A_22 = vector.shape_cast %get3A_21 : vector<1x1000x128xf32> to vector<1000x128xf32>
    %add3A_23 = arith.addf %get3A_17, %get3A_22 : vector<1000x128xf32>
    %mul3A = vector.broadcast %div3A_12 : vector<1000x1xf32> to vector<1000x128xf32>
    %mul3A_24 = arith.mulf %add3A_23, %mul3A : vector<1000x128xf32>
    %get3A_25 = arith.constant 0 : index
    %get3A_26 = arith.constant 0 : index
    %get3A_27 = vector.load %arg1[%get3A_25, %get3A_26] : memref<1000x128xf32, #tpu.memory_space<vmem>>, vector<1000x128xf32>
    %get3A_28 = arith.constant 0 : index
    %get3A_29 = arith.constant 0 : index
    %get3A_30 = vector.load %arg6[%get3A_28, %get3A_29] : memref<128x128xf32, #tpu.memory_space<vmem>>, vector<128x128xf32>
    %dot_general3A = arith.constant dense<0.000000e+00> : vector<1000x128xf32>
    %dot_general3A_31 = tpu.matmul %mul3A_24, %get3A_30, %dot_general3A {dimension_numbers = #tpu.dot_dimension_numbers<[1], [0], [0], [1], [0, 0, 1, 1], [], []>, transpose_lhs_hint = false} : vector<1000x128xf32>, vector<128x128xf32>, vector<1000x128xf32> -> vector<1000x128xf32>
    %add3A_32 = arith.addf %get3A_27, %dot_general3A_31 : vector<1000x128xf32>
    %max3A_33 = arith.constant 0.000000e+00 : f32
    %max3A_34 = vector.broadcast %max3A_33 : f32 to vector<1000x128xf32>
    %max3A_35 = arith.maximumf %add3A_32, %max3A_34 : vector<1000x128xf32>
    %swap3A = arith.constant 0 : index
    %swap3A_36 = arith.constant 0 : index
    %swap3A_37 = vector.load %arg7[%swap3A, %swap3A_36] : memref<1000x128xf32, #tpu.memory_space<vmem>>, vector<1000x128xf32>
    tpu.vector_store %arg7[%swap3A, %swap3A_36], %max3A_35 {strides = array<i32>} : memref<1000x128xf32, #tpu.memory_space<vmem>>, vector<1000x128xf32>,
    %swap3A_38 = arith.constant 0 : index
    %swap3A_39 = arith.constant 0 : index
    %swap3A_40 = vector.load %arg8[%swap3A_38, %swap3A_39] : memref<1000x1xf32, #tpu.memory_space<vmem>>, vector<1000x1xf32>
    tpu.vector_store %arg8[%swap3A_38, %swap3A_39], %div3A_12 {strides = array<i32>} : memref<1000x1xf32, #tpu.memory_space<vmem>>, vector<1000x1xf32>,
    return
  }
  func.func @transform_0(%arg0: i32) -> (i32, i32) {
    %c0_i32 = arith.constant 0 : i32
    %c0_i32_0 = arith.constant 0 : i32
    return %arg0, %c0_i32 : i32, i32
  }
  func.func @transform_1(%arg0: i32) -> (i32, i32, i32) {
    %c0_i32 = arith.constant 0 : i32
    %c0_i32_0 = arith.constant 0 : i32
    %c0_i32_1 = arith.constant 0 : i32
    return %c0_i32, %arg0, %c0_i32_0 : i32, i32, i32
  }
  func.func @transform_2(%arg0: i32) -> (i32, i32, i32) {
    %c1_i32 = arith.constant 1 : i32
    %c0_i32 = arith.constant 0 : i32
    %c0_i32_0 = arith.constant 0 : i32
    return %c1_i32, %arg0, %c0_i32 : i32, i32, i32
  }
  func.func @transform_3(%arg0: i32) -> (i32, i32, i32) {
    %c0_i32 = arith.constant 0 : i32
    %c0_i32_0 = arith.constant 0 : i32
    %c0_i32_1 = arith.constant 0 : i32
    return %c0_i32, %arg0, %c0_i32_0 : i32, i32, i32
  }
  func.func @transform_4(%arg0: i32) -> (i32, i32, i32) {
    %c1_i32 = arith.constant 1 : i32
    %c0_i32 = arith.constant 0 : i32
    %c0_i32_0 = arith.constant 0 : i32
    return %c1_i32, %arg0, %c0_i32 : i32, i32, i32
  }
  func.func @transform_5(%arg0: i32) -> (i32, i32) {
    %c0_i32 = arith.constant 0 : i32
    %c0_i32_0 = arith.constant 0 : i32
    %c0_i32_1 = arith.constant 0 : i32
    return %c0_i32, %c0_i32_0 : i32, i32
  }
  func.func @transform_6(%arg0: i32) -> (i32, i32) {
    %c0_i32 = arith.constant 0 : i32
    %c0_i32_0 = arith.constant 0 : i32
    return %arg0, %c0_i32 : i32, i32
  }
  func.func @transform_7(%arg0: i32) -> (i32, i32) {
    %c0_i32 = arith.constant 0 : i32
    %c0_i32_0 = arith.constant 0 : i32
    return %arg0, %c0_i32 : i32, i32
  }
}

module attributes {stable_mosaic.version = 14 : i64} {
  func.func @_tc_post_body(%arg0: i32, %arg1: memref<1000x128xf32, #tpu.memory_space<vmem>>, %arg2: memref<1x1000x128xf32, #tpu.memory_space<vmem>>, %arg3: memref<1x1000x128xf32, #tpu.memory_space<vmem>>, %arg4: memref<1000x1xf32, #tpu.memory_space<vmem>>, %arg5: memref<128x128xf32, #tpu.memory_space<vmem>>, %arg6: memref<1000x128xf32, #tpu.memory_space<vmem>>) attributes {dimension_semantics = [#tpu.dimension_semantics<arbitrary>], iteration_bounds = array<i64: 10>, scalar_prefetch = 0 : i64, scratch_operands = 0 : i64, tpu.core_type = #tpu.core_type<tc>, window_params = [{transform_indices = @transform_0, window_bounds = array<i64: 1000, 128>}, {transform_indices = @transform_1, window_bounds = array<i64: 1, 1000, 128>}, {transform_indices = @transform_2, window_bounds = array<i64: 1, 1000, 128>}, {transform_indices = @transform_3, window_bounds = array<i64: 1000, 1>}, {pipeline_mode = #tpu.pipeline_mode<synchronous>, transform_indices = @transform_4, window_bounds = array<i64: 128, 128>}, {transform_indices = @transform_5, window_bounds = array<i64: 1000, 128>}]} {
    %get3A = arith.constant 0 : index
    %get3A_0 = arith.constant 0 : index
    %get3A_1 = arith.constant 0 : index
    %get3A_2 = vector.load %arg2[%get3A, %get3A_0, %get3A_1] : memref<1x1000x128xf32, #tpu.memory_space<vmem>>, vector<1x1000x128xf32>
    %get3A_3 = vector.shape_cast %get3A_2 : vector<1x1000x128xf32> to vector<1000x128xf32>
    %get3A_4 = arith.constant 0 : index
    %get3A_5 = arith.constant 0 : index
    %get3A_6 = arith.constant 0 : index
    %get3A_7 = vector.load %arg3[%get3A_4, %get3A_5, %get3A_6] : memref<1x1000x128xf32, #tpu.memory_space<vmem>>, vector<1x1000x128xf32>
    %get3A_8 = vector.shape_cast %get3A_7 : vector<1x1000x128xf32> to vector<1000x128xf32>
    %add3A = arith.addf %get3A_3, %get3A_8 : vector<1000x128xf32>
    %get3A_9 = arith.constant 0 : index
    %get3A_10 = arith.constant 0 : index
    %get3A_11 = vector.load %arg4[%get3A_9, %get3A_10] : memref<1000x1xf32, #tpu.memory_space<vmem>>, vector<1000x1xf32>
    %mul3A = vector.broadcast %get3A_11 : vector<1000x1xf32> to vector<1000x128xf32>
    %mul3A_12 = arith.mulf %add3A, %mul3A : vector<1000x128xf32>
    %get3A_13 = arith.constant 0 : index
    %get3A_14 = arith.constant 0 : index
    %get3A_15 = vector.load %arg1[%get3A_13, %get3A_14] : memref<1000x128xf32, #tpu.memory_space<vmem>>, vector<1000x128xf32>
    %get3A_16 = arith.constant 0 : index
    %get3A_17 = arith.constant 0 : index
    %get3A_18 = vector.load %arg5[%get3A_16, %get3A_17] : memref<128x128xf32, #tpu.memory_space<vmem>>, vector<128x128xf32>
    %dot_general3A = arith.constant dense<0.000000e+00> : vector<1000x128xf32>
    %dot_general3A_19 = tpu.matmul %mul3A_12, %get3A_18, %dot_general3A {dimension_numbers = #tpu.dot_dimension_numbers<[1], [0], [0], [1], [0, 0, 1, 1], [], []>, transpose_lhs_hint = false} : vector<1000x128xf32>, vector<128x128xf32>, vector<1000x128xf32> -> vector<1000x128xf32>
    %add3A_20 = arith.addf %get3A_15, %dot_general3A_19 : vector<1000x128xf32>
    %max3A = arith.constant 0.000000e+00 : f32
    %max3A_21 = vector.broadcast %max3A : f32 to vector<1000x128xf32>
    %max3A_22 = arith.maximumf %add3A_20, %max3A_21 : vector<1000x128xf32>
    %swap3A = arith.constant 0 : index
    %swap3A_23 = arith.constant 0 : index
    %swap3A_24 = vector.load %arg6[%swap3A, %swap3A_23] : memref<1000x128xf32, #tpu.memory_space<vmem>>, vector<1000x128xf32>
    tpu.vector_store %arg6[%swap3A, %swap3A_23], %max3A_22 {strides = array<i32>} : memref<1000x128xf32, #tpu.memory_space<vmem>>, vector<1000x128xf32>,
    return
  }
  func.func @transform_0(%arg0: i32) -> (i32, i32) {
    %c0_i32 = arith.constant 0 : i32
    %c0_i32_0 = arith.constant 0 : i32
    return %arg0, %c0_i32 : i32, i32
  }
  func.func @transform_1(%arg0: i32) -> (i32, i32, i32) {
    %c0_i32 = arith.constant 0 : i32
    %c0_i32_0 = arith.constant 0 : i32
    %c0_i32_1 = arith.constant 0 : i32
    return %c0_i32, %arg0, %c0_i32_0 : i32, i32, i32
  }
  func.func @transform_2(%arg0: i32) -> (i32, i32, i32) {
    %c1_i32 = arith.constant 1 : i32
    %c0_i32 = arith.constant 0 : i32
    %c0_i32_0 = arith.constant 0 : i32
    return %c1_i32, %arg0, %c0_i32 : i32, i32, i32
  }
  func.func @transform_3(%arg0: i32) -> (i32, i32) {
    %c0_i32 = arith.constant 0 : i32
    %c0_i32_0 = arith.constant 0 : i32
    return %arg0, %c0_i32 : i32, i32
  }
  func.func @transform_4(%arg0: i32) -> (i32, i32) {
    %c0_i32 = arith.constant 0 : i32
    %c0_i32_0 = arith.constant 0 : i32
    %c0_i32_1 = arith.constant 0 : i32
    return %c0_i32, %c0_i32_0 : i32, i32
  }
  func.func @transform_5(%arg0: i32) -> (i32, i32) {
    %c0_i32 = arith.constant 0 : i32
    %c0_i32_0 = arith.constant 0 : i32
    return %arg0, %c0_i32 : i32, i32
  }
}

module attributes {stable_mosaic.version = 14 : i64} {
  func.func @_tc_post_body(%arg0: i32, %arg1: memref<1000x128xf32, #tpu.memory_space<vmem>>, %arg2: memref<1x1000x128xf32, #tpu.memory_space<vmem>>, %arg3: memref<1x1000x128xf32, #tpu.memory_space<vmem>>, %arg4: memref<1000x1xf32, #tpu.memory_space<vmem>>, %arg5: memref<128x128xf32, #tpu.memory_space<vmem>>, %arg6: memref<1000x128xf32, #tpu.memory_space<vmem>>) attributes {dimension_semantics = [#tpu.dimension_semantics<arbitrary>], iteration_bounds = array<i64: 10>, scalar_prefetch = 0 : i64, scratch_operands = 0 : i64, tpu.core_type = #tpu.core_type<tc>, window_params = [{transform_indices = @transform_0, window_bounds = array<i64: 1000, 128>}, {transform_indices = @transform_1, window_bounds = array<i64: 1, 1000, 128>}, {transform_indices = @transform_2, window_bounds = array<i64: 1, 1000, 128>}, {transform_indices = @transform_3, window_bounds = array<i64: 1000, 1>}, {pipeline_mode = #tpu.pipeline_mode<synchronous>, transform_indices = @transform_4, window_bounds = array<i64: 128, 128>}, {transform_indices = @transform_5, window_bounds = array<i64: 1000, 128>}]} {
    %get3A = arith.constant 0 : index
    %get3A_0 = arith.constant 0 : index
    %get3A_1 = arith.constant 0 : index
    %get3A_2 = vector.load %arg2[%get3A, %get3A_0, %get3A_1] : memref<1x1000x128xf32, #tpu.memory_space<vmem>>, vector<1x1000x128xf32>
    %get3A_3 = vector.shape_cast %get3A_2 : vector<1x1000x128xf32> to vector<1000x128xf32>
    %get3A_4 = arith.constant 0 : index
    %get3A_5 = arith.constant 0 : index
    %get3A_6 = arith.constant 0 : index
    %get3A_7 = vector.load %arg3[%get3A_4, %get3A_5, %get3A_6] : memref<1x1000x128xf32, #tpu.memory_space<vmem>>, vector<1x1000x128xf32>
    %get3A_8 = vector.shape_cast %get3A_7 : vector<1x1000x128xf32> to vector<1000x128xf32>
    %add3A = arith.addf %get3A_3, %get3A_8 : vector<1000x128xf32>
    %get3A_9 = arith.constant 0 : index
    %get3A_10 = arith.constant 0 : index
    %get3A_11 = vector.load %arg4[%get3A_9, %get3A_10] : memref<1000x1xf32, #tpu.memory_space<vmem>>, vector<1000x1xf32>
    %mul3A = vector.broadcast %get3A_11 : vector<1000x1xf32> to vector<1000x128xf32>
    %mul3A_12 = arith.mulf %add3A, %mul3A : vector<1000x128xf32>
    %get3A_13 = arith.constant 0 : index
    %get3A_14 = arith.constant 0 : index
    %get3A_15 = vector.load %arg1[%get3A_13, %get3A_14] : memref<1000x128xf32, #tpu.memory_space<vmem>>, vector<1000x128xf32>
    %get3A_16 = arith.constant 0 : index
    %get3A_17 = arith.constant 0 : index
    %get3A_18 = vector.load %arg5[%get3A_16, %get3A_17] : memref<128x128xf32, #tpu.memory_space<vmem>>, vector<128x128xf32>
    %dot_general3A = arith.constant dense<0.000000e+00> : vector<1000x128xf32>
    %dot_general3A_19 = tpu.matmul %mul3A_12, %get3A_18, %dot_general3A {dimension_numbers = #tpu.dot_dimension_numbers<[1], [0], [0], [1], [0, 0, 1, 1], [], []>, transpose_lhs_hint = false} : vector<1000x128xf32>, vector<128x128xf32>, vector<1000x128xf32> -> vector<1000x128xf32>
    %add3A_20 = arith.addf %get3A_15, %dot_general3A_19 : vector<1000x128xf32>
    %swap3A = arith.constant 0 : index
    %swap3A_21 = arith.constant 0 : index
    %swap3A_22 = vector.load %arg6[%swap3A, %swap3A_21] : memref<1000x128xf32, #tpu.memory_space<vmem>>, vector<1000x128xf32>
    tpu.vector_store %arg6[%swap3A, %swap3A_21], %add3A_20 {strides = array<i32>} : memref<1000x128xf32, #tpu.memory_space<vmem>>, vector<1000x128xf32>,
    return
  }
  func.func @transform_0(%arg0: i32) -> (i32, i32) {
    %c0_i32 = arith.constant 0 : i32
    %c0_i32_0 = arith.constant 0 : i32
    return %arg0, %c0_i32 : i32, i32
  }
  func.func @transform_1(%arg0: i32) -> (i32, i32, i32) {
    %c0_i32 = arith.constant 0 : i32
    %c0_i32_0 = arith.constant 0 : i32
    %c0_i32_1 = arith.constant 0 : i32
    return %c0_i32, %arg0, %c0_i32_0 : i32, i32, i32
  }
  func.func @transform_2(%arg0: i32) -> (i32, i32, i32) {
    %c1_i32 = arith.constant 1 : i32
    %c0_i32 = arith.constant 0 : i32
    %c0_i32_0 = arith.constant 0 : i32
    return %c1_i32, %arg0, %c0_i32 : i32, i32, i32
  }
  func.func @transform_3(%arg0: i32) -> (i32, i32) {
    %c0_i32 = arith.constant 0 : i32
    %c0_i32_0 = arith.constant 0 : i32
    return %arg0, %c0_i32 : i32, i32
  }
  func.func @transform_4(%arg0: i32) -> (i32, i32) {
    %c0_i32 = arith.constant 0 : i32
    %c0_i32_0 = arith.constant 0 : i32
    %c0_i32_1 = arith.constant 0 : i32
    return %c0_i32, %c0_i32_0 : i32, i32
  }
  func.func @transform_5(%arg0: i32) -> (i32, i32) {
    %c0_i32 = arith.constant 0 : i32
    %c0_i32_0 = arith.constant 0 : i32
    return %arg0, %c0_i32 : i32, i32
  }
}

</mosaic_0001>

<sc_bundles>
// kernel: kernel.11.cloned.1.call-start
scs
__scs_entry_jumppad:
0x0: {  	(pc) =	sbr.rel $0x88, $3  }
0x1: {  	(tag) =	ssettag $0x0;
	lr =	simm.s32 $0x1  }
0x2: {  	[smem:$0x3F96] =	sst lr;
	_ =	strace $0xD0000000  }
0x3: {  	_ = 	snop  }
0x4: {  	_ = 	snop  }
0x5: {  	_ = 	snop  }
0x6: {  	_ = 	snop  }
0x7: {  	_ = 	snop  }
__scs_overlays_trampoline_lowered:
0x8: {  	[smem:$0x3FA5] =	sst s0  }
0x9: {  	[smem:$0x3FA6] =	sst s1  }
0xa: {  	[smem:$0x3FA7] =	sst s2  }
0xb: {  	[smem:$0x3FA8] =	sst s3  }
0xc: {  	[smem:$0x3FA9] =	sst s4  }
0xd: {  	[smem:$0x3FAA] =	sst s5  }
0xe: {  	[smem:$0x3FAB] =	sst s6  }
0xf: {  	[smem:$0x3FAC] =	sst s7  }
0x10: {  	[smem:$0x3FAD] =	sst s8  }
0x11: {  	[smem:$0x3FAE] =	sst s9;
	s0 =	simm.s32 @!p0 $0x0  }
0x12: {  	s1 =	sld [smem:$0x3F94];
	s0 =	simm.s32 @p0 $0x1  }
0x13: {  	[smem:$0x3FAF] =	sst s0;
	s0 =	simm.s32 @!p1 $0x0  }
0x14: {  	s2 =	sld [smem:$0x3F93];
	s0 =	simm.s32 @p1 $0x1  }
0x15: {  	[smem:$0x3FB0] =	sst s0;
	s0 =	simm.s32 @!p2 $0x0  }
0x16: {  	s3 =	sld [smem:$0x3FDB];
	s0 =	simm.s32 @p2 $0x1  }
0x17: {  	s4 =	simm.s32 $0x1BF5;
	[smem:$0x3FB2] =	sst s0  }
0x18: {  	s0 =	sld [smem:$0x3F95];
	_ =	swait.ge [sflag:s4], $0x0  }
0x19: {  	s7 =	sld [smem:$0x3F96]  }
0x1a: {  	s8 =	sadd.s32 $0xFFFFE003, lr  }
0x1b: {  	s9 =	sadd.s32 $0xFFFFFEF7, lr;
	s5 =	simm.s32 $0xFFFFFFFF;
	p2 =	slt.u32 s8, $0xFFFFF086  }
0x1c: {  	p1 =	slt.u32 s9, $0xF7A;
	s5 =	simm.s32 @!p2 $0x0  }
0x1d: {  	s5 =	simm.s32 @p1 $0x1;
	p0 =	seq.s32 s7, s2  }
0x1e: {  	s7 =	smul.u32 @!p0 $0xF7A, s2;
	p2 =	seq.s32 @!p0 s5, $0x0  }
0x1f: {  	s9 =	smul.u32 $0xF7A, s1;
	s8 =	simm.s32 @!p0 $0x1BF5;
	p2 =	por !p2, p0  }
0x20: {  	[sflag:s8] =	ssyncset.s32 @!p0 $0xFFFFF086;
	s6 =	sadd.s32 @!p0 s3, s7;
	s7 =	simm.s32 @!p0 $0x108  }
0x21: {  	s3 =	sadd.s32 s3, s9;
	s6 =	sadd.s32 @!p0 $0x88, s6;
	s7 =	simm.s32 @p2 $0x1082  }
0x22: {  	[simem:s7], [sflag:s8] =	dma.local @!p0 [hbm:s6], $0xF7A  }
0x23: {  	s9 =	sor.u32 $0xD0000000, s2;
	s6 =	simm.s32 $0x108;
	_ =	swait.ge @!p0 [sflag:s8], $0x0  }
0x24: {  	s3 =	sadd.s32 $0x88, s3;
	s6 =	simm.s32 @!p1 $0x1082;
	[sflag:s4] =	ssyncset.s32 $0xFFFFF086  }
0x25: {  	[simem:s6], [sflag:s4] =	dma.local [hbm:s3], $0xF7A  }
0x26: {  	[smem:$0x3F96] =	sst s1;
	(tag) =	ssettag s2;
	_ =	strace s9  }
0x27: {  	s1 =	sld [smem:$0x3FA6]  }
0x28: {  	s2 =	sld [smem:$0x3FA7]  }
0x29: {  	s4 =	sld [smem:$0x3FA9]  }
0x2a: {  	p0 =	seq.s32 s5, $0x0;
	s5 =	sld [smem:$0x3FAA]  }
0x2b: {  	s6 =	sld [smem:$0x3FAB]  }
0x2c: {  	s7 =	sld [smem:$0x3FAC]  }
0x2d: {  	s3 =	simm.s32 $0x108;
	s8 =	sld [smem:$0x3FAD]  }
0x2e: {  	s3 =	simm.s32 @!p0 $0x1082;
	s9 =	sld [smem:$0x3FAE]  }
0x2f: {  	lr =	sadd.s32 s0, s3;
	s0 =	sld [smem:$0x3FA5]  }
0x30: {  	s3 =	sld [smem:$0x3FA8]  }
0x31: {  	[smem:$0x3FB1] =	sst s10  }
0x32: {  	s10 =	sld [smem:$0x3FAF];
	_ =	sdelay $0x3  }
0x33: {  	p0 =	seq.s32 s10, $0x1;
	s10 =	sld [smem:$0x3FB1];
	_ =	sdelay $0x3  }
0x34: {  	[smem:$0x3FB1] =	sst s10  }
0x35: {  	s10 =	sld [smem:$0x3FB0];
	_ =	sdelay $0x3  }
0x36: {  	p1 =	seq.s32 s10, $0x1;
	s10 =	sld [smem:$0x3FB1];
	_ =	sdelay $0x3  }
0x37: {  	[smem:$0x3FB1] =	sst s10  }
0x38: {  	s10 =	sld [smem:$0x3FB2]  }
0x39: {  	_ = 	snop;
	(pc) =	sbr.ind lr, $3  }
0x3a: {  	_ = 	snop  }
0x3b: {  	_ = 	snop  }
0x3c: {  	p2 =	seq.s32 s10, $0x1;
	s10 =	sld [smem:$0x3FB1]  }
0x3d: {  	_ =	shalt  }
0x3e: {  	_ =	shalt  }
0x3f: {  	_ =	shalt  }
0x40: {  	_ =	shalt  }
0x41: {  	_ =	shalt  }
0x42: {  	_ =	shalt  }
0x43: {  	_ =	shalt  }
0x44: {  	_ =	shalt  }
0x45: {  	_ =	shalt  }
0x46: {  	_ =	shalt  }
0x47: {  	_ =	shalt  }
0x48: {  	_ =	shalt  }
0x49: {  	_ =	shalt  }
0x4a: {  	_ =	shalt  }
0x4b: {  	_ =	shalt  }
0x4c: {  	_ =	shalt  }
0x4d: {  	_ =	shalt  }
0x4e: {  	_ =	shalt  }
0x4f: {  	_ =	shalt  }
0x50: {  	_ =	shalt  }
0x51: {  	_ =	shalt  }
0x52: {  	_ =	shalt  }
0x53: {  	_ =	shalt  }
0x54: {  	_ =	shalt  }
0x55: {  	_ =	shalt  }
0x56: {  	_ =	shalt  }
0x57: {  	_ =	shalt  }
0x58: {  	_ =	shalt  }
0x59: {  	_ =	shalt  }
0x5a: {  	_ =	shalt  }
0x5b: {  	_ =	shalt  }
0x5c: {  	_ =	shalt  }
0x5d: {  	_ =	shalt  }
0x5e: {  	_ =	shalt  }
0x5f: {  	_ =	shalt  }
0x60: {  	_ =	shalt  }
0x61: {  	_ =	shalt  }
0x62: {  	_ =	shalt  }
0x63: {  	_ =	shalt  }
0x64: {  	_ =	shalt  }
0x65: {  	_ =	shalt  }
0x66: {  	_ =	shalt  }
0x67: {  	_ =	shalt  }
0x68: {  	_ =	shalt  }
0x69: {  	_ =	shalt  }
0x6a: {  	_ =	shalt  }
0x6b: {  	_ =	shalt  }
0x6c: {  	_ =	shalt  }
0x6d: {  	_ =	shalt  }
0x6e: {  	_ =	shalt  }
0x6f: {  	_ =	shalt  }
0x70: {  	_ =	shalt  }
0x71: {  	_ =	shalt  }
0x72: {  	_ =	shalt  }
0x73: {  	_ =	shalt  }
0x74: {  	_ =	shalt  }
0x75: {  	_ =	shalt  }
0x76: {  	_ =	shalt  }
0x77: {  	_ =	shalt  }
0x78: {  	_ =	shalt  }
0x79: {  	_ =	shalt  }
0x7a: {  	_ =	shalt  }
0x7b: {  	_ =	shalt  }
0x7c: {  	_ =	shalt  }
0x7d: {  	_ =	shalt  }
0x7e: {  	_ =	shalt  }
0x7f: {  	_ =	shalt  }
0x80: {  	_ =	shalt  }
0x81: {  	_ =	shalt  }
0x82: {  	_ =	shalt  }
0x83: {  	_ =	shalt  }
0x84: {  	_ =	shalt  }
0x85: {  	_ =	shalt  }
0x86: {  	_ =	shalt  }
0x87: {  	_ =	shalt  }
.Lfunc_end0:
.L_simem_size_0:
called_computation_lowered:
.L_overlay_start_0:
0x88: {  	s2 =	sld [smem:$0x3FD9]  }
0x89: {  	s3 =	sld [smem:$0x3FFE];
	_ =	sdelay $0x1  }
0x8a: {  	s1 =	srdreg.scid  }
0x8b: {  	s0 =	sand.u32 $0x1, s1  }
0x8c: {  	s17 =	sshll.u32 s0, $0xA;
	s2 =	sadd.s32 s3, s2  }
0x8d: {  	s2 =	sadd.s32 s2, s17  }
0x8e: {  	[smem:$0x3FBD] =	sst s2  }
0x8f: {  	_ = 	snop  }
0x90: {  	s2 =	sld [smem:$0x3FC9]  }
0x91: {  	s18 =	sld [smem:$0x3FD0];
	(tm) =	ssettm $0x1  }
0x92: {  	s4 =	sld [smem:$0x3FFB];
	_ =	sdelay $0x3  }
0x93: {  	_ =	strace s4  }
0x94: {  	s4 =	sld [smem:$0x3FFC];
	_ =	sdelay $0x3  }
0x95: {  	_ =	strace s4  }
0x96: {  	s4 =	sld [smem:$0x3FFD];
	_ =	sdelay $0x3  }
0x97: {  	_ =	strace s4  }
0x98: {  	_ =	strace $0x8FFFFFFF  }
0x99: {  	s19 =	sld [smem:$0x3FDB];
	_ =	sdelay $0x1  }
0x9a: {  	s5 =	simm.s32 $_scs_section_size  }
0x9b: {  	s6 =	simm.s32 $_size__tile_overlayer_lowered;
	s7 =	simm.s32 $_tile_overlayer_lowered  }
0x9c: {  	s22 =	simm.s32 $0x1BFF;
	s21 =	sshll.u32 s7, $0x1;
	s4 =	sadd.s32 s5, s19  }
0x9d: {  	s8 =	simm.s32 $0x0;
	s20 =	sshll.u32 s6, $0x1;
	s6 =	sadd.s32 s21, s4  }
0x9e: {  	[timem:s8], [sflag:s22] =	dma.local [hbm:s6], s20  }
0x9f: {  	_ =	swait.ge [sflag:s22], s20  }
0xa0: {  	s5 =	ssub.s32 $0x0, s20;
	[sflag:s22] =	ssyncset.done $0x0  }
0xa1: {  	[sflag:s22] =	ssyncadd.s32 s5;
	_ =	sdelay $0x1  }
0xa2: {  	s23 =	simm.s32 $0x1B8B  }
0xa3: {  	_ =	swait.ge [sflag:s23], $0x1  }
0xa4: {  	[sflag:s23] =	ssyncset.done $0x0  }
0xa5: {  	s25 =	simm.s32 $0x1B8E;
	s24 =	sld [smem:$0x3FFE];
	[sflag:s23] =	ssyncadd.s32 $0xFFFFFFFF  }
0xa6: {  	s26 =	simm.s32 $execute0_lowered;
	[smem:$0x3FD2] =	sst s25  }
0xa7: {  	s6 =	sshll.u32 s26, $0x1;
	_ =	strace $0x80000046;
	[dreg:$0x1] =	wrdreg $0xFFFFFFFF  }
0xa8: {  	s28 =	simm.s32 $_size_execute0_lowered;
	s4 =	sadd.s32 s4, s6;
	[dreg:$0x0] =	wrdreg $0x0  }
0xa9: {  	s6 =	sshll.u32 s28, $0x1;
	[dreg:$0x2] =	wrdreg s4  }
0xaa: {  	[dreg:$0x3] =	wrdreg s6  }
0xab: {  	[dreg:$0x4] =	wrdreg $0xC0  }
0xac: {  	_ =	task [dreg:s8], $0x5FFFF  }
0xad: {  	[dreg:$0x1] =	wrdreg $0xFFFFFFFF  }
0xae: {  	[dreg:$0x0] =	wrdreg $0x60  }
0xaf: {  	[dreg:$0x2] =	wrdreg s2  }
0xb0: {  	[dreg:$0x3] =	wrdreg s24  }
0xb1: {  	[dreg:$0x4] =	wrdreg s18  }
0xb2: {  	[dreg:$0x5] =	wrdreg $0x0  }
0xb3: {  	[dreg:$0x6] =	wrdreg $0x140000  }
0xb4: {  	[dreg:$0x7] =	wrdreg $0x9  }
0xb5: {  	_ =	task.clear_ibuf [dreg:s8], $0x8FFFF;
	_ =	strace $0x90000046  }
0xb6: {  	s29 =	simm.s32 $0x9;
	_ =	strace $0x80000048  }
0xb7: {  	_ =	swait.ge [sflag:s29], $0x1  }
0xb8: {  	[sflag:s29] =	ssyncadd.s32 $0xFFFFFFFF  }
0xb9: {  	_ =	strace $0x90000048  }
0xba: {  	_ =	sfence  }
0xbb: {  	s30 =	sld [smem:$0x0];
	_ =	sdelay $0x2  }
0xbc: {  	s31 =	sshll.u32 s1, $0xD;
	s1 =	sshrl.u32 s1, $0x2  }
0xbd: {  	s3 =	sand.u32 $0x4000, s31;
	s1 =	sadd.s32 s1, s30  }
0xbe: {  	s0 =	sor.u32 s3, s0;
	s1 =	sshll.u32 s1, $0x11  }
0xbf: {  	s0 =	sor.u32 s1, s0  }
0xc0: {  	s0 =	sadd.s32 $0x8F2B, s0  }
0xc1: {  	[sflag:s0] =	ssyncadd.remote.s32 $0x1  }
0xc2: {  	_ =	sfence.sel $0xFFFF  }
0xc3: {  	[dreg:$0x0] =	wrdreg $0xFFFFFFFF;
	(pc) =	sbr.abs _section_cstart, $3  }
0xc4: {  	[dreg:$0x1] =	wrdreg $0xFFFFFFFF  }
0xc5: {  	_ =	task.clear_ibuf [dreg:s8], $0x2FFFF;
	_ =	strace $0x9FFFFFFF  }
0xc6: {  	(tm) =	ssettm $0x7FFFFFFF  }
0xc7: {  	_ =	shalt  }
tec
execute0_lowered:
.L_overlay_start_1:
0x0: {  	(tag) =	ssettag $0x1  }
0x1: {  	s0 =	rddreg [dreg:$0x1]  }
0x2: {  	s1 =	srdreg.scid;
	s4 =	rddreg [dreg:$0x2]  }
0x3: {  	s13 =	stileid.u32;
	s28 =	rddreg [dreg:$0x4]  }
0x4: {  	s29 =	simm.s32 $0x15;
	s31 =	simm.s32 $0x14280;
	s30 =	simm.s32 $0x12  }
0x5: {  	s5 =	sand.u32 $0x1, s1;
	s1 =	simm.s32 $0x0;
	s6 =	smul.u32 $0x14000, s13  }
0x6: {  	s3 =	sadd.s32 $0xD400, s0;
	s9 =	sadd.s32 $0x3400, s0;
	s23 =	smul.u32 $0x2800, s13  }
0x7: {  	s10 =	sadd.s32 $0x3F400, s0;
	s24 =	smul.u32 $0x500, s13;
	p0 =	seq.s32 s13, $0xF  }
0x8: {  	s2 =	sshll.u32 s5, $0x4;
	[smem:$0x7FF] =	sst s1;
	s11 =	smul.u32 $0x138800, s5  }
0x9: {  	s18 =	ssub.s32 $0x2, s5;
	s22 =	smul.u32 $0x28000, s5;
	s5 =	sshll.u32 s5, $0x7  }
0xa: {  	s2 =	sor.u32 s13, s2;
	s7 =	sshrl.u32 s6, $0x3;
	s19 =	sshrl.u32 s18, $0x1  }
0xb: {  	s5 =	sor.u32 s5, s24;
	s8 =	smul.u32 $0x2800, s2;
	s2 =	sadd.s32 s7, s0  }
0xc: {  	s0 =	ssub.s32 s18, s19;
	s6 =	sadd.s32 s6, s11;
	s5 =	sshrl.u32 s5, $0x3  }
0xd: {  	s25 =	sshrl.u32 s11, $0x3;
	s6 =	sshrl.u32 s6, $0x3;
	s4 =	sadd.s32 s4, s5  }
0xe: {  	s2 =	sadd.s32 $0x17400, s2;
	s0 =	smax.u32 s0, $0x1;
	s8 =	sshrl.u32 s8, $0x3  }
0xf: {  	s6 =	sadd.s32 s10, s6;
	[dreg:$0xb] =	wrdreg s4;
	s20 =	sor.u32 $0xA, s8  }
0x10: {  	s12 =	sadd.s32 s3, s8;
	s14 =	sadd.s32 s9, s8;
	[dreg:$0xa] =	wrdreg s6  }
0x11: {  	s6 =	sadd.s32 s23, s22;
	s8 =	sadd.s32 s10, s25;
	[dreg:$0x6] =	wrdreg s12  }
0x12: {  	s21 =	sadd.s32 s3, s20;
	s7 =	sadd.s32 s9, s20;
	s26 =	sor.u32 $0x280, s6  }
0x13: {  	s10 =	sor.u32 $0x2D0, s6;
	s12 =	sor.u32 $0x230, s6;
	s17 =	sor.u32 $0x1E0, s6  }
0x14: {  	s18 =	sor.u32 $0x190, s6;
	s24 =	sor.u32 $0x370, s6;
	[dreg:$0x7] =	wrdreg s21  }
0x15: {  	s25 =	sor.u32 $0x320, s6;
	[dreg:$0x9] =	wrdreg s7;
	s7 =	sshrl.u32 s26, $0x3  }
0x16: {  	s4 =	sshrl.u32 s10, $0x3;
	s16 =	sshrl.u32 s12, $0x3;
	s5 =	sadd.s32 s7, s3  }
0x17: {  	s19 =	sshrl.u32 s17, $0x3;
	s11 =	sadd.s32 s7, s9;
	[dreg:$0xc] =	wrdreg s5  }
0x18: {  	s20 =	sshrl.u32 s18, $0x3;
	s15 =	sadd.s32 s4, s3;
	[dreg:$0xd] =	wrdreg s11  }
0x19: {  	s26 =	sor.u32 $0x140, s6;
	s4 =	sadd.s32 s4, s9;
	[dreg:$0xe] =	wrdreg s15  }
0x1a: {  	s12 =	sor.u32 $0xF0, s6;
	s21 =	sadd.s32 s19, s3;
	[dreg:$0xf] =	wrdreg s4  }
0x1b: {  	s18 =	smul.u32 $0xA00, s13;
	s22 =	sadd.s32 s20, s3;
	[dreg:$0x12] =	wrdreg s21  }
0x1c: {  	s23 =	sadd.s32 s20, s9;
	s7 =	sshrl.u32 s26, $0x3;
	[dreg:$0x14] =	wrdreg s22  }
0x1d: {  	s26 =	sadd.s32 $0x1E, s14;
	s5 =	sadd.s32 s16, s3;
	[dreg:$0x15] =	wrdreg s23  }
0x1e: {  	s4 =	sadd.s32 s16, s9;
	s10 =	sadd.s32 s7, s9;
	s22 =	rddreg [dreg:$0x0]  }
0x1f: {  	s11 =	sadd.s32 s7, s3;
	s15 =	sor.u32 $0xA0, s6;
	[dreg:$0x10] =	wrdreg s5  }
0x20: {  	s16 =	smul.u32 $0x50000, s13;
	s20 =	sshrl.u32 s18, $0x2;
	[dreg:$0x11] =	wrdreg s4  }
0x21: {  	s21 =	sadd.s32 $0x25800, s8;
	s18 =	simm.s32 $0x14480;
	[dreg:$0x18] =	wrdreg s10  }
0x22: {  	s7 =	simm.s32 $0x2;
	s4 =	sadd.s32 s19, s9;
	[dreg:$0x19] =	wrdreg s11  }
0x23: {  	s6 =	simm.s32 $0x14;
	[dreg:$0x13] =	wrdreg s4;
	s4 =	sshrl.u32 s24, $0x3  }
0x24: {  	s5 =	sshrl.u32 s25, $0x3;
	s24 =	rddreg [dreg:$0x3];
	s4 =	sadd.s32 s4, s9  }
0x25: {  	s5 =	sadd.s32 s5, s9;
	[dreg:$0x16] =	wrdreg s4;
	s4 =	sshrl.u32 s12, $0x3  }
0x26: {  	[dreg:$0x17] =	wrdreg s5;
	s5 =	sshrl.u32 s15, $0x3;
	s4 =	sadd.s32 s4, s3  }
0x27: {  	s8 =	simm.s32 $0x19880;
	s3 =	sadd.s32 s5, s3;
	[dreg:$0x1a] =	wrdreg s4  }
0x28: {  	s19 =	sshll.u32 s13, $0x6;
	s25 =	sadd.s32 $0x14, s14;
	[dreg:$0x1b] =	wrdreg s3  }
0x29: {  	s11 =	simm.s32 $0x1E900;
	_ =	strace $0x80000047;
	[dreg:$0x1d] =	wrdreg s2  }
0x2a: {  	s13 =	simm.s32 $0x50;
	s17 =	sshrl.u32 s16, $0x2;
	[smem:$0x7F9] =	sst s21  }
0x2b: {  	s16 =	sor.u32 $0x1C15, s19;
	s19 =	simm.s32 $0x14500;
	[smem:$0x7FA] =	sst s0  }
0x2c: {  	s23 =	sadd.s32 s17, s24;
	s9 =	simm.s32 $0x3;
	[smem:$0x7FC] =	sst s25  }
0x2d: {  	s15 =	simm.s32 $0xD;
	s17 =	simm.s32 $0x14400;
	[dreg:$0x8] =	wrdreg s14  }
.Ltmp0:
0x2e: {  	s12 =	simm.s32 $0x4;
	[smem:$0x7FD] =	sst s26;
	(pc) =	sbr.rel .LBB2_1-.Ltmp0, $4  }
0x2f: {  	s4 =	sadd.s32 s20, s28;
	s20 =	simm.s32 $0x11;
	[dreg:$0x1c] =	wrdreg s23  }
0x30: {  	s2 =	sadd.s32 $0x12C000, s24;
	s26 =	simm.s32 $0x14580;
	[dreg:$0x1e] =	wrdreg s16  }
0x31: {  	s25 =	simm.s32 $0x13;
	[dreg:$0x1f] =	wrdreg s4;
	s0 =	sshrl.u32 @p0 s2, $0x3  }
0x32: {  	v0 =	vimm.f32 $0.0e+00;
	v1 =	vimm.f32 $1.000000000e+00;
	s21 =	simm.s32 $0x14680;
	[smem:$0x7FB] =	sst s0;
	s0 =	simm.s32 $0x0  }
.LBB2_4:
0x33: {  	s0 =	simm.s32 $0xE  }
0x34: {  	_ =	swait.ge [sflag:s0], $0x2800  }
0x35: {  	[sflag:s0] =	ssyncset.done $0x0  }
0x36: {  	s4 =	simm.s32 $0x14700;
	[sflag:s0] =	ssyncadd.s32 $0xFFFFD800  }
0x37: {  	[spmem:s24] =	stream.indirect.scatter.add.f32 [tilespmem:s3], [sflag:$0x12], $0x80, s4, s13, $0xb8;
	[tilespmem:$0x1EB80] =	vst v63  }
0x38: {  	s2 =	simm.s32 $0x1E880;
	s5 =	simm.s32 $0xF  }
0x39: {  	[spmem:s28] =	stream.indirect.scatter.add.f32 [tilespmem:s2], [sflag:$0x12], $0x1, s4, s13, $0xb8;
	[tilespmem:$0x1EB80] =	vst v63  }
0x3a: {  	_ =	swait.ge [sflag:s5], $0x2800  }
0x3b: {  	[sflag:s5] =	ssyncset.done $0x0  }
0x3c: {  	s11 =	simm.s32 $0x14780;
	[sflag:s5] =	ssyncadd.s32 $0xFFFFD800  }
0x3d: {  	[spmem:s24] =	stream.indirect.scatter.add.f32 [tilespmem:s14], [sflag:$0x13], $0x80, s11, s13, $0xb8;
	[tilespmem:$0x1EB80] =	vst v63  }
0x3e: {  	s16 =	simm.s32 $0x10  }
0x3f: {  	[spmem:s28] =	stream.indirect.scatter.add.f32 [tilespmem:s2], [sflag:$0x13], $0x1, s11, s13, $0xb8;
	[tilespmem:$0x1EB80] =	vst v63  }
0x40: {  	_ =	swait.ge [sflag:s16], $0x2800  }
0x41: {  	[sflag:s16] =	ssyncset.done $0x0  }
0x42: {  	s23 =	simm.s32 $0x14800;
	[sflag:s16] =	ssyncadd.s32 $0xFFFFD800  }
0x43: {  	[spmem:s24] =	stream.indirect.scatter.add.f32 [tilespmem:s10], [sflag:$0x14], $0x80, s23, s13, $0xb8;
	[tilespmem:$0x1EB80] =	vst v63  }
0x44: {  	_ = 	snop  }
0x45: {  	[spmem:s28] =	stream.indirect.scatter.add.f32 [tilespmem:s2], [sflag:$0x14], $0x1, s23, s13, $0xb8;
	[tilespmem:$0x1EB80] =	vst v63  }
0x46: {  	_ =	swait.ge [sflag:s20], $0x2800  }
0x47: {  	[sflag:s20] =	ssyncset.done $0x0  }
0x48: {  	[sflag:s20] =	ssyncadd.s32 $0xFFFFD800  }
0x49: {  	_ =	swait.ge [sflag:s20], $0x50  }
0x4a: {  	[sflag:s20] =	ssyncset.done $0x0  }
0x4b: {  	[sflag:s20] =	ssyncadd.s32 $0xFFFFFFB0  }
0x4c: {  	_ =	swait.ge [sflag:s30], $0x2800  }
0x4d: {  	[sflag:s30] =	ssyncset.done $0x0  }
0x4e: {  	[sflag:s30] =	ssyncadd.s32 $0xFFFFD800  }
0x4f: {  	_ =	swait.ge [sflag:s30], $0x50  }
0x50: {  	[sflag:s30] =	ssyncset.done $0x0  }
0x51: {  	[sflag:s30] =	ssyncadd.s32 $0xFFFFFFB0  }
0x52: {  	_ =	swait.ge [sflag:s25], $0x2800  }
0x53: {  	[sflag:s25] =	ssyncset.done $0x0  }
0x54: {  	[sflag:s25] =	ssyncadd.s32 $0xFFFFD800  }
0x55: {  	_ =	swait.ge [sflag:s25], $0x50  }
0x56: {  	[sflag:s25] =	ssyncset.done $0x0  }
0x57: {  	[sflag:s25] =	ssyncadd.s32 $0xFFFFFFB0  }
0x58: {  	_ =	swait.ge [sflag:s6], $0x2800  }
0x59: {  	[sflag:s6] =	ssyncset.done $0x0  }
0x5a: {  	[sflag:s6] =	ssyncadd.s32 $0xFFFFD800  }
0x5b: {  	_ =	swait.ge [sflag:s6], $0x50  }
0x5c: {  	[sflag:s6] =	ssyncset.done $0x0  }
0x5d: {  	[sflag:s6] =	ssyncadd.s32 $0xFFFFFFB0  }
0x5e: {  	[bflag:$0x0] =	sbarrier.arrive $0xFFFF  }
0x5f: {  	s10 =	sld [smem:$0x7F9]  }
0x60: {  	s11 =	sld [smem:$0x7FB];
	_ =	sdelay $0x1  }
0x61: {  	s16 =	rddreg [dreg:$0x1e]  }
0x62: {  	[hbm:s10], [sflag:s16] =	dma.local @p0 [spmem:s11], $0x1900  }
0x63: {  	s10 =	simm.s32 @p0 $0x15  }
0x64: {  	_ =	swait.ge @p0 [sflag:s10], $0x1900  }
0x65: {  	[sflag:s10] =	ssyncset.done @p0 $0x0;
	s23 =	rddreg [dreg:$0x1c]  }
0x66: {  	s11 =	rddreg [dreg:$0xa];
	[sflag:s10] =	ssyncadd.s32 @p0 $0xFFFFE700;
	s10 =	sshrl.u32 @!p0 s23, $0x3  }
0x67: {  	[hbm:s11], [sflag:s16] =	dma.local @!p0 [spmem:s10], $0x2800  }
0x68: {  	s10 =	simm.s32 @!p0 $0x15  }
0x69: {  	_ =	swait.ge @!p0 [sflag:s10], $0x2800  }
0x6a: {  	s29 =	simm.s32 $0x15;
	[sflag:s10] =	ssyncset.done @!p0 $0x0  }
0x6b: {  	s11 =	simm.s32 $0x1E900;
	s4 =	rddreg [dreg:$0x1f];
	[sflag:s10] =	ssyncadd.s32 @!p0 $0xFFFFD800  }
0x6c: {  	[tilespmem:s11], [sflag:$0x15] =	stream.linear.gather [spmem:s4], $0x280, $0x38;
	[tilespmem:$0x1EB80] =	vst v63  }
0x6d: {  	_ =	swait.ge [sflag:s29], $0x280  }
0x6e: {  	s3 =	simm.s32 $0x80;
	[sflag:s29] =	ssyncset.done $0x0  }
0x6f: {  	s5 =	simm.s32 $0x100;
	s2 =	rddreg [dreg:$0xb];
	[sflag:s29] =	ssyncadd.s32 $0xFFFFFD80  }
0x70: {  	[hbm4b:s2+s3] =	stream.strided.scatter [tilespmem:s11], [sflag:$0x15], $0x280, s5, s3, $0x38;
	[tilespmem:$0x1EB80] =	vst v63  }
0x71: {  	_ =	swait.ge [sflag:s29], $0x280  }
0x72: {  	s10 =	sld [smem:$0x7F8]  }
0x73: {  	s14 =	sld [smem:$0x7FA];
	_ =	sdelay $0x1  }
0x74: {  	s0 =	sadd.s32 $0x1, s10  }
0x75: {  	p1 =	sne.s32 s0, s14  }
.Ltmp1:
0x76: {  	_ = 	snop;
	(pc) =	sbr.rel @!p1 .LBB2_5-.Ltmp1, $3  }
0x77: {  	_ =	sdelay $0x1  }
0x78: {  	[sflag:s29] =	ssyncset.done $0x0  }
0x79: {  	[sflag:s29] =	ssyncadd.s32 $0xFFFFFD80  }
.LBB2_1:
0x7a: {  	[smem:$0x7F8] =	sst s0  }
0x7b: {  	s23 =	sshrl.u32 s23, $0x3;
	s10 =	rddreg [dreg:$0x1d]  }
0x7c: {  	[spmem:s23], [sflag:s16] =	dma.local [hbm:s10], $0x2800  }
0x7d: {  	_ =	swait.ge [sflag:s29], $0x2800  }
0x7e: {  	[sflag:s29] =	ssyncset.done $0x0  }
0x7f: {  	[sflag:s29] =	ssyncadd.s32 $0xFFFFD800  }
0x80: {  	[tilespmem:$0x1E900] =	vst v0  }
0x81: {  	[tilespmem:$0x1E910] =	vst v0  }
0x82: {  	[tilespmem:$0x1E920] =	vst v0  }
0x83: {  	[tilespmem:$0x1E930] =	vst v0  }
0x84: {  	[tilespmem:$0x1E940] =	vst v0  }
0x85: {  	[tilespmem:$0x1E950] =	vst v0  }
0x86: {  	[tilespmem:$0x1E960] =	vst v0  }
0x87: {  	[tilespmem:$0x1E970] =	vst v0  }
0x88: {  	[tilespmem:$0x1E980] =	vst v0  }
0x89: {  	[tilespmem:$0x1E990] =	vst v0  }
0x8a: {  	[tilespmem:$0x1E9A0] =	vst v0  }
0x8b: {  	[tilespmem:$0x1E9B0] =	vst v0  }
0x8c: {  	[tilespmem:$0x1E9C0] =	vst v0  }
0x8d: {  	[tilespmem:$0x1E9D0] =	vst v0  }
0x8e: {  	[tilespmem:$0x1E9E0] =	vst v0  }
0x8f: {  	[tilespmem:$0x1E9F0] =	vst v0  }
0x90: {  	[tilespmem:$0x1EA00] =	vst v0  }
0x91: {  	[tilespmem:$0x1EA10] =	vst v0  }
0x92: {  	[tilespmem:$0x1EA20] =	vst v0  }
0x93: {  	[tilespmem:$0x1EA30] =	vst v0  }
0x94: {  	[tilespmem:$0x1EA40] =	vst v0  }
0x95: {  	[tilespmem:$0x1EA50] =	vst v0  }
0x96: {  	[tilespmem:$0x1EA60] =	vst v0  }
0x97: {  	[tilespmem:$0x1EA70] =	vst v0  }
0x98: {  	[tilespmem:$0x1EA80] =	vst v0  }
0x99: {  	[tilespmem:$0x1EA90] =	vst v0  }
0x9a: {  	[tilespmem:$0x1EAA0] =	vst v0  }
0x9b: {  	[tilespmem:$0x1EAB0] =	vst v0  }
0x9c: {  	[tilespmem:$0x1EAC0] =	vst v0  }
0x9d: {  	[tilespmem:$0x1EAD0] =	vst v0  }
0x9e: {  	[tilespmem:$0x1EAE0] =	vst v0  }
0x9f: {  	[tilespmem:$0x1EAF0] =	vst v0  }
0xa0: {  	[tilespmem:$0x1EB00] =	vst v0  }
0xa1: {  	[tilespmem:$0x1EB10] =	vst v0  }
0xa2: {  	[tilespmem:$0x1EB20] =	vst v0  }
0xa3: {  	[tilespmem:$0x1EB30] =	vst v0  }
0xa4: {  	[tilespmem:$0x1EB40] =	vst v0  }
0xa5: {  	[tilespmem:$0x1EB50] =	vst v0  }
0xa6: {  	[tilespmem:$0x1EB60] =	vst v0  }
0xa7: {  	[tilespmem:$0x1EB70] =	vst v0  }
0xa8: {  	[spmem:s4] =	stream.linear.scatter [tilespmem:s11], [sflag:$0x15], $0x280, $0x38;
	[tilespmem:$0x1EB80] =	vst v63  }
0xa9: {  	_ =	swait.ge [sflag:s29], $0x280  }
0xaa: {  	[sflag:s29] =	ssyncset.done $0x0  }
0xab: {  	[sflag:s29] =	ssyncadd.s32 $0xFFFFFD80  }
0xac: {  	[tilespmem:$0x1E880] =	vst v1  }
0xad: {  	[tilespmem:$0x1E890] =	vst v1  }
0xae: {  	[tilespmem:$0x1E8A0] =	vst v1  }
0xaf: {  	[tilespmem:$0x1E8B0] =	vst v1  }
0xb0: {  	[tilespmem:$0x1E8C0] =	vst v1  }
0xb1: {  	[bflag:$0x0] =	sbarrier.arrive $0xFFFF  }
0xb2: {  	s4 =	rddreg [dreg:$0x6]  }
0xb3: {  	s11 =	rddreg [dreg:$0x7]  }
0xb4: {  	[tilespmem:s31], [sflag:$0x1] =	stream.linear.gather [hbm4b:s4+s1], $0x50, $0x38;
	[tilespmem:$0x1EB80] =	vst v63  }
0xb5: {  	s14 =	simm.s32 $0x14300;
	s16 =	rddreg [dreg:$0x8]  }
0xb6: {  	[tilespmem:s14], [sflag:$0x2] =	stream.linear.gather [hbm4b:s11+s1], $0x50, $0x38;
	[tilespmem:$0x1EB80] =	vst v63  }
0xb7: {  	s23 =	sld [smem:$0x7FC]  }
0xb8: {  	[tilespmem:s18], [sflag:$0x5] =	stream.linear.gather [hbm4b:s16+s1], $0x50, $0x38;
	[tilespmem:$0x1EB80] =	vst v63  }
0xb9: {  	s18 =	rddreg [dreg:$0x9]  }
0xba: {  	[tilespmem:s19], [sflag:$0x6] =	stream.linear.gather [hbm4b:s18+s1], $0x50, $0x38;
	[tilespmem:$0x1EB80] =	vst v63  }
0xbb: {  	s31 =	sld [smem:$0x7FD]  }
0xbc: {  	[tilespmem:s26], [sflag:$0x7] =	stream.linear.gather [hbm4b:s23+s1], $0x50, $0x38;
	[tilespmem:$0x1EB80] =	vst v63  }
0xbd: {  	s5 =	simm.s32 $0x14600;
	s29 =	simm.s32 $0x0  }
0xbe: {  	[tilespmem:s5], [sflag:$0x8] =	stream.linear.gather [hbm4b:s31+s1], $0x50, $0x38;
	[tilespmem:$0x1EB80] =	vst v63  }
.LBB2_2:
0xbf: {  	s3 =	simm.s32 $0x1  }
0xc0: {  	_ =	swait.ge [sflag:s3], $0x50  }
0xc1: {  	[sflag:s3] =	ssyncset.done $0x0  }
0xc2: {  	s10 =	simm.s32 $0x5;
	[sflag:s3] =	ssyncadd.s32 $0xFFFFFFB0  }
0xc3: {  	_ =	swait.ge [sflag:s10], $0x50  }
0xc4: {  	p1 =	sne.s32 s29, $0x0;
	[sflag:s10] =	ssyncset.done $0x0  }
0xc5: {  	s23 =	simm.s32 @p1 $0x11;
	[sflag:s10] =	ssyncadd.s32 $0xFFFFFFB0  }
0xc6: {  	_ =	swait.ge @p1 [sflag:s23], $0x2800  }
0xc7: {  	[sflag:s23] =	ssyncset.done @p1 $0x0  }
0xc8: {  	[sflag:s23] =	ssyncadd.s32 @p1 $0xFFFFD800  }
0xc9: {  	_ =	swait.ge @p1 [sflag:s23], $0x50  }
0xca: {  	s31 =	simm.s32 @p1 $0x14280;
	[sflag:s23] =	ssyncset.done @p1 $0x0  }
0xcb: {  	s10 =	simm.s32 @p1 $0x14880;
	[sflag:s23] =	ssyncadd.s32 @p1 $0xFFFFFFB0;
	s23 =	simm.s32 @p1 $0x50  }
0xcc: {  	[tilespmem:s10], [sflag:$0xD] =	stream.indirect.gather @p1 [hbm4b:s22+s23], $0x80, s31, s23, $0xb8;
	[tilespmem:$0x1EB80] =	vst v63  }
0xcd: {  	s10 =	simm.s32 @p1 $0xE  }
0xce: {  	_ =	swait.ge @p1 [sflag:s10], $0x2800  }
0xcf: {  	[sflag:s10] =	ssyncset.done @p1 $0x0  }
0xd0: {  	s11 =	simm.s32 @p1 $0x17080;
	[sflag:s10] =	ssyncadd.s32 @p1 $0xFFFFD800;
	s10 =	simm.s32 @p1 $0x14700  }
0xd1: {  	[spmem:s24] =	stream.indirect.scatter.add.f32 @p1 [tilespmem:s11], [sflag:$0x12], $0x80, s10, s23, $0xb8;
	[tilespmem:$0x1EB80] =	vst v63  }
0xd2: {  	s18 =	simm.s32 @p1 $0x1E880;
	s16 =	simm.s32 @!p1 $0x14880  }
0xd3: {  	[spmem:s28] =	stream.indirect.scatter.add.f32 @p1 [tilespmem:s18], [sflag:$0x12], $0x1, s10, s23, $0xb8;
	[tilespmem:$0x1EB80] =	vst v63  }
0xd4: {  	s31 =	simm.s32 @!p1 $0x50;
	s2 =	rddreg [dreg:$0x1b];
	s10 =	simm.s32 @!p1 $0x14280  }
0xd5: {  	[tilespmem:s16], [sflag:$0xD] =	stream.indirect.gather @!p1 [hbm4b:s22+s31], $0x80, s10, s31, $0xb8;
	[tilespmem:$0x1EB80] =	vst v63  }
0xd6: {  	s0 =	simm.s32 $0x14380;
	s4 =	rddreg [dreg:$0x18];
	s10 =	sadd.s32 s29, s2  }
0xd7: {  	[tilespmem:s0], [sflag:$0x3] =	stream.linear.gather [hbm4b:s10+s1], $0x50, $0x38;
	[tilespmem:$0x1EB80] =	vst v63  }
0xd8: {  	s10 =	sadd.s32 s29, s4  }
0xd9: {  	[tilespmem:s21], [sflag:$0x9] =	stream.linear.gather [hbm4b:s10+s1], $0x50, $0x38;
	[tilespmem:$0x1EB80] =	vst v63  }
0xda: {  	_ =	swait.ge [sflag:s7], $0x50  }
0xdb: {  	[sflag:s7] =	ssyncset.done $0x0  }
0xdc: {  	s16 =	simm.s32 $0x6;
	[sflag:s7] =	ssyncadd.s32 $0xFFFFFFB0  }
0xdd: {  	_ =	swait.ge [sflag:s16], $0x50  }
0xde: {  	[sflag:s16] =	ssyncset.done $0x0  }
0xdf: {  	s10 =	simm.s32 @p1 $0x12;
	[sflag:s16] =	ssyncadd.s32 $0xFFFFFFB0  }
0xe0: {  	_ =	swait.ge @p1 [sflag:s10], $0x2800  }
0xe1: {  	[sflag:s10] =	ssyncset.done @p1 $0x0  }
0xe2: {  	[sflag:s10] =	ssyncadd.s32 @p1 $0xFFFFD800  }
0xe3: {  	_ =	swait.ge @p1 [sflag:s10], $0x50  }
0xe4: {  	[sflag:s10] =	ssyncset.done @p1 $0x0  }
0xe5: {  	[sflag:s10] =	ssyncadd.s32 @p1 $0xFFFFFFB0;
	s10 =	simm.s32 @p1 $0x14300  }
0xe6: {  	[tilespmem:s11], [sflag:$0xE] =	stream.indirect.gather @p1 [hbm4b:s22+s23], $0x80, s10, s23, $0xb8;
	[tilespmem:$0x1EB80] =	vst v63  }
0xe7: {  	s10 =	simm.s32 @p1 $0xF  }
0xe8: {  	_ =	swait.ge @p1 [sflag:s10], $0x2800  }
0xe9: {  	[sflag:s10] =	ssyncset.done @p1 $0x0  }
0xea: {  	s11 =	simm.s32 @p1 $0x19880;
	[sflag:s10] =	ssyncadd.s32 @p1 $0xFFFFD800;
	s10 =	simm.s32 @p1 $0x14780  }
0xeb: {  	[spmem:s24] =	stream.indirect.scatter.add.f32 @p1 [tilespmem:s11], [sflag:$0x13], $0x80, s10, s23, $0xb8;
	[tilespmem:$0x1EB80] =	vst v63  }
0xec: {  	_ = 	snop  }
0xed: {  	[spmem:s28] =	stream.indirect.scatter.add.f32 @p1 [tilespmem:s18], [sflag:$0x13], $0x1, s10, s23, $0xb8;
	[tilespmem:$0x1EB80] =	vst v63  }
0xee: {  	s16 =	simm.s32 @!p1 $0x17080;
	s19 =	rddreg [dreg:$0x1a];
	s10 =	simm.s32 @!p1 $0x14300  }
0xef: {  	[tilespmem:s16], [sflag:$0xE] =	stream.indirect.gather @!p1 [hbm4b:s22+s31], $0x80, s10, s31, $0xb8;
	[tilespmem:$0x1EB80] =	vst v63  }
0xf0: {  	s26 =	rddreg [dreg:$0x15];
	s10 =	sadd.s32 s29, s19  }
0xf1: {  	[tilespmem:s17], [sflag:$0x4] =	stream.linear.gather [hbm4b:s10+s1], $0x50, $0x38;
	[tilespmem:$0x1EB80] =	vst v63  }
0xf2: {  	s2 =	simm.s32 $0x14700;
	s10 =	sadd.s32 s29, s26  }
0xf3: {  	[tilespmem:s2], [sflag:$0xA] =	stream.linear.gather [hbm4b:s10+s1], $0x50, $0x38;
	[tilespmem:$0x1EB80] =	vst v63  }
0xf4: {  	_ =	swait.ge [sflag:s9], $0x50  }
0xf5: {  	[sflag:s9] =	ssyncset.done $0x0  }
0xf6: {  	s4 =	simm.s32 $0x7;
	[sflag:s9] =	ssyncadd.s32 $0xFFFFFFB0  }
0xf7: {  	_ =	swait.ge [sflag:s4], $0x50  }
0xf8: {  	[sflag:s4] =	ssyncset.done $0x0  }
0xf9: {  	s10 =	simm.s32 @p1 $0x13;
	[sflag:s4] =	ssyncadd.s32 $0xFFFFFFB0  }
0xfa: {  	_ =	swait.ge @p1 [sflag:s10], $0x2800  }
0xfb: {  	[sflag:s10] =	ssyncset.done @p1 $0x0  }
0xfc: {  	[sflag:s10] =	ssyncadd.s32 @p1 $0xFFFFD800  }
0xfd: {  	_ =	swait.ge @p1 [sflag:s10], $0x50  }
0xfe: {  	[sflag:s10] =	ssyncset.done @p1 $0x0  }
0xff: {  	[sflag:s10] =	ssyncadd.s32 @p1 $0xFFFFFFB0;
	s10 =	simm.s32 @p1 $0x14380  }
0x100: {  	[tilespmem:s11], [sflag:$0xF] =	stream.indirect.gather @p1 [hbm4b:s22+s23], $0x80, s10, s23, $0xb8;
	[tilespmem:$0x1EB80] =	vst v63  }
0x101: {  	s10 =	simm.s32 @p1 $0x10  }
0x102: {  	_ =	swait.ge @p1 [sflag:s10], $0x2800  }
0x103: {  	[sflag:s10] =	ssyncset.done @p1 $0x0  }
0x104: {  	s11 =	simm.s32 @p1 $0x1C080;
	[sflag:s10] =	ssyncadd.s32 @p1 $0xFFFFD800;
	s10 =	simm.s32 @p1 $0x14800  }
0x105: {  	[spmem:s24] =	stream.indirect.scatter.add.f32 @p1 [tilespmem:s11], [sflag:$0x14], $0x80, s10, s23, $0xb8;
	[tilespmem:$0x1EB80] =	vst v63  }
0x106: {  	_ = 	snop  }
0x107: {  	[spmem:s28] =	stream.indirect.scatter.add.f32 @p1 [tilespmem:s18], [sflag:$0x14], $0x1, s10, s23, $0xb8;
	[tilespmem:$0x1EB80] =	vst v63  }
0x108: {  	s16 =	rddreg [dreg:$0x19];
	s11 =	simm.s32 @!p1 $0x19880;
	s10 =	simm.s32 @!p1 $0x14380  }
0x109: {  	[tilespmem:s11], [sflag:$0xF] =	stream.indirect.gather @!p1 [hbm4b:s22+s31], $0x80, s10, s31, $0xb8;
	[tilespmem:$0x1EB80] =	vst v63  }
0x10a: {  	s18 =	rddreg [dreg:$0x13];
	s10 =	sadd.s32 s29, s16;
	s11 =	simm.s32 $0x14280  }
0x10b: {  	[tilespmem:s11], [sflag:$0x1] =	stream.linear.gather [hbm4b:s10+s1], $0x50, $0x38;
	[tilespmem:$0x1EB80] =	vst v63  }
0x10c: {  	s19 =	simm.s32 $0x14780;
	s10 =	sadd.s32 s29, s18  }
0x10d: {  	[tilespmem:s19], [sflag:$0xB] =	stream.linear.gather [hbm4b:s10+s1], $0x50, $0x38;
	[tilespmem:$0x1EB80] =	vst v63  }
0x10e: {  	_ =	swait.ge [sflag:s12], $0x50  }
0x10f: {  	[sflag:s12] =	ssyncset.done $0x0  }
0x110: {  	s23 =	simm.s32 $0x8;
	[sflag:s12] =	ssyncadd.s32 $0xFFFFFFB0  }
0x111: {  	_ =	swait.ge [sflag:s23], $0x50  }
0x112: {  	p1 =	seq.s32 s29, $0x0;
	[sflag:s23] =	ssyncset.done $0x0  }
0x113: {  	s10 =	simm.s32 @!p1 $0x14;
	[sflag:s23] =	ssyncadd.s32 $0xFFFFFFB0  }
0x114: {  	_ =	swait.ge @!p1 [sflag:s10], $0x2800  }
0x115: {  	[sflag:s10] =	ssyncset.done @!p1 $0x0  }
0x116: {  	[sflag:s10] =	ssyncadd.s32 @!p1 $0xFFFFD800  }
0x117: {  	_ =	swait.ge @!p1 [sflag:s10], $0x50  }
0x118: {  	[sflag:s10] =	ssyncset.done @!p1 $0x0  }
0x119: {  	s23 =	simm.s32 $0x1C080;
	[sflag:s10] =	ssyncadd.s32 @!p1 $0xFFFFFFB0  }
0x11a: {  	[tilespmem:s23], [sflag:$0x10] =	stream.indirect.gather [hbm4b:s22+s13], $0x80, s17, s13, $0xb8;
	[tilespmem:$0x1EB80] =	vst v63  }
0x11b: {  	_ =	swait.ge [sflag:s15], $0x2800  }
0x11c: {  	[sflag:s15] =	ssyncset.done $0x0  }
0x11d: {  	s26 =	simm.s32 $0x14480;
	s2 =	simm.s32 $0x14880;
	[sflag:s15] =	ssyncadd.s32 $0xFFFFD800  }
0x11e: {  	[spmem:s24] =	stream.indirect.scatter.add.f32 [tilespmem:s2], [sflag:$0x11], $0x80, s26, s13, $0xb8;
	[tilespmem:$0x1EB80] =	vst v63  }
0x11f: {  	s4 =	simm.s32 $0x1E880;
	s16 =	rddreg [dreg:$0x14]  }
0x120: {  	[spmem:s28] =	stream.indirect.scatter.add.f32 [tilespmem:s4], [sflag:$0x11], $0x1, s26, s13, $0xb8;
	[tilespmem:$0x1EB80] =	vst v63  }
0x121: {  	s19 =	rddreg [dreg:$0x11];
	s10 =	sadd.s32 s29, s16  }
0x122: {  	[tilespmem:s14], [sflag:$0x2] =	stream.linear.gather [hbm4b:s10+s1], $0x50, $0x38;
	[tilespmem:$0x1EB80] =	vst v63  }
0x123: {  	s26 =	simm.s32 $0x14800;
	s10 =	sadd.s32 s29, s19  }
0x124: {  	[tilespmem:s26], [sflag:$0xC] =	stream.linear.gather [hbm4b:s10+s1], $0x50, $0x38;
	[tilespmem:$0x1EB80] =	vst v63  }
0x125: {  	_ =	swait.ge [sflag:s3], $0x50  }
0x126: {  	[sflag:s3] =	ssyncset.done $0x0  }
0x127: {  	[sflag:s3] =	ssyncadd.s32 $0xFFFFFFB0;
	s3 =	simm.s32 $0x9  }
0x128: {  	_ =	swait.ge [sflag:s3], $0x50  }
0x129: {  	[sflag:s3] =	ssyncset.done $0x0  }
0x12a: {  	[sflag:s3] =	ssyncadd.s32 $0xFFFFFFB0  }
0x12b: {  	_ =	swait.ge [sflag:s20], $0x2800  }
0x12c: {  	[sflag:s20] =	ssyncset.done $0x0  }
0x12d: {  	[sflag:s20] =	ssyncadd.s32 $0xFFFFD800  }
0x12e: {  	_ =	swait.ge [sflag:s20], $0x50  }
0x12f: {  	[sflag:s20] =	ssyncset.done $0x0  }
0x130: {  	[sflag:s20] =	ssyncadd.s32 $0xFFFFFFB0  }
0x131: {  	[tilespmem:s2], [sflag:$0xD] =	stream.indirect.gather [hbm4b:s22+s13], $0x80, s11, s13, $0xb8;
	[tilespmem:$0x1EB80] =	vst v63  }
0x132: {  	s11 =	simm.s32 $0xE  }
0x133: {  	_ =	swait.ge [sflag:s11], $0x2800  }
0x134: {  	[sflag:s11] =	ssyncset.done $0x0  }
0x135: {  	s16 =	simm.s32 $0x14500;
	s26 =	simm.s32 $0x17080;
	[sflag:s11] =	ssyncadd.s32 $0xFFFFD800  }
0x136: {  	[spmem:s24] =	stream.indirect.scatter.add.f32 [tilespmem:s26], [sflag:$0x12], $0x80, s16, s13, $0xb8;
	[tilespmem:$0x1EB80] =	vst v63  }
0x137: {  	s3 =	rddreg [dreg:$0x12]  }
0x138: {  	[spmem:s28] =	stream.indirect.scatter.add.f32 [tilespmem:s4], [sflag:$0x12], $0x1, s16, s13, $0xb8;
	[tilespmem:$0x1EB80] =	vst v63  }
0x139: {  	s10 =	sadd.s32 s29, s3  }
0x13a: {  	[tilespmem:s0], [sflag:$0x3] =	stream.linear.gather [hbm4b:s10+s1], $0x50, $0x38;
	[tilespmem:$0x1EB80] =	vst v63  }
0x13b: {  	p1 =	seq.s32 s29, $0x4B0;
	s10 =	rddreg [dreg:$0xd]  }
0x13c: {  	s11 =	simm.s32 @!p1 $0x0;
	s16 =	simm.s32 @!p1 $0x14480;
	s10 =	sadd.s32 @!p1 s29, s10  }
0x13d: {  	[tilespmem:s16], [sflag:$0x5] =	stream.linear.gather @!p1 [hbm4b:s10+s11], $0x50, $0x38;
	[tilespmem:$0x1EB80] =	vst v63  }
0x13e: {  	_ =	swait.ge [sflag:s7], $0x50  }
0x13f: {  	[sflag:s7] =	ssyncset.done $0x0  }
0x140: {  	s10 =	simm.s32 $0xA;
	[sflag:s7] =	ssyncadd.s32 $0xFFFFFFB0  }
0x141: {  	_ =	swait.ge [sflag:s10], $0x50  }
0x142: {  	[sflag:s10] =	ssyncset.done $0x0  }
0x143: {  	[sflag:s10] =	ssyncadd.s32 $0xFFFFFFB0  }
0x144: {  	_ =	swait.ge [sflag:s30], $0x2800  }
0x145: {  	[sflag:s30] =	ssyncset.done $0x0  }
0x146: {  	[sflag:s30] =	ssyncadd.s32 $0xFFFFD800  }
0x147: {  	_ =	swait.ge [sflag:s30], $0x50  }
0x148: {  	[sflag:s30] =	ssyncset.done $0x0  }
0x149: {  	[sflag:s30] =	ssyncadd.s32 $0xFFFFFFB0  }
0x14a: {  	[tilespmem:s26], [sflag:$0xE] =	stream.indirect.gather [hbm4b:s22+s13], $0x80, s14, s13, $0xb8;
	[tilespmem:$0x1EB80] =	vst v63  }
0x14b: {  	s14 =	simm.s32 $0xF  }
0x14c: {  	_ =	swait.ge [sflag:s14], $0x2800  }
0x14d: {  	[sflag:s14] =	ssyncset.done $0x0  }
0x14e: {  	s16 =	simm.s32 $0x14580;
	[sflag:s14] =	ssyncadd.s32 $0xFFFFD800  }
0x14f: {  	[spmem:s24] =	stream.indirect.scatter.add.f32 [tilespmem:s8], [sflag:$0x13], $0x80, s16, s13, $0xb8;
	[tilespmem:$0x1EB80] =	vst v63  }
0x150: {  	s14 =	rddreg [dreg:$0x10]  }
0x151: {  	[spmem:s28] =	stream.indirect.scatter.add.f32 [tilespmem:s4], [sflag:$0x13], $0x1, s16, s13, $0xb8;
	[tilespmem:$0x1EB80] =	vst v63  }
0x152: {  	s10 =	sadd.s32 s29, s14  }
0x153: {  	[tilespmem:s17], [sflag:$0x4] =	stream.linear.gather [hbm4b:s10+s1], $0x50, $0x38;
	[tilespmem:$0x1EB80] =	vst v63  }
0x154: {  	s10 =	rddreg [dreg:$0xf]  }
0x155: {  	s16 =	simm.s32 @!p1 $0x14500;
	s10 =	sadd.s32 @!p1 s29, s10  }
0x156: {  	[tilespmem:s16], [sflag:$0x6] =	stream.linear.gather @!p1 [hbm4b:s10+s11], $0x50, $0x38;
	[tilespmem:$0x1EB80] =	vst v63  }
0x157: {  	_ =	swait.ge [sflag:s9], $0x50  }
0x158: {  	[sflag:s9] =	ssyncset.done $0x0  }
0x159: {  	s16 =	simm.s32 $0xB;
	[sflag:s9] =	ssyncadd.s32 $0xFFFFFFB0  }
0x15a: {  	_ =	swait.ge [sflag:s16], $0x50  }
0x15b: {  	[sflag:s16] =	ssyncset.done $0x0  }
0x15c: {  	[sflag:s16] =	ssyncadd.s32 $0xFFFFFFB0  }
0x15d: {  	_ =	swait.ge [sflag:s25], $0x2800  }
0x15e: {  	[sflag:s25] =	ssyncset.done $0x0  }
0x15f: {  	[sflag:s25] =	ssyncadd.s32 $0xFFFFD800  }
0x160: {  	_ =	swait.ge [sflag:s25], $0x50  }
0x161: {  	[sflag:s25] =	ssyncset.done $0x0  }
0x162: {  	s10 =	simm.s32 $0x10;
	[sflag:s25] =	ssyncadd.s32 $0xFFFFFFB0  }
0x163: {  	[tilespmem:s8], [sflag:$0xF] =	stream.indirect.gather [hbm4b:s22+s13], $0x80, s0, s13, $0xb8;
	[tilespmem:$0x1EB80] =	vst v63  }
0x164: {  	_ =	swait.ge [sflag:s10], $0x2800  }
0x165: {  	[sflag:s10] =	ssyncset.done $0x0  }
0x166: {  	[sflag:s10] =	ssyncadd.s32 $0xFFFFD800  }
0x167: {  	[spmem:s24] =	stream.indirect.scatter.add.f32 [tilespmem:s23], [sflag:$0x14], $0x80, s5, s13, $0xb8;
	[tilespmem:$0x1EB80] =	vst v63  }
0x168: {  	s10 =	rddreg [dreg:$0xc]  }
0x169: {  	[spmem:s28] =	stream.indirect.scatter.add.f32 [tilespmem:s4], [sflag:$0x14], $0x1, s5, s13, $0xb8;
	[tilespmem:$0x1EB80] =	vst v63  }
0x16a: {  	s16 =	simm.s32 @!p1 $0x14280;
	s10 =	sadd.s32 @!p1 s29, s10  }
0x16b: {  	[tilespmem:s16], [sflag:$0x1] =	stream.linear.gather @!p1 [hbm4b:s10+s11], $0x50, $0x38;
	[tilespmem:$0x1EB80] =	vst v63  }
0x16c: {  	s10 =	rddreg [dreg:$0x17]  }
0x16d: {  	s16 =	simm.s32 @!p1 $0x14580;
	s10 =	sadd.s32 @!p1 s29, s10  }
0x16e: {  	[tilespmem:s16], [sflag:$0x7] =	stream.linear.gather @!p1 [hbm4b:s10+s11], $0x50, $0x38;
	[tilespmem:$0x1EB80] =	vst v63  }
0x16f: {  	_ =	swait.ge [sflag:s12], $0x50  }
0x170: {  	[sflag:s12] =	ssyncset.done $0x0  }
0x171: {  	s16 =	simm.s32 $0xC;
	[sflag:s12] =	ssyncadd.s32 $0xFFFFFFB0  }
0x172: {  	_ =	swait.ge [sflag:s16], $0x50  }
0x173: {  	[sflag:s16] =	ssyncset.done $0x0  }
0x174: {  	[sflag:s16] =	ssyncadd.s32 $0xFFFFFFB0  }
0x175: {  	_ =	swait.ge [sflag:s6], $0x2800  }
0x176: {  	[sflag:s6] =	ssyncset.done $0x0  }
0x177: {  	[sflag:s6] =	ssyncadd.s32 $0xFFFFD800  }
0x178: {  	_ =	swait.ge [sflag:s6], $0x50  }
0x179: {  	[sflag:s6] =	ssyncset.done $0x0  }
0x17a: {  	s31 =	simm.s32 $0x14280;
	[sflag:s6] =	ssyncadd.s32 $0xFFFFFFB0  }
0x17b: {  	[tilespmem:s23], [sflag:$0x10] =	stream.indirect.gather [hbm4b:s22+s13], $0x80, s17, s13, $0xb8;
	[tilespmem:$0x1EB80] =	vst v63  }
0x17c: {  	s18 =	simm.s32 $0x14480;
	s19 =	simm.s32 $0x14500;
	_ =	swait.ge [sflag:s15], $0x2800  }
.Ltmp2:
0x17d: {  	s3 =	simm.s32 $0x17080;
	[sflag:s15] =	ssyncset.done $0x0;
	(pc) =	sbr.rel @p1 .LBB2_4-.Ltmp2, $4  }
0x17e: {  	s26 =	simm.s32 $0x14580;
	s14 =	simm.s32 $0x19880;
	[sflag:s15] =	ssyncadd.s32 $0xFFFFD800  }
0x17f: {  	[spmem:s24] =	stream.indirect.scatter.add.f32 [tilespmem:s2], [sflag:$0x11], $0x80, s21, s13, $0xb8;
	[tilespmem:$0x1EB80] =	vst v63  }
0x180: {  	s5 =	simm.s32 $0x14600;
	s10 =	simm.s32 $0x1C080;
	s11 =	simm.s32 $0x14300  }
0x181: {  	[spmem:s28] =	stream.indirect.scatter.add.f32 [tilespmem:s4], [sflag:$0x11], $0x1, s21, s13, $0xb8;
	[tilespmem:$0x1EB80] =	vst v63  }
0x182: {  	s10 =	rddreg [dreg:$0xe]  }
.Ltmp3:
0x183: {  	s31 =	rddreg [dreg:$0x16];
	s10 =	sadd.s32 s29, s10;
	(pc) =	sbr.rel .LBB2_2-.Ltmp3, $4  }
0x184: {  	[tilespmem:s11], [sflag:$0x2] =	stream.linear.gather [hbm4b:s10+s1], $0x50, $0x38;
	[tilespmem:$0x1EB80] =	vst v63  }
0x185: {  	s10 =	sadd.s32 s29, s31  }
0x186: {  	[tilespmem:s5], [sflag:$0x8] =	stream.linear.gather [hbm4b:s10+s1], $0x50, $0x38;
	[tilespmem:$0x1EB80] =	vst v63  }
0x187: {  	s14 =	simm.s32 $0x14300;
	s29 =	sadd.s32 $0x50, s29;
	s5 =	simm.s32 $0x14600  }
.LBB2_5:
0x188: {  	_ =	sfence.sel $0x180000  }
0x189: {  	[bflag:$0x0] =	sbarrier.arrive $0xFFFF  }
0x18a: {  	_ =	strace $0x90000047  }
0x18b: {  	s0 =	stileid.u32;
	[bflag:$0x2] =	sbarrier.arrive $0xFFFF  }
0x18c: {  	p0 =	sne.s32 s0, $0x0;
	s0 =	rddreg [dreg:$0x5]  }
0x18d: {  	s0 =	sadd.s32 @!p0 $0x100000, s0  }
0x18e: {  	[sflag:s0] =	ssyncadd.tile.s32 @!p0 $0x1;
	_ =	shalt  }
.Lfunc_end2:
_tile_overlayer_lowered:
.L_overlay_start_2:
0x18f: {  	(tag) =	ssettag $0x2  }
0x190: {  	s0 =	rddreg [dreg:$0x0];
	s2 =	stileid.u32  }
0x191: {  	s1 =	rddreg [dreg:$0x1];
	p0 =	sne.s32 s2, $0x0  }
0x192: {  	s3 =	rddreg [dreg:$0x2];
	[bflag:$0x3] =	sbarrier.arrive $0xFFFF;
	s2 =	simm.s32 @!p0 $0x1C15  }
0x193: {  	[timem:s3], [sflag:s2] =	dma.local @!p0 [hbm:s0], s1  }
0x194: {  	s0 =	simm.s32 @!p0 $0x15  }
0x195: {  	_ =	swait.ge @!p0 [sflag:s0], s1  }
0x196: {  	s1 =	ssub.s32 @!p0 $0x0, s1;
	[sflag:s0] =	ssyncset.done @!p0 $0x0  }
0x197: {  	[sflag:s0] =	ssyncadd.s32 @!p0 s1  }
0x198: {  	[bflag:$0x3] =	sbarrier.arrive $0xFFFF  }
0x199: {  	_ =	shalt  }

// kernel: kernel.14.cloned.1.call-start
scs
__scs_entry_jumppad:
0x0: {  	(pc) =	sbr.rel $0x88, $3  }
0x1: {  	(tag) =	ssettag $0x0;
	lr =	simm.s32 $0x1  }
0x2: {  	[smem:$0x3F96] =	sst lr;
	_ =	strace $0xD0000000  }
0x3: {  	_ = 	snop  }
0x4: {  	_ = 	snop  }
0x5: {  	_ = 	snop  }
0x6: {  	_ = 	snop  }
0x7: {  	_ = 	snop  }
__scs_overlays_trampoline_lowered:
0x8: {  	[smem:$0x3FA5] =	sst s0  }
0x9: {  	[smem:$0x3FA6] =	sst s1  }
0xa: {  	[smem:$0x3FA7] =	sst s2  }
0xb: {  	[smem:$0x3FA8] =	sst s3  }
0xc: {  	[smem:$0x3FA9] =	sst s4  }
0xd: {  	[smem:$0x3FAA] =	sst s5  }
0xe: {  	[smem:$0x3FAB] =	sst s6  }
0xf: {  	[smem:$0x3FAC] =	sst s7  }
0x10: {  	[smem:$0x3FAD] =	sst s8  }
0x11: {  	[smem:$0x3FAE] =	sst s9;
	s0 =	simm.s32 @!p0 $0x0  }
0x12: {  	s1 =	sld [smem:$0x3F94];
	s0 =	simm.s32 @p0 $0x1  }
0x13: {  	[smem:$0x3FAF] =	sst s0;
	s0 =	simm.s32 @!p1 $0x0  }
0x14: {  	s2 =	sld [smem:$0x3F93];
	s0 =	simm.s32 @p1 $0x1  }
0x15: {  	[smem:$0x3FB0] =	sst s0;
	s0 =	simm.s32 @!p2 $0x0  }
0x16: {  	s3 =	sld [smem:$0x3FDB];
	s0 =	simm.s32 @p2 $0x1  }
0x17: {  	s4 =	simm.s32 $0x1BF5;
	[smem:$0x3FB2] =	sst s0  }
0x18: {  	s0 =	sld [smem:$0x3F95];
	_ =	swait.ge [sflag:s4], $0x0  }
0x19: {  	s7 =	sld [smem:$0x3F96]  }
0x1a: {  	s8 =	sadd.s32 $0xFFFFE003, lr  }
0x1b: {  	s9 =	sadd.s32 $0xFFFFFEF7, lr;
	s5 =	simm.s32 $0xFFFFFFFF;
	p2 =	slt.u32 s8, $0xFFFFF086  }
0x1c: {  	p1 =	slt.u32 s9, $0xF7A;
	s5 =	simm.s32 @!p2 $0x0  }
0x1d: {  	s5 =	simm.s32 @p1 $0x1;
	p0 =	seq.s32 s7, s2  }
0x1e: {  	s7 =	smul.u32 @!p0 $0xF7A, s2;
	p2 =	seq.s32 @!p0 s5, $0x0  }
0x1f: {  	s9 =	smul.u32 $0xF7A, s1;
	s8 =	simm.s32 @!p0 $0x1BF5;
	p2 =	por !p2, p0  }
0x20: {  	[sflag:s8] =	ssyncset.s32 @!p0 $0xFFFFF086;
	s6 =	sadd.s32 @!p0 s3, s7;
	s7 =	simm.s32 @!p0 $0x108  }
0x21: {  	s3 =	sadd.s32 s3, s9;
	s6 =	sadd.s32 @!p0 $0x88, s6;
	s7 =	simm.s32 @p2 $0x1082  }
0x22: {  	[simem:s7], [sflag:s8] =	dma.local @!p0 [hbm:s6], $0xF7A  }
0x23: {  	s9 =	sor.u32 $0xD0000000, s2;
	s6 =	simm.s32 $0x108;
	_ =	swait.ge @!p0 [sflag:s8], $0x0  }
0x24: {  	s3 =	sadd.s32 $0x88, s3;
	s6 =	simm.s32 @!p1 $0x1082;
	[sflag:s4] =	ssyncset.s32 $0xFFFFF086  }
0x25: {  	[simem:s6], [sflag:s4] =	dma.local [hbm:s3], $0xF7A  }
0x26: {  	[smem:$0x3F96] =	sst s1;
	(tag) =	ssettag s2;
	_ =	strace s9  }
0x27: {  	s1 =	sld [smem:$0x3FA6]  }
0x28: {  	s2 =	sld [smem:$0x3FA7]  }
0x29: {  	s4 =	sld [smem:$0x3FA9]  }
0x2a: {  	p0 =	seq.s32 s5, $0x0;
	s5 =	sld [smem:$0x3FAA]  }
0x2b: {  	s6 =	sld [smem:$0x3FAB]  }
0x2c: {  	s7 =	sld [smem:$0x3FAC]  }
0x2d: {  	s3 =	simm.s32 $0x108;
	s8 =	sld [smem:$0x3FAD]  }
0x2e: {  	s3 =	simm.s32 @!p0 $0x1082;
	s9 =	sld [smem:$0x3FAE]  }
0x2f: {  	lr =	sadd.s32 s0, s3;
	s0 =	sld [smem:$0x3FA5]  }
0x30: {  	s3 =	sld [smem:$0x3FA8]  }
0x31: {  	[smem:$0x3FB1] =	sst s10  }
0x32: {  	s10 =	sld [smem:$0x3FAF];
	_ =	sdelay $0x3  }
0x33: {  	p0 =	seq.s32 s10, $0x1;
	s10 =	sld [smem:$0x3FB1];
	_ =	sdelay $0x3  }
0x34: {  	[smem:$0x3FB1] =	sst s10  }
0x35: {  	s10 =	sld [smem:$0x3FB0];
	_ =	sdelay $0x3  }
0x36: {  	p1 =	seq.s32 s10, $0x1;
	s10 =	sld [smem:$0x3FB1];
	_ =	sdelay $0x3  }
0x37: {  	[smem:$0x3FB1] =	sst s10  }
0x38: {  	s10 =	sld [smem:$0x3FB2]  }
0x39: {  	_ = 	snop;
	(pc) =	sbr.ind lr, $3  }
0x3a: {  	_ = 	snop  }
0x3b: {  	_ = 	snop  }
0x3c: {  	p2 =	seq.s32 s10, $0x1;
	s10 =	sld [smem:$0x3FB1]  }
0x3d: {  	_ =	shalt  }
0x3e: {  	_ =	shalt  }
0x3f: {  	_ =	shalt  }
0x40: {  	_ =	shalt  }
0x41: {  	_ =	shalt  }
0x42: {  	_ =	shalt  }
0x43: {  	_ =	shalt  }
0x44: {  	_ =	shalt  }
0x45: {  	_ =	shalt  }
0x46: {  	_ =	shalt  }
0x47: {  	_ =	shalt  }
0x48: {  	_ =	shalt  }
0x49: {  	_ =	shalt  }
0x4a: {  	_ =	shalt  }
0x4b: {  	_ =	shalt  }
0x4c: {  	_ =	shalt  }
0x4d: {  	_ =	shalt  }
0x4e: {  	_ =	shalt  }
0x4f: {  	_ =	shalt  }
0x50: {  	_ =	shalt  }
0x51: {  	_ =	shalt  }
0x52: {  	_ =	shalt  }
0x53: {  	_ =	shalt  }
0x54: {  	_ =	shalt  }
0x55: {  	_ =	shalt  }
0x56: {  	_ =	shalt  }
0x57: {  	_ =	shalt  }
0x58: {  	_ =	shalt  }
0x59: {  	_ =	shalt  }
0x5a: {  	_ =	shalt  }
0x5b: {  	_ =	shalt  }
0x5c: {  	_ =	shalt  }
0x5d: {  	_ =	shalt  }
0x5e: {  	_ =	shalt  }
0x5f: {  	_ =	shalt  }
0x60: {  	_ =	shalt  }
0x61: {  	_ =	shalt  }
0x62: {  	_ =	shalt  }
0x63: {  	_ =	shalt  }
0x64: {  	_ =	shalt  }
0x65: {  	_ =	shalt  }
0x66: {  	_ =	shalt  }
0x67: {  	_ =	shalt  }
0x68: {  	_ =	shalt  }
0x69: {  	_ =	shalt  }
0x6a: {  	_ =	shalt  }
0x6b: {  	_ =	shalt  }
0x6c: {  	_ =	shalt  }
0x6d: {  	_ =	shalt  }
0x6e: {  	_ =	shalt  }
0x6f: {  	_ =	shalt  }
0x70: {  	_ =	shalt  }
0x71: {  	_ =	shalt  }
0x72: {  	_ =	shalt  }
0x73: {  	_ =	shalt  }
0x74: {  	_ =	shalt  }
0x75: {  	_ =	shalt  }
0x76: {  	_ =	shalt  }
0x77: {  	_ =	shalt  }
0x78: {  	_ =	shalt  }
0x79: {  	_ =	shalt  }
0x7a: {  	_ =	shalt  }
0x7b: {  	_ =	shalt  }
0x7c: {  	_ =	shalt  }
0x7d: {  	_ =	shalt  }
0x7e: {  	_ =	shalt  }
0x7f: {  	_ =	shalt  }
0x80: {  	_ =	shalt  }
0x81: {  	_ =	shalt  }
0x82: {  	_ =	shalt  }
0x83: {  	_ =	shalt  }
0x84: {  	_ =	shalt  }
0x85: {  	_ =	shalt  }
0x86: {  	_ =	shalt  }
0x87: {  	_ =	shalt  }
.Lfunc_end0:
.L_simem_size_0:
called_computation.1_lowered:
.L_overlay_start_0:
0x88: {  	s2 =	sld [smem:$0x3FD9]  }
0x89: {  	s3 =	sld [smem:$0x3FFE];
	_ =	sdelay $0x1  }
0x8a: {  	s1 =	srdreg.scid  }
0x8b: {  	s0 =	sand.u32 $0x1, s1  }
0x8c: {  	s17 =	sshll.u32 s0, $0xA;
	s2 =	sadd.s32 s3, s2  }
0x8d: {  	s2 =	sadd.s32 s2, s17  }
0x8e: {  	[smem:$0x3FBD] =	sst s2  }
0x8f: {  	_ = 	snop  }
0x90: {  	s2 =	sld [smem:$0x3FD0];
	(tm) =	ssettm $0x1  }
0x91: {  	s18 =	sld [smem:$0x3FFB];
	_ =	sdelay $0x3  }
0x92: {  	_ =	strace s18  }
0x93: {  	s3 =	sld [smem:$0x3FFC];
	_ =	sdelay $0x3  }
0x94: {  	_ =	strace s3  }
0x95: {  	s3 =	sld [smem:$0x3FFD];
	_ =	sdelay $0x3  }
0x96: {  	_ =	strace s3  }
0x97: {  	_ =	strace $0x8FFFFFFF  }
0x98: {  	s19 =	sld [smem:$0x3FDB];
	_ =	sdelay $0x1  }
0x99: {  	s4 =	simm.s32 $_scs_section_size  }
0x9a: {  	s5 =	simm.s32 $_size__tile_overlayer_lowered;
	s6 =	simm.s32 $_tile_overlayer_lowered  }
0x9b: {  	s22 =	simm.s32 $0x1BFF;
	s21 =	sshll.u32 s6, $0x1;
	s3 =	sadd.s32 s4, s19  }
0x9c: {  	s7 =	simm.s32 $0x0;
	s20 =	sshll.u32 s5, $0x1;
	s5 =	sadd.s32 s21, s3  }
0x9d: {  	[timem:s7], [sflag:s22] =	dma.local [hbm:s5], s20  }
0x9e: {  	_ =	swait.ge [sflag:s22], s20  }
0x9f: {  	s4 =	ssub.s32 $0x0, s20;
	[sflag:s22] =	ssyncset.done $0x0  }
0xa0: {  	[sflag:s22] =	ssyncadd.s32 s4;
	_ =	sdelay $0x1  }
0xa1: {  	s23 =	simm.s32 $0x1B8B  }
0xa2: {  	_ =	swait.ge [sflag:s23], $0x1  }
0xa3: {  	[sflag:s23] =	ssyncset.done $0x0  }
0xa4: {  	s25 =	simm.s32 $0x1B8E;
	s24 =	sld [smem:$0x3FFE];
	[sflag:s23] =	ssyncadd.s32 $0xFFFFFFFF  }
0xa5: {  	s26 =	simm.s32 $execute0_lowered;
	[smem:$0x3FD2] =	sst s25  }
0xa6: {  	s5 =	sshll.u32 s26, $0x1;
	_ =	strace $0x80000049;
	[dreg:$0x1] =	wrdreg $0xFFFFFFFF  }
0xa7: {  	s28 =	simm.s32 $_size_execute0_lowered;
	s3 =	sadd.s32 s3, s5;
	[dreg:$0x0] =	wrdreg $0x0  }
0xa8: {  	s5 =	sshll.u32 s28, $0x1;
	[dreg:$0x2] =	wrdreg s3  }
0xa9: {  	[dreg:$0x3] =	wrdreg s5  }
0xaa: {  	[dreg:$0x4] =	wrdreg $0xC0  }
0xab: {  	_ =	task [dreg:s7], $0x5FFFF  }
0xac: {  	[dreg:$0x1] =	wrdreg $0xFFFFFFFF  }
0xad: {  	[dreg:$0x0] =	wrdreg $0x60  }
0xae: {  	[dreg:$0x2] =	wrdreg s2  }
0xaf: {  	[dreg:$0x3] =	wrdreg s24  }
0xb0: {  	[dreg:$0x4] =	wrdreg $0x0  }
0xb1: {  	[dreg:$0x5] =	wrdreg $0x9  }
0xb2: {  	_ =	task.clear_ibuf [dreg:s7], $0x6FFFF;
	_ =	strace $0x90000049  }
0xb3: {  	s29 =	simm.s32 $0x9;
	_ =	strace $0x8000004B  }
0xb4: {  	_ =	swait.ge [sflag:s29], $0x1  }
0xb5: {  	[sflag:s29] =	ssyncadd.s32 $0xFFFFFFFF  }
0xb6: {  	_ =	strace $0x9000004B  }
0xb7: {  	_ =	sfence  }
0xb8: {  	s30 =	sld [smem:$0x0];
	_ =	sdelay $0x2  }
0xb9: {  	s31 =	sshll.u32 s1, $0xD;
	s1 =	sshrl.u32 s1, $0x2  }
0xba: {  	s3 =	sand.u32 $0x4000, s31;
	s1 =	sadd.s32 s1, s30  }
0xbb: {  	s0 =	sor.u32 s3, s0;
	s1 =	sshll.u32 s1, $0x11  }
0xbc: {  	s0 =	sor.u32 s1, s0  }
0xbd: {  	s0 =	sadd.s32 $0x8F2B, s0  }
0xbe: {  	[sflag:s0] =	ssyncadd.remote.s32 $0x1  }
0xbf: {  	_ =	sfence.sel $0xFFFF  }
0xc0: {  	[dreg:$0x0] =	wrdreg $0xFFFFFFFF;
	(pc) =	sbr.abs _section_cstart, $3  }
0xc1: {  	[dreg:$0x1] =	wrdreg $0xFFFFFFFF  }
0xc2: {  	_ =	task.clear_ibuf [dreg:s7], $0x2FFFF;
	_ =	strace $0x9FFFFFFF  }
0xc3: {  	(tm) =	ssettm $0x7FFFFFFF  }
tec
execute0_lowered:
.L_overlay_start_1:
0x0: {  	(tag) =	ssettag $0x1  }
0x1: {  	s3 =	rddreg [dreg:$0x1]  }
0x2: {  	s12 =	stileid.u32;
	s0 =	srdreg.scid;
	s1 =	simm.s32 $0x0  }
0x3: {  	s29 =	simm.s32 $0x14000;
	s30 =	simm.s32 $0x3;
	s31 =	simm.s32 $0xC  }
0x4: {  	s4 =	smul.u32 $0x14000, s12;
	s5 =	sand.u32 $0x1, s0;
	[smem:$0x7FF] =	sst s1  }
0x5: {  	s2 =	sadd.s32 $0xD400, s3;
	s8 =	sadd.s32 $0x3400, s3;
	s11 =	smul.u32 $0x2800, s12  }
0x6: {  	p0 =	seq.s32 s12, $0xF;
	s0 =	sshll.u32 s5, $0x4;
	s9 =	smul.u32 $0x138800, s5  }
0x7: {  	s26 =	ssub.s32 $0x2, s5;
	s5 =	smul.u32 $0x28000, s5;
	s6 =	sshrl.u32 s4, $0x3  }
0x8: {  	s7 =	sor.u32 s12, s0;
	s10 =	sshrl.u32 s26, $0x1;
	s0 =	sadd.s32 s6, s3  }
0x9: {  	s25 =	smul.u32 $0x2800, s7;
	s3 =	sadd.s32 $0x3F400, s3;
	s7 =	ssub.s32 s26, s10  }
0xa: {  	s4 =	sadd.s32 s4, s9;
	s5 =	sadd.s32 s11, s5;
	s17 =	sshrl.u32 s9, $0x3  }
0xb: {  	s4 =	sshrl.u32 s4, $0x3;
	s16 =	sor.u32 $0x280, s5;
	s18 =	sor.u32 $0x2D0, s5  }
0xc: {  	s22 =	sor.u32 $0x230, s5;
	s23 =	sor.u32 $0x1E0, s5;
	s10 =	sor.u32 $0x140, s5  }
0xd: {  	s11 =	sor.u32 $0x370, s5;
	s0 =	sadd.s32 $0x17400, s0;
	s6 =	sshrl.u32 s25, $0x3  }
0xe: {  	s4 =	sadd.s32 s3, s4;
	s3 =	sadd.s32 s3, s17;
	s20 =	sshrl.u32 s18, $0x3  }
0xf: {  	s25 =	sor.u32 $0x190, s5;
	s18 =	smul.u32 $0x50000, s12;
	s28 =	sor.u32 $0xA, s6  }
0x10: {  	s13 =	sadd.s32 s2, s6;
	[dreg:$0x8] =	wrdreg s4;
	s4 =	sshrl.u32 s16, $0x3  }
0x11: {  	s21 =	sadd.s32 s20, s2;
	s16 =	sor.u32 $0xF0, s5;
	[dreg:$0x4] =	wrdreg s13  }
0x12: {  	s14 =	sadd.s32 s2, s28;
	s13 =	sadd.s32 s8, s6;
	[dreg:$0xb] =	wrdreg s21  }
0x13: {  	s15 =	sadd.s32 s8, s28;
	s19 =	sadd.s32 s4, s2;
	s21 =	rddreg [dreg:$0x0]  }
0x14: {  	s4 =	sadd.s32 s4, s8;
	s6 =	sadd.s32 s20, s8;
	[dreg:$0x5] =	wrdreg s14  }
0x15: {  	s28 =	sshrl.u32 s25, $0x3;
	s17 =	sshrl.u32 s16, $0x3;
	[dreg:$0x7] =	wrdreg s15  }
0x16: {  	s20 =	sshrl.u32 s18, $0x2;
	s25 =	smax.u32 s7, $0x1;
	[dreg:$0x9] =	wrdreg s19  }
0x17: {  	s18 =	simm.s32 $0x12;
	s7 =	simm.s32 $0x0;
	[dreg:$0xa] =	wrdreg s4  }
0x18: {  	[dreg:$0xc] =	wrdreg s6;
	s4 =	sshrl.u32 s22, $0x3;
	s9 =	sadd.s32 s28, s2  }
0x19: {  	s16 =	simm.s32 $0x16E00;
	s24 =	sadd.s32 s4, s2;
	[dreg:$0x11] =	wrdreg s9  }
0x1a: {  	s6 =	sshrl.u32 s23, $0x3;
	s4 =	sadd.s32 s4, s8;
	[dreg:$0xd] =	wrdreg s24  }
0x1b: {  	s14 =	sor.u32 $0x320, s5;
	s26 =	sadd.s32 s6, s2;
	[dreg:$0xe] =	wrdreg s4  }
0x1c: {  	s5 =	sor.u32 $0xA0, s5;
	s6 =	sadd.s32 s6, s8;
	[dreg:$0xf] =	wrdreg s26  }
0x1d: {  	s22 =	sshll.u32 s12, $0x6;
	s23 =	sadd.s32 $0x25800, s3;
	[dreg:$0x10] =	wrdreg s6  }
0x1e: {  	s9 =	sshrl.u32 s14, $0x3;
	s4 =	sadd.s32 s28, s8;
	s24 =	rddreg [dreg:$0x2]  }
0x1f: {  	s6 =	sshrl.u32 s11, $0x3;
	s15 =	sadd.s32 s9, s8;
	[dreg:$0x12] =	wrdreg s4  }
0x20: {  	s4 =	sshrl.u32 s10, $0x3;
	s6 =	sadd.s32 s6, s8;
	[dreg:$0x14] =	wrdreg s15  }
0x21: {  	s3 =	simm.s32 $0x14;
	[dreg:$0x13] =	wrdreg s6;
	s8 =	sadd.s32 s4, s8  }
0x22: {  	s12 =	simm.s32 $0x14100;
	s4 =	sadd.s32 s4, s2;
	[dreg:$0x15] =	wrdreg s8  }
0x23: {  	s19 =	sshrl.u32 s5, $0x3;
	[dreg:$0x16] =	wrdreg s4;
	s4 =	sadd.s32 s17, s2  }
0x24: {  	s14 =	simm.s32 $0xE;
	s2 =	sadd.s32 s19, s2;
	[dreg:$0x17] =	wrdreg s4  }
0x25: {  	s5 =	simm.s32 $0x10;
	s26 =	sadd.s32 $0x14, s13;
	[dreg:$0x18] =	wrdreg s2  }
0x26: {  	s28 =	sadd.s32 $0x1E, s13;
	_ =	strace $0x8000004A;
	[dreg:$0x1a] =	wrdreg s0  }
0x27: {  	s9 =	simm.s32 $0x4;
	s11 =	simm.s32 $0xD;
	[dreg:$0x1c] =	wrdreg s23  }
0x28: {  	s10 =	simm.s32 $0x14400;
	s6 =	sadd.s32 s20, s24;
	[dreg:$0x1d] =	wrdreg s25  }
0x29: {  	s20 =	sor.u32 $0x1C15, s22;
	s22 =	simm.s32 $0x1;
	[dreg:$0x1f] =	wrdreg s26  }
.Ltmp0:
0x2a: {  	s8 =	simm.s32 $0x50;
	[dreg:$0x6] =	wrdreg s13;
	(pc) =	sbr.rel .LBB2_1-.Ltmp0, $4  }
0x2b: {  	s17 =	simm.s32 $0x11;
	s19 =	simm.s32 $0xF;
	[smem:$0x7FD] =	sst s28  }
0x2c: {  	s4 =	simm.s32 $0x14180;
	s0 =	sadd.s32 $0x12C000, s24;
	[dreg:$0x19] =	wrdreg s6  }
0x2d: {  	s26 =	simm.s32 $0x2;
	[dreg:$0x1b] =	wrdreg s20;
	s0 =	sshrl.u32 @p0 s0, $0x3  }
0x2e: {  	s25 =	simm.s32 $0x13;
	s13 =	simm.s32 $0x14600;
	[dreg:$0x1e] =	wrdreg s0  }
.LBB2_4:
0x2f: {  	_ =	swait.ge [sflag:s14], $0x2800  }
0x30: {  	[sflag:s14] =	ssyncset.done $0x0  }
0x31: {  	s0 =	simm.s32 $0x14480;
	[sflag:s14] =	ssyncadd.s32 $0xFFFFD800  }
0x32: {  	[spmem:s24] =	stream.indirect.scatter.add.f32 [tilespmem:s16], [sflag:$0x12], $0x80, s0, s8, $0xb8;
	[tilespmem:$0x1E600] =	vst v63  }
0x33: {  	_ =	swait.ge [sflag:s19], $0x2800  }
0x34: {  	[sflag:s19] =	ssyncset.done $0x0  }
0x35: {  	s15 =	simm.s32 $0x14500;
	[sflag:s19] =	ssyncadd.s32 $0xFFFFD800  }
0x36: {  	[spmem:s24] =	stream.indirect.scatter.add.f32 [tilespmem:s23], [sflag:$0x13], $0x80, s15, s8, $0xb8;
	[tilespmem:$0x1E600] =	vst v63  }
0x37: {  	_ =	swait.ge [sflag:s5], $0x2800  }
0x38: {  	[sflag:s5] =	ssyncset.done $0x0  }
0x39: {  	s20 =	simm.s32 $0x14580;
	[sflag:s5] =	ssyncadd.s32 $0xFFFFD800  }
0x3a: {  	[spmem:s24] =	stream.indirect.scatter.add.f32 [tilespmem:s7], [sflag:$0x14], $0x80, s20, s8, $0xb8;
	[tilespmem:$0x1E600] =	vst v63  }
0x3b: {  	_ =	swait.ge [sflag:s17], $0x2800  }
0x3c: {  	[sflag:s17] =	ssyncset.done $0x0  }
0x3d: {  	[sflag:s17] =	ssyncadd.s32 $0xFFFFD800  }
0x3e: {  	_ =	swait.ge [sflag:s18], $0x2800  }
0x3f: {  	[sflag:s18] =	ssyncset.done $0x0  }
0x40: {  	[sflag:s18] =	ssyncadd.s32 $0xFFFFD800  }
0x41: {  	_ =	swait.ge [sflag:s25], $0x2800  }
0x42: {  	[sflag:s25] =	ssyncset.done $0x0  }
0x43: {  	[sflag:s25] =	ssyncadd.s32 $0xFFFFD800  }
0x44: {  	_ =	swait.ge [sflag:s3], $0x2800  }
0x45: {  	[sflag:s3] =	ssyncset.done $0x0  }
0x46: {  	[sflag:s3] =	ssyncadd.s32 $0xFFFFD800  }
0x47: {  	[bflag:$0x0] =	sbarrier.arrive $0xFFFF  }
0x48: {  	s20 =	rddreg [dreg:$0x1b]  }
0x49: {  	s0 =	rddreg [dreg:$0x1c]  }
0x4a: {  	s2 =	rddreg [dreg:$0x1e]  }
0x4b: {  	[hbm:s0], [sflag:s20] =	dma.local @p0 [spmem:s2], $0x1900  }
0x4c: {  	s0 =	simm.s32 @p0 $0x15  }
0x4d: {  	_ =	swait.ge @p0 [sflag:s0], $0x1900  }
0x4e: {  	[sflag:s0] =	ssyncset.done @p0 $0x0;
	s6 =	rddreg [dreg:$0x19]  }
0x4f: {  	s2 =	rddreg [dreg:$0x8];
	[sflag:s0] =	ssyncadd.s32 @p0 $0xFFFFE700;
	s0 =	sshrl.u32 @!p0 s6, $0x3  }
0x50: {  	[hbm:s2], [sflag:s20] =	dma.local @!p0 [spmem:s0], $0x2800  }
0x51: {  	s0 =	simm.s32 @!p0 $0x15  }
0x52: {  	_ =	swait.ge @!p0 [sflag:s0], $0x2800  }
0x53: {  	s23 =	sld [smem:$0x7FC];
	_ =	sdelay $0x2  }
0x54: {  	s28 =	rddreg [dreg:$0x1d];
	s7 =	sadd.s32 $0x1, s23  }
0x55: {  	p1 =	sne.s32 s7, s28  }
.Ltmp1:
0x56: {  	_ = 	snop;
	(pc) =	sbr.rel @!p1 .LBB2_5-.Ltmp1, $3  }
0x57: {  	_ =	sdelay $0x1  }
0x58: {  	[sflag:s0] =	ssyncset.done @!p0 $0x0  }
0x59: {  	[sflag:s0] =	ssyncadd.s32 @!p0 $0xFFFFD800  }
.LBB2_1:
0x5a: {  	[smem:$0x7FC] =	sst s7  }
0x5b: {  	s15 =	sshrl.u32 s6, $0x3;
	s0 =	rddreg [dreg:$0x1a]  }
0x5c: {  	[spmem:s15], [sflag:s20] =	dma.local [hbm:s0], $0x2800  }
0x5d: {  	s15 =	simm.s32 $0x15  }
0x5e: {  	_ =	swait.ge [sflag:s15], $0x2800  }
0x5f: {  	[sflag:s15] =	ssyncset.done $0x0  }
0x60: {  	[sflag:s15] =	ssyncadd.s32 $0xFFFFD800  }
0x61: {  	[bflag:$0x0] =	sbarrier.arrive $0xFFFF  }
0x62: {  	s20 =	rddreg [dreg:$0x4]  }
0x63: {  	s23 =	rddreg [dreg:$0x5]  }
0x64: {  	[tilespmem:s29], [sflag:$0x1] =	stream.linear.gather [hbm4b:s20+s1], $0x50, $0x38;
	[tilespmem:$0x1E600] =	vst v63  }
0x65: {  	s28 =	simm.s32 $0x14080;
	s6 =	rddreg [dreg:$0x7]  }
0x66: {  	[tilespmem:s28], [sflag:$0x2] =	stream.linear.gather [hbm4b:s23+s1], $0x50, $0x38;
	[tilespmem:$0x1E600] =	vst v63  }
0x67: {  	s2 =	simm.s32 $0x14200;
	s29 =	rddreg [dreg:$0x6]  }
0x68: {  	[tilespmem:s2], [sflag:$0x5] =	stream.linear.gather [hbm4b:s29+s1], $0x50, $0x38;
	[tilespmem:$0x1E600] =	vst v63  }
0x69: {  	s15 =	simm.s32 $0x14280;
	s20 =	rddreg [dreg:$0x1f]  }
0x6a: {  	[tilespmem:s15], [sflag:$0x6] =	stream.linear.gather [hbm4b:s6+s1], $0x50, $0x38;
	[tilespmem:$0x1E600] =	vst v63  }
0x6b: {  	s23 =	simm.s32 $0x14300;
	s29 =	sld [smem:$0x7FD]  }
0x6c: {  	[tilespmem:s23], [sflag:$0x7] =	stream.linear.gather [hbm4b:s20+s1], $0x50, $0x38;
	[tilespmem:$0x1E600] =	vst v63  }
0x6d: {  	s7 =	simm.s32 $0x14380;
	s15 =	simm.s32 $0x0  }
0x6e: {  	[tilespmem:s7], [sflag:$0x8] =	stream.linear.gather [hbm4b:s29+s1], $0x50, $0x38;
	[tilespmem:$0x1E600] =	vst v63  }
.LBB2_2:
0x6f: {  	_ =	swait.ge [sflag:s22], $0x50  }
0x70: {  	[sflag:s22] =	ssyncset.done $0x0  }
0x71: {  	s0 =	simm.s32 $0x5;
	[sflag:s22] =	ssyncadd.s32 $0xFFFFFFB0  }
0x72: {  	_ =	swait.ge [sflag:s0], $0x50  }
0x73: {  	p1 =	sne.s32 s15, $0x0;
	[sflag:s0] =	ssyncset.done $0x0  }
0x74: {  	s20 =	simm.s32 @p1 $0x11;
	[sflag:s0] =	ssyncadd.s32 $0xFFFFFFB0  }
0x75: {  	_ =	swait.ge @p1 [sflag:s20], $0x2800  }
0x76: {  	s6 =	simm.s32 @p1 $0x14000;
	[sflag:s20] =	ssyncset.done @p1 $0x0  }
0x77: {  	s0 =	simm.s32 @p1 $0x14600;
	[sflag:s20] =	ssyncadd.s32 @p1 $0xFFFFD800;
	s20 =	simm.s32 @p1 $0x50  }
0x78: {  	[tilespmem:s0], [sflag:$0xD] =	stream.indirect.gather @p1 [hbm4b:s21+s20], $0x80, s6, s20, $0xb8;
	[tilespmem:$0x1E600] =	vst v63  }
0x79: {  	s0 =	simm.s32 @p1 $0xE  }
0x7a: {  	_ =	swait.ge @p1 [sflag:s0], $0x2800  }
0x7b: {  	s2 =	simm.s32 @!p1 $0x14000;
	[sflag:s0] =	ssyncset.done @p1 $0x0  }
0x7c: {  	s6 =	simm.s32 @p1 $0x16E00;
	[sflag:s0] =	ssyncadd.s32 @p1 $0xFFFFD800;
	s0 =	simm.s32 @p1 $0x14480  }
0x7d: {  	[spmem:s24] =	stream.indirect.scatter.add.f32 @p1 [tilespmem:s6], [sflag:$0x12], $0x80, s0, s20, $0xb8;
	[tilespmem:$0x1E600] =	vst v63  }
0x7e: {  	s29 =	simm.s32 @!p1 $0x14600;
	s23 =	rddreg [dreg:$0x18];
	s0 =	simm.s32 @!p1 $0x50  }
0x7f: {  	[tilespmem:s29], [sflag:$0xD] =	stream.indirect.gather @!p1 [hbm4b:s21+s0], $0x80, s2, s0, $0xb8;
	[tilespmem:$0x1E600] =	vst v63  }
0x80: {  	s2 =	sadd.s32 s15, s23;
	s23 =	rddreg [dreg:$0x15]  }
0x81: {  	[tilespmem:s12], [sflag:$0x3] =	stream.linear.gather [hbm4b:s2+s1], $0x50, $0x38;
	[tilespmem:$0x1E600] =	vst v63  }
0x82: {  	s2 =	sadd.s32 s15, s23  }
0x83: {  	[tilespmem:s10], [sflag:$0x9] =	stream.linear.gather [hbm4b:s2+s1], $0x50, $0x38;
	[tilespmem:$0x1E600] =	vst v63  }
0x84: {  	_ =	swait.ge [sflag:s26], $0x50  }
0x85: {  	[sflag:s26] =	ssyncset.done $0x0  }
0x86: {  	s23 =	simm.s32 $0x6;
	[sflag:s26] =	ssyncadd.s32 $0xFFFFFFB0  }
0x87: {  	_ =	swait.ge [sflag:s23], $0x50  }
0x88: {  	[sflag:s23] =	ssyncset.done $0x0  }
0x89: {  	s2 =	simm.s32 @p1 $0x12;
	[sflag:s23] =	ssyncadd.s32 $0xFFFFFFB0  }
0x8a: {  	_ =	swait.ge @p1 [sflag:s2], $0x2800  }
0x8b: {  	[sflag:s2] =	ssyncset.done @p1 $0x0  }
0x8c: {  	[sflag:s2] =	ssyncadd.s32 @p1 $0xFFFFD800;
	s2 =	simm.s32 @p1 $0x14080  }
0x8d: {  	[tilespmem:s6], [sflag:$0xE] =	stream.indirect.gather @p1 [hbm4b:s21+s20], $0x80, s2, s20, $0xb8;
	[tilespmem:$0x1E600] =	vst v63  }
0x8e: {  	s2 =	simm.s32 @p1 $0xF  }
0x8f: {  	_ =	swait.ge @p1 [sflag:s2], $0x2800  }
0x90: {  	[sflag:s2] =	ssyncset.done @p1 $0x0  }
0x91: {  	s6 =	simm.s32 @p1 $0x19600;
	[sflag:s2] =	ssyncadd.s32 @p1 $0xFFFFD800;
	s2 =	simm.s32 @p1 $0x14500  }
0x92: {  	[spmem:s24] =	stream.indirect.scatter.add.f32 @p1 [tilespmem:s6], [sflag:$0x13], $0x80, s2, s20, $0xb8;
	[tilespmem:$0x1E600] =	vst v63  }
0x93: {  	s29 =	simm.s32 @!p1 $0x16E00;
	s23 =	rddreg [dreg:$0x17];
	s2 =	simm.s32 @!p1 $0x14080  }
0x94: {  	[tilespmem:s29], [sflag:$0xE] =	stream.indirect.gather @!p1 [hbm4b:s21+s0], $0x80, s2, s0, $0xb8;
	[tilespmem:$0x1E600] =	vst v63  }
0x95: {  	s2 =	sadd.s32 s15, s23;
	s23 =	rddreg [dreg:$0x12]  }
0x96: {  	[tilespmem:s4], [sflag:$0x4] =	stream.linear.gather [hbm4b:s2+s1], $0x50, $0x38;
	[tilespmem:$0x1E600] =	vst v63  }
0x97: {  	s29 =	simm.s32 $0x14480;
	s2 =	sadd.s32 s15, s23  }
0x98: {  	[tilespmem:s29], [sflag:$0xA] =	stream.linear.gather [hbm4b:s2+s1], $0x50, $0x38;
	[tilespmem:$0x1E600] =	vst v63  }
0x99: {  	_ =	swait.ge [sflag:s30], $0x50  }
0x9a: {  	[sflag:s30] =	ssyncset.done $0x0  }
0x9b: {  	s23 =	simm.s32 $0x7;
	[sflag:s30] =	ssyncadd.s32 $0xFFFFFFB0  }
0x9c: {  	_ =	swait.ge [sflag:s23], $0x50  }
0x9d: {  	[sflag:s23] =	ssyncset.done $0x0  }
0x9e: {  	s2 =	simm.s32 @p1 $0x13;
	[sflag:s23] =	ssyncadd.s32 $0xFFFFFFB0  }
0x9f: {  	_ =	swait.ge @p1 [sflag:s2], $0x2800  }
0xa0: {  	[sflag:s2] =	ssyncset.done @p1 $0x0  }
0xa1: {  	[sflag:s2] =	ssyncadd.s32 @p1 $0xFFFFD800;
	s2 =	simm.s32 @p1 $0x14100  }
0xa2: {  	[tilespmem:s6], [sflag:$0xF] =	stream.indirect.gather @p1 [hbm4b:s21+s20], $0x80, s2, s20, $0xb8;
	[tilespmem:$0x1E600] =	vst v63  }
0xa3: {  	s2 =	simm.s32 @p1 $0x10  }
0xa4: {  	_ =	swait.ge @p1 [sflag:s2], $0x2800  }
0xa5: {  	[sflag:s2] =	ssyncset.done @p1 $0x0  }
0xa6: {  	s6 =	simm.s32 @p1 $0x1BE00;
	[sflag:s2] =	ssyncadd.s32 @p1 $0xFFFFD800;
	s2 =	simm.s32 @p1 $0x14580  }
0xa7: {  	[spmem:s24] =	stream.indirect.scatter.add.f32 @p1 [tilespmem:s6], [sflag:$0x14], $0x80, s2, s20, $0xb8;
	[tilespmem:$0x1E600] =	vst v63  }
0xa8: {  	s2 =	simm.s32 @!p1 $0x14100;
	s6 =	simm.s32 @!p1 $0x19600  }
0xa9: {  	[tilespmem:s6], [sflag:$0xF] =	stream.indirect.gather @!p1 [hbm4b:s21+s0], $0x80, s2, s0, $0xb8;
	[tilespmem:$0x1E600] =	vst v63  }
0xaa: {  	s2 =	rddreg [dreg:$0x16]  }
0xab: {  	s6 =	rddreg [dreg:$0x10];
	s0 =	sadd.s32 s15, s2;
	s2 =	simm.s32 $0x14000  }
0xac: {  	[tilespmem:s2], [sflag:$0x1] =	stream.linear.gather [hbm4b:s0+s1], $0x50, $0x38;
	[tilespmem:$0x1E600] =	vst v63  }
0xad: {  	s20 =	simm.s32 $0x14500;
	s0 =	sadd.s32 s15, s6  }
0xae: {  	[tilespmem:s20], [sflag:$0xB] =	stream.linear.gather [hbm4b:s0+s1], $0x50, $0x38;
	[tilespmem:$0x1E600] =	vst v63  }
0xaf: {  	_ =	swait.ge [sflag:s9], $0x50  }
0xb0: {  	[sflag:s9] =	ssyncset.done $0x0  }
0xb1: {  	s23 =	simm.s32 $0x8;
	[sflag:s9] =	ssyncadd.s32 $0xFFFFFFB0  }
0xb2: {  	_ =	swait.ge [sflag:s23], $0x50  }
0xb3: {  	p1 =	seq.s32 s15, $0x0;
	[sflag:s23] =	ssyncset.done $0x0  }
0xb4: {  	s0 =	simm.s32 @!p1 $0x14;
	[sflag:s23] =	ssyncadd.s32 $0xFFFFFFB0  }
0xb5: {  	_ =	swait.ge @!p1 [sflag:s0], $0x2800  }
0xb6: {  	[sflag:s0] =	ssyncset.done @!p1 $0x0  }
0xb7: {  	s20 =	simm.s32 $0x1BE00;
	[sflag:s0] =	ssyncadd.s32 @!p1 $0xFFFFD800  }
0xb8: {  	[tilespmem:s20], [sflag:$0x10] =	stream.indirect.gather [hbm4b:s21+s8], $0x80, s4, s8, $0xb8;
	[tilespmem:$0x1E600] =	vst v63  }
0xb9: {  	_ =	swait.ge [sflag:s11], $0x2800  }
0xba: {  	[sflag:s11] =	ssyncset.done $0x0  }
0xbb: {  	s6 =	simm.s32 $0x14200;
	s23 =	rddreg [dreg:$0x11];
	[sflag:s11] =	ssyncadd.s32 $0xFFFFD800  }
0xbc: {  	[spmem:s24] =	stream.indirect.scatter.add.f32 [tilespmem:s13], [sflag:$0x11], $0x80, s6, s8, $0xb8;
	[tilespmem:$0x1E600] =	vst v63  }
0xbd: {  	s0 =	sadd.s32 s15, s23;
	s6 =	rddreg [dreg:$0xe]  }
0xbe: {  	[tilespmem:s28], [sflag:$0x2] =	stream.linear.gather [hbm4b:s0+s1], $0x50, $0x38;
	[tilespmem:$0x1E600] =	vst v63  }
0xbf: {  	s23 =	simm.s32 $0x14580;
	s0 =	sadd.s32 s15, s6  }
0xc0: {  	[tilespmem:s23], [sflag:$0xC] =	stream.linear.gather [hbm4b:s0+s1], $0x50, $0x38;
	[tilespmem:$0x1E600] =	vst v63  }
0xc1: {  	_ =	swait.ge [sflag:s22], $0x50  }
0xc2: {  	[sflag:s22] =	ssyncset.done $0x0  }
0xc3: {  	s23 =	simm.s32 $0x9;
	[sflag:s22] =	ssyncadd.s32 $0xFFFFFFB0  }
0xc4: {  	_ =	swait.ge [sflag:s23], $0x50  }
0xc5: {  	[sflag:s23] =	ssyncset.done $0x0  }
0xc6: {  	[sflag:s23] =	ssyncadd.s32 $0xFFFFFFB0  }
0xc7: {  	_ =	swait.ge [sflag:s17], $0x2800  }
0xc8: {  	[sflag:s17] =	ssyncset.done $0x0  }
0xc9: {  	[sflag:s17] =	ssyncadd.s32 $0xFFFFD800  }
0xca: {  	[tilespmem:s13], [sflag:$0xD] =	stream.indirect.gather [hbm4b:s21+s8], $0x80, s2, s8, $0xb8;
	[tilespmem:$0x1E600] =	vst v63  }
0xcb: {  	_ =	swait.ge [sflag:s14], $0x2800  }
0xcc: {  	s6 =	simm.s32 $0x14280;
	[sflag:s14] =	ssyncset.done $0x0  }
0xcd: {  	s23 =	simm.s32 $0x16E00;
	s2 =	rddreg [dreg:$0xf];
	[sflag:s14] =	ssyncadd.s32 $0xFFFFD800  }
0xce: {  	[spmem:s24] =	stream.indirect.scatter.add.f32 [tilespmem:s23], [sflag:$0x12], $0x80, s6, s8, $0xb8;
	[tilespmem:$0x1E600] =	vst v63  }
0xcf: {  	s0 =	sadd.s32 s15, s2  }
0xd0: {  	[tilespmem:s12], [sflag:$0x3] =	stream.linear.gather [hbm4b:s0+s1], $0x50, $0x38;
	[tilespmem:$0x1E600] =	vst v63  }
0xd1: {  	p1 =	seq.s32 s15, $0x4B0;
	s0 =	rddreg [dreg:$0xa]  }
0xd2: {  	s2 =	simm.s32 @!p1 $0x0;
	s6 =	simm.s32 @!p1 $0x14200;
	s0 =	sadd.s32 @!p1 s15, s0  }
0xd3: {  	[tilespmem:s6], [sflag:$0x5] =	stream.linear.gather @!p1 [hbm4b:s0+s2], $0x50, $0x38;
	[tilespmem:$0x1E600] =	vst v63  }
0xd4: {  	_ =	swait.ge [sflag:s26], $0x50  }
0xd5: {  	[sflag:s26] =	ssyncset.done $0x0  }
0xd6: {  	s6 =	simm.s32 $0xA;
	[sflag:s26] =	ssyncadd.s32 $0xFFFFFFB0  }
0xd7: {  	_ =	swait.ge [sflag:s6], $0x50  }
0xd8: {  	[sflag:s6] =	ssyncset.done $0x0  }
0xd9: {  	[sflag:s6] =	ssyncadd.s32 $0xFFFFFFB0  }
0xda: {  	_ =	swait.ge [sflag:s18], $0x2800  }
0xdb: {  	[sflag:s18] =	ssyncset.done $0x0  }
0xdc: {  	[sflag:s18] =	ssyncadd.s32 $0xFFFFD800  }
0xdd: {  	[tilespmem:s23], [sflag:$0xE] =	stream.indirect.gather [hbm4b:s21+s8], $0x80, s28, s8, $0xb8;
	[tilespmem:$0x1E600] =	vst v63  }
0xde: {  	_ =	swait.ge [sflag:s19], $0x2800  }
0xdf: {  	s23 =	simm.s32 $0x14300;
	[sflag:s19] =	ssyncset.done $0x0  }
0xe0: {  	s28 =	simm.s32 $0x19600;
	s6 =	rddreg [dreg:$0xd];
	[sflag:s19] =	ssyncadd.s32 $0xFFFFD800  }
0xe1: {  	[spmem:s24] =	stream.indirect.scatter.add.f32 [tilespmem:s28], [sflag:$0x13], $0x80, s23, s8, $0xb8;
	[tilespmem:$0x1E600] =	vst v63  }
0xe2: {  	s0 =	sadd.s32 s15, s6  }
0xe3: {  	[tilespmem:s4], [sflag:$0x4] =	stream.linear.gather [hbm4b:s0+s1], $0x50, $0x38;
	[tilespmem:$0x1E600] =	vst v63  }
0xe4: {  	s0 =	rddreg [dreg:$0xc]  }
0xe5: {  	s6 =	simm.s32 @!p1 $0x14280;
	s0 =	sadd.s32 @!p1 s15, s0  }
0xe6: {  	[tilespmem:s6], [sflag:$0x6] =	stream.linear.gather @!p1 [hbm4b:s0+s2], $0x50, $0x38;
	[tilespmem:$0x1E600] =	vst v63  }
0xe7: {  	_ =	swait.ge [sflag:s30], $0x50  }
0xe8: {  	[sflag:s30] =	ssyncset.done $0x0  }
0xe9: {  	s23 =	simm.s32 $0xB;
	[sflag:s30] =	ssyncadd.s32 $0xFFFFFFB0  }
0xea: {  	_ =	swait.ge [sflag:s23], $0x50  }
0xeb: {  	[sflag:s23] =	ssyncset.done $0x0  }
0xec: {  	[sflag:s23] =	ssyncadd.s32 $0xFFFFFFB0  }
0xed: {  	_ =	swait.ge [sflag:s25], $0x2800  }
0xee: {  	[sflag:s25] =	ssyncset.done $0x0  }
0xef: {  	[sflag:s25] =	ssyncadd.s32 $0xFFFFD800  }
0xf0: {  	[tilespmem:s28], [sflag:$0xF] =	stream.indirect.gather [hbm4b:s21+s8], $0x80, s12, s8, $0xb8;
	[tilespmem:$0x1E600] =	vst v63  }
0xf1: {  	_ =	swait.ge [sflag:s5], $0x2800  }
0xf2: {  	[sflag:s5] =	ssyncset.done $0x0  }
0xf3: {  	s0 =	rddreg [dreg:$0x9];
	[sflag:s5] =	ssyncadd.s32 $0xFFFFD800  }
0xf4: {  	[spmem:s24] =	stream.indirect.scatter.add.f32 [tilespmem:s20], [sflag:$0x14], $0x80, s7, s8, $0xb8;
	[tilespmem:$0x1E600] =	vst v63  }
0xf5: {  	s6 =	simm.s32 @!p1 $0x14000;
	s0 =	sadd.s32 @!p1 s15, s0  }
0xf6: {  	[tilespmem:s6], [sflag:$0x1] =	stream.linear.gather @!p1 [hbm4b:s0+s2], $0x50, $0x38;
	[tilespmem:$0x1E600] =	vst v63  }
0xf7: {  	s0 =	rddreg [dreg:$0x14]  }
0xf8: {  	s6 =	simm.s32 @!p1 $0x14300;
	s0 =	sadd.s32 @!p1 s15, s0  }
0xf9: {  	[tilespmem:s6], [sflag:$0x7] =	stream.linear.gather @!p1 [hbm4b:s0+s2], $0x50, $0x38;
	[tilespmem:$0x1E600] =	vst v63  }
0xfa: {  	_ =	swait.ge [sflag:s9], $0x50  }
0xfb: {  	[sflag:s9] =	ssyncset.done $0x0  }
0xfc: {  	[sflag:s9] =	ssyncadd.s32 $0xFFFFFFB0  }
0xfd: {  	_ =	swait.ge [sflag:s31], $0x50  }
0xfe: {  	[sflag:s31] =	ssyncset.done $0x0  }
0xff: {  	[sflag:s31] =	ssyncadd.s32 $0xFFFFFFB0  }
0x100: {  	_ =	swait.ge [sflag:s3], $0x2800  }
0x101: {  	[sflag:s3] =	ssyncset.done $0x0  }
0x102: {  	[sflag:s3] =	ssyncadd.s32 $0xFFFFD800  }
0x103: {  	[tilespmem:s20], [sflag:$0x10] =	stream.indirect.gather [hbm4b:s21+s8], $0x80, s4, s8, $0xb8;
	[tilespmem:$0x1E600] =	vst v63  }
.Ltmp2:
0x104: {  	_ = 	snop;
	(pc) =	sbr.rel @p1 .LBB2_4-.Ltmp2, $4  }
0x105: {  	s29 =	simm.s32 $0x14000;
	_ =	swait.ge [sflag:s11], $0x2800  }
0x106: {  	s23 =	simm.s32 $0x19600;
	s7 =	simm.s32 $0x1BE00;
	[sflag:s11] =	ssyncset.done $0x0  }
0x107: {  	s2 =	simm.s32 $0x14080;
	s6 =	simm.s32 $0x14380;
	[sflag:s11] =	ssyncadd.s32 $0xFFFFD800  }
0x108: {  	[spmem:s24] =	stream.indirect.scatter.add.f32 [tilespmem:s13], [sflag:$0x11], $0x80, s10, s8, $0xb8;
	[tilespmem:$0x1E600] =	vst v63  }
.Ltmp3:
0x109: {  	s0 =	rddreg [dreg:$0xb];
	(pc) =	sbr.rel .LBB2_2-.Ltmp3, $4  }
0x10a: {  	s29 =	rddreg [dreg:$0x13];
	s7 =	simm.s32 $0x14380;
	s0 =	sadd.s32 s15, s0  }
0x10b: {  	[tilespmem:s2], [sflag:$0x2] =	stream.linear.gather [hbm4b:s0+s1], $0x50, $0x38;
	[tilespmem:$0x1E600] =	vst v63  }
0x10c: {  	s28 =	simm.s32 $0x14080;
	s0 =	sadd.s32 s15, s29;
	s15 =	sadd.s32 $0x50, s15  }
0x10d: {  	[tilespmem:s6], [sflag:$0x8] =	stream.linear.gather [hbm4b:s0+s1], $0x50, $0x38;
	[tilespmem:$0x1E600] =	vst v63  }
.LBB2_5:
0x10e: {  	_ =	sfence.sel $0x180000  }
0x10f: {  	[bflag:$0x0] =	sbarrier.arrive $0xFFFF  }
0x110: {  	_ =	strace $0x9000004A  }
0x111: {  	s0 =	stileid.u32;
	[bflag:$0x2] =	sbarrier.arrive $0xFFFF  }
0x112: {  	p0 =	sne.s32 s0, $0x0;
	s0 =	rddreg [dreg:$0x3]  }
0x113: {  	s0 =	sadd.s32 @!p0 $0x100000, s0  }
0x114: {  	[sflag:s0] =	ssyncadd.tile.s32 @!p0 $0x1;
	_ =	shalt  }
.Lfunc_end2:
_tile_overlayer_lowered:
.L_overlay_start_2:
0x115: {  	(tag) =	ssettag $0x2  }
0x116: {  	s0 =	rddreg [dreg:$0x0];
	s2 =	stileid.u32  }
0x117: {  	s1 =	rddreg [dreg:$0x1];
	p0 =	sne.s32 s2, $0x0  }
0x118: {  	s3 =	rddreg [dreg:$0x2];
	[bflag:$0x3] =	sbarrier.arrive $0xFFFF;
	s2 =	simm.s32 @!p0 $0x1C15  }
0x119: {  	[timem:s3], [sflag:s2] =	dma.local @!p0 [hbm:s0], s1  }
0x11a: {  	s0 =	simm.s32 @!p0 $0x15  }
0x11b: {  	_ =	swait.ge @!p0 [sflag:s0], s1  }
0x11c: {  	s1 =	ssub.s32 @!p0 $0x0, s1;
	[sflag:s0] =	ssyncset.done @!p0 $0x0  }
0x11d: {  	[sflag:s0] =	ssyncadd.s32 @!p0 s1  }
0x11e: {  	[bflag:$0x3] =	sbarrier.arrive $0xFFFF  }
0x11f: {  	_ =	shalt  }

// kernel: kernel.17.cloned.1.call-start
scs
__scs_entry_jumppad:
0x0: {  	(pc) =	sbr.rel $0x88, $3  }
0x1: {  	(tag) =	ssettag $0x0;
	lr =	simm.s32 $0x1  }
0x2: {  	[smem:$0x3F96] =	sst lr;
	_ =	strace $0xD0000000  }
0x3: {  	_ = 	snop  }
0x4: {  	_ = 	snop  }
0x5: {  	_ = 	snop  }
0x6: {  	_ = 	snop  }
0x7: {  	_ = 	snop  }
__scs_overlays_trampoline_lowered:
0x8: {  	[smem:$0x3FA5] =	sst s0  }
0x9: {  	[smem:$0x3FA6] =	sst s1  }
0xa: {  	[smem:$0x3FA7] =	sst s2  }
0xb: {  	[smem:$0x3FA8] =	sst s3  }
0xc: {  	[smem:$0x3FA9] =	sst s4  }
0xd: {  	[smem:$0x3FAA] =	sst s5  }
0xe: {  	[smem:$0x3FAB] =	sst s6  }
0xf: {  	[smem:$0x3FAC] =	sst s7  }
0x10: {  	[smem:$0x3FAD] =	sst s8  }
0x11: {  	[smem:$0x3FAE] =	sst s9;
	s0 =	simm.s32 @!p0 $0x0  }
0x12: {  	s1 =	sld [smem:$0x3F94];
	s0 =	simm.s32 @p0 $0x1  }
0x13: {  	[smem:$0x3FAF] =	sst s0;
	s0 =	simm.s32 @!p1 $0x0  }
0x14: {  	s2 =	sld [smem:$0x3F93];
	s0 =	simm.s32 @p1 $0x1  }
0x15: {  	[smem:$0x3FB0] =	sst s0;
	s0 =	simm.s32 @!p2 $0x0  }
0x16: {  	s3 =	sld [smem:$0x3FDB];
	s0 =	simm.s32 @p2 $0x1  }
0x17: {  	s4 =	simm.s32 $0x1BF5;
	[smem:$0x3FB2] =	sst s0  }
0x18: {  	s0 =	sld [smem:$0x3F95];
	_ =	swait.ge [sflag:s4], $0x0  }
0x19: {  	s7 =	sld [smem:$0x3F96]  }
0x1a: {  	s8 =	sadd.s32 $0xFFFFE003, lr  }
0x1b: {  	s9 =	sadd.s32 $0xFFFFFEF7, lr;
	s5 =	simm.s32 $0xFFFFFFFF;
	p2 =	slt.u32 s8, $0xFFFFF086  }
0x1c: {  	p1 =	slt.u32 s9, $0xF7A;
	s5 =	simm.s32 @!p2 $0x0  }
0x1d: {  	s5 =	simm.s32 @p1 $0x1;
	p0 =	seq.s32 s7, s2  }
0x1e: {  	s7 =	smul.u32 @!p0 $0xF7A, s2;
	p2 =	seq.s32 @!p0 s5, $0x0  }
0x1f: {  	s9 =	smul.u32 $0xF7A, s1;
	s8 =	simm.s32 @!p0 $0x1BF5;
	p2 =	por !p2, p0  }
0x20: {  	[sflag:s8] =	ssyncset.s32 @!p0 $0xFFFFF086;
	s6 =	sadd.s32 @!p0 s3, s7;
	s7 =	simm.s32 @!p0 $0x108  }
0x21: {  	s3 =	sadd.s32 s3, s9;
	s6 =	sadd.s32 @!p0 $0x88, s6;
	s7 =	simm.s32 @p2 $0x1082  }
0x22: {  	[simem:s7], [sflag:s8] =	dma.local @!p0 [hbm:s6], $0xF7A  }
0x23: {  	s9 =	sor.u32 $0xD0000000, s2;
	s6 =	simm.s32 $0x108;
	_ =	swait.ge @!p0 [sflag:s8], $0x0  }
0x24: {  	s3 =	sadd.s32 $0x88, s3;
	s6 =	simm.s32 @!p1 $0x1082;
	[sflag:s4] =	ssyncset.s32 $0xFFFFF086  }
0x25: {  	[simem:s6], [sflag:s4] =	dma.local [hbm:s3], $0xF7A  }
0x26: {  	[smem:$0x3F96] =	sst s1;
	(tag) =	ssettag s2;
	_ =	strace s9  }
0x27: {  	s1 =	sld [smem:$0x3FA6]  }
0x28: {  	s2 =	sld [smem:$0x3FA7]  }
0x29: {  	s4 =	sld [smem:$0x3FA9]  }
0x2a: {  	p0 =	seq.s32 s5, $0x0;
	s5 =	sld [smem:$0x3FAA]  }
0x2b: {  	s6 =	sld [smem:$0x3FAB]  }
0x2c: {  	s7 =	sld [smem:$0x3FAC]  }
0x2d: {  	s3 =	simm.s32 $0x108;
	s8 =	sld [smem:$0x3FAD]  }
0x2e: {  	s3 =	simm.s32 @!p0 $0x1082;
	s9 =	sld [smem:$0x3FAE]  }
0x2f: {  	lr =	sadd.s32 s0, s3;
	s0 =	sld [smem:$0x3FA5]  }
0x30: {  	s3 =	sld [smem:$0x3FA8]  }
0x31: {  	[smem:$0x3FB1] =	sst s10  }
0x32: {  	s10 =	sld [smem:$0x3FAF];
	_ =	sdelay $0x3  }
0x33: {  	p0 =	seq.s32 s10, $0x1;
	s10 =	sld [smem:$0x3FB1];
	_ =	sdelay $0x3  }
0x34: {  	[smem:$0x3FB1] =	sst s10  }
0x35: {  	s10 =	sld [smem:$0x3FB0];
	_ =	sdelay $0x3  }
0x36: {  	p1 =	seq.s32 s10, $0x1;
	s10 =	sld [smem:$0x3FB1];
	_ =	sdelay $0x3  }
0x37: {  	[smem:$0x3FB1] =	sst s10  }
0x38: {  	s10 =	sld [smem:$0x3FB2]  }
0x39: {  	_ = 	snop;
	(pc) =	sbr.ind lr, $3  }
0x3a: {  	_ = 	snop  }
0x3b: {  	_ = 	snop  }
0x3c: {  	p2 =	seq.s32 s10, $0x1;
	s10 =	sld [smem:$0x3FB1]  }
0x3d: {  	_ =	shalt  }
0x3e: {  	_ =	shalt  }
0x3f: {  	_ =	shalt  }
0x40: {  	_ =	shalt  }
0x41: {  	_ =	shalt  }
0x42: {  	_ =	shalt  }
0x43: {  	_ =	shalt  }
0x44: {  	_ =	shalt  }
0x45: {  	_ =	shalt  }
0x46: {  	_ =	shalt  }
0x47: {  	_ =	shalt  }
0x48: {  	_ =	shalt  }
0x49: {  	_ =	shalt  }
0x4a: {  	_ =	shalt  }
0x4b: {  	_ =	shalt  }
0x4c: {  	_ =	shalt  }
0x4d: {  	_ =	shalt  }
0x4e: {  	_ =	shalt  }
0x4f: {  	_ =	shalt  }
0x50: {  	_ =	shalt  }
0x51: {  	_ =	shalt  }
0x52: {  	_ =	shalt  }
0x53: {  	_ =	shalt  }
0x54: {  	_ =	shalt  }
0x55: {  	_ =	shalt  }
0x56: {  	_ =	shalt  }
0x57: {  	_ =	shalt  }
0x58: {  	_ =	shalt  }
0x59: {  	_ =	shalt  }
0x5a: {  	_ =	shalt  }
0x5b: {  	_ =	shalt  }
0x5c: {  	_ =	shalt  }
0x5d: {  	_ =	shalt  }
0x5e: {  	_ =	shalt  }
0x5f: {  	_ =	shalt  }
0x60: {  	_ =	shalt  }
0x61: {  	_ =	shalt  }
0x62: {  	_ =	shalt  }
0x63: {  	_ =	shalt  }
0x64: {  	_ =	shalt  }
0x65: {  	_ =	shalt  }
0x66: {  	_ =	shalt  }
0x67: {  	_ =	shalt  }
0x68: {  	_ =	shalt  }
0x69: {  	_ =	shalt  }
0x6a: {  	_ =	shalt  }
0x6b: {  	_ =	shalt  }
0x6c: {  	_ =	shalt  }
0x6d: {  	_ =	shalt  }
0x6e: {  	_ =	shalt  }
0x6f: {  	_ =	shalt  }
0x70: {  	_ =	shalt  }
0x71: {  	_ =	shalt  }
0x72: {  	_ =	shalt  }
0x73: {  	_ =	shalt  }
0x74: {  	_ =	shalt  }
0x75: {  	_ =	shalt  }
0x76: {  	_ =	shalt  }
0x77: {  	_ =	shalt  }
0x78: {  	_ =	shalt  }
0x79: {  	_ =	shalt  }
0x7a: {  	_ =	shalt  }
0x7b: {  	_ =	shalt  }
0x7c: {  	_ =	shalt  }
0x7d: {  	_ =	shalt  }
0x7e: {  	_ =	shalt  }
0x7f: {  	_ =	shalt  }
0x80: {  	_ =	shalt  }
0x81: {  	_ =	shalt  }
0x82: {  	_ =	shalt  }
0x83: {  	_ =	shalt  }
0x84: {  	_ =	shalt  }
0x85: {  	_ =	shalt  }
0x86: {  	_ =	shalt  }
0x87: {  	_ =	shalt  }
.Lfunc_end0:
.L_simem_size_0:
called_computation.2_lowered:
.L_overlay_start_0:
0x88: {  	s2 =	sld [smem:$0x3FD9]  }
0x89: {  	s3 =	sld [smem:$0x3FFE];
	_ =	sdelay $0x1  }
0x8a: {  	s1 =	srdreg.scid  }
0x8b: {  	s0 =	sand.u32 $0x1, s1  }
0x8c: {  	s17 =	sshll.u32 s0, $0xA;
	s2 =	sadd.s32 s3, s2  }
0x8d: {  	s2 =	sadd.s32 s2, s17  }
0x8e: {  	[smem:$0x3FBD] =	sst s2  }
0x8f: {  	_ = 	snop  }
0x90: {  	s2 =	sld [smem:$0x3FD0];
	(tm) =	ssettm $0x1  }
0x91: {  	s18 =	sld [smem:$0x3FFB];
	_ =	sdelay $0x3  }
0x92: {  	_ =	strace s18  }
0x93: {  	s3 =	sld [smem:$0x3FFC];
	_ =	sdelay $0x3  }
0x94: {  	_ =	strace s3  }
0x95: {  	s3 =	sld [smem:$0x3FFD];
	_ =	sdelay $0x3  }
0x96: {  	_ =	strace s3  }
0x97: {  	_ =	strace $0x8FFFFFFF  }
0x98: {  	s19 =	sld [smem:$0x3FDB];
	_ =	sdelay $0x1  }
0x99: {  	s4 =	simm.s32 $_scs_section_size  }
0x9a: {  	s5 =	simm.s32 $_size__tile_overlayer_lowered;
	s6 =	simm.s32 $_tile_overlayer_lowered  }
0x9b: {  	s22 =	simm.s32 $0x1BFF;
	s21 =	sshll.u32 s6, $0x1;
	s3 =	sadd.s32 s4, s19  }
0x9c: {  	s7 =	simm.s32 $0x0;
	s20 =	sshll.u32 s5, $0x1;
	s5 =	sadd.s32 s21, s3  }
0x9d: {  	[timem:s7], [sflag:s22] =	dma.local [hbm:s5], s20  }
0x9e: {  	_ =	swait.ge [sflag:s22], s20  }
0x9f: {  	s4 =	ssub.s32 $0x0, s20;
	[sflag:s22] =	ssyncset.done $0x0  }
0xa0: {  	[sflag:s22] =	ssyncadd.s32 s4;
	_ =	sdelay $0x1  }
0xa1: {  	s23 =	simm.s32 $0x1B8B  }
0xa2: {  	_ =	swait.ge [sflag:s23], $0x1  }
0xa3: {  	[sflag:s23] =	ssyncset.done $0x0  }
0xa4: {  	s25 =	simm.s32 $0x1B8E;
	s24 =	sld [smem:$0x3FFE];
	[sflag:s23] =	ssyncadd.s32 $0xFFFFFFFF  }
0xa5: {  	s26 =	simm.s32 $execute0_lowered;
	[smem:$0x3FD2] =	sst s25  }
0xa6: {  	s5 =	sshll.u32 s26, $0x1;
	_ =	strace $0x8000004C;
	[dreg:$0x1] =	wrdreg $0xFFFFFFFF  }
0xa7: {  	s28 =	simm.s32 $_size_execute0_lowered;
	s3 =	sadd.s32 s3, s5;
	[dreg:$0x0] =	wrdreg $0x0  }
0xa8: {  	s5 =	sshll.u32 s28, $0x1;
	[dreg:$0x2] =	wrdreg s3  }
0xa9: {  	[dreg:$0x3] =	wrdreg s5  }
0xaa: {  	[dreg:$0x4] =	wrdreg $0xC0  }
0xab: {  	_ =	task [dreg:s7], $0x5FFFF  }
0xac: {  	[dreg:$0x1] =	wrdreg $0xFFFFFFFF  }
0xad: {  	[dreg:$0x0] =	wrdreg $0x60  }
0xae: {  	[dreg:$0x2] =	wrdreg s2  }
0xaf: {  	[dreg:$0x3] =	wrdreg s24  }
0xb0: {  	[dreg:$0x4] =	wrdreg $0x0  }
0xb1: {  	[dreg:$0x5] =	wrdreg $0x9  }
0xb2: {  	_ =	task.clear_ibuf [dreg:s7], $0x6FFFF;
	_ =	strace $0x9000004C  }
0xb3: {  	s29 =	simm.s32 $0x9;
	_ =	strace $0x8000004E  }
0xb4: {  	_ =	swait.ge [sflag:s29], $0x1  }
0xb5: {  	[sflag:s29] =	ssyncadd.s32 $0xFFFFFFFF  }
0xb6: {  	_ =	strace $0x9000004E  }
0xb7: {  	_ =	sfence  }
0xb8: {  	s30 =	sld [smem:$0x0];
	_ =	sdelay $0x2  }
0xb9: {  	s31 =	sshll.u32 s1, $0xD;
	s1 =	sshrl.u32 s1, $0x2  }
0xba: {  	s3 =	sand.u32 $0x4000, s31;
	s1 =	sadd.s32 s1, s30  }
0xbb: {  	s0 =	sor.u32 s3, s0;
	s1 =	sshll.u32 s1, $0x11  }
0xbc: {  	s0 =	sor.u32 s1, s0  }
0xbd: {  	s0 =	sadd.s32 $0x8F2B, s0  }
0xbe: {  	[sflag:s0] =	ssyncadd.remote.s32 $0x1  }
0xbf: {  	_ =	sfence.sel $0xFFFF  }
0xc0: {  	[dreg:$0x0] =	wrdreg $0xFFFFFFFF;
	(pc) =	sbr.abs _section_cstart, $3  }
0xc1: {  	[dreg:$0x1] =	wrdreg $0xFFFFFFFF  }
0xc2: {  	_ =	task.clear_ibuf [dreg:s7], $0x2FFFF;
	_ =	strace $0x9FFFFFFF  }
0xc3: {  	(tm) =	ssettm $0x7FFFFFFF  }
tec
execute0_lowered:
.L_overlay_start_1:
0x0: {  	(tag) =	ssettag $0x1  }
0x1: {  	s3 =	rddreg [dreg:$0x1]  }
0x2: {  	s12 =	stileid.u32;
	s0 =	srdreg.scid;
	s1 =	simm.s32 $0x0  }
0x3: {  	s29 =	simm.s32 $0x14000;
	s30 =	simm.s32 $0x3;
	s31 =	simm.s32 $0xC  }
0x4: {  	s4 =	smul.u32 $0x14000, s12;
	s5 =	sand.u32 $0x1, s0;
	[smem:$0x7FF] =	sst s1  }
0x5: {  	s2 =	sadd.s32 $0xD400, s3;
	s8 =	sadd.s32 $0x3400, s3;
	s11 =	smul.u32 $0x2800, s12  }
0x6: {  	p0 =	seq.s32 s12, $0xF;
	s0 =	sshll.u32 s5, $0x4;
	s9 =	smul.u32 $0x138800, s5  }
0x7: {  	s26 =	ssub.s32 $0x2, s5;
	s5 =	smul.u32 $0x28000, s5;
	s6 =	sshrl.u32 s4, $0x3  }
0x8: {  	s7 =	sor.u32 s12, s0;
	s10 =	sshrl.u32 s26, $0x1;
	s0 =	sadd.s32 s6, s3  }
0x9: {  	s25 =	smul.u32 $0x2800, s7;
	s3 =	sadd.s32 $0x3F400, s3;
	s7 =	ssub.s32 s26, s10  }
0xa: {  	s4 =	sadd.s32 s4, s9;
	s5 =	sadd.s32 s11, s5;
	s17 =	sshrl.u32 s9, $0x3  }
0xb: {  	s4 =	sshrl.u32 s4, $0x3;
	s16 =	sor.u32 $0x280, s5;
	s18 =	sor.u32 $0x2D0, s5  }
0xc: {  	s22 =	sor.u32 $0x230, s5;
	s23 =	sor.u32 $0x1E0, s5;
	s10 =	sor.u32 $0x140, s5  }
0xd: {  	s11 =	sor.u32 $0x370, s5;
	s0 =	sadd.s32 $0x17400, s0;
	s6 =	sshrl.u32 s25, $0x3  }
0xe: {  	s4 =	sadd.s32 s3, s4;
	s3 =	sadd.s32 s3, s17;
	s20 =	sshrl.u32 s18, $0x3  }
0xf: {  	s25 =	sor.u32 $0x190, s5;
	s18 =	smul.u32 $0x50000, s12;
	s28 =	sor.u32 $0xA, s6  }
0x10: {  	s13 =	sadd.s32 s2, s6;
	[dreg:$0x8] =	wrdreg s4;
	s4 =	sshrl.u32 s16, $0x3  }
0x11: {  	s21 =	sadd.s32 s20, s2;
	s16 =	sor.u32 $0xF0, s5;
	[dreg:$0x4] =	wrdreg s13  }
0x12: {  	s14 =	sadd.s32 s2, s28;
	s13 =	sadd.s32 s8, s6;
	[dreg:$0xb] =	wrdreg s21  }
0x13: {  	s15 =	sadd.s32 s8, s28;
	s19 =	sadd.s32 s4, s2;
	s21 =	rddreg [dreg:$0x0]  }
0x14: {  	s4 =	sadd.s32 s4, s8;
	s6 =	sadd.s32 s20, s8;
	[dreg:$0x5] =	wrdreg s14  }
0x15: {  	s28 =	sshrl.u32 s25, $0x3;
	s17 =	sshrl.u32 s16, $0x3;
	[dreg:$0x7] =	wrdreg s15  }
0x16: {  	s20 =	sshrl.u32 s18, $0x2;
	s25 =	smax.u32 s7, $0x1;
	[dreg:$0x9] =	wrdreg s19  }
0x17: {  	s18 =	simm.s32 $0x12;
	s7 =	simm.s32 $0x0;
	[dreg:$0xa] =	wrdreg s4  }
0x18: {  	[dreg:$0xc] =	wrdreg s6;
	s4 =	sshrl.u32 s22, $0x3;
	s9 =	sadd.s32 s28, s2  }
0x19: {  	s16 =	simm.s32 $0x16E00;
	s24 =	sadd.s32 s4, s2;
	[dreg:$0x11] =	wrdreg s9  }
0x1a: {  	s6 =	sshrl.u32 s23, $0x3;
	s4 =	sadd.s32 s4, s8;
	[dreg:$0xd] =	wrdreg s24  }
0x1b: {  	s14 =	sor.u32 $0x320, s5;
	s26 =	sadd.s32 s6, s2;
	[dreg:$0xe] =	wrdreg s4  }
0x1c: {  	s5 =	sor.u32 $0xA0, s5;
	s6 =	sadd.s32 s6, s8;
	[dreg:$0xf] =	wrdreg s26  }
0x1d: {  	s22 =	sshll.u32 s12, $0x6;
	s23 =	sadd.s32 $0x25800, s3;
	[dreg:$0x10] =	wrdreg s6  }
0x1e: {  	s9 =	sshrl.u32 s14, $0x3;
	s4 =	sadd.s32 s28, s8;
	s24 =	rddreg [dreg:$0x2]  }
0x1f: {  	s6 =	sshrl.u32 s11, $0x3;
	s15 =	sadd.s32 s9, s8;
	[dreg:$0x12] =	wrdreg s4  }
0x20: {  	s4 =	sshrl.u32 s10, $0x3;
	s6 =	sadd.s32 s6, s8;
	[dreg:$0x14] =	wrdreg s15  }
0x21: {  	s3 =	simm.s32 $0x14;
	[dreg:$0x13] =	wrdreg s6;
	s8 =	sadd.s32 s4, s8  }
0x22: {  	s12 =	simm.s32 $0x14100;
	s4 =	sadd.s32 s4, s2;
	[dreg:$0x15] =	wrdreg s8  }
0x23: {  	s19 =	sshrl.u32 s5, $0x3;
	[dreg:$0x16] =	wrdreg s4;
	s4 =	sadd.s32 s17, s2  }
0x24: {  	s14 =	simm.s32 $0xE;
	s2 =	sadd.s32 s19, s2;
	[dreg:$0x17] =	wrdreg s4  }
0x25: {  	s5 =	simm.s32 $0x10;
	s26 =	sadd.s32 $0x14, s13;
	[dreg:$0x18] =	wrdreg s2  }
0x26: {  	s28 =	sadd.s32 $0x1E, s13;
	_ =	strace $0x8000004D;
	[dreg:$0x1a] =	wrdreg s0  }
0x27: {  	s9 =	simm.s32 $0x4;
	s11 =	simm.s32 $0xD;
	[dreg:$0x1c] =	wrdreg s23  }
0x28: {  	s10 =	simm.s32 $0x14400;
	s6 =	sadd.s32 s20, s24;
	[dreg:$0x1d] =	wrdreg s25  }
0x29: {  	s20 =	sor.u32 $0x1C15, s22;
	s22 =	simm.s32 $0x1;
	[dreg:$0x1f] =	wrdreg s26  }
.Ltmp0:
0x2a: {  	s8 =	simm.s32 $0x50;
	[dreg:$0x6] =	wrdreg s13;
	(pc) =	sbr.rel .LBB2_1-.Ltmp0, $4  }
0x2b: {  	s17 =	simm.s32 $0x11;
	s19 =	simm.s32 $0xF;
	[smem:$0x7FD] =	sst s28  }
0x2c: {  	s4 =	simm.s32 $0x14180;
	s0 =	sadd.s32 $0x12C000, s24;
	[dreg:$0x19] =	wrdreg s6  }
0x2d: {  	s26 =	simm.s32 $0x2;
	[dreg:$0x1b] =	wrdreg s20;
	s0 =	sshrl.u32 @p0 s0, $0x3  }
0x2e: {  	s25 =	simm.s32 $0x13;
	s13 =	simm.s32 $0x14600;
	[dreg:$0x1e] =	wrdreg s0  }
.LBB2_4:
0x2f: {  	_ =	swait.ge [sflag:s14], $0x2800  }
0x30: {  	[sflag:s14] =	ssyncset.done $0x0  }
0x31: {  	s0 =	simm.s32 $0x14480;
	[sflag:s14] =	ssyncadd.s32 $0xFFFFD800  }
0x32: {  	[spmem:s24] =	stream.indirect.scatter.add.f32 [tilespmem:s16], [sflag:$0x12], $0x80, s0, s8, $0xb8;
	[tilespmem:$0x1E600] =	vst v63  }
0x33: {  	_ =	swait.ge [sflag:s19], $0x2800  }
0x34: {  	[sflag:s19] =	ssyncset.done $0x0  }
0x35: {  	s15 =	simm.s32 $0x14500;
	[sflag:s19] =	ssyncadd.s32 $0xFFFFD800  }
0x36: {  	[spmem:s24] =	stream.indirect.scatter.add.f32 [tilespmem:s23], [sflag:$0x13], $0x80, s15, s8, $0xb8;
	[tilespmem:$0x1E600] =	vst v63  }
0x37: {  	_ =	swait.ge [sflag:s5], $0x2800  }
0x38: {  	[sflag:s5] =	ssyncset.done $0x0  }
0x39: {  	s20 =	simm.s32 $0x14580;
	[sflag:s5] =	ssyncadd.s32 $0xFFFFD800  }
0x3a: {  	[spmem:s24] =	stream.indirect.scatter.add.f32 [tilespmem:s7], [sflag:$0x14], $0x80, s20, s8, $0xb8;
	[tilespmem:$0x1E600] =	vst v63  }
0x3b: {  	_ =	swait.ge [sflag:s17], $0x2800  }
0x3c: {  	[sflag:s17] =	ssyncset.done $0x0  }
0x3d: {  	[sflag:s17] =	ssyncadd.s32 $0xFFFFD800  }
0x3e: {  	_ =	swait.ge [sflag:s18], $0x2800  }
0x3f: {  	[sflag:s18] =	ssyncset.done $0x0  }
0x40: {  	[sflag:s18] =	ssyncadd.s32 $0xFFFFD800  }
0x41: {  	_ =	swait.ge [sflag:s25], $0x2800  }
0x42: {  	[sflag:s25] =	ssyncset.done $0x0  }
0x43: {  	[sflag:s25] =	ssyncadd.s32 $0xFFFFD800  }
0x44: {  	_ =	swait.ge [sflag:s3], $0x2800  }
0x45: {  	[sflag:s3] =	ssyncset.done $0x0  }
0x46: {  	[sflag:s3] =	ssyncadd.s32 $0xFFFFD800  }
0x47: {  	[bflag:$0x0] =	sbarrier.arrive $0xFFFF  }
0x48: {  	s20 =	rddreg [dreg:$0x1b]  }
0x49: {  	s0 =	rddreg [dreg:$0x1c]  }
0x4a: {  	s2 =	rddreg [dreg:$0x1e]  }
0x4b: {  	[hbm:s0], [sflag:s20] =	dma.local @p0 [spmem:s2], $0x1900  }
0x4c: {  	s0 =	simm.s32 @p0 $0x15  }
0x4d: {  	_ =	swait.ge @p0 [sflag:s0], $0x1900  }
0x4e: {  	[sflag:s0] =	ssyncset.done @p0 $0x0;
	s6 =	rddreg [dreg:$0x19]  }
0x4f: {  	s2 =	rddreg [dreg:$0x8];
	[sflag:s0] =	ssyncadd.s32 @p0 $0xFFFFE700;
	s0 =	sshrl.u32 @!p0 s6, $0x3  }
0x50: {  	[hbm:s2], [sflag:s20] =	dma.local @!p0 [spmem:s0], $0x2800  }
0x51: {  	s0 =	simm.s32 @!p0 $0x15  }
0x52: {  	_ =	swait.ge @!p0 [sflag:s0], $0x2800  }
0x53: {  	s23 =	sld [smem:$0x7FC];
	_ =	sdelay $0x2  }
0x54: {  	s28 =	rddreg [dreg:$0x1d];
	s7 =	sadd.s32 $0x1, s23  }
0x55: {  	p1 =	sne.s32 s7, s28  }
.Ltmp1:
0x56: {  	_ = 	snop;
	(pc) =	sbr.rel @!p1 .LBB2_5-.Ltmp1, $3  }
0x57: {  	_ =	sdelay $0x1  }
0x58: {  	[sflag:s0] =	ssyncset.done @!p0 $0x0  }
0x59: {  	[sflag:s0] =	ssyncadd.s32 @!p0 $0xFFFFD800  }
.LBB2_1:
0x5a: {  	[smem:$0x7FC] =	sst s7  }
0x5b: {  	s15 =	sshrl.u32 s6, $0x3;
	s0 =	rddreg [dreg:$0x1a]  }
0x5c: {  	[spmem:s15], [sflag:s20] =	dma.local [hbm:s0], $0x2800  }
0x5d: {  	s15 =	simm.s32 $0x15  }
0x5e: {  	_ =	swait.ge [sflag:s15], $0x2800  }
0x5f: {  	[sflag:s15] =	ssyncset.done $0x0  }
0x60: {  	[sflag:s15] =	ssyncadd.s32 $0xFFFFD800  }
0x61: {  	[bflag:$0x0] =	sbarrier.arrive $0xFFFF  }
0x62: {  	s20 =	rddreg [dreg:$0x4]  }
0x63: {  	s23 =	rddreg [dreg:$0x5]  }
0x64: {  	[tilespmem:s29], [sflag:$0x1] =	stream.linear.gather [hbm4b:s20+s1], $0x50, $0x38;
	[tilespmem:$0x1E600] =	vst v63  }
0x65: {  	s28 =	simm.s32 $0x14080;
	s6 =	rddreg [dreg:$0x7]  }
0x66: {  	[tilespmem:s28], [sflag:$0x2] =	stream.linear.gather [hbm4b:s23+s1], $0x50, $0x38;
	[tilespmem:$0x1E600] =	vst v63  }
0x67: {  	s2 =	simm.s32 $0x14200;
	s29 =	rddreg [dreg:$0x6]  }
0x68: {  	[tilespmem:s2], [sflag:$0x5] =	stream.linear.gather [hbm4b:s29+s1], $0x50, $0x38;
	[tilespmem:$0x1E600] =	vst v63  }
0x69: {  	s15 =	simm.s32 $0x14280;
	s20 =	rddreg [dreg:$0x1f]  }
0x6a: {  	[tilespmem:s15], [sflag:$0x6] =	stream.linear.gather [hbm4b:s6+s1], $0x50, $0x38;
	[tilespmem:$0x1E600] =	vst v63  }
0x6b: {  	s23 =	simm.s32 $0x14300;
	s29 =	sld [smem:$0x7FD]  }
0x6c: {  	[tilespmem:s23], [sflag:$0x7] =	stream.linear.gather [hbm4b:s20+s1], $0x50, $0x38;
	[tilespmem:$0x1E600] =	vst v63  }
0x6d: {  	s7 =	simm.s32 $0x14380;
	s15 =	simm.s32 $0x0  }
0x6e: {  	[tilespmem:s7], [sflag:$0x8] =	stream.linear.gather [hbm4b:s29+s1], $0x50, $0x38;
	[tilespmem:$0x1E600] =	vst v63  }
.LBB2_2:
0x6f: {  	_ =	swait.ge [sflag:s22], $0x50  }
0x70: {  	[sflag:s22] =	ssyncset.done $0x0  }
0x71: {  	s0 =	simm.s32 $0x5;
	[sflag:s22] =	ssyncadd.s32 $0xFFFFFFB0  }
0x72: {  	_ =	swait.ge [sflag:s0], $0x50  }
0x73: {  	p1 =	sne.s32 s15, $0x0;
	[sflag:s0] =	ssyncset.done $0x0  }
0x74: {  	s20 =	simm.s32 @p1 $0x11;
	[sflag:s0] =	ssyncadd.s32 $0xFFFFFFB0  }
0x75: {  	_ =	swait.ge @p1 [sflag:s20], $0x2800  }
0x76: {  	s6 =	simm.s32 @p1 $0x14000;
	[sflag:s20] =	ssyncset.done @p1 $0x0  }
0x77: {  	s0 =	simm.s32 @p1 $0x14600;
	[sflag:s20] =	ssyncadd.s32 @p1 $0xFFFFD800;
	s20 =	simm.s32 @p1 $0x50  }
0x78: {  	[tilespmem:s0], [sflag:$0xD] =	stream.indirect.gather @p1 [hbm4b:s21+s20], $0x80, s6, s20, $0xb8;
	[tilespmem:$0x1E600] =	vst v63  }
0x79: {  	s0 =	simm.s32 @p1 $0xE  }
0x7a: {  	_ =	swait.ge @p1 [sflag:s0], $0x2800  }
0x7b: {  	s2 =	simm.s32 @!p1 $0x14000;
	[sflag:s0] =	ssyncset.done @p1 $0x0  }
0x7c: {  	s6 =	simm.s32 @p1 $0x16E00;
	[sflag:s0] =	ssyncadd.s32 @p1 $0xFFFFD800;
	s0 =	simm.s32 @p1 $0x14480  }
0x7d: {  	[spmem:s24] =	stream.indirect.scatter.add.f32 @p1 [tilespmem:s6], [sflag:$0x12], $0x80, s0, s20, $0xb8;
	[tilespmem:$0x1E600] =	vst v63  }
0x7e: {  	s29 =	simm.s32 @!p1 $0x14600;
	s23 =	rddreg [dreg:$0x18];
	s0 =	simm.s32 @!p1 $0x50  }
0x7f: {  	[tilespmem:s29], [sflag:$0xD] =	stream.indirect.gather @!p1 [hbm4b:s21+s0], $0x80, s2, s0, $0xb8;
	[tilespmem:$0x1E600] =	vst v63  }
0x80: {  	s2 =	sadd.s32 s15, s23;
	s23 =	rddreg [dreg:$0x15]  }
0x81: {  	[tilespmem:s12], [sflag:$0x3] =	stream.linear.gather [hbm4b:s2+s1], $0x50, $0x38;
	[tilespmem:$0x1E600] =	vst v63  }
0x82: {  	s2 =	sadd.s32 s15, s23  }
0x83: {  	[tilespmem:s10], [sflag:$0x9] =	stream.linear.gather [hbm4b:s2+s1], $0x50, $0x38;
	[tilespmem:$0x1E600] =	vst v63  }
0x84: {  	_ =	swait.ge [sflag:s26], $0x50  }
0x85: {  	[sflag:s26] =	ssyncset.done $0x0  }
0x86: {  	s23 =	simm.s32 $0x6;
	[sflag:s26] =	ssyncadd.s32 $0xFFFFFFB0  }
0x87: {  	_ =	swait.ge [sflag:s23], $0x50  }
0x88: {  	[sflag:s23] =	ssyncset.done $0x0  }
0x89: {  	s2 =	simm.s32 @p1 $0x12;
	[sflag:s23] =	ssyncadd.s32 $0xFFFFFFB0  }
0x8a: {  	_ =	swait.ge @p1 [sflag:s2], $0x2800  }
0x8b: {  	[sflag:s2] =	ssyncset.done @p1 $0x0  }
0x8c: {  	[sflag:s2] =	ssyncadd.s32 @p1 $0xFFFFD800;
	s2 =	simm.s32 @p1 $0x14080  }
0x8d: {  	[tilespmem:s6], [sflag:$0xE] =	stream.indirect.gather @p1 [hbm4b:s21+s20], $0x80, s2, s20, $0xb8;
	[tilespmem:$0x1E600] =	vst v63  }
0x8e: {  	s2 =	simm.s32 @p1 $0xF  }
0x8f: {  	_ =	swait.ge @p1 [sflag:s2], $0x2800  }
0x90: {  	[sflag:s2] =	ssyncset.done @p1 $0x0  }
0x91: {  	s6 =	simm.s32 @p1 $0x19600;
	[sflag:s2] =	ssyncadd.s32 @p1 $0xFFFFD800;
	s2 =	simm.s32 @p1 $0x14500  }
0x92: {  	[spmem:s24] =	stream.indirect.scatter.add.f32 @p1 [tilespmem:s6], [sflag:$0x13], $0x80, s2, s20, $0xb8;
	[tilespmem:$0x1E600] =	vst v63  }
0x93: {  	s29 =	simm.s32 @!p1 $0x16E00;
	s23 =	rddreg [dreg:$0x17];
	s2 =	simm.s32 @!p1 $0x14080  }
0x94: {  	[tilespmem:s29], [sflag:$0xE] =	stream.indirect.gather @!p1 [hbm4b:s21+s0], $0x80, s2, s0, $0xb8;
	[tilespmem:$0x1E600] =	vst v63  }
0x95: {  	s2 =	sadd.s32 s15, s23;
	s23 =	rddreg [dreg:$0x12]  }
0x96: {  	[tilespmem:s4], [sflag:$0x4] =	stream.linear.gather [hbm4b:s2+s1], $0x50, $0x38;
	[tilespmem:$0x1E600] =	vst v63  }
0x97: {  	s29 =	simm.s32 $0x14480;
	s2 =	sadd.s32 s15, s23  }
0x98: {  	[tilespmem:s29], [sflag:$0xA] =	stream.linear.gather [hbm4b:s2+s1], $0x50, $0x38;
	[tilespmem:$0x1E600] =	vst v63  }
0x99: {  	_ =	swait.ge [sflag:s30], $0x50  }
0x9a: {  	[sflag:s30] =	ssyncset.done $0x0  }
0x9b: {  	s23 =	simm.s32 $0x7;
	[sflag:s30] =	ssyncadd.s32 $0xFFFFFFB0  }
0x9c: {  	_ =	swait.ge [sflag:s23], $0x50  }
0x9d: {  	[sflag:s23] =	ssyncset.done $0x0  }
0x9e: {  	s2 =	simm.s32 @p1 $0x13;
	[sflag:s23] =	ssyncadd.s32 $0xFFFFFFB0  }
0x9f: {  	_ =	swait.ge @p1 [sflag:s2], $0x2800  }
0xa0: {  	[sflag:s2] =	ssyncset.done @p1 $0x0  }
0xa1: {  	[sflag:s2] =	ssyncadd.s32 @p1 $0xFFFFD800;
	s2 =	simm.s32 @p1 $0x14100  }
0xa2: {  	[tilespmem:s6], [sflag:$0xF] =	stream.indirect.gather @p1 [hbm4b:s21+s20], $0x80, s2, s20, $0xb8;
	[tilespmem:$0x1E600] =	vst v63  }
0xa3: {  	s2 =	simm.s32 @p1 $0x10  }
0xa4: {  	_ =	swait.ge @p1 [sflag:s2], $0x2800  }
0xa5: {  	[sflag:s2] =	ssyncset.done @p1 $0x0  }
0xa6: {  	s6 =	simm.s32 @p1 $0x1BE00;
	[sflag:s2] =	ssyncadd.s32 @p1 $0xFFFFD800;
	s2 =	simm.s32 @p1 $0x14580  }
0xa7: {  	[spmem:s24] =	stream.indirect.scatter.add.f32 @p1 [tilespmem:s6], [sflag:$0x14], $0x80, s2, s20, $0xb8;
	[tilespmem:$0x1E600] =	vst v63  }
0xa8: {  	s2 =	simm.s32 @!p1 $0x14100;
	s6 =	simm.s32 @!p1 $0x19600  }
0xa9: {  	[tilespmem:s6], [sflag:$0xF] =	stream.indirect.gather @!p1 [hbm4b:s21+s0], $0x80, s2, s0, $0xb8;
	[tilespmem:$0x1E600] =	vst v63  }
0xaa: {  	s2 =	rddreg [dreg:$0x16]  }
0xab: {  	s6 =	rddreg [dreg:$0x10];
	s0 =	sadd.s32 s15, s2;
	s2 =	simm.s32 $0x14000  }
0xac: {  	[tilespmem:s2], [sflag:$0x1] =	stream.linear.gather [hbm4b:s0+s1], $0x50, $0x38;
	[tilespmem:$0x1E600] =	vst v63  }
0xad: {  	s20 =	simm.s32 $0x14500;
	s0 =	sadd.s32 s15, s6  }
0xae: {  	[tilespmem:s20], [sflag:$0xB] =	stream.linear.gather [hbm4b:s0+s1], $0x50, $0x38;
	[tilespmem:$0x1E600] =	vst v63  }
0xaf: {  	_ =	swait.ge [sflag:s9], $0x50  }
0xb0: {  	[sflag:s9] =	ssyncset.done $0x0  }
0xb1: {  	s23 =	simm.s32 $0x8;
	[sflag:s9] =	ssyncadd.s32 $0xFFFFFFB0  }
0xb2: {  	_ =	swait.ge [sflag:s23], $0x50  }
0xb3: {  	p1 =	seq.s32 s15, $0x0;
	[sflag:s23] =	ssyncset.done $0x0  }
0xb4: {  	s0 =	simm.s32 @!p1 $0x14;
	[sflag:s23] =	ssyncadd.s32 $0xFFFFFFB0  }
0xb5: {  	_ =	swait.ge @!p1 [sflag:s0], $0x2800  }
0xb6: {  	[sflag:s0] =	ssyncset.done @!p1 $0x0  }
0xb7: {  	s20 =	simm.s32 $0x1BE00;
	[sflag:s0] =	ssyncadd.s32 @!p1 $0xFFFFD800  }
0xb8: {  	[tilespmem:s20], [sflag:$0x10] =	stream.indirect.gather [hbm4b:s21+s8], $0x80, s4, s8, $0xb8;
	[tilespmem:$0x1E600] =	vst v63  }
0xb9: {  	_ =	swait.ge [sflag:s11], $0x2800  }
0xba: {  	[sflag:s11] =	ssyncset.done $0x0  }
0xbb: {  	s6 =	simm.s32 $0x14200;
	s23 =	rddreg [dreg:$0x11];
	[sflag:s11] =	ssyncadd.s32 $0xFFFFD800  }
0xbc: {  	[spmem:s24] =	stream.indirect.scatter.add.f32 [tilespmem:s13], [sflag:$0x11], $0x80, s6, s8, $0xb8;
	[tilespmem:$0x1E600] =	vst v63  }
0xbd: {  	s0 =	sadd.s32 s15, s23;
	s6 =	rddreg [dreg:$0xe]  }
0xbe: {  	[tilespmem:s28], [sflag:$0x2] =	stream.linear.gather [hbm4b:s0+s1], $0x50, $0x38;
	[tilespmem:$0x1E600] =	vst v63  }
0xbf: {  	s23 =	simm.s32 $0x14580;
	s0 =	sadd.s32 s15, s6  }
0xc0: {  	[tilespmem:s23], [sflag:$0xC] =	stream.linear.gather [hbm4b:s0+s1], $0x50, $0x38;
	[tilespmem:$0x1E600] =	vst v63  }
0xc1: {  	_ =	swait.ge [sflag:s22], $0x50  }
0xc2: {  	[sflag:s22] =	ssyncset.done $0x0  }
0xc3: {  	s23 =	simm.s32 $0x9;
	[sflag:s22] =	ssyncadd.s32 $0xFFFFFFB0  }
0xc4: {  	_ =	swait.ge [sflag:s23], $0x50  }
0xc5: {  	[sflag:s23] =	ssyncset.done $0x0  }
0xc6: {  	[sflag:s23] =	ssyncadd.s32 $0xFFFFFFB0  }
0xc7: {  	_ =	swait.ge [sflag:s17], $0x2800  }
0xc8: {  	[sflag:s17] =	ssyncset.done $0x0  }
0xc9: {  	[sflag:s17] =	ssyncadd.s32 $0xFFFFD800  }
0xca: {  	[tilespmem:s13], [sflag:$0xD] =	stream.indirect.gather [hbm4b:s21+s8], $0x80, s2, s8, $0xb8;
	[tilespmem:$0x1E600] =	vst v63  }
0xcb: {  	_ =	swait.ge [sflag:s14], $0x2800  }
0xcc: {  	s6 =	simm.s32 $0x14280;
	[sflag:s14] =	ssyncset.done $0x0  }
0xcd: {  	s23 =	simm.s32 $0x16E00;
	s2 =	rddreg [dreg:$0xf];
	[sflag:s14] =	ssyncadd.s32 $0xFFFFD800  }
0xce: {  	[spmem:s24] =	stream.indirect.scatter.add.f32 [tilespmem:s23], [sflag:$0x12], $0x80, s6, s8, $0xb8;
	[tilespmem:$0x1E600] =	vst v63  }
0xcf: {  	s0 =	sadd.s32 s15, s2  }
0xd0: {  	[tilespmem:s12], [sflag:$0x3] =	stream.linear.gather [hbm4b:s0+s1], $0x50, $0x38;
	[tilespmem:$0x1E600] =	vst v63  }
0xd1: {  	p1 =	seq.s32 s15, $0x4B0;
	s0 =	rddreg [dreg:$0xa]  }
0xd2: {  	s2 =	simm.s32 @!p1 $0x0;
	s6 =	simm.s32 @!p1 $0x14200;
	s0 =	sadd.s32 @!p1 s15, s0  }
0xd3: {  	[tilespmem:s6], [sflag:$0x5] =	stream.linear.gather @!p1 [hbm4b:s0+s2], $0x50, $0x38;
	[tilespmem:$0x1E600] =	vst v63  }
0xd4: {  	_ =	swait.ge [sflag:s26], $0x50  }
0xd5: {  	[sflag:s26] =	ssyncset.done $0x0  }
0xd6: {  	s6 =	simm.s32 $0xA;
	[sflag:s26] =	ssyncadd.s32 $0xFFFFFFB0  }
0xd7: {  	_ =	swait.ge [sflag:s6], $0x50  }
0xd8: {  	[sflag:s6] =	ssyncset.done $0x0  }
0xd9: {  	[sflag:s6] =	ssyncadd.s32 $0xFFFFFFB0  }
0xda: {  	_ =	swait.ge [sflag:s18], $0x2800  }
0xdb: {  	[sflag:s18] =	ssyncset.done $0x0  }
0xdc: {  	[sflag:s18] =	ssyncadd.s32 $0xFFFFD800  }
0xdd: {  	[tilespmem:s23], [sflag:$0xE] =	stream.indirect.gather [hbm4b:s21+s8], $0x80, s28, s8, $0xb8;
	[tilespmem:$0x1E600] =	vst v63  }
0xde: {  	_ =	swait.ge [sflag:s19], $0x2800  }
0xdf: {  	s23 =	simm.s32 $0x14300;
	[sflag:s19] =	ssyncset.done $0x0  }
0xe0: {  	s28 =	simm.s32 $0x19600;
	s6 =	rddreg [dreg:$0xd];
	[sflag:s19] =	ssyncadd.s32 $0xFFFFD800  }
0xe1: {  	[spmem:s24] =	stream.indirect.scatter.add.f32 [tilespmem:s28], [sflag:$0x13], $0x80, s23, s8, $0xb8;
	[tilespmem:$0x1E600] =	vst v63  }
0xe2: {  	s0 =	sadd.s32 s15, s6  }
0xe3: {  	[tilespmem:s4], [sflag:$0x4] =	stream.linear.gather [hbm4b:s0+s1], $0x50, $0x38;
	[tilespmem:$0x1E600] =	vst v63  }
0xe4: {  	s0 =	rddreg [dreg:$0xc]  }
0xe5: {  	s6 =	simm.s32 @!p1 $0x14280;
	s0 =	sadd.s32 @!p1 s15, s0  }
0xe6: {  	[tilespmem:s6], [sflag:$0x6] =	stream.linear.gather @!p1 [hbm4b:s0+s2], $0x50, $0x38;
	[tilespmem:$0x1E600] =	vst v63  }
0xe7: {  	_ =	swait.ge [sflag:s30], $0x50  }
0xe8: {  	[sflag:s30] =	ssyncset.done $0x0  }
0xe9: {  	s23 =	simm.s32 $0xB;
	[sflag:s30] =	ssyncadd.s32 $0xFFFFFFB0  }
0xea: {  	_ =	swait.ge [sflag:s23], $0x50  }
0xeb: {  	[sflag:s23] =	ssyncset.done $0x0  }
0xec: {  	[sflag:s23] =	ssyncadd.s32 $0xFFFFFFB0  }
0xed: {  	_ =	swait.ge [sflag:s25], $0x2800  }
0xee: {  	[sflag:s25] =	ssyncset.done $0x0  }
0xef: {  	[sflag:s25] =	ssyncadd.s32 $0xFFFFD800  }
0xf0: {  	[tilespmem:s28], [sflag:$0xF] =	stream.indirect.gather [hbm4b:s21+s8], $0x80, s12, s8, $0xb8;
	[tilespmem:$0x1E600] =	vst v63  }
0xf1: {  	_ =	swait.ge [sflag:s5], $0x2800  }
0xf2: {  	[sflag:s5] =	ssyncset.done $0x0  }
0xf3: {  	s0 =	rddreg [dreg:$0x9];
	[sflag:s5] =	ssyncadd.s32 $0xFFFFD800  }
0xf4: {  	[spmem:s24] =	stream.indirect.scatter.add.f32 [tilespmem:s20], [sflag:$0x14], $0x80, s7, s8, $0xb8;
	[tilespmem:$0x1E600] =	vst v63  }
0xf5: {  	s6 =	simm.s32 @!p1 $0x14000;
	s0 =	sadd.s32 @!p1 s15, s0  }
0xf6: {  	[tilespmem:s6], [sflag:$0x1] =	stream.linear.gather @!p1 [hbm4b:s0+s2], $0x50, $0x38;
	[tilespmem:$0x1E600] =	vst v63  }
0xf7: {  	s0 =	rddreg [dreg:$0x14]  }
0xf8: {  	s6 =	simm.s32 @!p1 $0x14300;
	s0 =	sadd.s32 @!p1 s15, s0  }
0xf9: {  	[tilespmem:s6], [sflag:$0x7] =	stream.linear.gather @!p1 [hbm4b:s0+s2], $0x50, $0x38;
	[tilespmem:$0x1E600] =	vst v63  }
0xfa: {  	_ =	swait.ge [sflag:s9], $0x50  }
0xfb: {  	[sflag:s9] =	ssyncset.done $0x0  }
0xfc: {  	[sflag:s9] =	ssyncadd.s32 $0xFFFFFFB0  }
0xfd: {  	_ =	swait.ge [sflag:s31], $0x50  }
0xfe: {  	[sflag:s31] =	ssyncset.done $0x0  }
0xff: {  	[sflag:s31] =	ssyncadd.s32 $0xFFFFFFB0  }
0x100: {  	_ =	swait.ge [sflag:s3], $0x2800  }
0x101: {  	[sflag:s3] =	ssyncset.done $0x0  }
0x102: {  	[sflag:s3] =	ssyncadd.s32 $0xFFFFD800  }
0x103: {  	[tilespmem:s20], [sflag:$0x10] =	stream.indirect.gather [hbm4b:s21+s8], $0x80, s4, s8, $0xb8;
	[tilespmem:$0x1E600] =	vst v63  }
.Ltmp2:
0x104: {  	_ = 	snop;
	(pc) =	sbr.rel @p1 .LBB2_4-.Ltmp2, $4  }
0x105: {  	s29 =	simm.s32 $0x14000;
	_ =	swait.ge [sflag:s11], $0x2800  }
0x106: {  	s23 =	simm.s32 $0x19600;
	s7 =	simm.s32 $0x1BE00;
	[sflag:s11] =	ssyncset.done $0x0  }
0x107: {  	s2 =	simm.s32 $0x14080;
	s6 =	simm.s32 $0x14380;
	[sflag:s11] =	ssyncadd.s32 $0xFFFFD800  }
0x108: {  	[spmem:s24] =	stream.indirect.scatter.add.f32 [tilespmem:s13], [sflag:$0x11], $0x80, s10, s8, $0xb8;
	[tilespmem:$0x1E600] =	vst v63  }
.Ltmp3:
0x109: {  	s0 =	rddreg [dreg:$0xb];
	(pc) =	sbr.rel .LBB2_2-.Ltmp3, $4  }
0x10a: {  	s29 =	rddreg [dreg:$0x13];
	s7 =	simm.s32 $0x14380;
	s0 =	sadd.s32 s15, s0  }
0x10b: {  	[tilespmem:s2], [sflag:$0x2] =	stream.linear.gather [hbm4b:s0+s1], $0x50, $0x38;
	[tilespmem:$0x1E600] =	vst v63  }
0x10c: {  	s28 =	simm.s32 $0x14080;
	s0 =	sadd.s32 s15, s29;
	s15 =	sadd.s32 $0x50, s15  }
0x10d: {  	[tilespmem:s6], [sflag:$0x8] =	stream.linear.gather [hbm4b:s0+s1], $0x50, $0x38;
	[tilespmem:$0x1E600] =	vst v63  }
.LBB2_5:
0x10e: {  	_ =	sfence.sel $0x180000  }
0x10f: {  	[bflag:$0x0] =	sbarrier.arrive $0xFFFF  }
0x110: {  	_ =	strace $0x9000004D  }
0x111: {  	s0 =	stileid.u32;
	[bflag:$0x2] =	sbarrier.arrive $0xFFFF  }
0x112: {  	p0 =	sne.s32 s0, $0x0;
	s0 =	rddreg [dreg:$0x3]  }
0x113: {  	s0 =	sadd.s32 @!p0 $0x100000, s0  }
0x114: {  	[sflag:s0] =	ssyncadd.tile.s32 @!p0 $0x1;
	_ =	shalt  }
.Lfunc_end2:
_tile_overlayer_lowered:
.L_overlay_start_2:
0x115: {  	(tag) =	ssettag $0x2  }
0x116: {  	s0 =	rddreg [dreg:$0x0];
	s2 =	stileid.u32  }
0x117: {  	s1 =	rddreg [dreg:$0x1];
	p0 =	sne.s32 s2, $0x0  }
0x118: {  	s3 =	rddreg [dreg:$0x2];
	[bflag:$0x3] =	sbarrier.arrive $0xFFFF;
	s2 =	simm.s32 @!p0 $0x1C15  }
0x119: {  	[timem:s3], [sflag:s2] =	dma.local @!p0 [hbm:s0], s1  }
0x11a: {  	s0 =	simm.s32 @!p0 $0x15  }
0x11b: {  	_ =	swait.ge @!p0 [sflag:s0], s1  }
0x11c: {  	s1 =	ssub.s32 @!p0 $0x0, s1;
	[sflag:s0] =	ssyncset.done @!p0 $0x0  }
0x11d: {  	[sflag:s0] =	ssyncadd.s32 @!p0 s1  }
0x11e: {  	[bflag:$0x3] =	sbarrier.arrive $0xFFFF  }
0x11f: {  	_ =	shalt  }

</sc_bundles>
